<compile_context>
chip_gen: v7x
topology: tpu7x:2x2x1
jax: 0.10.2.dev20260603
libtpu: 0.0.44.dev20260713+nightly
codegen_flags: <defaults>
</compile_context>

<pallas_src>
import jax
import jax.numpy as jnp
from jax import lax
from jax.experimental import pallas as pl
from jax.experimental.pallas import tpu as pltpu
from jax.experimental.pallas import tpu_sc as plsc

L = 16
NC, NS = 2, 16
NW = NC * NS
CHUNK = 1024


def _tap_table():
    taps = []
    for i in range(4):
        for j in range(4):
            lst = []
            for u in range(3):
                for v in range(3):
                    ii, jj = i + u - 1, j + v - 1
                    if 0 <= ii < 4 and 0 <= jj < 4:
                        lst.append((ii * 4 + jj, u * 3 + v))
            taps.append(lst)
    return taps


_TAPS = _tap_table()


def _sc_body(x_hbm, w_hbm, out_hbm, xa, xb, ya, yb, wv, sia, sib, soa, sob):
    c = lax.axis_index("c")
    s = lax.axis_index("s")
    wid = s * NC + c
    n = x_hbm.shape[0] // L
    tiles_per_worker = n // NW
    n_chunks = tiles_per_worker // CHUNK

    pltpu.sync_copy(w_hbm, wv)
    w16 = wv[...]

    def bcast_lane(vec, k):
        return lax.gather(
            vec,
            jnp.full((L, 1), k, jnp.int32),
            lax.GatherDimensionNumbers(
                offset_dims=(), collapsed_slice_dims=(0,), start_index_map=(0,)
            ),
            slice_sizes=(1,),
            mode=lax.GatherScatterMode.PROMISE_IN_BOUNDS,
        )

    wvecs = [bcast_lane(w16, k) for k in range(9)]
    wb = [plsc.pack(w, w, format=plsc.PackFormat.INTERLEAVED) for w in wvecs]
    zb = jnp.zeros((2 * L,), jnp.bfloat16)

    start = wid * tiles_per_worker

    def issue_in(ci, buf, s_in):
        base = start + ci * CHUNK
        for r in range(L):
            pltpu.async_copy(
                x_hbm.at[pl.ds(r * n + base, CHUNK)],
                buf.at[pl.ds(r * CHUNK, CHUNK)],
                s_in,
            )

    def drain_in(buf, s_in):
        pltpu.make_async_copy(x_hbm.at[pl.ds(0, L * CHUNK)], buf, s_in).wait()

    def issue_out(ci, buf, s_out):
        base = start + ci * CHUNK
        for r in range(L):
            pltpu.async_copy(
                buf.at[pl.ds(r * CHUNK, CHUNK)],
                out_hbm.at[pl.ds(r * n + base, CHUNK)],
                s_out,
            )

    def drain_out(buf, s_out):
        pltpu.make_async_copy(buf, out_hbm.at[pl.ds(0, L * CHUNK)], s_out).wait()

    def compute(buf_in, buf_out):
        @plsc.parallel_loop(0, CHUNK // (2 * L), 1, unroll=1)
        def group_body(g):
            off = g * (2 * L)
            xb = []
            for r in range(L):
                a = buf_in[pl.ds(r * CHUNK + off, L)]
                b = buf_in[pl.ds(r * CHUNK + off + L, L)]
                xb.append(plsc.pack(a, b, format=plsc.PackFormat.INTERLEAVED))
            for r in range(L):
                acc = None
                for (rs, widx) in _TAPS[r]:
                    term = wb[widx] * xb[rs]
                    acc = term if acc is None else acc + term
                acc = jnp.where(xb[r] == zb, zb, acc)
                oa, ob = plsc.unpack(acc, format=plsc.PackFormat.INTERLEAVED)
                buf_out[pl.ds(r * CHUNK + off, L)] = oa
                buf_out[pl.ds(r * CHUNK + off + L, L)] = ob

    n_pairs = n_chunks // 2
    issue_in(0, xa, sia)
    issue_in(1, xb, sib)

    def pair_body(k, carry):
        drain_in(xa, sia)

        @pl.when(k > 0)
        def _():
            drain_out(ya, soa)

        compute(xa, ya)
        issue_out(2 * k, ya, soa)

        @pl.when(k + 1 < n_pairs)
        def _():
            issue_in(2 * k + 2, xa, sia)

        drain_in(xb, sib)

        @pl.when(k > 0)
        def _():
            drain_out(yb, sob)

        compute(xb, yb)
        issue_out(2 * k + 1, yb, sob)

        @pl.when(k + 1 < n_pairs)
        def _():
            issue_in(2 * k + 3, xb, sib)

        return carry

    lax.fori_loop(0, n_pairs, pair_body, 0)
    drain_out(ya, soa)
    drain_out(yb, sob)


def kernel(x, W):
    n = x.shape[0]
    xt = x.transpose(1, 2, 3, 0).reshape(16 * n)
    wf = jnp.concatenate([W.reshape(-1), jnp.zeros((7,), jnp.float32)])
    mesh = plsc.VectorSubcoreMesh(core_axis_name="c", subcore_axis_name="s")
    out = pl.kernel(
        _sc_body,
        out_type=jax.ShapeDtypeStruct((16 * n,), jnp.float32),
        mesh=mesh,
        compiler_params=pltpu.CompilerParams(needs_layout_passes=False),
        scratch_types=[
            pltpu.VMEM((16 * CHUNK,), jnp.float32),
            pltpu.VMEM((16 * CHUNK,), jnp.float32),
            pltpu.VMEM((16 * CHUNK,), jnp.float32),
            pltpu.VMEM((16 * CHUNK,), jnp.float32),
            pltpu.VMEM((L,), jnp.float32),
            pltpu.SemaphoreType.DMA,
            pltpu.SemaphoreType.DMA,
            pltpu.SemaphoreType.DMA,
            pltpu.SemaphoreType.DMA,
        ],
    )(xt, wf)
    return out.reshape(4, 4, 1, n).transpose(3, 0, 1, 2)

# --- scband reference (transcript-rebuilt; emitter-appended) ---
"""Pipeline reference for scband-net-18889266168118 (READ-ONLY COPY).

The authoritative reference and input builder live on the scoring server;
editing this copy changes nothing except your own understanding.
"""

import jax, jax.numpy as jnp
import numpy as np


def setup_inputs(seed: int = 0) -> dict:
    key = jax.random.key(seed)
    kx, kw = jax.random.split(key)
    x = jax.random.normal(kx, (1048576, 4, 4, 1), dtype=jnp.float32)
    # SubMConv2d(1, 1, 3, 1, 1, bias=False) weight: 3x3 kernel, 1 in-ch, 1 out-ch (HWIO)
    W = jax.random.normal(kw, (3, 3, 1, 1), dtype=jnp.float32) * 0.1
    return {"x": x, "W": W}


def reference(x, W):
    # SparseConvTensor.from_dense: active sites are locations where the dense
    # input is nonzero (any channel). Submanifold conv (SubMConv2d) computes
    # outputs ONLY at active input sites, gathering from active neighbors
    # within the 3x3 window (inactive neighbors contribute 0 -- they are
    # already 0 in the dense representation). ToDense writes results back
    # with zeros at inactive sites.
    xr = x.reshape(-1, 4, 4, 1)
    active = jnp.any(xr != 0, axis=-1, keepdims=True)
    out = jax.lax.conv_general_dilated(
        xr, W,
        window_strides=(1, 1),
        padding=((1, 1), (1, 1)),
        dimension_numbers=("NHWC", "HWIO", "NHWC"),
    )
    return jnp.where(active, out, jnp.zeros_like(out))

if __name__ == "__main__":
    import jax
    _d = setup_inputs()
    print(jax.jit(kernel)(*tuple(_d.values())))

</pallas_src>

<mosaic_0001>
#map = affine_map<(d0, d1) -> (0)>
module attributes {stable_mosaic.version = 14 : i64} {
  func.func @_sc_body(%arg0: i32, %arg1: i32, %arg2: memref<16777216xf32, #tpu.memory_space<hbm>>, %arg3: memref<16xf32, #tpu.memory_space<hbm>>, %arg4: memref<16777216xf32, #tpu.memory_space<hbm>>, %arg5: memref<16384xf32, #tpu.memory_space<vmem>>, %arg6: memref<16384xf32, #tpu.memory_space<vmem>>, %arg7: memref<16384xf32, #tpu.memory_space<vmem>>, %arg8: memref<16384xf32, #tpu.memory_space<vmem>>, %arg9: memref<16xf32, #tpu.memory_space<vmem>>, %arg10: memref<!tpu.dma_semaphore, #tpu.memory_space<semaphore_mem>>, %arg11: memref<!tpu.dma_semaphore, #tpu.memory_space<semaphore_mem>>, %arg12: memref<!tpu.dma_semaphore, #tpu.memory_space<semaphore_mem>>, %arg13: memref<!tpu.dma_semaphore, #tpu.memory_space<semaphore_mem>>) attributes {dimension_semantics = [#tpu.dimension_semantics<core_parallel>, #tpu.dimension_semantics<subcore_parallel>], iteration_bounds = array<i64: 2, 16>, scalar_prefetch = 0 : i64, scratch_operands = 9 : i64, tpu.core_type = #tpu.core_type<sc_vector_subcore>, window_params = [{transform_indices = #map}, {transform_indices = #map}, {transform_indices = #map}]} {
    %mul3A = arith.constant 2 : i32
    %mul3A_0 = arith.muli %arg1, %mul3A : i32
    %add3A = arith.addi %mul3A_0, %arg0 : i32
    "tpu.region"() ({
      %run_scoped3A = tpu.sem_alloc : memref<!tpu.dma_semaphore, #tpu.memory_space<semaphore_mem>>
      tpu.enqueue_dma source(%arg3 : memref<16xf32, #tpu.memory_space<hbm>>) target(%arg9 : memref<16xf32, #tpu.memory_space<vmem>>) target_semaphore(%run_scoped3A : memref<!tpu.dma_semaphore, #tpu.memory_space<semaphore_mem>>)
      tpu.wait_dma2 semaphore(%run_scoped3A : memref<!tpu.dma_semaphore, #tpu.memory_space<semaphore_mem>>) src(%arg3 : memref<16xf32, #tpu.memory_space<hbm>>) dst(%arg9 : memref<16xf32, #tpu.memory_space<vmem>>)
      tpu.yield
    }) : () -> ()
    %get3A = arith.constant 0 : index
    %get3A_1 = tpu.vector_load %arg9[%get3A] {strides = array<i32>} : memref<16xf32, #tpu.memory_space<vmem>>, vector<16xf32>,
    %broadcast_in_dim3A = arith.constant 0 : i32
    %broadcast_in_dim3A_2 = vector.broadcast %broadcast_in_dim3A : i32 to vector<16x1xi32>
    %gather3A = vector.shape_cast %broadcast_in_dim3A_2 : vector<16x1xi32> to vector<16xi32>
    %gather3A_3 = tpu.dynamic_gather %get3A_1[%gather3A] in [0] : vector<16xf32>, vector<16xi32> -> vector<16xf32>
    %broadcast_in_dim3A_4 = arith.constant 1 : i32
    %broadcast_in_dim3A_5 = vector.broadcast %broadcast_in_dim3A_4 : i32 to vector<16x1xi32>
    %gather3A_6 = vector.shape_cast %broadcast_in_dim3A_5 : vector<16x1xi32> to vector<16xi32>
    %gather3A_7 = tpu.dynamic_gather %get3A_1[%gather3A_6] in [0] : vector<16xf32>, vector<16xi32> -> vector<16xf32>
    %broadcast_in_dim3A_8 = arith.constant 2 : i32
    %broadcast_in_dim3A_9 = vector.broadcast %broadcast_in_dim3A_8 : i32 to vector<16x1xi32>
    %gather3A_10 = vector.shape_cast %broadcast_in_dim3A_9 : vector<16x1xi32> to vector<16xi32>
    %gather3A_11 = tpu.dynamic_gather %get3A_1[%gather3A_10] in [0] : vector<16xf32>, vector<16xi32> -> vector<16xf32>
    %broadcast_in_dim3A_12 = arith.constant 3 : i32
    %broadcast_in_dim3A_13 = vector.broadcast %broadcast_in_dim3A_12 : i32 to vector<16x1xi32>
    %gather3A_14 = vector.shape_cast %broadcast_in_dim3A_13 : vector<16x1xi32> to vector<16xi32>
    %gather3A_15 = tpu.dynamic_gather %get3A_1[%gather3A_14] in [0] : vector<16xf32>, vector<16xi32> -> vector<16xf32>
    %broadcast_in_dim3A_16 = arith.constant 4 : i32
    %broadcast_in_dim3A_17 = vector.broadcast %broadcast_in_dim3A_16 : i32 to vector<16x1xi32>
    %gather3A_18 = vector.shape_cast %broadcast_in_dim3A_17 : vector<16x1xi32> to vector<16xi32>
    %gather3A_19 = tpu.dynamic_gather %get3A_1[%gather3A_18] in [0] : vector<16xf32>, vector<16xi32> -> vector<16xf32>
    %broadcast_in_dim3A_20 = arith.constant 5 : i32
    %broadcast_in_dim3A_21 = vector.broadcast %broadcast_in_dim3A_20 : i32 to vector<16x1xi32>
    %gather3A_22 = vector.shape_cast %broadcast_in_dim3A_21 : vector<16x1xi32> to vector<16xi32>
    %gather3A_23 = tpu.dynamic_gather %get3A_1[%gather3A_22] in [0] : vector<16xf32>, vector<16xi32> -> vector<16xf32>
    %broadcast_in_dim3A_24 = arith.constant 6 : i32
    %broadcast_in_dim3A_25 = vector.broadcast %broadcast_in_dim3A_24 : i32 to vector<16x1xi32>
    %gather3A_26 = vector.shape_cast %broadcast_in_dim3A_25 : vector<16x1xi32> to vector<16xi32>
    %gather3A_27 = tpu.dynamic_gather %get3A_1[%gather3A_26] in [0] : vector<16xf32>, vector<16xi32> -> vector<16xf32>
    %broadcast_in_dim3A_28 = arith.constant 7 : i32
    %broadcast_in_dim3A_29 = vector.broadcast %broadcast_in_dim3A_28 : i32 to vector<16x1xi32>
    %gather3A_30 = vector.shape_cast %broadcast_in_dim3A_29 : vector<16x1xi32> to vector<16xi32>
    %gather3A_31 = tpu.dynamic_gather %get3A_1[%gather3A_30] in [0] : vector<16xf32>, vector<16xi32> -> vector<16xf32>
    %broadcast_in_dim3A_32 = arith.constant 8 : i32
    %broadcast_in_dim3A_33 = vector.broadcast %broadcast_in_dim3A_32 : i32 to vector<16x1xi32>
    %gather3A_34 = vector.shape_cast %broadcast_in_dim3A_33 : vector<16x1xi32> to vector<16xi32>
    %gather3A_35 = tpu.dynamic_gather %get3A_1[%gather3A_34] in [0] : vector<16xf32>, vector<16xi32> -> vector<16xf32>
    %pack3A = tpu.pack_subelements %gather3A_3, %gather3A_3 {pack_format = #tpu.pack_format<interleaved>, positions = array<i32: 0, 1>} : vector<16xf32>, vector<16xf32> -> vector<32xbf16>
    %pack3A_36 = tpu.pack_subelements %gather3A_7, %gather3A_7 {pack_format = #tpu.pack_format<interleaved>, positions = array<i32: 0, 1>} : vector<16xf32>, vector<16xf32> -> vector<32xbf16>
    %pack3A_37 = tpu.pack_subelements %gather3A_11, %gather3A_11 {pack_format = #tpu.pack_format<interleaved>, positions = array<i32: 0, 1>} : vector<16xf32>, vector<16xf32> -> vector<32xbf16>
    %pack3A_38 = tpu.pack_subelements %gather3A_15, %gather3A_15 {pack_format = #tpu.pack_format<interleaved>, positions = array<i32: 0, 1>} : vector<16xf32>, vector<16xf32> -> vector<32xbf16>
    %pack3A_39 = tpu.pack_subelements %gather3A_19, %gather3A_19 {pack_format = #tpu.pack_format<interleaved>, positions = array<i32: 0, 1>} : vector<16xf32>, vector<16xf32> -> vector<32xbf16>
    %pack3A_40 = tpu.pack_subelements %gather3A_23, %gather3A_23 {pack_format = #tpu.pack_format<interleaved>, positions = array<i32: 0, 1>} : vector<16xf32>, vector<16xf32> -> vector<32xbf16>
    %pack3A_41 = tpu.pack_subelements %gather3A_27, %gather3A_27 {pack_format = #tpu.pack_format<interleaved>, positions = array<i32: 0, 1>} : vector<16xf32>, vector<16xf32> -> vector<32xbf16>
    %pack3A_42 = tpu.pack_subelements %gather3A_31, %gather3A_31 {pack_format = #tpu.pack_format<interleaved>, positions = array<i32: 0, 1>} : vector<16xf32>, vector<16xf32> -> vector<32xbf16>
    %pack3A_43 = tpu.pack_subelements %gather3A_35, %gather3A_35 {pack_format = #tpu.pack_format<interleaved>, positions = array<i32: 0, 1>} : vector<16xf32>, vector<16xf32> -> vector<32xbf16>
    %broadcast_in_dim3A_44 = arith.constant 0.000000e+00 : bf16
    %broadcast_in_dim3A_45 = vector.broadcast %broadcast_in_dim3A_44 : bf16 to vector<32xbf16>
    %mul3A_46 = arith.constant 32768 : i32
    %mul3A_47 = arith.muli %add3A, %mul3A_46 : i32
    %add3A_48 = arith.constant 0 : i32
    %add3A_49 = arith.addi %mul3A_47, %add3A_48 : i32
    %add3A_50 = arith.constant 0 : i32
    %add3A_51 = arith.addi %add3A_50, %add3A_49 : i32
    %dma_start3A = arith.constant 0 : i32
    %dma_start3A_52 = tpu.memref_slice %arg5[%dma_start3A] : memref<16384xf32, #tpu.memory_space<vmem>> -> memref<1024xf32, #tpu.memory_space<vmem>>
    %dma_start3A_53 = tpu.memref_slice %arg2[%add3A_51] : memref<16777216xf32, #tpu.memory_space<hbm>> -> memref<1024xf32, #tpu.memory_space<hbm>>
    %dma_start3A_54 = arith.constant 0 : i32
    %dma_start3A_55 = tpu.memref_slice %arg5[%dma_start3A_54] : memref<16384xf32, #tpu.memory_space<vmem>> -> memref<1024xf32, #tpu.memory_space<vmem>>
    %dma_start3A_56 = tpu.memref_slice %arg2[%add3A_51] : memref<16777216xf32, #tpu.memory_space<hbm>> -> memref<1024xf32, #tpu.memory_space<hbm>>
    tpu.enqueue_dma source(%dma_start3A_56 : memref<1024xf32, #tpu.memory_space<hbm>>) target(%dma_start3A_55 : memref<1024xf32, #tpu.memory_space<vmem>>) target_semaphore(%arg10 : memref<!tpu.dma_semaphore, #tpu.memory_space<semaphore_mem>>)
    %add3A_57 = arith.constant 1048576 : i32
    %add3A_58 = arith.addi %add3A_57, %add3A_49 : i32
    %dma_start3A_59 = arith.constant 1024 : i32
    %dma_start3A_60 = tpu.memref_slice %arg5[%dma_start3A_59] : memref<16384xf32, #tpu.memory_space<vmem>> -> memref<1024xf32, #tpu.memory_space<vmem>>
    %dma_start3A_61 = tpu.memref_slice %arg2[%add3A_58] : memref<16777216xf32, #tpu.memory_space<hbm>> -> memref<1024xf32, #tpu.memory_space<hbm>>
    %dma_start3A_62 = arith.constant 1024 : i32
    %dma_start3A_63 = tpu.memref_slice %arg5[%dma_start3A_62] : memref<16384xf32, #tpu.memory_space<vmem>> -> memref<1024xf32, #tpu.memory_space<vmem>>
    %dma_start3A_64 = tpu.memref_slice %arg2[%add3A_58] : memref<16777216xf32, #tpu.memory_space<hbm>> -> memref<1024xf32, #tpu.memory_space<hbm>>
    tpu.enqueue_dma source(%dma_start3A_64 : memref<1024xf32, #tpu.memory_space<hbm>>) target(%dma_start3A_63 : memref<1024xf32, #tpu.memory_space<vmem>>) target_semaphore(%arg10 : memref<!tpu.dma_semaphore, #tpu.memory_space<semaphore_mem>>)
    %add3A_65 = arith.constant 2097152 : i32
    %add3A_66 = arith.addi %add3A_65, %add3A_49 : i32
    %dma_start3A_67 = arith.constant 2048 : i32
    %dma_start3A_68 = tpu.memref_slice %arg5[%dma_start3A_67] : memref<16384xf32, #tpu.memory_space<vmem>> -> memref<1024xf32, #tpu.memory_space<vmem>>
    %dma_start3A_69 = tpu.memref_slice %arg2[%add3A_66] : memref<16777216xf32, #tpu.memory_space<hbm>> -> memref<1024xf32, #tpu.memory_space<hbm>>
    %dma_start3A_70 = arith.constant 2048 : i32
    %dma_start3A_71 = tpu.memref_slice %arg5[%dma_start3A_70] : memref<16384xf32, #tpu.memory_space<vmem>> -> memref<1024xf32, #tpu.memory_space<vmem>>
    %dma_start3A_72 = tpu.memref_slice %arg2[%add3A_66] : memref<16777216xf32, #tpu.memory_space<hbm>> -> memref<1024xf32, #tpu.memory_space<hbm>>
    tpu.enqueue_dma source(%dma_start3A_72 : memref<1024xf32, #tpu.memory_space<hbm>>) target(%dma_start3A_71 : memref<1024xf32, #tpu.memory_space<vmem>>) target_semaphore(%arg10 : memref<!tpu.dma_semaphore, #tpu.memory_space<semaphore_mem>>)
    %add3A_73 = arith.constant 3145728 : i32
    %add3A_74 = arith.addi %add3A_73, %add3A_49 : i32
    %dma_start3A_75 = arith.constant 3072 : i32
    %dma_start3A_76 = tpu.memref_slice %arg5[%dma_start3A_75] : memref<16384xf32, #tpu.memory_space<vmem>> -> memref<1024xf32, #tpu.memory_space<vmem>>
    %dma_start3A_77 = tpu.memref_slice %arg2[%add3A_74] : memref<16777216xf32, #tpu.memory_space<hbm>> -> memref<1024xf32, #tpu.memory_space<hbm>>
    %dma_start3A_78 = arith.constant 3072 : i32
    %dma_start3A_79 = tpu.memref_slice %arg5[%dma_start3A_78] : memref<16384xf32, #tpu.memory_space<vmem>> -> memref<1024xf32, #tpu.memory_space<vmem>>
    %dma_start3A_80 = tpu.memref_slice %arg2[%add3A_74] : memref<16777216xf32, #tpu.memory_space<hbm>> -> memref<1024xf32, #tpu.memory_space<hbm>>
    tpu.enqueue_dma source(%dma_start3A_80 : memref<1024xf32, #tpu.memory_space<hbm>>) target(%dma_start3A_79 : memref<1024xf32, #tpu.memory_space<vmem>>) target_semaphore(%arg10 : memref<!tpu.dma_semaphore, #tpu.memory_space<semaphore_mem>>)
    %add3A_81 = arith.constant 4194304 : i32
    %add3A_82 = arith.addi %add3A_81, %add3A_49 : i32
    %dma_start3A_83 = arith.constant 4096 : i32
    %dma_start3A_84 = tpu.memref_slice %arg5[%dma_start3A_83] : memref<16384xf32, #tpu.memory_space<vmem>> -> memref<1024xf32, #tpu.memory_space<vmem>>
    %dma_start3A_85 = tpu.memref_slice %arg2[%add3A_82] : memref<16777216xf32, #tpu.memory_space<hbm>> -> memref<1024xf32, #tpu.memory_space<hbm>>
    %dma_start3A_86 = arith.constant 4096 : i32
    %dma_start3A_87 = tpu.memref_slice %arg5[%dma_start3A_86] : memref<16384xf32, #tpu.memory_space<vmem>> -> memref<1024xf32, #tpu.memory_space<vmem>>
    %dma_start3A_88 = tpu.memref_slice %arg2[%add3A_82] : memref<16777216xf32, #tpu.memory_space<hbm>> -> memref<1024xf32, #tpu.memory_space<hbm>>
    tpu.enqueue_dma source(%dma_start3A_88 : memref<1024xf32, #tpu.memory_space<hbm>>) target(%dma_start3A_87 : memref<1024xf32, #tpu.memory_space<vmem>>) target_semaphore(%arg10 : memref<!tpu.dma_semaphore, #tpu.memory_space<semaphore_mem>>)
    %add3A_89 = arith.constant 5242880 : i32
    %add3A_90 = arith.addi %add3A_89, %add3A_49 : i32
    %dma_start3A_91 = arith.constant 5120 : i32
    %dma_start3A_92 = tpu.memref_slice %arg5[%dma_start3A_91] : memref<16384xf32, #tpu.memory_space<vmem>> -> memref<1024xf32, #tpu.memory_space<vmem>>
    %dma_start3A_93 = tpu.memref_slice %arg2[%add3A_90] : memref<16777216xf32, #tpu.memory_space<hbm>> -> memref<1024xf32, #tpu.memory_space<hbm>>
    %dma_start3A_94 = arith.constant 5120 : i32
    %dma_start3A_95 = tpu.memref_slice %arg5[%dma_start3A_94] : memref<16384xf32, #tpu.memory_space<vmem>> -> memref<1024xf32, #tpu.memory_space<vmem>>
    %dma_start3A_96 = tpu.memref_slice %arg2[%add3A_90] : memref<16777216xf32, #tpu.memory_space<hbm>> -> memref<1024xf32, #tpu.memory_space<hbm>>
    tpu.enqueue_dma source(%dma_start3A_96 : memref<1024xf32, #tpu.memory_space<hbm>>) target(%dma_start3A_95 : memref<1024xf32, #tpu.memory_space<vmem>>) target_semaphore(%arg10 : memref<!tpu.dma_semaphore, #tpu.memory_space<semaphore_mem>>)
    %add3A_97 = arith.constant 6291456 : i32
    %add3A_98 = arith.addi %add3A_97, %add3A_49 : i32
    %dma_start3A_99 = arith.constant 6144 : i32
    %dma_start3A_100 = tpu.memref_slice %arg5[%dma_start3A_99] : memref<16384xf32, #tpu.memory_space<vmem>> -> memref<1024xf32, #tpu.memory_space<vmem>>
    %dma_start3A_101 = tpu.memref_slice %arg2[%add3A_98] : memref<16777216xf32, #tpu.memory_space<hbm>> -> memref<1024xf32, #tpu.memory_space<hbm>>
    %dma_start3A_102 = arith.constant 6144 : i32
    %dma_start3A_103 = tpu.memref_slice %arg5[%dma_start3A_102] : memref<16384xf32, #tpu.memory_space<vmem>> -> memref<1024xf32, #tpu.memory_space<vmem>>
    %dma_start3A_104 = tpu.memref_slice %arg2[%add3A_98] : memref<16777216xf32, #tpu.memory_space<hbm>> -> memref<1024xf32, #tpu.memory_space<hbm>>
    tpu.enqueue_dma source(%dma_start3A_104 : memref<1024xf32, #tpu.memory_space<hbm>>) target(%dma_start3A_103 : memref<1024xf32, #tpu.memory_space<vmem>>) target_semaphore(%arg10 : memref<!tpu.dma_semaphore, #tpu.memory_space<semaphore_mem>>)
    %add3A_105 = arith.constant 7340032 : i32
    %add3A_106 = arith.addi %add3A_105, %add3A_49 : i32
    %dma_start3A_107 = arith.constant 7168 : i32
    %dma_start3A_108 = tpu.memref_slice %arg5[%dma_start3A_107] : memref<16384xf32, #tpu.memory_space<vmem>> -> memref<1024xf32, #tpu.memory_space<vmem>>
    %dma_start3A_109 = tpu.memref_slice %arg2[%add3A_106] : memref<16777216xf32, #tpu.memory_space<hbm>> -> memref<1024xf32, #tpu.memory_space<hbm>>
    %dma_start3A_110 = arith.constant 7168 : i32
    %dma_start3A_111 = tpu.memref_slice %arg5[%dma_start3A_110] : memref<16384xf32, #tpu.memory_space<vmem>> -> memref<1024xf32, #tpu.memory_space<vmem>>
    %dma_start3A_112 = tpu.memref_slice %arg2[%add3A_106] : memref<16777216xf32, #tpu.memory_space<hbm>> -> memref<1024xf32, #tpu.memory_space<hbm>>
    tpu.enqueue_dma source(%dma_start3A_112 : memref<1024xf32, #tpu.memory_space<hbm>>) target(%dma_start3A_111 : memref<1024xf32, #tpu.memory_space<vmem>>) target_semaphore(%arg10 : memref<!tpu.dma_semaphore, #tpu.memory_space<semaphore_mem>>)
    %add3A_113 = arith.constant 8388608 : i32
    %add3A_114 = arith.addi %add3A_113, %add3A_49 : i32
    %dma_start3A_115 = arith.constant 8192 : i32
    %dma_start3A_116 = tpu.memref_slice %arg5[%dma_start3A_115] : memref<16384xf32, #tpu.memory_space<vmem>> -> memref<1024xf32, #tpu.memory_space<vmem>>
    %dma_start3A_117 = tpu.memref_slice %arg2[%add3A_114] : memref<16777216xf32, #tpu.memory_space<hbm>> -> memref<1024xf32, #tpu.memory_space<hbm>>
    %dma_start3A_118 = arith.constant 8192 : i32
    %dma_start3A_119 = tpu.memref_slice %arg5[%dma_start3A_118] : memref<16384xf32, #tpu.memory_space<vmem>> -> memref<1024xf32, #tpu.memory_space<vmem>>
    %dma_start3A_120 = tpu.memref_slice %arg2[%add3A_114] : memref<16777216xf32, #tpu.memory_space<hbm>> -> memref<1024xf32, #tpu.memory_space<hbm>>
    tpu.enqueue_dma source(%dma_start3A_120 : memref<1024xf32, #tpu.memory_space<hbm>>) target(%dma_start3A_119 : memref<1024xf32, #tpu.memory_space<vmem>>) target_semaphore(%arg10 : memref<!tpu.dma_semaphore, #tpu.memory_space<semaphore_mem>>)
    %add3A_121 = arith.constant 9437184 : i32
    %add3A_122 = arith.addi %add3A_121, %add3A_49 : i32
    %dma_start3A_123 = arith.constant 9216 : i32
    %dma_start3A_124 = tpu.memref_slice %arg5[%dma_start3A_123] : memref<16384xf32, #tpu.memory_space<vmem>> -> memref<1024xf32, #tpu.memory_space<vmem>>
    %dma_start3A_125 = tpu.memref_slice %arg2[%add3A_122] : memref<16777216xf32, #tpu.memory_space<hbm>> -> memref<1024xf32, #tpu.memory_space<hbm>>
    %dma_start3A_126 = arith.constant 9216 : i32
    %dma_start3A_127 = tpu.memref_slice %arg5[%dma_start3A_126] : memref<16384xf32, #tpu.memory_space<vmem>> -> memref<1024xf32, #tpu.memory_space<vmem>>
    %dma_start3A_128 = tpu.memref_slice %arg2[%add3A_122] : memref<16777216xf32, #tpu.memory_space<hbm>> -> memref<1024xf32, #tpu.memory_space<hbm>>
    tpu.enqueue_dma source(%dma_start3A_128 : memref<1024xf32, #tpu.memory_space<hbm>>) target(%dma_start3A_127 : memref<1024xf32, #tpu.memory_space<vmem>>) target_semaphore(%arg10 : memref<!tpu.dma_semaphore, #tpu.memory_space<semaphore_mem>>)
    %add3A_129 = arith.constant 10485760 : i32
    %add3A_130 = arith.addi %add3A_129, %add3A_49 : i32
    %dma_start3A_131 = arith.constant 10240 : i32
    %dma_start3A_132 = tpu.memref_slice %arg5[%dma_start3A_131] : memref<16384xf32, #tpu.memory_space<vmem>> -> memref<1024xf32, #tpu.memory_space<vmem>>
    %dma_start3A_133 = tpu.memref_slice %arg2[%add3A_130] : memref<16777216xf32, #tpu.memory_space<hbm>> -> memref<1024xf32, #tpu.memory_space<hbm>>
    %dma_start3A_134 = arith.constant 10240 : i32
    %dma_start3A_135 = tpu.memref_slice %arg5[%dma_start3A_134] : memref<16384xf32, #tpu.memory_space<vmem>> -> memref<1024xf32, #tpu.memory_space<vmem>>
    %dma_start3A_136 = tpu.memref_slice %arg2[%add3A_130] : memref<16777216xf32, #tpu.memory_space<hbm>> -> memref<1024xf32, #tpu.memory_space<hbm>>
    tpu.enqueue_dma source(%dma_start3A_136 : memref<1024xf32, #tpu.memory_space<hbm>>) target(%dma_start3A_135 : memref<1024xf32, #tpu.memory_space<vmem>>) target_semaphore(%arg10 : memref<!tpu.dma_semaphore, #tpu.memory_space<semaphore_mem>>)
    %add3A_137 = arith.constant 11534336 : i32
    %add3A_138 = arith.addi %add3A_137, %add3A_49 : i32
    %dma_start3A_139 = arith.constant 11264 : i32
    %dma_start3A_140 = tpu.memref_slice %arg5[%dma_start3A_139] : memref<16384xf32, #tpu.memory_space<vmem>> -> memref<1024xf32, #tpu.memory_space<vmem>>
    %dma_start3A_141 = tpu.memref_slice %arg2[%add3A_138] : memref<16777216xf32, #tpu.memory_space<hbm>> -> memref<1024xf32, #tpu.memory_space<hbm>>
    %dma_start3A_142 = arith.constant 11264 : i32
    %dma_start3A_143 = tpu.memref_slice %arg5[%dma_start3A_142] : memref<16384xf32, #tpu.memory_space<vmem>> -> memref<1024xf32, #tpu.memory_space<vmem>>
    %dma_start3A_144 = tpu.memref_slice %arg2[%add3A_138] : memref<16777216xf32, #tpu.memory_space<hbm>> -> memref<1024xf32, #tpu.memory_space<hbm>>
    tpu.enqueue_dma source(%dma_start3A_144 : memref<1024xf32, #tpu.memory_space<hbm>>) target(%dma_start3A_143 : memref<1024xf32, #tpu.memory_space<vmem>>) target_semaphore(%arg10 : memref<!tpu.dma_semaphore, #tpu.memory_space<semaphore_mem>>)
    %add3A_145 = arith.constant 12582912 : i32
    %add3A_146 = arith.addi %add3A_145, %add3A_49 : i32
    %dma_start3A_147 = arith.constant 12288 : i32
    %dma_start3A_148 = tpu.memref_slice %arg5[%dma_start3A_147] : memref<16384xf32, #tpu.memory_space<vmem>> -> memref<1024xf32, #tpu.memory_space<vmem>>
    %dma_start3A_149 = tpu.memref_slice %arg2[%add3A_146] : memref<16777216xf32, #tpu.memory_space<hbm>> -> memref<1024xf32, #tpu.memory_space<hbm>>
    %dma_start3A_150 = arith.constant 12288 : i32
    %dma_start3A_151 = tpu.memref_slice %arg5[%dma_start3A_150] : memref<16384xf32, #tpu.memory_space<vmem>> -> memref<1024xf32, #tpu.memory_space<vmem>>
    %dma_start3A_152 = tpu.memref_slice %arg2[%add3A_146] : memref<16777216xf32, #tpu.memory_space<hbm>> -> memref<1024xf32, #tpu.memory_space<hbm>>
    tpu.enqueue_dma source(%dma_start3A_152 : memref<1024xf32, #tpu.memory_space<hbm>>) target(%dma_start3A_151 : memref<1024xf32, #tpu.memory_space<vmem>>) target_semaphore(%arg10 : memref<!tpu.dma_semaphore, #tpu.memory_space<semaphore_mem>>)
    %add3A_153 = arith.constant 13631488 : i32
    %add3A_154 = arith.addi %add3A_153, %add3A_49 : i32
    %dma_start3A_155 = arith.constant 13312 : i32
    %dma_start3A_156 = tpu.memref_slice %arg5[%dma_start3A_155] : memref<16384xf32, #tpu.memory_space<vmem>> -> memref<1024xf32, #tpu.memory_space<vmem>>
    %dma_start3A_157 = tpu.memref_slice %arg2[%add3A_154] : memref<16777216xf32, #tpu.memory_space<hbm>> -> memref<1024xf32, #tpu.memory_space<hbm>>
    %dma_start3A_158 = arith.constant 13312 : i32
    %dma_start3A_159 = tpu.memref_slice %arg5[%dma_start3A_158] : memref<16384xf32, #tpu.memory_space<vmem>> -> memref<1024xf32, #tpu.memory_space<vmem>>
    %dma_start3A_160 = tpu.memref_slice %arg2[%add3A_154] : memref<16777216xf32, #tpu.memory_space<hbm>> -> memref<1024xf32, #tpu.memory_space<hbm>>
    tpu.enqueue_dma source(%dma_start3A_160 : memref<1024xf32, #tpu.memory_space<hbm>>) target(%dma_start3A_159 : memref<1024xf32, #tpu.memory_space<vmem>>) target_semaphore(%arg10 : memref<!tpu.dma_semaphore, #tpu.memory_space<semaphore_mem>>)
    %add3A_161 = arith.constant 14680064 : i32
    %add3A_162 = arith.addi %add3A_161, %add3A_49 : i32
    %dma_start3A_163 = arith.constant 14336 : i32
    %dma_start3A_164 = tpu.memref_slice %arg5[%dma_start3A_163] : memref<16384xf32, #tpu.memory_space<vmem>> -> memref<1024xf32, #tpu.memory_space<vmem>>
    %dma_start3A_165 = tpu.memref_slice %arg2[%add3A_162] : memref<16777216xf32, #tpu.memory_space<hbm>> -> memref<1024xf32, #tpu.memory_space<hbm>>
    %dma_start3A_166 = arith.constant 14336 : i32
    %dma_start3A_167 = tpu.memref_slice %arg5[%dma_start3A_166] : memref<16384xf32, #tpu.memory_space<vmem>> -> memref<1024xf32, #tpu.memory_space<vmem>>
    %dma_start3A_168 = tpu.memref_slice %arg2[%add3A_162] : memref<16777216xf32, #tpu.memory_space<hbm>> -> memref<1024xf32, #tpu.memory_space<hbm>>
    tpu.enqueue_dma source(%dma_start3A_168 : memref<1024xf32, #tpu.memory_space<hbm>>) target(%dma_start3A_167 : memref<1024xf32, #tpu.memory_space<vmem>>) target_semaphore(%arg10 : memref<!tpu.dma_semaphore, #tpu.memory_space<semaphore_mem>>)
    %add3A_169 = arith.constant 15728640 : i32
    %add3A_170 = arith.addi %add3A_169, %add3A_49 : i32
    %dma_start3A_171 = arith.constant 15360 : i32
    %dma_start3A_172 = tpu.memref_slice %arg5[%dma_start3A_171] : memref<16384xf32, #tpu.memory_space<vmem>> -> memref<1024xf32, #tpu.memory_space<vmem>>
    %dma_start3A_173 = tpu.memref_slice %arg2[%add3A_170] : memref<16777216xf32, #tpu.memory_space<hbm>> -> memref<1024xf32, #tpu.memory_space<hbm>>
    %dma_start3A_174 = arith.constant 15360 : i32
    %dma_start3A_175 = tpu.memref_slice %arg5[%dma_start3A_174] : memref<16384xf32, #tpu.memory_space<vmem>> -> memref<1024xf32, #tpu.memory_space<vmem>>
    %dma_start3A_176 = tpu.memref_slice %arg2[%add3A_170] : memref<16777216xf32, #tpu.memory_space<hbm>> -> memref<1024xf32, #tpu.memory_space<hbm>>
    tpu.enqueue_dma source(%dma_start3A_176 : memref<1024xf32, #tpu.memory_space<hbm>>) target(%dma_start3A_175 : memref<1024xf32, #tpu.memory_space<vmem>>) target_semaphore(%arg10 : memref<!tpu.dma_semaphore, #tpu.memory_space<semaphore_mem>>)
    %add3A_177 = arith.constant 1024 : i32
    %add3A_178 = arith.addi %mul3A_47, %add3A_177 : i32
    %add3A_179 = arith.constant 0 : i32
    %add3A_180 = arith.addi %add3A_179, %add3A_178 : i32
    %dma_start3A_181 = arith.constant 0 : i32
    %dma_start3A_182 = tpu.memref_slice %arg6[%dma_start3A_181] : memref<16384xf32, #tpu.memory_space<vmem>> -> memref<1024xf32, #tpu.memory_space<vmem>>
    %dma_start3A_183 = tpu.memref_slice %arg2[%add3A_180] : memref<16777216xf32, #tpu.memory_space<hbm>> -> memref<1024xf32, #tpu.memory_space<hbm>>
    %dma_start3A_184 = arith.constant 0 : i32
    %dma_start3A_185 = tpu.memref_slice %arg6[%dma_start3A_184] : memref<16384xf32, #tpu.memory_space<vmem>> -> memref<1024xf32, #tpu.memory_space<vmem>>
    %dma_start3A_186 = tpu.memref_slice %arg2[%add3A_180] : memref<16777216xf32, #tpu.memory_space<hbm>> -> memref<1024xf32, #tpu.memory_space<hbm>>
    tpu.enqueue_dma source(%dma_start3A_186 : memref<1024xf32, #tpu.memory_space<hbm>>) target(%dma_start3A_185 : memref<1024xf32, #tpu.memory_space<vmem>>) target_semaphore(%arg11 : memref<!tpu.dma_semaphore, #tpu.memory_space<semaphore_mem>>)
    %add3A_187 = arith.constant 1048576 : i32
    %add3A_188 = arith.addi %add3A_187, %add3A_178 : i32
    %dma_start3A_189 = arith.constant 1024 : i32
    %dma_start3A_190 = tpu.memref_slice %arg6[%dma_start3A_189] : memref<16384xf32, #tpu.memory_space<vmem>> -> memref<1024xf32, #tpu.memory_space<vmem>>
    %dma_start3A_191 = tpu.memref_slice %arg2[%add3A_188] : memref<16777216xf32, #tpu.memory_space<hbm>> -> memref<1024xf32, #tpu.memory_space<hbm>>
    %dma_start3A_192 = arith.constant 1024 : i32
    %dma_start3A_193 = tpu.memref_slice %arg6[%dma_start3A_192] : memref<16384xf32, #tpu.memory_space<vmem>> -> memref<1024xf32, #tpu.memory_space<vmem>>
    %dma_start3A_194 = tpu.memref_slice %arg2[%add3A_188] : memref<16777216xf32, #tpu.memory_space<hbm>> -> memref<1024xf32, #tpu.memory_space<hbm>>
    tpu.enqueue_dma source(%dma_start3A_194 : memref<1024xf32, #tpu.memory_space<hbm>>) target(%dma_start3A_193 : memref<1024xf32, #tpu.memory_space<vmem>>) target_semaphore(%arg11 : memref<!tpu.dma_semaphore, #tpu.memory_space<semaphore_mem>>)
    %add3A_195 = arith.constant 2097152 : i32
    %add3A_196 = arith.addi %add3A_195, %add3A_178 : i32
    %dma_start3A_197 = arith.constant 2048 : i32
    %dma_start3A_198 = tpu.memref_slice %arg6[%dma_start3A_197] : memref<16384xf32, #tpu.memory_space<vmem>> -> memref<1024xf32, #tpu.memory_space<vmem>>
    %dma_start3A_199 = tpu.memref_slice %arg2[%add3A_196] : memref<16777216xf32, #tpu.memory_space<hbm>> -> memref<1024xf32, #tpu.memory_space<hbm>>
    %dma_start3A_200 = arith.constant 2048 : i32
    %dma_start3A_201 = tpu.memref_slice %arg6[%dma_start3A_200] : memref<16384xf32, #tpu.memory_space<vmem>> -> memref<1024xf32, #tpu.memory_space<vmem>>
    %dma_start3A_202 = tpu.memref_slice %arg2[%add3A_196] : memref<16777216xf32, #tpu.memory_space<hbm>> -> memref<1024xf32, #tpu.memory_space<hbm>>
    tpu.enqueue_dma source(%dma_start3A_202 : memref<1024xf32, #tpu.memory_space<hbm>>) target(%dma_start3A_201 : memref<1024xf32, #tpu.memory_space<vmem>>) target_semaphore(%arg11 : memref<!tpu.dma_semaphore, #tpu.memory_space<semaphore_mem>>)
    %add3A_203 = arith.constant 3145728 : i32
    %add3A_204 = arith.addi %add3A_203, %add3A_178 : i32
    %dma_start3A_205 = arith.constant 3072 : i32
    %dma_start3A_206 = tpu.memref_slice %arg6[%dma_start3A_205] : memref<16384xf32, #tpu.memory_space<vmem>> -> memref<1024xf32, #tpu.memory_space<vmem>>
    %dma_start3A_207 = tpu.memref_slice %arg2[%add3A_204] : memref<16777216xf32, #tpu.memory_space<hbm>> -> memref<1024xf32, #tpu.memory_space<hbm>>
    %dma_start3A_208 = arith.constant 3072 : i32
    %dma_start3A_209 = tpu.memref_slice %arg6[%dma_start3A_208] : memref<16384xf32, #tpu.memory_space<vmem>> -> memref<1024xf32, #tpu.memory_space<vmem>>
    %dma_start3A_210 = tpu.memref_slice %arg2[%add3A_204] : memref<16777216xf32, #tpu.memory_space<hbm>> -> memref<1024xf32, #tpu.memory_space<hbm>>
    tpu.enqueue_dma source(%dma_start3A_210 : memref<1024xf32, #tpu.memory_space<hbm>>) target(%dma_start3A_209 : memref<1024xf32, #tpu.memory_space<vmem>>) target_semaphore(%arg11 : memref<!tpu.dma_semaphore, #tpu.memory_space<semaphore_mem>>)
    %add3A_211 = arith.constant 4194304 : i32
    %add3A_212 = arith.addi %add3A_211, %add3A_178 : i32
    %dma_start3A_213 = arith.constant 4096 : i32
    %dma_start3A_214 = tpu.memref_slice %arg6[%dma_start3A_213] : memref<16384xf32, #tpu.memory_space<vmem>> -> memref<1024xf32, #tpu.memory_space<vmem>>
    %dma_start3A_215 = tpu.memref_slice %arg2[%add3A_212] : memref<16777216xf32, #tpu.memory_space<hbm>> -> memref<1024xf32, #tpu.memory_space<hbm>>
    %dma_start3A_216 = arith.constant 4096 : i32
    %dma_start3A_217 = tpu.memref_slice %arg6[%dma_start3A_216] : memref<16384xf32, #tpu.memory_space<vmem>> -> memref<1024xf32, #tpu.memory_space<vmem>>
    %dma_start3A_218 = tpu.memref_slice %arg2[%add3A_212] : memref<16777216xf32, #tpu.memory_space<hbm>> -> memref<1024xf32, #tpu.memory_space<hbm>>
    tpu.enqueue_dma source(%dma_start3A_218 : memref<1024xf32, #tpu.memory_space<hbm>>) target(%dma_start3A_217 : memref<1024xf32, #tpu.memory_space<vmem>>) target_semaphore(%arg11 : memref<!tpu.dma_semaphore, #tpu.memory_space<semaphore_mem>>)
    %add3A_219 = arith.constant 5242880 : i32
    %add3A_220 = arith.addi %add3A_219, %add3A_178 : i32
    %dma_start3A_221 = arith.constant 5120 : i32
    %dma_start3A_222 = tpu.memref_slice %arg6[%dma_start3A_221] : memref<16384xf32, #tpu.memory_space<vmem>> -> memref<1024xf32, #tpu.memory_space<vmem>>
    %dma_start3A_223 = tpu.memref_slice %arg2[%add3A_220] : memref<16777216xf32, #tpu.memory_space<hbm>> -> memref<1024xf32, #tpu.memory_space<hbm>>
    %dma_start3A_224 = arith.constant 5120 : i32
    %dma_start3A_225 = tpu.memref_slice %arg6[%dma_start3A_224] : memref<16384xf32, #tpu.memory_space<vmem>> -> memref<1024xf32, #tpu.memory_space<vmem>>
    %dma_start3A_226 = tpu.memref_slice %arg2[%add3A_220] : memref<16777216xf32, #tpu.memory_space<hbm>> -> memref<1024xf32, #tpu.memory_space<hbm>>
    tpu.enqueue_dma source(%dma_start3A_226 : memref<1024xf32, #tpu.memory_space<hbm>>) target(%dma_start3A_225 : memref<1024xf32, #tpu.memory_space<vmem>>) target_semaphore(%arg11 : memref<!tpu.dma_semaphore, #tpu.memory_space<semaphore_mem>>)
    %add3A_227 = arith.constant 6291456 : i32
    %add3A_228 = arith.addi %add3A_227, %add3A_178 : i32
    %dma_start3A_229 = arith.constant 6144 : i32
    %dma_start3A_230 = tpu.memref_slice %arg6[%dma_start3A_229] : memref<16384xf32, #tpu.memory_space<vmem>> -> memref<1024xf32, #tpu.memory_space<vmem>>
    %dma_start3A_231 = tpu.memref_slice %arg2[%add3A_228] : memref<16777216xf32, #tpu.memory_space<hbm>> -> memref<1024xf32, #tpu.memory_space<hbm>>
    %dma_start3A_232 = arith.constant 6144 : i32
    %dma_start3A_233 = tpu.memref_slice %arg6[%dma_start3A_232] : memref<16384xf32, #tpu.memory_space<vmem>> -> memref<1024xf32, #tpu.memory_space<vmem>>
    %dma_start3A_234 = tpu.memref_slice %arg2[%add3A_228] : memref<16777216xf32, #tpu.memory_space<hbm>> -> memref<1024xf32, #tpu.memory_space<hbm>>
    tpu.enqueue_dma source(%dma_start3A_234 : memref<1024xf32, #tpu.memory_space<hbm>>) target(%dma_start3A_233 : memref<1024xf32, #tpu.memory_space<vmem>>) target_semaphore(%arg11 : memref<!tpu.dma_semaphore, #tpu.memory_space<semaphore_mem>>)
    %add3A_235 = arith.constant 7340032 : i32
    %add3A_236 = arith.addi %add3A_235, %add3A_178 : i32
    %dma_start3A_237 = arith.constant 7168 : i32
    %dma_start3A_238 = tpu.memref_slice %arg6[%dma_start3A_237] : memref<16384xf32, #tpu.memory_space<vmem>> -> memref<1024xf32, #tpu.memory_space<vmem>>
    %dma_start3A_239 = tpu.memref_slice %arg2[%add3A_236] : memref<16777216xf32, #tpu.memory_space<hbm>> -> memref<1024xf32, #tpu.memory_space<hbm>>
    %dma_start3A_240 = arith.constant 7168 : i32
    %dma_start3A_241 = tpu.memref_slice %arg6[%dma_start3A_240] : memref<16384xf32, #tpu.memory_space<vmem>> -> memref<1024xf32, #tpu.memory_space<vmem>>
    %dma_start3A_242 = tpu.memref_slice %arg2[%add3A_236] : memref<16777216xf32, #tpu.memory_space<hbm>> -> memref<1024xf32, #tpu.memory_space<hbm>>
    tpu.enqueue_dma source(%dma_start3A_242 : memref<1024xf32, #tpu.memory_space<hbm>>) target(%dma_start3A_241 : memref<1024xf32, #tpu.memory_space<vmem>>) target_semaphore(%arg11 : memref<!tpu.dma_semaphore, #tpu.memory_space<semaphore_mem>>)
    %add3A_243 = arith.constant 8388608 : i32
    %add3A_244 = arith.addi %add3A_243, %add3A_178 : i32
    %dma_start3A_245 = arith.constant 8192 : i32
    %dma_start3A_246 = tpu.memref_slice %arg6[%dma_start3A_245] : memref<16384xf32, #tpu.memory_space<vmem>> -> memref<1024xf32, #tpu.memory_space<vmem>>
    %dma_start3A_247 = tpu.memref_slice %arg2[%add3A_244] : memref<16777216xf32, #tpu.memory_space<hbm>> -> memref<1024xf32, #tpu.memory_space<hbm>>
    %dma_start3A_248 = arith.constant 8192 : i32
    %dma_start3A_249 = tpu.memref_slice %arg6[%dma_start3A_248] : memref<16384xf32, #tpu.memory_space<vmem>> -> memref<1024xf32, #tpu.memory_space<vmem>>
    %dma_start3A_250 = tpu.memref_slice %arg2[%add3A_244] : memref<16777216xf32, #tpu.memory_space<hbm>> -> memref<1024xf32, #tpu.memory_space<hbm>>
    tpu.enqueue_dma source(%dma_start3A_250 : memref<1024xf32, #tpu.memory_space<hbm>>) target(%dma_start3A_249 : memref<1024xf32, #tpu.memory_space<vmem>>) target_semaphore(%arg11 : memref<!tpu.dma_semaphore, #tpu.memory_space<semaphore_mem>>)
    %add3A_251 = arith.constant 9437184 : i32
    %add3A_252 = arith.addi %add3A_251, %add3A_178 : i32
    %dma_start3A_253 = arith.constant 9216 : i32
    %dma_start3A_254 = tpu.memref_slice %arg6[%dma_start3A_253] : memref<16384xf32, #tpu.memory_space<vmem>> -> memref<1024xf32, #tpu.memory_space<vmem>>
    %dma_start3A_255 = tpu.memref_slice %arg2[%add3A_252] : memref<16777216xf32, #tpu.memory_space<hbm>> -> memref<1024xf32, #tpu.memory_space<hbm>>
    %dma_start3A_256 = arith.constant 9216 : i32
    %dma_start3A_257 = tpu.memref_slice %arg6[%dma_start3A_256] : memref<16384xf32, #tpu.memory_space<vmem>> -> memref<1024xf32, #tpu.memory_space<vmem>>
    %dma_start3A_258 = tpu.memref_slice %arg2[%add3A_252] : memref<16777216xf32, #tpu.memory_space<hbm>> -> memref<1024xf32, #tpu.memory_space<hbm>>
    tpu.enqueue_dma source(%dma_start3A_258 : memref<1024xf32, #tpu.memory_space<hbm>>) target(%dma_start3A_257 : memref<1024xf32, #tpu.memory_space<vmem>>) target_semaphore(%arg11 : memref<!tpu.dma_semaphore, #tpu.memory_space<semaphore_mem>>)
    %add3A_259 = arith.constant 10485760 : i32
    %add3A_260 = arith.addi %add3A_259, %add3A_178 : i32
    %dma_start3A_261 = arith.constant 10240 : i32
    %dma_start3A_262 = tpu.memref_slice %arg6[%dma_start3A_261] : memref<16384xf32, #tpu.memory_space<vmem>> -> memref<1024xf32, #tpu.memory_space<vmem>>
    %dma_start3A_263 = tpu.memref_slice %arg2[%add3A_260] : memref<16777216xf32, #tpu.memory_space<hbm>> -> memref<1024xf32, #tpu.memory_space<hbm>>
    %dma_start3A_264 = arith.constant 10240 : i32
    %dma_start3A_265 = tpu.memref_slice %arg6[%dma_start3A_264] : memref<16384xf32, #tpu.memory_space<vmem>> -> memref<1024xf32, #tpu.memory_space<vmem>>
    %dma_start3A_266 = tpu.memref_slice %arg2[%add3A_260] : memref<16777216xf32, #tpu.memory_space<hbm>> -> memref<1024xf32, #tpu.memory_space<hbm>>
    tpu.enqueue_dma source(%dma_start3A_266 : memref<1024xf32, #tpu.memory_space<hbm>>) target(%dma_start3A_265 : memref<1024xf32, #tpu.memory_space<vmem>>) target_semaphore(%arg11 : memref<!tpu.dma_semaphore, #tpu.memory_space<semaphore_mem>>)
    %add3A_267 = arith.constant 11534336 : i32
    %add3A_268 = arith.addi %add3A_267, %add3A_178 : i32
    %dma_start3A_269 = arith.constant 11264 : i32
    %dma_start3A_270 = tpu.memref_slice %arg6[%dma_start3A_269] : memref<16384xf32, #tpu.memory_space<vmem>> -> memref<1024xf32, #tpu.memory_space<vmem>>
    %dma_start3A_271 = tpu.memref_slice %arg2[%add3A_268] : memref<16777216xf32, #tpu.memory_space<hbm>> -> memref<1024xf32, #tpu.memory_space<hbm>>
    %dma_start3A_272 = arith.constant 11264 : i32
    %dma_start3A_273 = tpu.memref_slice %arg6[%dma_start3A_272] : memref<16384xf32, #tpu.memory_space<vmem>> -> memref<1024xf32, #tpu.memory_space<vmem>>
    %dma_start3A_274 = tpu.memref_slice %arg2[%add3A_268] : memref<16777216xf32, #tpu.memory_space<hbm>> -> memref<1024xf32, #tpu.memory_space<hbm>>
    tpu.enqueue_dma source(%dma_start3A_274 : memref<1024xf32, #tpu.memory_space<hbm>>) target(%dma_start3A_273 : memref<1024xf32, #tpu.memory_space<vmem>>) target_semaphore(%arg11 : memref<!tpu.dma_semaphore, #tpu.memory_space<semaphore_mem>>)
    %add3A_275 = arith.constant 12582912 : i32
    %add3A_276 = arith.addi %add3A_275, %add3A_178 : i32
    %dma_start3A_277 = arith.constant 12288 : i32
    %dma_start3A_278 = tpu.memref_slice %arg6[%dma_start3A_277] : memref<16384xf32, #tpu.memory_space<vmem>> -> memref<1024xf32, #tpu.memory_space<vmem>>
    %dma_start3A_279 = tpu.memref_slice %arg2[%add3A_276] : memref<16777216xf32, #tpu.memory_space<hbm>> -> memref<1024xf32, #tpu.memory_space<hbm>>
    %dma_start3A_280 = arith.constant 12288 : i32
    %dma_start3A_281 = tpu.memref_slice %arg6[%dma_start3A_280] : memref<16384xf32, #tpu.memory_space<vmem>> -> memref<1024xf32, #tpu.memory_space<vmem>>
    %dma_start3A_282 = tpu.memref_slice %arg2[%add3A_276] : memref<16777216xf32, #tpu.memory_space<hbm>> -> memref<1024xf32, #tpu.memory_space<hbm>>
    tpu.enqueue_dma source(%dma_start3A_282 : memref<1024xf32, #tpu.memory_space<hbm>>) target(%dma_start3A_281 : memref<1024xf32, #tpu.memory_space<vmem>>) target_semaphore(%arg11 : memref<!tpu.dma_semaphore, #tpu.memory_space<semaphore_mem>>)
    %add3A_283 = arith.constant 13631488 : i32
    %add3A_284 = arith.addi %add3A_283, %add3A_178 : i32
    %dma_start3A_285 = arith.constant 13312 : i32
    %dma_start3A_286 = tpu.memref_slice %arg6[%dma_start3A_285] : memref<16384xf32, #tpu.memory_space<vmem>> -> memref<1024xf32, #tpu.memory_space<vmem>>
    %dma_start3A_287 = tpu.memref_slice %arg2[%add3A_284] : memref<16777216xf32, #tpu.memory_space<hbm>> -> memref<1024xf32, #tpu.memory_space<hbm>>
    %dma_start3A_288 = arith.constant 13312 : i32
    %dma_start3A_289 = tpu.memref_slice %arg6[%dma_start3A_288] : memref<16384xf32, #tpu.memory_space<vmem>> -> memref<1024xf32, #tpu.memory_space<vmem>>
    %dma_start3A_290 = tpu.memref_slice %arg2[%add3A_284] : memref<16777216xf32, #tpu.memory_space<hbm>> -> memref<1024xf32, #tpu.memory_space<hbm>>
    tpu.enqueue_dma source(%dma_start3A_290 : memref<1024xf32, #tpu.memory_space<hbm>>) target(%dma_start3A_289 : memref<1024xf32, #tpu.memory_space<vmem>>) target_semaphore(%arg11 : memref<!tpu.dma_semaphore, #tpu.memory_space<semaphore_mem>>)
    %add3A_291 = arith.constant 14680064 : i32
    %add3A_292 = arith.addi %add3A_291, %add3A_178 : i32
    %dma_start3A_293 = arith.constant 14336 : i32
    %dma_start3A_294 = tpu.memref_slice %arg6[%dma_start3A_293] : memref<16384xf32, #tpu.memory_space<vmem>> -> memref<1024xf32, #tpu.memory_space<vmem>>
    %dma_start3A_295 = tpu.memref_slice %arg2[%add3A_292] : memref<16777216xf32, #tpu.memory_space<hbm>> -> memref<1024xf32, #tpu.memory_space<hbm>>
    %dma_start3A_296 = arith.constant 14336 : i32
    %dma_start3A_297 = tpu.memref_slice %arg6[%dma_start3A_296] : memref<16384xf32, #tpu.memory_space<vmem>> -> memref<1024xf32, #tpu.memory_space<vmem>>
    %dma_start3A_298 = tpu.memref_slice %arg2[%add3A_292] : memref<16777216xf32, #tpu.memory_space<hbm>> -> memref<1024xf32, #tpu.memory_space<hbm>>
    tpu.enqueue_dma source(%dma_start3A_298 : memref<1024xf32, #tpu.memory_space<hbm>>) target(%dma_start3A_297 : memref<1024xf32, #tpu.memory_space<vmem>>) target_semaphore(%arg11 : memref<!tpu.dma_semaphore, #tpu.memory_space<semaphore_mem>>)
    %add3A_299 = arith.constant 15728640 : i32
    %add3A_300 = arith.addi %add3A_299, %add3A_178 : i32
    %dma_start3A_301 = arith.constant 15360 : i32
    %dma_start3A_302 = tpu.memref_slice %arg6[%dma_start3A_301] : memref<16384xf32, #tpu.memory_space<vmem>> -> memref<1024xf32, #tpu.memory_space<vmem>>
    %dma_start3A_303 = tpu.memref_slice %arg2[%add3A_300] : memref<16777216xf32, #tpu.memory_space<hbm>> -> memref<1024xf32, #tpu.memory_space<hbm>>
    %dma_start3A_304 = arith.constant 15360 : i32
    %dma_start3A_305 = tpu.memref_slice %arg6[%dma_start3A_304] : memref<16384xf32, #tpu.memory_space<vmem>> -> memref<1024xf32, #tpu.memory_space<vmem>>
    %dma_start3A_306 = tpu.memref_slice %arg2[%add3A_300] : memref<16777216xf32, #tpu.memory_space<hbm>> -> memref<1024xf32, #tpu.memory_space<hbm>>
    tpu.enqueue_dma source(%dma_start3A_306 : memref<1024xf32, #tpu.memory_space<hbm>>) target(%dma_start3A_305 : memref<1024xf32, #tpu.memory_space<vmem>>) target_semaphore(%arg11 : memref<!tpu.dma_semaphore, #tpu.memory_space<semaphore_mem>>)
    %scan3A = arith.constant 0 : i32
    %scan3A_307 = arith.constant 0 : i32
    %scan3A_308 = arith.constant 16 : i32
    %scan3A_309 = arith.addi %scan3A_307, %scan3A_308 : i32
    %scan3A_310 = arith.constant 1 : i32
    scf.for %scan3A_319 = %scan3A_307 to %scan3A_309 step %scan3A_310  : i32 {
      %dma_wait3A_320 = arith.constant 0 : i32
      %dma_wait3A_321 = tpu.memref_slice %arg2[%dma_wait3A_320] : memref<16777216xf32, #tpu.memory_space<hbm>> -> memref<16384xf32, #tpu.memory_space<hbm>>
      %dma_wait3A_322 = arith.constant 0 : i32
      %dma_wait3A_323 = tpu.memref_slice %arg2[%dma_wait3A_322] : memref<16777216xf32, #tpu.memory_space<hbm>> -> memref<16384xf32, #tpu.memory_space<hbm>>
      tpu.wait_dma2 semaphore(%arg10 : memref<!tpu.dma_semaphore, #tpu.memory_space<semaphore_mem>>) src(%dma_wait3A_323 : memref<16384xf32, #tpu.memory_space<hbm>>) dst(%arg5 : memref<16384xf32, #tpu.memory_space<vmem>>)
      %gt3A = arith.constant 0 : i32
      %gt3A_324 = arith.cmpi sgt, %scan3A_319, %gt3A : i32
      %convert_element_type3A = arith.extui %gt3A_324 : i1 to i32
      %cond3A = arith.constant 0 : i32
      %cond3A_325 = arith.cmpi ne, %convert_element_type3A, %cond3A : i32
      scf.if %cond3A_325 {
        %dma_wait3A_621 = arith.constant 0 : i32
        %dma_wait3A_622 = tpu.memref_slice %arg4[%dma_wait3A_621] : memref<16777216xf32, #tpu.memory_space<hbm>> -> memref<16384xf32, #tpu.memory_space<hbm>>
        %dma_wait3A_623 = arith.constant 0 : i32
        %dma_wait3A_624 = tpu.memref_slice %arg4[%dma_wait3A_623] : memref<16777216xf32, #tpu.memory_space<hbm>> -> memref<16384xf32, #tpu.memory_space<hbm>>
        tpu.wait_dma2 semaphore(%arg12 : memref<!tpu.dma_semaphore, #tpu.memory_space<semaphore_mem>>) src(%arg7 : memref<16384xf32, #tpu.memory_space<vmem>>) dst(%dma_wait3A_624 : memref<16384xf32, #tpu.memory_space<hbm>>)
      } else {
      }
      %parallel_loop3A = arith.constant 0 : i32
      %parallel_loop3A_326 = arith.constant 32 : i32
      %parallel_loop3A_327 = arith.constant 1 : i32
      scf.for %parallel_loop3A_621 = %parallel_loop3A to %parallel_loop3A_326 step %parallel_loop3A_327  : i32 {
        %parallel_loop3A_622 = arith.constant 32 : i32
        %parallel_loop3A_623 = arith.muli %parallel_loop3A_621, %parallel_loop3A_622 : i32
        %parallel_loop3A_624 = arith.constant 0 : i32
        %parallel_loop3A_625 = arith.addi %parallel_loop3A_624, %parallel_loop3A_623 : i32
        %parallel_loop3A_626 = arith.index_cast %parallel_loop3A_625 : i32 to index
        %parallel_loop3A_627 = tpu.vector_load %arg5[%parallel_loop3A_626] {strides = array<i32>} : memref<16384xf32, #tpu.memory_space<vmem>>, vector<16xf32>,
        %parallel_loop3A_628 = arith.constant 0 : i32
        %parallel_loop3A_629 = arith.addi %parallel_loop3A_628, %parallel_loop3A_623 : i32
        %parallel_loop3A_630 = arith.constant 16 : i32
        %parallel_loop3A_631 = arith.addi %parallel_loop3A_629, %parallel_loop3A_630 : i32
        %parallel_loop3A_632 = arith.index_cast %parallel_loop3A_631 : i32 to index
        %parallel_loop3A_633 = tpu.vector_load %arg5[%parallel_loop3A_632] {strides = array<i32>} : memref<16384xf32, #tpu.memory_space<vmem>>, vector<16xf32>,
        %parallel_loop3A_634 = tpu.pack_subelements %parallel_loop3A_627, %parallel_loop3A_633 {pack_format = #tpu.pack_format<interleaved>, positions = array<i32: 0, 1>} : vector<16xf32>, vector<16xf32> -> vector<32xbf16>
        %parallel_loop3A_635 = arith.constant 1024 : i32
        %parallel_loop3A_636 = arith.addi %parallel_loop3A_635, %parallel_loop3A_623 : i32
        %parallel_loop3A_637 = arith.index_cast %parallel_loop3A_636 : i32 to index
        %parallel_loop3A_638 = tpu.vector_load %arg5[%parallel_loop3A_637] {strides = array<i32>} : memref<16384xf32, #tpu.memory_space<vmem>>, vector<16xf32>,
        %parallel_loop3A_639 = arith.constant 1024 : i32
        %parallel_loop3A_640 = arith.addi %parallel_loop3A_639, %parallel_loop3A_623 : i32
        %parallel_loop3A_641 = arith.constant 16 : i32
        %parallel_loop3A_642 = arith.addi %parallel_loop3A_640, %parallel_loop3A_641 : i32
        %parallel_loop3A_643 = arith.index_cast %parallel_loop3A_642 : i32 to index
        %parallel_loop3A_644 = tpu.vector_load %arg5[%parallel_loop3A_643] {strides = array<i32>} : memref<16384xf32, #tpu.memory_space<vmem>>, vector<16xf32>,
        %parallel_loop3A_645 = tpu.pack_subelements %parallel_loop3A_638, %parallel_loop3A_644 {pack_format = #tpu.pack_format<interleaved>, positions = array<i32: 0, 1>} : vector<16xf32>, vector<16xf32> -> vector<32xbf16>
        %parallel_loop3A_646 = arith.constant 2048 : i32
        %parallel_loop3A_647 = arith.addi %parallel_loop3A_646, %parallel_loop3A_623 : i32
        %parallel_loop3A_648 = arith.index_cast %parallel_loop3A_647 : i32 to index
        %parallel_loop3A_649 = tpu.vector_load %arg5[%parallel_loop3A_648] {strides = array<i32>} : memref<16384xf32, #tpu.memory_space<vmem>>, vector<16xf32>,
        %parallel_loop3A_650 = arith.constant 2048 : i32
        %parallel_loop3A_651 = arith.addi %parallel_loop3A_650, %parallel_loop3A_623 : i32
        %parallel_loop3A_652 = arith.constant 16 : i32
        %parallel_loop3A_653 = arith.addi %parallel_loop3A_651, %parallel_loop3A_652 : i32
        %parallel_loop3A_654 = arith.index_cast %parallel_loop3A_653 : i32 to index
        %parallel_loop3A_655 = tpu.vector_load %arg5[%parallel_loop3A_654] {strides = array<i32>} : memref<16384xf32, #tpu.memory_space<vmem>>, vector<16xf32>,
        %parallel_loop3A_656 = tpu.pack_subelements %parallel_loop3A_649, %parallel_loop3A_655 {pack_format = #tpu.pack_format<interleaved>, positions = array<i32: 0, 1>} : vector<16xf32>, vector<16xf32> -> vector<32xbf16>
        %parallel_loop3A_657 = arith.constant 3072 : i32
        %parallel_loop3A_658 = arith.addi %parallel_loop3A_657, %parallel_loop3A_623 : i32
        %parallel_loop3A_659 = arith.index_cast %parallel_loop3A_658 : i32 to index
        %parallel_loop3A_660 = tpu.vector_load %arg5[%parallel_loop3A_659] {strides = array<i32>} : memref<16384xf32, #tpu.memory_space<vmem>>, vector<16xf32>,
        %parallel_loop3A_661 = arith.constant 3072 : i32
        %parallel_loop3A_662 = arith.addi %parallel_loop3A_661, %parallel_loop3A_623 : i32
        %parallel_loop3A_663 = arith.constant 16 : i32
        %parallel_loop3A_664 = arith.addi %parallel_loop3A_662, %parallel_loop3A_663 : i32
        %parallel_loop3A_665 = arith.index_cast %parallel_loop3A_664 : i32 to index
        %parallel_loop3A_666 = tpu.vector_load %arg5[%parallel_loop3A_665] {strides = array<i32>} : memref<16384xf32, #tpu.memory_space<vmem>>, vector<16xf32>,
        %parallel_loop3A_667 = tpu.pack_subelements %parallel_loop3A_660, %parallel_loop3A_666 {pack_format = #tpu.pack_format<interleaved>, positions = array<i32: 0, 1>} : vector<16xf32>, vector<16xf32> -> vector<32xbf16>
        %parallel_loop3A_668 = arith.constant 4096 : i32
        %parallel_loop3A_669 = arith.addi %parallel_loop3A_668, %parallel_loop3A_623 : i32
        %parallel_loop3A_670 = arith.index_cast %parallel_loop3A_669 : i32 to index
        %parallel_loop3A_671 = tpu.vector_load %arg5[%parallel_loop3A_670] {strides = array<i32>} : memref<16384xf32, #tpu.memory_space<vmem>>, vector<16xf32>,
        %parallel_loop3A_672 = arith.constant 4096 : i32
        %parallel_loop3A_673 = arith.addi %parallel_loop3A_672, %parallel_loop3A_623 : i32
        %parallel_loop3A_674 = arith.constant 16 : i32
        %parallel_loop3A_675 = arith.addi %parallel_loop3A_673, %parallel_loop3A_674 : i32
        %parallel_loop3A_676 = arith.index_cast %parallel_loop3A_675 : i32 to index
        %parallel_loop3A_677 = tpu.vector_load %arg5[%parallel_loop3A_676] {strides = array<i32>} : memref<16384xf32, #tpu.memory_space<vmem>>, vector<16xf32>,
        %parallel_loop3A_678 = tpu.pack_subelements %parallel_loop3A_671, %parallel_loop3A_677 {pack_format = #tpu.pack_format<interleaved>, positions = array<i32: 0, 1>} : vector<16xf32>, vector<16xf32> -> vector<32xbf16>
        %parallel_loop3A_679 = arith.constant 5120 : i32
        %parallel_loop3A_680 = arith.addi %parallel_loop3A_679, %parallel_loop3A_623 : i32
        %parallel_loop3A_681 = arith.index_cast %parallel_loop3A_680 : i32 to index
        %parallel_loop3A_682 = tpu.vector_load %arg5[%parallel_loop3A_681] {strides = array<i32>} : memref<16384xf32, #tpu.memory_space<vmem>>, vector<16xf32>,
        %parallel_loop3A_683 = arith.constant 5120 : i32
        %parallel_loop3A_684 = arith.addi %parallel_loop3A_683, %parallel_loop3A_623 : i32
        %parallel_loop3A_685 = arith.constant 16 : i32
        %parallel_loop3A_686 = arith.addi %parallel_loop3A_684, %parallel_loop3A_685 : i32
        %parallel_loop3A_687 = arith.index_cast %parallel_loop3A_686 : i32 to index
        %parallel_loop3A_688 = tpu.vector_load %arg5[%parallel_loop3A_687] {strides = array<i32>} : memref<16384xf32, #tpu.memory_space<vmem>>, vector<16xf32>,
        %parallel_loop3A_689 = tpu.pack_subelements %parallel_loop3A_682, %parallel_loop3A_688 {pack_format = #tpu.pack_format<interleaved>, positions = array<i32: 0, 1>} : vector<16xf32>, vector<16xf32> -> vector<32xbf16>
        %parallel_loop3A_690 = arith.constant 6144 : i32
        %parallel_loop3A_691 = arith.addi %parallel_loop3A_690, %parallel_loop3A_623 : i32
        %parallel_loop3A_692 = arith.index_cast %parallel_loop3A_691 : i32 to index
        %parallel_loop3A_693 = tpu.vector_load %arg5[%parallel_loop3A_692] {strides = array<i32>} : memref<16384xf32, #tpu.memory_space<vmem>>, vector<16xf32>,
        %parallel_loop3A_694 = arith.constant 6144 : i32
        %parallel_loop3A_695 = arith.addi %parallel_loop3A_694, %parallel_loop3A_623 : i32
        %parallel_loop3A_696 = arith.constant 16 : i32
        %parallel_loop3A_697 = arith.addi %parallel_loop3A_695, %parallel_loop3A_696 : i32
        %parallel_loop3A_698 = arith.index_cast %parallel_loop3A_697 : i32 to index
        %parallel_loop3A_699 = tpu.vector_load %arg5[%parallel_loop3A_698] {strides = array<i32>} : memref<16384xf32, #tpu.memory_space<vmem>>, vector<16xf32>,
        %parallel_loop3A_700 = tpu.pack_subelements %parallel_loop3A_693, %parallel_loop3A_699 {pack_format = #tpu.pack_format<interleaved>, positions = array<i32: 0, 1>} : vector<16xf32>, vector<16xf32> -> vector<32xbf16>
        %parallel_loop3A_701 = arith.constant 7168 : i32
        %parallel_loop3A_702 = arith.addi %parallel_loop3A_701, %parallel_loop3A_623 : i32
        %parallel_loop3A_703 = arith.index_cast %parallel_loop3A_702 : i32 to index
        %parallel_loop3A_704 = tpu.vector_load %arg5[%parallel_loop3A_703] {strides = array<i32>} : memref<16384xf32, #tpu.memory_space<vmem>>, vector<16xf32>,
        %parallel_loop3A_705 = arith.constant 7168 : i32
        %parallel_loop3A_706 = arith.addi %parallel_loop3A_705, %parallel_loop3A_623 : i32
        %parallel_loop3A_707 = arith.constant 16 : i32
        %parallel_loop3A_708 = arith.addi %parallel_loop3A_706, %parallel_loop3A_707 : i32
        %parallel_loop3A_709 = arith.index_cast %parallel_loop3A_708 : i32 to index
        %parallel_loop3A_710 = tpu.vector_load %arg5[%parallel_loop3A_709] {strides = array<i32>} : memref<16384xf32, #tpu.memory_space<vmem>>, vector<16xf32>,
        %parallel_loop3A_711 = tpu.pack_subelements %parallel_loop3A_704, %parallel_loop3A_710 {pack_format = #tpu.pack_format<interleaved>, positions = array<i32: 0, 1>} : vector<16xf32>, vector<16xf32> -> vector<32xbf16>
        %parallel_loop3A_712 = arith.constant 8192 : i32
        %parallel_loop3A_713 = arith.addi %parallel_loop3A_712, %parallel_loop3A_623 : i32
        %parallel_loop3A_714 = arith.index_cast %parallel_loop3A_713 : i32 to index
        %parallel_loop3A_715 = tpu.vector_load %arg5[%parallel_loop3A_714] {strides = array<i32>} : memref<16384xf32, #tpu.memory_space<vmem>>, vector<16xf32>,
        %parallel_loop3A_716 = arith.constant 8192 : i32
        %parallel_loop3A_717 = arith.addi %parallel_loop3A_716, %parallel_loop3A_623 : i32
        %parallel_loop3A_718 = arith.constant 16 : i32
        %parallel_loop3A_719 = arith.addi %parallel_loop3A_717, %parallel_loop3A_718 : i32
        %parallel_loop3A_720 = arith.index_cast %parallel_loop3A_719 : i32 to index
        %parallel_loop3A_721 = tpu.vector_load %arg5[%parallel_loop3A_720] {strides = array<i32>} : memref<16384xf32, #tpu.memory_space<vmem>>, vector<16xf32>,
        %parallel_loop3A_722 = tpu.pack_subelements %parallel_loop3A_715, %parallel_loop3A_721 {pack_format = #tpu.pack_format<interleaved>, positions = array<i32: 0, 1>} : vector<16xf32>, vector<16xf32> -> vector<32xbf16>
        %parallel_loop3A_723 = arith.constant 9216 : i32
        %parallel_loop3A_724 = arith.addi %parallel_loop3A_723, %parallel_loop3A_623 : i32
        %parallel_loop3A_725 = arith.index_cast %parallel_loop3A_724 : i32 to index
        %parallel_loop3A_726 = tpu.vector_load %arg5[%parallel_loop3A_725] {strides = array<i32>} : memref<16384xf32, #tpu.memory_space<vmem>>, vector<16xf32>,
        %parallel_loop3A_727 = arith.constant 9216 : i32
        %parallel_loop3A_728 = arith.addi %parallel_loop3A_727, %parallel_loop3A_623 : i32
        %parallel_loop3A_729 = arith.constant 16 : i32
        %parallel_loop3A_730 = arith.addi %parallel_loop3A_728, %parallel_loop3A_729 : i32
        %parallel_loop3A_731 = arith.index_cast %parallel_loop3A_730 : i32 to index
        %parallel_loop3A_732 = tpu.vector_load %arg5[%parallel_loop3A_731] {strides = array<i32>} : memref<16384xf32, #tpu.memory_space<vmem>>, vector<16xf32>,
        %parallel_loop3A_733 = tpu.pack_subelements %parallel_loop3A_726, %parallel_loop3A_732 {pack_format = #tpu.pack_format<interleaved>, positions = array<i32: 0, 1>} : vector<16xf32>, vector<16xf32> -> vector<32xbf16>
        %parallel_loop3A_734 = arith.constant 10240 : i32
        %parallel_loop3A_735 = arith.addi %parallel_loop3A_734, %parallel_loop3A_623 : i32
        %parallel_loop3A_736 = arith.index_cast %parallel_loop3A_735 : i32 to index
        %parallel_loop3A_737 = tpu.vector_load %arg5[%parallel_loop3A_736] {strides = array<i32>} : memref<16384xf32, #tpu.memory_space<vmem>>, vector<16xf32>,
        %parallel_loop3A_738 = arith.constant 10240 : i32
        %parallel_loop3A_739 = arith.addi %parallel_loop3A_738, %parallel_loop3A_623 : i32
        %parallel_loop3A_740 = arith.constant 16 : i32
        %parallel_loop3A_741 = arith.addi %parallel_loop3A_739, %parallel_loop3A_740 : i32
        %parallel_loop3A_742 = arith.index_cast %parallel_loop3A_741 : i32 to index
        %parallel_loop3A_743 = tpu.vector_load %arg5[%parallel_loop3A_742] {strides = array<i32>} : memref<16384xf32, #tpu.memory_space<vmem>>, vector<16xf32>,
        %parallel_loop3A_744 = tpu.pack_subelements %parallel_loop3A_737, %parallel_loop3A_743 {pack_format = #tpu.pack_format<interleaved>, positions = array<i32: 0, 1>} : vector<16xf32>, vector<16xf32> -> vector<32xbf16>
        %parallel_loop3A_745 = arith.constant 11264 : i32
        %parallel_loop3A_746 = arith.addi %parallel_loop3A_745, %parallel_loop3A_623 : i32
        %parallel_loop3A_747 = arith.index_cast %parallel_loop3A_746 : i32 to index
        %parallel_loop3A_748 = tpu.vector_load %arg5[%parallel_loop3A_747] {strides = array<i32>} : memref<16384xf32, #tpu.memory_space<vmem>>, vector<16xf32>,
        %parallel_loop3A_749 = arith.constant 11264 : i32
        %parallel_loop3A_750 = arith.addi %parallel_loop3A_749, %parallel_loop3A_623 : i32
        %parallel_loop3A_751 = arith.constant 16 : i32
        %parallel_loop3A_752 = arith.addi %parallel_loop3A_750, %parallel_loop3A_751 : i32
        %parallel_loop3A_753 = arith.index_cast %parallel_loop3A_752 : i32 to index
        %parallel_loop3A_754 = tpu.vector_load %arg5[%parallel_loop3A_753] {strides = array<i32>} : memref<16384xf32, #tpu.memory_space<vmem>>, vector<16xf32>,
        %parallel_loop3A_755 = tpu.pack_subelements %parallel_loop3A_748, %parallel_loop3A_754 {pack_format = #tpu.pack_format<interleaved>, positions = array<i32: 0, 1>} : vector<16xf32>, vector<16xf32> -> vector<32xbf16>
        %parallel_loop3A_756 = arith.constant 12288 : i32
        %parallel_loop3A_757 = arith.addi %parallel_loop3A_756, %parallel_loop3A_623 : i32
        %parallel_loop3A_758 = arith.index_cast %parallel_loop3A_757 : i32 to index
        %parallel_loop3A_759 = tpu.vector_load %arg5[%parallel_loop3A_758] {strides = array<i32>} : memref<16384xf32, #tpu.memory_space<vmem>>, vector<16xf32>,
        %parallel_loop3A_760 = arith.constant 12288 : i32
        %parallel_loop3A_761 = arith.addi %parallel_loop3A_760, %parallel_loop3A_623 : i32
        %parallel_loop3A_762 = arith.constant 16 : i32
        %parallel_loop3A_763 = arith.addi %parallel_loop3A_761, %parallel_loop3A_762 : i32
        %parallel_loop3A_764 = arith.index_cast %parallel_loop3A_763 : i32 to index
        %parallel_loop3A_765 = tpu.vector_load %arg5[%parallel_loop3A_764] {strides = array<i32>} : memref<16384xf32, #tpu.memory_space<vmem>>, vector<16xf32>,
        %parallel_loop3A_766 = tpu.pack_subelements %parallel_loop3A_759, %parallel_loop3A_765 {pack_format = #tpu.pack_format<interleaved>, positions = array<i32: 0, 1>} : vector<16xf32>, vector<16xf32> -> vector<32xbf16>
        %parallel_loop3A_767 = arith.constant 13312 : i32
        %parallel_loop3A_768 = arith.addi %parallel_loop3A_767, %parallel_loop3A_623 : i32
        %parallel_loop3A_769 = arith.index_cast %parallel_loop3A_768 : i32 to index
        %parallel_loop3A_770 = tpu.vector_load %arg5[%parallel_loop3A_769] {strides = array<i32>} : memref<16384xf32, #tpu.memory_space<vmem>>, vector<16xf32>,
        %parallel_loop3A_771 = arith.constant 13312 : i32
        %parallel_loop3A_772 = arith.addi %parallel_loop3A_771, %parallel_loop3A_623 : i32
        %parallel_loop3A_773 = arith.constant 16 : i32
        %parallel_loop3A_774 = arith.addi %parallel_loop3A_772, %parallel_loop3A_773 : i32
        %parallel_loop3A_775 = arith.index_cast %parallel_loop3A_774 : i32 to index
        %parallel_loop3A_776 = tpu.vector_load %arg5[%parallel_loop3A_775] {strides = array<i32>} : memref<16384xf32, #tpu.memory_space<vmem>>, vector<16xf32>,
        %parallel_loop3A_777 = tpu.pack_subelements %parallel_loop3A_770, %parallel_loop3A_776 {pack_format = #tpu.pack_format<interleaved>, positions = array<i32: 0, 1>} : vector<16xf32>, vector<16xf32> -> vector<32xbf16>
        %parallel_loop3A_778 = arith.constant 14336 : i32
        %parallel_loop3A_779 = arith.addi %parallel_loop3A_778, %parallel_loop3A_623 : i32
        %parallel_loop3A_780 = arith.index_cast %parallel_loop3A_779 : i32 to index
        %parallel_loop3A_781 = tpu.vector_load %arg5[%parallel_loop3A_780] {strides = array<i32>} : memref<16384xf32, #tpu.memory_space<vmem>>, vector<16xf32>,
        %parallel_loop3A_782 = arith.constant 14336 : i32
        %parallel_loop3A_783 = arith.addi %parallel_loop3A_782, %parallel_loop3A_623 : i32
        %parallel_loop3A_784 = arith.constant 16 : i32
        %parallel_loop3A_785 = arith.addi %parallel_loop3A_783, %parallel_loop3A_784 : i32
        %parallel_loop3A_786 = arith.index_cast %parallel_loop3A_785 : i32 to index
        %parallel_loop3A_787 = tpu.vector_load %arg5[%parallel_loop3A_786] {strides = array<i32>} : memref<16384xf32, #tpu.memory_space<vmem>>, vector<16xf32>,
        %parallel_loop3A_788 = tpu.pack_subelements %parallel_loop3A_781, %parallel_loop3A_787 {pack_format = #tpu.pack_format<interleaved>, positions = array<i32: 0, 1>} : vector<16xf32>, vector<16xf32> -> vector<32xbf16>
        %parallel_loop3A_789 = arith.constant 15360 : i32
        %parallel_loop3A_790 = arith.addi %parallel_loop3A_789, %parallel_loop3A_623 : i32
        %parallel_loop3A_791 = arith.index_cast %parallel_loop3A_790 : i32 to index
        %parallel_loop3A_792 = tpu.vector_load %arg5[%parallel_loop3A_791] {strides = array<i32>} : memref<16384xf32, #tpu.memory_space<vmem>>, vector<16xf32>,
        %parallel_loop3A_793 = arith.constant 15360 : i32
        %parallel_loop3A_794 = arith.addi %parallel_loop3A_793, %parallel_loop3A_623 : i32
        %parallel_loop3A_795 = arith.constant 16 : i32
        %parallel_loop3A_796 = arith.addi %parallel_loop3A_794, %parallel_loop3A_795 : i32
        %parallel_loop3A_797 = arith.index_cast %parallel_loop3A_796 : i32 to index
        %parallel_loop3A_798 = tpu.vector_load %arg5[%parallel_loop3A_797] {strides = array<i32>} : memref<16384xf32, #tpu.memory_space<vmem>>, vector<16xf32>,
        %parallel_loop3A_799 = tpu.pack_subelements %parallel_loop3A_792, %parallel_loop3A_798 {pack_format = #tpu.pack_format<interleaved>, positions = array<i32: 0, 1>} : vector<16xf32>, vector<16xf32> -> vector<32xbf16>
        %parallel_loop3A_800 = arith.mulf %pack3A_39, %parallel_loop3A_634 : vector<32xbf16>
        %parallel_loop3A_801 = arith.mulf %pack3A_40, %parallel_loop3A_645 : vector<32xbf16>
        %parallel_loop3A_802 = arith.addf %parallel_loop3A_800, %parallel_loop3A_801 : vector<32xbf16>
        %parallel_loop3A_803 = arith.mulf %pack3A_42, %parallel_loop3A_678 : vector<32xbf16>
        %parallel_loop3A_804 = arith.addf %parallel_loop3A_802, %parallel_loop3A_803 : vector<32xbf16>
        %parallel_loop3A_805 = arith.mulf %pack3A_43, %parallel_loop3A_689 : vector<32xbf16>
        %parallel_loop3A_806 = arith.addf %parallel_loop3A_804, %parallel_loop3A_805 : vector<32xbf16>
        %parallel_loop3A_807 = arith.cmpf oeq, %parallel_loop3A_634, %broadcast_in_dim3A_45 : vector<32xbf16>
        %parallel_loop3A_808 = arith.select %parallel_loop3A_807, %broadcast_in_dim3A_45, %parallel_loop3A_806 : vector<32xi1>, vector<32xbf16>
        %parallel_loop3A_809 = tpu.unpack_subelements %parallel_loop3A_808, 0 {pack_format = #tpu.pack_format<interleaved>} : vector<32xbf16> -> vector<16xf32>
        %parallel_loop3A_810 = tpu.unpack_subelements %parallel_loop3A_808, 1 {pack_format = #tpu.pack_format<interleaved>} : vector<32xbf16> -> vector<16xf32>
        %parallel_loop3A_811 = arith.constant 0 : i32
        %parallel_loop3A_812 = arith.addi %parallel_loop3A_811, %parallel_loop3A_623 : i32
        %parallel_loop3A_813 = arith.index_cast %parallel_loop3A_812 : i32 to index
        %parallel_loop3A_814 = tpu.vector_load %arg7[%parallel_loop3A_813] {strides = array<i32>} : memref<16384xf32, #tpu.memory_space<vmem>>, vector<16xf32>,
        tpu.vector_store %arg7[%parallel_loop3A_813], %parallel_loop3A_809 {strides = array<i32>} : memref<16384xf32, #tpu.memory_space<vmem>>, vector<16xf32>,
        %parallel_loop3A_815 = arith.constant 0 : i32
        %parallel_loop3A_816 = arith.addi %parallel_loop3A_815, %parallel_loop3A_623 : i32
        %parallel_loop3A_817 = arith.constant 16 : i32
        %parallel_loop3A_818 = arith.addi %parallel_loop3A_816, %parallel_loop3A_817 : i32
        %parallel_loop3A_819 = arith.index_cast %parallel_loop3A_818 : i32 to index
        %parallel_loop3A_820 = tpu.vector_load %arg7[%parallel_loop3A_819] {strides = array<i32>} : memref<16384xf32, #tpu.memory_space<vmem>>, vector<16xf32>,
        tpu.vector_store %arg7[%parallel_loop3A_819], %parallel_loop3A_810 {strides = array<i32>} : memref<16384xf32, #tpu.memory_space<vmem>>, vector<16xf32>,
        %parallel_loop3A_821 = arith.mulf %pack3A_38, %parallel_loop3A_634 : vector<32xbf16>
        %parallel_loop3A_822 = arith.mulf %pack3A_39, %parallel_loop3A_645 : vector<32xbf16>
        %parallel_loop3A_823 = arith.addf %parallel_loop3A_821, %parallel_loop3A_822 : vector<32xbf16>
        %parallel_loop3A_824 = arith.mulf %pack3A_40, %parallel_loop3A_656 : vector<32xbf16>
        %parallel_loop3A_825 = arith.addf %parallel_loop3A_823, %parallel_loop3A_824 : vector<32xbf16>
        %parallel_loop3A_826 = arith.mulf %pack3A_41, %parallel_loop3A_678 : vector<32xbf16>
        %parallel_loop3A_827 = arith.addf %parallel_loop3A_825, %parallel_loop3A_826 : vector<32xbf16>
        %parallel_loop3A_828 = arith.mulf %pack3A_42, %parallel_loop3A_689 : vector<32xbf16>
        %parallel_loop3A_829 = arith.addf %parallel_loop3A_827, %parallel_loop3A_828 : vector<32xbf16>
        %parallel_loop3A_830 = arith.mulf %pack3A_43, %parallel_loop3A_700 : vector<32xbf16>
        %parallel_loop3A_831 = arith.addf %parallel_loop3A_829, %parallel_loop3A_830 : vector<32xbf16>
        %parallel_loop3A_832 = arith.cmpf oeq, %parallel_loop3A_645, %broadcast_in_dim3A_45 : vector<32xbf16>
        %parallel_loop3A_833 = arith.select %parallel_loop3A_832, %broadcast_in_dim3A_45, %parallel_loop3A_831 : vector<32xi1>, vector<32xbf16>
        %parallel_loop3A_834 = tpu.unpack_subelements %parallel_loop3A_833, 0 {pack_format = #tpu.pack_format<interleaved>} : vector<32xbf16> -> vector<16xf32>
        %parallel_loop3A_835 = tpu.unpack_subelements %parallel_loop3A_833, 1 {pack_format = #tpu.pack_format<interleaved>} : vector<32xbf16> -> vector<16xf32>
        %parallel_loop3A_836 = arith.constant 1024 : i32
        %parallel_loop3A_837 = arith.addi %parallel_loop3A_836, %parallel_loop3A_623 : i32
        %parallel_loop3A_838 = arith.index_cast %parallel_loop3A_837 : i32 to index
        %parallel_loop3A_839 = tpu.vector_load %arg7[%parallel_loop3A_838] {strides = array<i32>} : memref<16384xf32, #tpu.memory_space<vmem>>, vector<16xf32>,
        tpu.vector_store %arg7[%parallel_loop3A_838], %parallel_loop3A_834 {strides = array<i32>} : memref<16384xf32, #tpu.memory_space<vmem>>, vector<16xf32>,
        %parallel_loop3A_840 = arith.constant 1024 : i32
        %parallel_loop3A_841 = arith.addi %parallel_loop3A_840, %parallel_loop3A_623 : i32
        %parallel_loop3A_842 = arith.constant 16 : i32
        %parallel_loop3A_843 = arith.addi %parallel_loop3A_841, %parallel_loop3A_842 : i32
        %parallel_loop3A_844 = arith.index_cast %parallel_loop3A_843 : i32 to index
        %parallel_loop3A_845 = tpu.vector_load %arg7[%parallel_loop3A_844] {strides = array<i32>} : memref<16384xf32, #tpu.memory_space<vmem>>, vector<16xf32>,
        tpu.vector_store %arg7[%parallel_loop3A_844], %parallel_loop3A_835 {strides = array<i32>} : memref<16384xf32, #tpu.memory_space<vmem>>, vector<16xf32>,
        %parallel_loop3A_846 = arith.mulf %pack3A_38, %parallel_loop3A_645 : vector<32xbf16>
        %parallel_loop3A_847 = arith.mulf %pack3A_39, %parallel_loop3A_656 : vector<32xbf16>
        %parallel_loop3A_848 = arith.addf %parallel_loop3A_846, %parallel_loop3A_847 : vector<32xbf16>
        %parallel_loop3A_849 = arith.mulf %pack3A_40, %parallel_loop3A_667 : vector<32xbf16>
        %parallel_loop3A_850 = arith.addf %parallel_loop3A_848, %parallel_loop3A_849 : vector<32xbf16>
        %parallel_loop3A_851 = arith.mulf %pack3A_41, %parallel_loop3A_689 : vector<32xbf16>
        %parallel_loop3A_852 = arith.addf %parallel_loop3A_850, %parallel_loop3A_851 : vector<32xbf16>
        %parallel_loop3A_853 = arith.mulf %pack3A_42, %parallel_loop3A_700 : vector<32xbf16>
        %parallel_loop3A_854 = arith.addf %parallel_loop3A_852, %parallel_loop3A_853 : vector<32xbf16>
        %parallel_loop3A_855 = arith.mulf %pack3A_43, %parallel_loop3A_711 : vector<32xbf16>
        %parallel_loop3A_856 = arith.addf %parallel_loop3A_854, %parallel_loop3A_855 : vector<32xbf16>
        %parallel_loop3A_857 = arith.cmpf oeq, %parallel_loop3A_656, %broadcast_in_dim3A_45 : vector<32xbf16>
        %parallel_loop3A_858 = arith.select %parallel_loop3A_857, %broadcast_in_dim3A_45, %parallel_loop3A_856 : vector<32xi1>, vector<32xbf16>
        %parallel_loop3A_859 = tpu.unpack_subelements %parallel_loop3A_858, 0 {pack_format = #tpu.pack_format<interleaved>} : vector<32xbf16> -> vector<16xf32>
        %parallel_loop3A_860 = tpu.unpack_subelements %parallel_loop3A_858, 1 {pack_format = #tpu.pack_format<interleaved>} : vector<32xbf16> -> vector<16xf32>
        %parallel_loop3A_861 = arith.constant 2048 : i32
        %parallel_loop3A_862 = arith.addi %parallel_loop3A_861, %parallel_loop3A_623 : i32
        %parallel_loop3A_863 = arith.index_cast %parallel_loop3A_862 : i32 to index
        %parallel_loop3A_864 = tpu.vector_load %arg7[%parallel_loop3A_863] {strides = array<i32>} : memref<16384xf32, #tpu.memory_space<vmem>>, vector<16xf32>,
        tpu.vector_store %arg7[%parallel_loop3A_863], %parallel_loop3A_859 {strides = array<i32>} : memref<16384xf32, #tpu.memory_space<vmem>>, vector<16xf32>,
        %parallel_loop3A_865 = arith.constant 2048 : i32
        %parallel_loop3A_866 = arith.addi %parallel_loop3A_865, %parallel_loop3A_623 : i32
        %parallel_loop3A_867 = arith.constant 16 : i32
        %parallel_loop3A_868 = arith.addi %parallel_loop3A_866, %parallel_loop3A_867 : i32
        %parallel_loop3A_869 = arith.index_cast %parallel_loop3A_868 : i32 to index
        %parallel_loop3A_870 = tpu.vector_load %arg7[%parallel_loop3A_869] {strides = array<i32>} : memref<16384xf32, #tpu.memory_space<vmem>>, vector<16xf32>,
        tpu.vector_store %arg7[%parallel_loop3A_869], %parallel_loop3A_860 {strides = array<i32>} : memref<16384xf32, #tpu.memory_space<vmem>>, vector<16xf32>,
        %parallel_loop3A_871 = arith.mulf %pack3A_38, %parallel_loop3A_656 : vector<32xbf16>
        %parallel_loop3A_872 = arith.mulf %pack3A_39, %parallel_loop3A_667 : vector<32xbf16>
        %parallel_loop3A_873 = arith.addf %parallel_loop3A_871, %parallel_loop3A_872 : vector<32xbf16>
        %parallel_loop3A_874 = arith.mulf %pack3A_41, %parallel_loop3A_700 : vector<32xbf16>
        %parallel_loop3A_875 = arith.addf %parallel_loop3A_873, %parallel_loop3A_874 : vector<32xbf16>
        %parallel_loop3A_876 = arith.mulf %pack3A_42, %parallel_loop3A_711 : vector<32xbf16>
        %parallel_loop3A_877 = arith.addf %parallel_loop3A_875, %parallel_loop3A_876 : vector<32xbf16>
        %parallel_loop3A_878 = arith.cmpf oeq, %parallel_loop3A_667, %broadcast_in_dim3A_45 : vector<32xbf16>
        %parallel_loop3A_879 = arith.select %parallel_loop3A_878, %broadcast_in_dim3A_45, %parallel_loop3A_877 : vector<32xi1>, vector<32xbf16>
        %parallel_loop3A_880 = tpu.unpack_subelements %parallel_loop3A_879, 0 {pack_format = #tpu.pack_format<interleaved>} : vector<32xbf16> -> vector<16xf32>
        %parallel_loop3A_881 = tpu.unpack_subelements %parallel_loop3A_879, 1 {pack_format = #tpu.pack_format<interleaved>} : vector<32xbf16> -> vector<16xf32>
        %parallel_loop3A_882 = arith.constant 3072 : i32
        %parallel_loop3A_883 = arith.addi %parallel_loop3A_882, %parallel_loop3A_623 : i32
        %parallel_loop3A_884 = arith.index_cast %parallel_loop3A_883 : i32 to index
        %parallel_loop3A_885 = tpu.vector_load %arg7[%parallel_loop3A_884] {strides = array<i32>} : memref<16384xf32, #tpu.memory_space<vmem>>, vector<16xf32>,
        tpu.vector_store %arg7[%parallel_loop3A_884], %parallel_loop3A_880 {strides = array<i32>} : memref<16384xf32, #tpu.memory_space<vmem>>, vector<16xf32>,
        %parallel_loop3A_886 = arith.constant 3072 : i32
        %parallel_loop3A_887 = arith.addi %parallel_loop3A_886, %parallel_loop3A_623 : i32
        %parallel_loop3A_888 = arith.constant 16 : i32
        %parallel_loop3A_889 = arith.addi %parallel_loop3A_887, %parallel_loop3A_888 : i32
        %parallel_loop3A_890 = arith.index_cast %parallel_loop3A_889 : i32 to index
        %parallel_loop3A_891 = tpu.vector_load %arg7[%parallel_loop3A_890] {strides = array<i32>} : memref<16384xf32, #tpu.memory_space<vmem>>, vector<16xf32>,
        tpu.vector_store %arg7[%parallel_loop3A_890], %parallel_loop3A_881 {strides = array<i32>} : memref<16384xf32, #tpu.memory_space<vmem>>, vector<16xf32>,
        %parallel_loop3A_892 = arith.mulf %pack3A_36, %parallel_loop3A_634 : vector<32xbf16>
        %parallel_loop3A_893 = arith.mulf %pack3A_37, %parallel_loop3A_645 : vector<32xbf16>
        %parallel_loop3A_894 = arith.addf %parallel_loop3A_892, %parallel_loop3A_893 : vector<32xbf16>
        %parallel_loop3A_895 = arith.mulf %pack3A_39, %parallel_loop3A_678 : vector<32xbf16>
        %parallel_loop3A_896 = arith.addf %parallel_loop3A_894, %parallel_loop3A_895 : vector<32xbf16>
        %parallel_loop3A_897 = arith.mulf %pack3A_40, %parallel_loop3A_689 : vector<32xbf16>
        %parallel_loop3A_898 = arith.addf %parallel_loop3A_896, %parallel_loop3A_897 : vector<32xbf16>
        %parallel_loop3A_899 = arith.mulf %pack3A_42, %parallel_loop3A_722 : vector<32xbf16>
        %parallel_loop3A_900 = arith.addf %parallel_loop3A_898, %parallel_loop3A_899 : vector<32xbf16>
        %parallel_loop3A_901 = arith.mulf %pack3A_43, %parallel_loop3A_733 : vector<32xbf16>
        %parallel_loop3A_902 = arith.addf %parallel_loop3A_900, %parallel_loop3A_901 : vector<32xbf16>
        %parallel_loop3A_903 = arith.cmpf oeq, %parallel_loop3A_678, %broadcast_in_dim3A_45 : vector<32xbf16>
        %parallel_loop3A_904 = arith.select %parallel_loop3A_903, %broadcast_in_dim3A_45, %parallel_loop3A_902 : vector<32xi1>, vector<32xbf16>
        %parallel_loop3A_905 = tpu.unpack_subelements %parallel_loop3A_904, 0 {pack_format = #tpu.pack_format<interleaved>} : vector<32xbf16> -> vector<16xf32>
        %parallel_loop3A_906 = tpu.unpack_subelements %parallel_loop3A_904, 1 {pack_format = #tpu.pack_format<interleaved>} : vector<32xbf16> -> vector<16xf32>
        %parallel_loop3A_907 = arith.constant 4096 : i32
        %parallel_loop3A_908 = arith.addi %parallel_loop3A_907, %parallel_loop3A_623 : i32
        %parallel_loop3A_909 = arith.index_cast %parallel_loop3A_908 : i32 to index
        %parallel_loop3A_910 = tpu.vector_load %arg7[%parallel_loop3A_909] {strides = array<i32>} : memref<16384xf32, #tpu.memory_space<vmem>>, vector<16xf32>,
        tpu.vector_store %arg7[%parallel_loop3A_909], %parallel_loop3A_905 {strides = array<i32>} : memref<16384xf32, #tpu.memory_space<vmem>>, vector<16xf32>,
        %parallel_loop3A_911 = arith.constant 4096 : i32
        %parallel_loop3A_912 = arith.addi %parallel_loop3A_911, %parallel_loop3A_623 : i32
        %parallel_loop3A_913 = arith.constant 16 : i32
        %parallel_loop3A_914 = arith.addi %parallel_loop3A_912, %parallel_loop3A_913 : i32
        %parallel_loop3A_915 = arith.index_cast %parallel_loop3A_914 : i32 to index
        %parallel_loop3A_916 = tpu.vector_load %arg7[%parallel_loop3A_915] {strides = array<i32>} : memref<16384xf32, #tpu.memory_space<vmem>>, vector<16xf32>,
        tpu.vector_store %arg7[%parallel_loop3A_915], %parallel_loop3A_906 {strides = array<i32>} : memref<16384xf32, #tpu.memory_space<vmem>>, vector<16xf32>,
        %parallel_loop3A_917 = arith.mulf %pack3A, %parallel_loop3A_634 : vector<32xbf16>
        %parallel_loop3A_918 = arith.mulf %pack3A_36, %parallel_loop3A_645 : vector<32xbf16>
        %parallel_loop3A_919 = arith.addf %parallel_loop3A_917, %parallel_loop3A_918 : vector<32xbf16>
        %parallel_loop3A_920 = arith.mulf %pack3A_37, %parallel_loop3A_656 : vector<32xbf16>
        %parallel_loop3A_921 = arith.addf %parallel_loop3A_919, %parallel_loop3A_920 : vector<32xbf16>
        %parallel_loop3A_922 = arith.mulf %pack3A_38, %parallel_loop3A_678 : vector<32xbf16>
        %parallel_loop3A_923 = arith.addf %parallel_loop3A_921, %parallel_loop3A_922 : vector<32xbf16>
        %parallel_loop3A_924 = arith.mulf %pack3A_39, %parallel_loop3A_689 : vector<32xbf16>
        %parallel_loop3A_925 = arith.addf %parallel_loop3A_923, %parallel_loop3A_924 : vector<32xbf16>
        %parallel_loop3A_926 = arith.mulf %pack3A_40, %parallel_loop3A_700 : vector<32xbf16>
        %parallel_loop3A_927 = arith.addf %parallel_loop3A_925, %parallel_loop3A_926 : vector<32xbf16>
        %parallel_loop3A_928 = arith.mulf %pack3A_41, %parallel_loop3A_722 : vector<32xbf16>
        %parallel_loop3A_929 = arith.addf %parallel_loop3A_927, %parallel_loop3A_928 : vector<32xbf16>
        %parallel_loop3A_930 = arith.mulf %pack3A_42, %parallel_loop3A_733 : vector<32xbf16>
        %parallel_loop3A_931 = arith.addf %parallel_loop3A_929, %parallel_loop3A_930 : vector<32xbf16>
        %parallel_loop3A_932 = arith.mulf %pack3A_43, %parallel_loop3A_744 : vector<32xbf16>
        %parallel_loop3A_933 = arith.addf %parallel_loop3A_931, %parallel_loop3A_932 : vector<32xbf16>
        %parallel_loop3A_934 = arith.cmpf oeq, %parallel_loop3A_689, %broadcast_in_dim3A_45 : vector<32xbf16>
        %parallel_loop3A_935 = arith.select %parallel_loop3A_934, %broadcast_in_dim3A_45, %parallel_loop3A_933 : vector<32xi1>, vector<32xbf16>
        %parallel_loop3A_936 = tpu.unpack_subelements %parallel_loop3A_935, 0 {pack_format = #tpu.pack_format<interleaved>} : vector<32xbf16> -> vector<16xf32>
        %parallel_loop3A_937 = tpu.unpack_subelements %parallel_loop3A_935, 1 {pack_format = #tpu.pack_format<interleaved>} : vector<32xbf16> -> vector<16xf32>
        %parallel_loop3A_938 = arith.constant 5120 : i32
        %parallel_loop3A_939 = arith.addi %parallel_loop3A_938, %parallel_loop3A_623 : i32
        %parallel_loop3A_940 = arith.index_cast %parallel_loop3A_939 : i32 to index
        %parallel_loop3A_941 = tpu.vector_load %arg7[%parallel_loop3A_940] {strides = array<i32>} : memref<16384xf32, #tpu.memory_space<vmem>>, vector<16xf32>,
        tpu.vector_store %arg7[%parallel_loop3A_940], %parallel_loop3A_936 {strides = array<i32>} : memref<16384xf32, #tpu.memory_space<vmem>>, vector<16xf32>,
        %parallel_loop3A_942 = arith.constant 5120 : i32
        %parallel_loop3A_943 = arith.addi %parallel_loop3A_942, %parallel_loop3A_623 : i32
        %parallel_loop3A_944 = arith.constant 16 : i32
        %parallel_loop3A_945 = arith.addi %parallel_loop3A_943, %parallel_loop3A_944 : i32
        %parallel_loop3A_946 = arith.index_cast %parallel_loop3A_945 : i32 to index
        %parallel_loop3A_947 = tpu.vector_load %arg7[%parallel_loop3A_946] {strides = array<i32>} : memref<16384xf32, #tpu.memory_space<vmem>>, vector<16xf32>,
        tpu.vector_store %arg7[%parallel_loop3A_946], %parallel_loop3A_937 {strides = array<i32>} : memref<16384xf32, #tpu.memory_space<vmem>>, vector<16xf32>,
        %parallel_loop3A_948 = arith.mulf %pack3A, %parallel_loop3A_645 : vector<32xbf16>
        %parallel_loop3A_949 = arith.mulf %pack3A_36, %parallel_loop3A_656 : vector<32xbf16>
        %parallel_loop3A_950 = arith.addf %parallel_loop3A_948, %parallel_loop3A_949 : vector<32xbf16>
        %parallel_loop3A_951 = arith.mulf %pack3A_37, %parallel_loop3A_667 : vector<32xbf16>
        %parallel_loop3A_952 = arith.addf %parallel_loop3A_950, %parallel_loop3A_951 : vector<32xbf16>
        %parallel_loop3A_953 = arith.mulf %pack3A_38, %parallel_loop3A_689 : vector<32xbf16>
        %parallel_loop3A_954 = arith.addf %parallel_loop3A_952, %parallel_loop3A_953 : vector<32xbf16>
        %parallel_loop3A_955 = arith.mulf %pack3A_39, %parallel_loop3A_700 : vector<32xbf16>
        %parallel_loop3A_956 = arith.addf %parallel_loop3A_954, %parallel_loop3A_955 : vector<32xbf16>
        %parallel_loop3A_957 = arith.mulf %pack3A_40, %parallel_loop3A_711 : vector<32xbf16>
        %parallel_loop3A_958 = arith.addf %parallel_loop3A_956, %parallel_loop3A_957 : vector<32xbf16>
        %parallel_loop3A_959 = arith.mulf %pack3A_41, %parallel_loop3A_733 : vector<32xbf16>
        %parallel_loop3A_960 = arith.addf %parallel_loop3A_958, %parallel_loop3A_959 : vector<32xbf16>
        %parallel_loop3A_961 = arith.mulf %pack3A_42, %parallel_loop3A_744 : vector<32xbf16>
        %parallel_loop3A_962 = arith.addf %parallel_loop3A_960, %parallel_loop3A_961 : vector<32xbf16>
        %parallel_loop3A_963 = arith.mulf %pack3A_43, %parallel_loop3A_755 : vector<32xbf16>
        %parallel_loop3A_964 = arith.addf %parallel_loop3A_962, %parallel_loop3A_963 : vector<32xbf16>
        %parallel_loop3A_965 = arith.cmpf oeq, %parallel_loop3A_700, %broadcast_in_dim3A_45 : vector<32xbf16>
        %parallel_loop3A_966 = arith.select %parallel_loop3A_965, %broadcast_in_dim3A_45, %parallel_loop3A_964 : vector<32xi1>, vector<32xbf16>
        %parallel_loop3A_967 = tpu.unpack_subelements %parallel_loop3A_966, 0 {pack_format = #tpu.pack_format<interleaved>} : vector<32xbf16> -> vector<16xf32>
        %parallel_loop3A_968 = tpu.unpack_subelements %parallel_loop3A_966, 1 {pack_format = #tpu.pack_format<interleaved>} : vector<32xbf16> -> vector<16xf32>
        %parallel_loop3A_969 = arith.constant 6144 : i32
        %parallel_loop3A_970 = arith.addi %parallel_loop3A_969, %parallel_loop3A_623 : i32
        %parallel_loop3A_971 = arith.index_cast %parallel_loop3A_970 : i32 to index
        %parallel_loop3A_972 = tpu.vector_load %arg7[%parallel_loop3A_971] {strides = array<i32>} : memref<16384xf32, #tpu.memory_space<vmem>>, vector<16xf32>,
        tpu.vector_store %arg7[%parallel_loop3A_971], %parallel_loop3A_967 {strides = array<i32>} : memref<16384xf32, #tpu.memory_space<vmem>>, vector<16xf32>,
        %parallel_loop3A_973 = arith.constant 6144 : i32
        %parallel_loop3A_974 = arith.addi %parallel_loop3A_973, %parallel_loop3A_623 : i32
        %parallel_loop3A_975 = arith.constant 16 : i32
        %parallel_loop3A_976 = arith.addi %parallel_loop3A_974, %parallel_loop3A_975 : i32
        %parallel_loop3A_977 = arith.index_cast %parallel_loop3A_976 : i32 to index
        %parallel_loop3A_978 = tpu.vector_load %arg7[%parallel_loop3A_977] {strides = array<i32>} : memref<16384xf32, #tpu.memory_space<vmem>>, vector<16xf32>,
        tpu.vector_store %arg7[%parallel_loop3A_977], %parallel_loop3A_968 {strides = array<i32>} : memref<16384xf32, #tpu.memory_space<vmem>>, vector<16xf32>,
        %parallel_loop3A_979 = arith.mulf %pack3A, %parallel_loop3A_656 : vector<32xbf16>
        %parallel_loop3A_980 = arith.mulf %pack3A_36, %parallel_loop3A_667 : vector<32xbf16>
        %parallel_loop3A_981 = arith.addf %parallel_loop3A_979, %parallel_loop3A_980 : vector<32xbf16>
        %parallel_loop3A_982 = arith.mulf %pack3A_38, %parallel_loop3A_700 : vector<32xbf16>
        %parallel_loop3A_983 = arith.addf %parallel_loop3A_981, %parallel_loop3A_982 : vector<32xbf16>
        %parallel_loop3A_984 = arith.mulf %pack3A_39, %parallel_loop3A_711 : vector<32xbf16>
        %parallel_loop3A_985 = arith.addf %parallel_loop3A_983, %parallel_loop3A_984 : vector<32xbf16>
        %parallel_loop3A_986 = arith.mulf %pack3A_41, %parallel_loop3A_744 : vector<32xbf16>
        %parallel_loop3A_987 = arith.addf %parallel_loop3A_985, %parallel_loop3A_986 : vector<32xbf16>
        %parallel_loop3A_988 = arith.mulf %pack3A_42, %parallel_loop3A_755 : vector<32xbf16>
        %parallel_loop3A_989 = arith.addf %parallel_loop3A_987, %parallel_loop3A_988 : vector<32xbf16>
        %parallel_loop3A_990 = arith.cmpf oeq, %parallel_loop3A_711, %broadcast_in_dim3A_45 : vector<32xbf16>
        %parallel_loop3A_991 = arith.select %parallel_loop3A_990, %broadcast_in_dim3A_45, %parallel_loop3A_989 : vector<32xi1>, vector<32xbf16>
        %parallel_loop3A_992 = tpu.unpack_subelements %parallel_loop3A_991, 0 {pack_format = #tpu.pack_format<interleaved>} : vector<32xbf16> -> vector<16xf32>
        %parallel_loop3A_993 = tpu.unpack_subelements %parallel_loop3A_991, 1 {pack_format = #tpu.pack_format<interleaved>} : vector<32xbf16> -> vector<16xf32>
        %parallel_loop3A_994 = arith.constant 7168 : i32
        %parallel_loop3A_995 = arith.addi %parallel_loop3A_994, %parallel_loop3A_623 : i32
        %parallel_loop3A_996 = arith.index_cast %parallel_loop3A_995 : i32 to index
        %parallel_loop3A_997 = tpu.vector_load %arg7[%parallel_loop3A_996] {strides = array<i32>} : memref<16384xf32, #tpu.memory_space<vmem>>, vector<16xf32>,
        tpu.vector_store %arg7[%parallel_loop3A_996], %parallel_loop3A_992 {strides = array<i32>} : memref<16384xf32, #tpu.memory_space<vmem>>, vector<16xf32>,
        %parallel_loop3A_998 = arith.constant 7168 : i32
        %parallel_loop3A_999 = arith.addi %parallel_loop3A_998, %parallel_loop3A_623 : i32
        %parallel_loop3A_1000 = arith.constant 16 : i32
        %parallel_loop3A_1001 = arith.addi %parallel_loop3A_999, %parallel_loop3A_1000 : i32
        %parallel_loop3A_1002 = arith.index_cast %parallel_loop3A_1001 : i32 to index
        %parallel_loop3A_1003 = tpu.vector_load %arg7[%parallel_loop3A_1002] {strides = array<i32>} : memref<16384xf32, #tpu.memory_space<vmem>>, vector<16xf32>,
        tpu.vector_store %arg7[%parallel_loop3A_1002], %parallel_loop3A_993 {strides = array<i32>} : memref<16384xf32, #tpu.memory_space<vmem>>, vector<16xf32>,
        %parallel_loop3A_1004 = arith.mulf %pack3A_36, %parallel_loop3A_678 : vector<32xbf16>
        %parallel_loop3A_1005 = arith.mulf %pack3A_37, %parallel_loop3A_689 : vector<32xbf16>
        %parallel_loop3A_1006 = arith.addf %parallel_loop3A_1004, %parallel_loop3A_1005 : vector<32xbf16>
        %parallel_loop3A_1007 = arith.mulf %pack3A_39, %parallel_loop3A_722 : vector<32xbf16>
        %parallel_loop3A_1008 = arith.addf %parallel_loop3A_1006, %parallel_loop3A_1007 : vector<32xbf16>
        %parallel_loop3A_1009 = arith.mulf %pack3A_40, %parallel_loop3A_733 : vector<32xbf16>
        %parallel_loop3A_1010 = arith.addf %parallel_loop3A_1008, %parallel_loop3A_1009 : vector<32xbf16>
        %parallel_loop3A_1011 = arith.mulf %pack3A_42, %parallel_loop3A_766 : vector<32xbf16>
        %parallel_loop3A_1012 = arith.addf %parallel_loop3A_1010, %parallel_loop3A_1011 : vector<32xbf16>
        %parallel_loop3A_1013 = arith.mulf %pack3A_43, %parallel_loop3A_777 : vector<32xbf16>
        %parallel_loop3A_1014 = arith.addf %parallel_loop3A_1012, %parallel_loop3A_1013 : vector<32xbf16>
        %parallel_loop3A_1015 = arith.cmpf oeq, %parallel_loop3A_722, %broadcast_in_dim3A_45 : vector<32xbf16>
        %parallel_loop3A_1016 = arith.select %parallel_loop3A_1015, %broadcast_in_dim3A_45, %parallel_loop3A_1014 : vector<32xi1>, vector<32xbf16>
        %parallel_loop3A_1017 = tpu.unpack_subelements %parallel_loop3A_1016, 0 {pack_format = #tpu.pack_format<interleaved>} : vector<32xbf16> -> vector<16xf32>
        %parallel_loop3A_1018 = tpu.unpack_subelements %parallel_loop3A_1016, 1 {pack_format = #tpu.pack_format<interleaved>} : vector<32xbf16> -> vector<16xf32>
        %parallel_loop3A_1019 = arith.constant 8192 : i32
        %parallel_loop3A_1020 = arith.addi %parallel_loop3A_1019, %parallel_loop3A_623 : i32
        %parallel_loop3A_1021 = arith.index_cast %parallel_loop3A_1020 : i32 to index
        %parallel_loop3A_1022 = tpu.vector_load %arg7[%parallel_loop3A_1021] {strides = array<i32>} : memref<16384xf32, #tpu.memory_space<vmem>>, vector<16xf32>,
        tpu.vector_store %arg7[%parallel_loop3A_1021], %parallel_loop3A_1017 {strides = array<i32>} : memref<16384xf32, #tpu.memory_space<vmem>>, vector<16xf32>,
        %parallel_loop3A_1023 = arith.constant 8192 : i32
        %parallel_loop3A_1024 = arith.addi %parallel_loop3A_1023, %parallel_loop3A_623 : i32
        %parallel_loop3A_1025 = arith.constant 16 : i32
        %parallel_loop3A_1026 = arith.addi %parallel_loop3A_1024, %parallel_loop3A_1025 : i32
        %parallel_loop3A_1027 = arith.index_cast %parallel_loop3A_1026 : i32 to index
        %parallel_loop3A_1028 = tpu.vector_load %arg7[%parallel_loop3A_1027] {strides = array<i32>} : memref<16384xf32, #tpu.memory_space<vmem>>, vector<16xf32>,
        tpu.vector_store %arg7[%parallel_loop3A_1027], %parallel_loop3A_1018 {strides = array<i32>} : memref<16384xf32, #tpu.memory_space<vmem>>, vector<16xf32>,
        %parallel_loop3A_1029 = arith.mulf %pack3A, %parallel_loop3A_678 : vector<32xbf16>
        %parallel_loop3A_1030 = arith.mulf %pack3A_36, %parallel_loop3A_689 : vector<32xbf16>
        %parallel_loop3A_1031 = arith.addf %parallel_loop3A_1029, %parallel_loop3A_1030 : vector<32xbf16>
        %parallel_loop3A_1032 = arith.mulf %pack3A_37, %parallel_loop3A_700 : vector<32xbf16>
        %parallel_loop3A_1033 = arith.addf %parallel_loop3A_1031, %parallel_loop3A_1032 : vector<32xbf16>
        %parallel_loop3A_1034 = arith.mulf %pack3A_38, %parallel_loop3A_722 : vector<32xbf16>
        %parallel_loop3A_1035 = arith.addf %parallel_loop3A_1033, %parallel_loop3A_1034 : vector<32xbf16>
        %parallel_loop3A_1036 = arith.mulf %pack3A_39, %parallel_loop3A_733 : vector<32xbf16>
        %parallel_loop3A_1037 = arith.addf %parallel_loop3A_1035, %parallel_loop3A_1036 : vector<32xbf16>
        %parallel_loop3A_1038 = arith.mulf %pack3A_40, %parallel_loop3A_744 : vector<32xbf16>
        %parallel_loop3A_1039 = arith.addf %parallel_loop3A_1037, %parallel_loop3A_1038 : vector<32xbf16>
        %parallel_loop3A_1040 = arith.mulf %pack3A_41, %parallel_loop3A_766 : vector<32xbf16>
        %parallel_loop3A_1041 = arith.addf %parallel_loop3A_1039, %parallel_loop3A_1040 : vector<32xbf16>
        %parallel_loop3A_1042 = arith.mulf %pack3A_42, %parallel_loop3A_777 : vector<32xbf16>
        %parallel_loop3A_1043 = arith.addf %parallel_loop3A_1041, %parallel_loop3A_1042 : vector<32xbf16>
        %parallel_loop3A_1044 = arith.mulf %pack3A_43, %parallel_loop3A_788 : vector<32xbf16>
        %parallel_loop3A_1045 = arith.addf %parallel_loop3A_1043, %parallel_loop3A_1044 : vector<32xbf16>
        %parallel_loop3A_1046 = arith.cmpf oeq, %parallel_loop3A_733, %broadcast_in_dim3A_45 : vector<32xbf16>
        %parallel_loop3A_1047 = arith.select %parallel_loop3A_1046, %broadcast_in_dim3A_45, %parallel_loop3A_1045 : vector<32xi1>, vector<32xbf16>
        %parallel_loop3A_1048 = tpu.unpack_subelements %parallel_loop3A_1047, 0 {pack_format = #tpu.pack_format<interleaved>} : vector<32xbf16> -> vector<16xf32>
        %parallel_loop3A_1049 = tpu.unpack_subelements %parallel_loop3A_1047, 1 {pack_format = #tpu.pack_format<interleaved>} : vector<32xbf16> -> vector<16xf32>
        %parallel_loop3A_1050 = arith.constant 9216 : i32
        %parallel_loop3A_1051 = arith.addi %parallel_loop3A_1050, %parallel_loop3A_623 : i32
        %parallel_loop3A_1052 = arith.index_cast %parallel_loop3A_1051 : i32 to index
        %parallel_loop3A_1053 = tpu.vector_load %arg7[%parallel_loop3A_1052] {strides = array<i32>} : memref<16384xf32, #tpu.memory_space<vmem>>, vector<16xf32>,
        tpu.vector_store %arg7[%parallel_loop3A_1052], %parallel_loop3A_1048 {strides = array<i32>} : memref<16384xf32, #tpu.memory_space<vmem>>, vector<16xf32>,
        %parallel_loop3A_1054 = arith.constant 9216 : i32
        %parallel_loop3A_1055 = arith.addi %parallel_loop3A_1054, %parallel_loop3A_623 : i32
        %parallel_loop3A_1056 = arith.constant 16 : i32
        %parallel_loop3A_1057 = arith.addi %parallel_loop3A_1055, %parallel_loop3A_1056 : i32
        %parallel_loop3A_1058 = arith.index_cast %parallel_loop3A_1057 : i32 to index
        %parallel_loop3A_1059 = tpu.vector_load %arg7[%parallel_loop3A_1058] {strides = array<i32>} : memref<16384xf32, #tpu.memory_space<vmem>>, vector<16xf32>,
        tpu.vector_store %arg7[%parallel_loop3A_1058], %parallel_loop3A_1049 {strides = array<i32>} : memref<16384xf32, #tpu.memory_space<vmem>>, vector<16xf32>,
        %parallel_loop3A_1060 = arith.mulf %pack3A, %parallel_loop3A_689 : vector<32xbf16>
        %parallel_loop3A_1061 = arith.mulf %pack3A_36, %parallel_loop3A_700 : vector<32xbf16>
        %parallel_loop3A_1062 = arith.addf %parallel_loop3A_1060, %parallel_loop3A_1061 : vector<32xbf16>
        %parallel_loop3A_1063 = arith.mulf %pack3A_37, %parallel_loop3A_711 : vector<32xbf16>
        %parallel_loop3A_1064 = arith.addf %parallel_loop3A_1062, %parallel_loop3A_1063 : vector<32xbf16>
        %parallel_loop3A_1065 = arith.mulf %pack3A_38, %parallel_loop3A_733 : vector<32xbf16>
        %parallel_loop3A_1066 = arith.addf %parallel_loop3A_1064, %parallel_loop3A_1065 : vector<32xbf16>
        %parallel_loop3A_1067 = arith.mulf %pack3A_39, %parallel_loop3A_744 : vector<32xbf16>
        %parallel_loop3A_1068 = arith.addf %parallel_loop3A_1066, %parallel_loop3A_1067 : vector<32xbf16>
        %parallel_loop3A_1069 = arith.mulf %pack3A_40, %parallel_loop3A_755 : vector<32xbf16>
        %parallel_loop3A_1070 = arith.addf %parallel_loop3A_1068, %parallel_loop3A_1069 : vector<32xbf16>
        %parallel_loop3A_1071 = arith.mulf %pack3A_41, %parallel_loop3A_777 : vector<32xbf16>
        %parallel_loop3A_1072 = arith.addf %parallel_loop3A_1070, %parallel_loop3A_1071 : vector<32xbf16>
        %parallel_loop3A_1073 = arith.mulf %pack3A_42, %parallel_loop3A_788 : vector<32xbf16>
        %parallel_loop3A_1074 = arith.addf %parallel_loop3A_1072, %parallel_loop3A_1073 : vector<32xbf16>
        %parallel_loop3A_1075 = arith.mulf %pack3A_43, %parallel_loop3A_799 : vector<32xbf16>
        %parallel_loop3A_1076 = arith.addf %parallel_loop3A_1074, %parallel_loop3A_1075 : vector<32xbf16>
        %parallel_loop3A_1077 = arith.cmpf oeq, %parallel_loop3A_744, %broadcast_in_dim3A_45 : vector<32xbf16>
        %parallel_loop3A_1078 = arith.select %parallel_loop3A_1077, %broadcast_in_dim3A_45, %parallel_loop3A_1076 : vector<32xi1>, vector<32xbf16>
        %parallel_loop3A_1079 = tpu.unpack_subelements %parallel_loop3A_1078, 0 {pack_format = #tpu.pack_format<interleaved>} : vector<32xbf16> -> vector<16xf32>
        %parallel_loop3A_1080 = tpu.unpack_subelements %parallel_loop3A_1078, 1 {pack_format = #tpu.pack_format<interleaved>} : vector<32xbf16> -> vector<16xf32>
        %parallel_loop3A_1081 = arith.constant 10240 : i32
        %parallel_loop3A_1082 = arith.addi %parallel_loop3A_1081, %parallel_loop3A_623 : i32
        %parallel_loop3A_1083 = arith.index_cast %parallel_loop3A_1082 : i32 to index
        %parallel_loop3A_1084 = tpu.vector_load %arg7[%parallel_loop3A_1083] {strides = array<i32>} : memref<16384xf32, #tpu.memory_space<vmem>>, vector<16xf32>,
        tpu.vector_store %arg7[%parallel_loop3A_1083], %parallel_loop3A_1079 {strides = array<i32>} : memref<16384xf32, #tpu.memory_space<vmem>>, vector<16xf32>,
        %parallel_loop3A_1085 = arith.constant 10240 : i32
        %parallel_loop3A_1086 = arith.addi %parallel_loop3A_1085, %parallel_loop3A_623 : i32
        %parallel_loop3A_1087 = arith.constant 16 : i32
        %parallel_loop3A_1088 = arith.addi %parallel_loop3A_1086, %parallel_loop3A_1087 : i32
        %parallel_loop3A_1089 = arith.index_cast %parallel_loop3A_1088 : i32 to index
        %parallel_loop3A_1090 = tpu.vector_load %arg7[%parallel_loop3A_1089] {strides = array<i32>} : memref<16384xf32, #tpu.memory_space<vmem>>, vector<16xf32>,
        tpu.vector_store %arg7[%parallel_loop3A_1089], %parallel_loop3A_1080 {strides = array<i32>} : memref<16384xf32, #tpu.memory_space<vmem>>, vector<16xf32>,
        %parallel_loop3A_1091 = arith.mulf %pack3A, %parallel_loop3A_700 : vector<32xbf16>
        %parallel_loop3A_1092 = arith.mulf %pack3A_36, %parallel_loop3A_711 : vector<32xbf16>
        %parallel_loop3A_1093 = arith.addf %parallel_loop3A_1091, %parallel_loop3A_1092 : vector<32xbf16>
        %parallel_loop3A_1094 = arith.mulf %pack3A_38, %parallel_loop3A_744 : vector<32xbf16>
        %parallel_loop3A_1095 = arith.addf %parallel_loop3A_1093, %parallel_loop3A_1094 : vector<32xbf16>
        %parallel_loop3A_1096 = arith.mulf %pack3A_39, %parallel_loop3A_755 : vector<32xbf16>
        %parallel_loop3A_1097 = arith.addf %parallel_loop3A_1095, %parallel_loop3A_1096 : vector<32xbf16>
        %parallel_loop3A_1098 = arith.mulf %pack3A_41, %parallel_loop3A_788 : vector<32xbf16>
        %parallel_loop3A_1099 = arith.addf %parallel_loop3A_1097, %parallel_loop3A_1098 : vector<32xbf16>
        %parallel_loop3A_1100 = arith.mulf %pack3A_42, %parallel_loop3A_799 : vector<32xbf16>
        %parallel_loop3A_1101 = arith.addf %parallel_loop3A_1099, %parallel_loop3A_1100 : vector<32xbf16>
        %parallel_loop3A_1102 = arith.cmpf oeq, %parallel_loop3A_755, %broadcast_in_dim3A_45 : vector<32xbf16>
        %parallel_loop3A_1103 = arith.select %parallel_loop3A_1102, %broadcast_in_dim3A_45, %parallel_loop3A_1101 : vector<32xi1>, vector<32xbf16>
        %parallel_loop3A_1104 = tpu.unpack_subelements %parallel_loop3A_1103, 0 {pack_format = #tpu.pack_format<interleaved>} : vector<32xbf16> -> vector<16xf32>
        %parallel_loop3A_1105 = tpu.unpack_subelements %parallel_loop3A_1103, 1 {pack_format = #tpu.pack_format<interleaved>} : vector<32xbf16> -> vector<16xf32>
        %parallel_loop3A_1106 = arith.constant 11264 : i32
        %parallel_loop3A_1107 = arith.addi %parallel_loop3A_1106, %parallel_loop3A_623 : i32
        %parallel_loop3A_1108 = arith.index_cast %parallel_loop3A_1107 : i32 to index
        %parallel_loop3A_1109 = tpu.vector_load %arg7[%parallel_loop3A_1108] {strides = array<i32>} : memref<16384xf32, #tpu.memory_space<vmem>>, vector<16xf32>,
        tpu.vector_store %arg7[%parallel_loop3A_1108], %parallel_loop3A_1104 {strides = array<i32>} : memref<16384xf32, #tpu.memory_space<vmem>>, vector<16xf32>,
        %parallel_loop3A_1110 = arith.constant 11264 : i32
        %parallel_loop3A_1111 = arith.addi %parallel_loop3A_1110, %parallel_loop3A_623 : i32
        %parallel_loop3A_1112 = arith.constant 16 : i32
        %parallel_loop3A_1113 = arith.addi %parallel_loop3A_1111, %parallel_loop3A_1112 : i32
        %parallel_loop3A_1114 = arith.index_cast %parallel_loop3A_1113 : i32 to index
        %parallel_loop3A_1115 = tpu.vector_load %arg7[%parallel_loop3A_1114] {strides = array<i32>} : memref<16384xf32, #tpu.memory_space<vmem>>, vector<16xf32>,
        tpu.vector_store %arg7[%parallel_loop3A_1114], %parallel_loop3A_1105 {strides = array<i32>} : memref<16384xf32, #tpu.memory_space<vmem>>, vector<16xf32>,
        %parallel_loop3A_1116 = arith.mulf %pack3A_36, %parallel_loop3A_722 : vector<32xbf16>
        %parallel_loop3A_1117 = arith.mulf %pack3A_37, %parallel_loop3A_733 : vector<32xbf16>
        %parallel_loop3A_1118 = arith.addf %parallel_loop3A_1116, %parallel_loop3A_1117 : vector<32xbf16>
        %parallel_loop3A_1119 = arith.mulf %pack3A_39, %parallel_loop3A_766 : vector<32xbf16>
        %parallel_loop3A_1120 = arith.addf %parallel_loop3A_1118, %parallel_loop3A_1119 : vector<32xbf16>
        %parallel_loop3A_1121 = arith.mulf %pack3A_40, %parallel_loop3A_777 : vector<32xbf16>
        %parallel_loop3A_1122 = arith.addf %parallel_loop3A_1120, %parallel_loop3A_1121 : vector<32xbf16>
        %parallel_loop3A_1123 = arith.cmpf oeq, %parallel_loop3A_766, %broadcast_in_dim3A_45 : vector<32xbf16>
        %parallel_loop3A_1124 = arith.select %parallel_loop3A_1123, %broadcast_in_dim3A_45, %parallel_loop3A_1122 : vector<32xi1>, vector<32xbf16>
        %parallel_loop3A_1125 = tpu.unpack_subelements %parallel_loop3A_1124, 0 {pack_format = #tpu.pack_format<interleaved>} : vector<32xbf16> -> vector<16xf32>
        %parallel_loop3A_1126 = tpu.unpack_subelements %parallel_loop3A_1124, 1 {pack_format = #tpu.pack_format<interleaved>} : vector<32xbf16> -> vector<16xf32>
        %parallel_loop3A_1127 = arith.constant 12288 : i32
        %parallel_loop3A_1128 = arith.addi %parallel_loop3A_1127, %parallel_loop3A_623 : i32
        %parallel_loop3A_1129 = arith.index_cast %parallel_loop3A_1128 : i32 to index
        %parallel_loop3A_1130 = tpu.vector_load %arg7[%parallel_loop3A_1129] {strides = array<i32>} : memref<16384xf32, #tpu.memory_space<vmem>>, vector<16xf32>,
        tpu.vector_store %arg7[%parallel_loop3A_1129], %parallel_loop3A_1125 {strides = array<i32>} : memref<16384xf32, #tpu.memory_space<vmem>>, vector<16xf32>,
        %parallel_loop3A_1131 = arith.constant 12288 : i32
        %parallel_loop3A_1132 = arith.addi %parallel_loop3A_1131, %parallel_loop3A_623 : i32
        %parallel_loop3A_1133 = arith.constant 16 : i32
        %parallel_loop3A_1134 = arith.addi %parallel_loop3A_1132, %parallel_loop3A_1133 : i32
        %parallel_loop3A_1135 = arith.index_cast %parallel_loop3A_1134 : i32 to index
        %parallel_loop3A_1136 = tpu.vector_load %arg7[%parallel_loop3A_1135] {strides = array<i32>} : memref<16384xf32, #tpu.memory_space<vmem>>, vector<16xf32>,
        tpu.vector_store %arg7[%parallel_loop3A_1135], %parallel_loop3A_1126 {strides = array<i32>} : memref<16384xf32, #tpu.memory_space<vmem>>, vector<16xf32>,
        %parallel_loop3A_1137 = arith.mulf %pack3A, %parallel_loop3A_722 : vector<32xbf16>
        %parallel_loop3A_1138 = arith.mulf %pack3A_36, %parallel_loop3A_733 : vector<32xbf16>
        %parallel_loop3A_1139 = arith.addf %parallel_loop3A_1137, %parallel_loop3A_1138 : vector<32xbf16>
        %parallel_loop3A_1140 = arith.mulf %pack3A_37, %parallel_loop3A_744 : vector<32xbf16>
        %parallel_loop3A_1141 = arith.addf %parallel_loop3A_1139, %parallel_loop3A_1140 : vector<32xbf16>
        %parallel_loop3A_1142 = arith.mulf %pack3A_38, %parallel_loop3A_766 : vector<32xbf16>
        %parallel_loop3A_1143 = arith.addf %parallel_loop3A_1141, %parallel_loop3A_1142 : vector<32xbf16>
        %parallel_loop3A_1144 = arith.mulf %pack3A_39, %parallel_loop3A_777 : vector<32xbf16>
        %parallel_loop3A_1145 = arith.addf %parallel_loop3A_1143, %parallel_loop3A_1144 : vector<32xbf16>
        %parallel_loop3A_1146 = arith.mulf %pack3A_40, %parallel_loop3A_788 : vector<32xbf16>
        %parallel_loop3A_1147 = arith.addf %parallel_loop3A_1145, %parallel_loop3A_1146 : vector<32xbf16>
        %parallel_loop3A_1148 = arith.cmpf oeq, %parallel_loop3A_777, %broadcast_in_dim3A_45 : vector<32xbf16>
        %parallel_loop3A_1149 = arith.select %parallel_loop3A_1148, %broadcast_in_dim3A_45, %parallel_loop3A_1147 : vector<32xi1>, vector<32xbf16>
        %parallel_loop3A_1150 = tpu.unpack_subelements %parallel_loop3A_1149, 0 {pack_format = #tpu.pack_format<interleaved>} : vector<32xbf16> -> vector<16xf32>
        %parallel_loop3A_1151 = tpu.unpack_subelements %parallel_loop3A_1149, 1 {pack_format = #tpu.pack_format<interleaved>} : vector<32xbf16> -> vector<16xf32>
        %parallel_loop3A_1152 = arith.constant 13312 : i32
        %parallel_loop3A_1153 = arith.addi %parallel_loop3A_1152, %parallel_loop3A_623 : i32
        %parallel_loop3A_1154 = arith.index_cast %parallel_loop3A_1153 : i32 to index
        %parallel_loop3A_1155 = tpu.vector_load %arg7[%parallel_loop3A_1154] {strides = array<i32>} : memref<16384xf32, #tpu.memory_space<vmem>>, vector<16xf32>,
        tpu.vector_store %arg7[%parallel_loop3A_1154], %parallel_loop3A_1150 {strides = array<i32>} : memref<16384xf32, #tpu.memory_space<vmem>>, vector<16xf32>,
        %parallel_loop3A_1156 = arith.constant 13312 : i32
        %parallel_loop3A_1157 = arith.addi %parallel_loop3A_1156, %parallel_loop3A_623 : i32
        %parallel_loop3A_1158 = arith.constant 16 : i32
        %parallel_loop3A_1159 = arith.addi %parallel_loop3A_1157, %parallel_loop3A_1158 : i32
        %parallel_loop3A_1160 = arith.index_cast %parallel_loop3A_1159 : i32 to index
        %parallel_loop3A_1161 = tpu.vector_load %arg7[%parallel_loop3A_1160] {strides = array<i32>} : memref<16384xf32, #tpu.memory_space<vmem>>, vector<16xf32>,
        tpu.vector_store %arg7[%parallel_loop3A_1160], %parallel_loop3A_1151 {strides = array<i32>} : memref<16384xf32, #tpu.memory_space<vmem>>, vector<16xf32>,
        %parallel_loop3A_1162 = arith.mulf %pack3A, %parallel_loop3A_733 : vector<32xbf16>
        %parallel_loop3A_1163 = arith.mulf %pack3A_36, %parallel_loop3A_744 : vector<32xbf16>
        %parallel_loop3A_1164 = arith.addf %parallel_loop3A_1162, %parallel_loop3A_1163 : vector<32xbf16>
        %parallel_loop3A_1165 = arith.mulf %pack3A_37, %parallel_loop3A_755 : vector<32xbf16>
        %parallel_loop3A_1166 = arith.addf %parallel_loop3A_1164, %parallel_loop3A_1165 : vector<32xbf16>
        %parallel_loop3A_1167 = arith.mulf %pack3A_38, %parallel_loop3A_777 : vector<32xbf16>
        %parallel_loop3A_1168 = arith.addf %parallel_loop3A_1166, %parallel_loop3A_1167 : vector<32xbf16>
        %parallel_loop3A_1169 = arith.mulf %pack3A_39, %parallel_loop3A_788 : vector<32xbf16>
        %parallel_loop3A_1170 = arith.addf %parallel_loop3A_1168, %parallel_loop3A_1169 : vector<32xbf16>
        %parallel_loop3A_1171 = arith.mulf %pack3A_40, %parallel_loop3A_799 : vector<32xbf16>
        %parallel_loop3A_1172 = arith.addf %parallel_loop3A_1170, %parallel_loop3A_1171 : vector<32xbf16>
        %parallel_loop3A_1173 = arith.cmpf oeq, %parallel_loop3A_788, %broadcast_in_dim3A_45 : vector<32xbf16>
        %parallel_loop3A_1174 = arith.select %parallel_loop3A_1173, %broadcast_in_dim3A_45, %parallel_loop3A_1172 : vector<32xi1>, vector<32xbf16>
        %parallel_loop3A_1175 = tpu.unpack_subelements %parallel_loop3A_1174, 0 {pack_format = #tpu.pack_format<interleaved>} : vector<32xbf16> -> vector<16xf32>
        %parallel_loop3A_1176 = tpu.unpack_subelements %parallel_loop3A_1174, 1 {pack_format = #tpu.pack_format<interleaved>} : vector<32xbf16> -> vector<16xf32>
        %parallel_loop3A_1177 = arith.constant 14336 : i32
        %parallel_loop3A_1178 = arith.addi %parallel_loop3A_1177, %parallel_loop3A_623 : i32
        %parallel_loop3A_1179 = arith.index_cast %parallel_loop3A_1178 : i32 to index
        %parallel_loop3A_1180 = tpu.vector_load %arg7[%parallel_loop3A_1179] {strides = array<i32>} : memref<16384xf32, #tpu.memory_space<vmem>>, vector<16xf32>,
        tpu.vector_store %arg7[%parallel_loop3A_1179], %parallel_loop3A_1175 {strides = array<i32>} : memref<16384xf32, #tpu.memory_space<vmem>>, vector<16xf32>,
        %parallel_loop3A_1181 = arith.constant 14336 : i32
        %parallel_loop3A_1182 = arith.addi %parallel_loop3A_1181, %parallel_loop3A_623 : i32
        %parallel_loop3A_1183 = arith.constant 16 : i32
        %parallel_loop3A_1184 = arith.addi %parallel_loop3A_1182, %parallel_loop3A_1183 : i32
        %parallel_loop3A_1185 = arith.index_cast %parallel_loop3A_1184 : i32 to index
        %parallel_loop3A_1186 = tpu.vector_load %arg7[%parallel_loop3A_1185] {strides = array<i32>} : memref<16384xf32, #tpu.memory_space<vmem>>, vector<16xf32>,
        tpu.vector_store %arg7[%parallel_loop3A_1185], %parallel_loop3A_1176 {strides = array<i32>} : memref<16384xf32, #tpu.memory_space<vmem>>, vector<16xf32>,
        %parallel_loop3A_1187 = arith.mulf %pack3A, %parallel_loop3A_744 : vector<32xbf16>
        %parallel_loop3A_1188 = arith.mulf %pack3A_36, %parallel_loop3A_755 : vector<32xbf16>
        %parallel_loop3A_1189 = arith.addf %parallel_loop3A_1187, %parallel_loop3A_1188 : vector<32xbf16>
        %parallel_loop3A_1190 = arith.mulf %pack3A_38, %parallel_loop3A_788 : vector<32xbf16>
        %parallel_loop3A_1191 = arith.addf %parallel_loop3A_1189, %parallel_loop3A_1190 : vector<32xbf16>
        %parallel_loop3A_1192 = arith.mulf %pack3A_39, %parallel_loop3A_799 : vector<32xbf16>
        %parallel_loop3A_1193 = arith.addf %parallel_loop3A_1191, %parallel_loop3A_1192 : vector<32xbf16>
        %parallel_loop3A_1194 = arith.cmpf oeq, %parallel_loop3A_799, %broadcast_in_dim3A_45 : vector<32xbf16>
        %parallel_loop3A_1195 = arith.select %parallel_loop3A_1194, %broadcast_in_dim3A_45, %parallel_loop3A_1193 : vector<32xi1>, vector<32xbf16>
        %parallel_loop3A_1196 = tpu.unpack_subelements %parallel_loop3A_1195, 0 {pack_format = #tpu.pack_format<interleaved>} : vector<32xbf16> -> vector<16xf32>
        %parallel_loop3A_1197 = tpu.unpack_subelements %parallel_loop3A_1195, 1 {pack_format = #tpu.pack_format<interleaved>} : vector<32xbf16> -> vector<16xf32>
        %parallel_loop3A_1198 = arith.constant 15360 : i32
        %parallel_loop3A_1199 = arith.addi %parallel_loop3A_1198, %parallel_loop3A_623 : i32
        %parallel_loop3A_1200 = arith.index_cast %parallel_loop3A_1199 : i32 to index
        %parallel_loop3A_1201 = tpu.vector_load %arg7[%parallel_loop3A_1200] {strides = array<i32>} : memref<16384xf32, #tpu.memory_space<vmem>>, vector<16xf32>,
        tpu.vector_store %arg7[%parallel_loop3A_1200], %parallel_loop3A_1196 {strides = array<i32>} : memref<16384xf32, #tpu.memory_space<vmem>>, vector<16xf32>,
        %parallel_loop3A_1202 = arith.constant 15360 : i32
        %parallel_loop3A_1203 = arith.addi %parallel_loop3A_1202, %parallel_loop3A_623 : i32
        %parallel_loop3A_1204 = arith.constant 16 : i32
        %parallel_loop3A_1205 = arith.addi %parallel_loop3A_1203, %parallel_loop3A_1204 : i32
        %parallel_loop3A_1206 = arith.index_cast %parallel_loop3A_1205 : i32 to index
        %parallel_loop3A_1207 = tpu.vector_load %arg7[%parallel_loop3A_1206] {strides = array<i32>} : memref<16384xf32, #tpu.memory_space<vmem>>, vector<16xf32>,
        tpu.vector_store %arg7[%parallel_loop3A_1206], %parallel_loop3A_1197 {strides = array<i32>} : memref<16384xf32, #tpu.memory_space<vmem>>, vector<16xf32>,
      } {sc.loop_unroll_factor = 1 : i64, sc.parallel_access}
      %mul3A_328 = arith.constant 2 : i32
      %mul3A_329 = arith.muli %mul3A_328, %scan3A_319 : i32
      %mul3A_330 = arith.constant 1024 : i32
      %mul3A_331 = arith.muli %mul3A_329, %mul3A_330 : i32
      %add3A_332 = arith.addi %mul3A_47, %mul3A_331 : i32
      %add3A_333 = arith.constant 0 : i32
      %add3A_334 = arith.addi %add3A_333, %add3A_332 : i32
      %dma_start3A_335 = arith.constant 0 : i32
      %dma_start3A_336 = tpu.memref_slice %arg7[%dma_start3A_335] : memref<16384xf32, #tpu.memory_space<vmem>> -> memref<1024xf32, #tpu.memory_space<vmem>>
      %dma_start3A_337 = tpu.memref_slice %arg4[%add3A_334] : memref<16777216xf32, #tpu.memory_space<hbm>> -> memref<1024xf32, #tpu.memory_space<hbm>>
      %dma_start3A_338 = tpu.memref_slice %arg4[%add3A_334] : memref<16777216xf32, #tpu.memory_space<hbm>> -> memref<1024xf32, #tpu.memory_space<hbm>>
      %dma_start3A_339 = arith.constant 0 : i32
      %dma_start3A_340 = tpu.memref_slice %arg7[%dma_start3A_339] : memref<16384xf32, #tpu.memory_space<vmem>> -> memref<1024xf32, #tpu.memory_space<vmem>>
      tpu.enqueue_dma source(%dma_start3A_340 : memref<1024xf32, #tpu.memory_space<vmem>>) target(%dma_start3A_338 : memref<1024xf32, #tpu.memory_space<hbm>>) target_semaphore(%arg12 : memref<!tpu.dma_semaphore, #tpu.memory_space<semaphore_mem>>)
      %add3A_341 = arith.constant 1048576 : i32
      %add3A_342 = arith.addi %add3A_341, %add3A_332 : i32
      %dma_start3A_343 = arith.constant 1024 : i32
      %dma_start3A_344 = tpu.memref_slice %arg7[%dma_start3A_343] : memref<16384xf32, #tpu.memory_space<vmem>> -> memref<1024xf32, #tpu.memory_space<vmem>>
      %dma_start3A_345 = tpu.memref_slice %arg4[%add3A_342] : memref<16777216xf32, #tpu.memory_space<hbm>> -> memref<1024xf32, #tpu.memory_space<hbm>>
      %dma_start3A_346 = tpu.memref_slice %arg4[%add3A_342] : memref<16777216xf32, #tpu.memory_space<hbm>> -> memref<1024xf32, #tpu.memory_space<hbm>>
      %dma_start3A_347 = arith.constant 1024 : i32
      %dma_start3A_348 = tpu.memref_slice %arg7[%dma_start3A_347] : memref<16384xf32, #tpu.memory_space<vmem>> -> memref<1024xf32, #tpu.memory_space<vmem>>
      tpu.enqueue_dma source(%dma_start3A_348 : memref<1024xf32, #tpu.memory_space<vmem>>) target(%dma_start3A_346 : memref<1024xf32, #tpu.memory_space<hbm>>) target_semaphore(%arg12 : memref<!tpu.dma_semaphore, #tpu.memory_space<semaphore_mem>>)
      %add3A_349 = arith.constant 2097152 : i32
      %add3A_350 = arith.addi %add3A_349, %add3A_332 : i32
      %dma_start3A_351 = arith.constant 2048 : i32
      %dma_start3A_352 = tpu.memref_slice %arg7[%dma_start3A_351] : memref<16384xf32, #tpu.memory_space<vmem>> -> memref<1024xf32, #tpu.memory_space<vmem>>
      %dma_start3A_353 = tpu.memref_slice %arg4[%add3A_350] : memref<16777216xf32, #tpu.memory_space<hbm>> -> memref<1024xf32, #tpu.memory_space<hbm>>
      %dma_start3A_354 = tpu.memref_slice %arg4[%add3A_350] : memref<16777216xf32, #tpu.memory_space<hbm>> -> memref<1024xf32, #tpu.memory_space<hbm>>
      %dma_start3A_355 = arith.constant 2048 : i32
      %dma_start3A_356 = tpu.memref_slice %arg7[%dma_start3A_355] : memref<16384xf32, #tpu.memory_space<vmem>> -> memref<1024xf32, #tpu.memory_space<vmem>>
      tpu.enqueue_dma source(%dma_start3A_356 : memref<1024xf32, #tpu.memory_space<vmem>>) target(%dma_start3A_354 : memref<1024xf32, #tpu.memory_space<hbm>>) target_semaphore(%arg12 : memref<!tpu.dma_semaphore, #tpu.memory_space<semaphore_mem>>)
      %add3A_357 = arith.constant 3145728 : i32
      %add3A_358 = arith.addi %add3A_357, %add3A_332 : i32
      %dma_start3A_359 = arith.constant 3072 : i32
      %dma_start3A_360 = tpu.memref_slice %arg7[%dma_start3A_359] : memref<16384xf32, #tpu.memory_space<vmem>> -> memref<1024xf32, #tpu.memory_space<vmem>>
      %dma_start3A_361 = tpu.memref_slice %arg4[%add3A_358] : memref<16777216xf32, #tpu.memory_space<hbm>> -> memref<1024xf32, #tpu.memory_space<hbm>>
      %dma_start3A_362 = tpu.memref_slice %arg4[%add3A_358] : memref<16777216xf32, #tpu.memory_space<hbm>> -> memref<1024xf32, #tpu.memory_space<hbm>>
      %dma_start3A_363 = arith.constant 3072 : i32
      %dma_start3A_364 = tpu.memref_slice %arg7[%dma_start3A_363] : memref<16384xf32, #tpu.memory_space<vmem>> -> memref<1024xf32, #tpu.memory_space<vmem>>
      tpu.enqueue_dma source(%dma_start3A_364 : memref<1024xf32, #tpu.memory_space<vmem>>) target(%dma_start3A_362 : memref<1024xf32, #tpu.memory_space<hbm>>) target_semaphore(%arg12 : memref<!tpu.dma_semaphore, #tpu.memory_space<semaphore_mem>>)
      %add3A_365 = arith.constant 4194304 : i32
      %add3A_366 = arith.addi %add3A_365, %add3A_332 : i32
      %dma_start3A_367 = arith.constant 4096 : i32
      %dma_start3A_368 = tpu.memref_slice %arg7[%dma_start3A_367] : memref<16384xf32, #tpu.memory_space<vmem>> -> memref<1024xf32, #tpu.memory_space<vmem>>
      %dma_start3A_369 = tpu.memref_slice %arg4[%add3A_366] : memref<16777216xf32, #tpu.memory_space<hbm>> -> memref<1024xf32, #tpu.memory_space<hbm>>
      %dma_start3A_370 = tpu.memref_slice %arg4[%add3A_366] : memref<16777216xf32, #tpu.memory_space<hbm>> -> memref<1024xf32, #tpu.memory_space<hbm>>
      %dma_start3A_371 = arith.constant 4096 : i32
      %dma_start3A_372 = tpu.memref_slice %arg7[%dma_start3A_371] : memref<16384xf32, #tpu.memory_space<vmem>> -> memref<1024xf32, #tpu.memory_space<vmem>>
      tpu.enqueue_dma source(%dma_start3A_372 : memref<1024xf32, #tpu.memory_space<vmem>>) target(%dma_start3A_370 : memref<1024xf32, #tpu.memory_space<hbm>>) target_semaphore(%arg12 : memref<!tpu.dma_semaphore, #tpu.memory_space<semaphore_mem>>)
      %add3A_373 = arith.constant 5242880 : i32
      %add3A_374 = arith.addi %add3A_373, %add3A_332 : i32
      %dma_start3A_375 = arith.constant 5120 : i32
      %dma_start3A_376 = tpu.memref_slice %arg7[%dma_start3A_375] : memref<16384xf32, #tpu.memory_space<vmem>> -> memref<1024xf32, #tpu.memory_space<vmem>>
      %dma_start3A_377 = tpu.memref_slice %arg4[%add3A_374] : memref<16777216xf32, #tpu.memory_space<hbm>> -> memref<1024xf32, #tpu.memory_space<hbm>>
      %dma_start3A_378 = tpu.memref_slice %arg4[%add3A_374] : memref<16777216xf32, #tpu.memory_space<hbm>> -> memref<1024xf32, #tpu.memory_space<hbm>>
      %dma_start3A_379 = arith.constant 5120 : i32
      %dma_start3A_380 = tpu.memref_slice %arg7[%dma_start3A_379] : memref<16384xf32, #tpu.memory_space<vmem>> -> memref<1024xf32, #tpu.memory_space<vmem>>
      tpu.enqueue_dma source(%dma_start3A_380 : memref<1024xf32, #tpu.memory_space<vmem>>) target(%dma_start3A_378 : memref<1024xf32, #tpu.memory_space<hbm>>) target_semaphore(%arg12 : memref<!tpu.dma_semaphore, #tpu.memory_space<semaphore_mem>>)
      %add3A_381 = arith.constant 6291456 : i32
      %add3A_382 = arith.addi %add3A_381, %add3A_332 : i32
      %dma_start3A_383 = arith.constant 6144 : i32
      %dma_start3A_384 = tpu.memref_slice %arg7[%dma_start3A_383] : memref<16384xf32, #tpu.memory_space<vmem>> -> memref<1024xf32, #tpu.memory_space<vmem>>
      %dma_start3A_385 = tpu.memref_slice %arg4[%add3A_382] : memref<16777216xf32, #tpu.memory_space<hbm>> -> memref<1024xf32, #tpu.memory_space<hbm>>
      %dma_start3A_386 = tpu.memref_slice %arg4[%add3A_382] : memref<16777216xf32, #tpu.memory_space<hbm>> -> memref<1024xf32, #tpu.memory_space<hbm>>
      %dma_start3A_387 = arith.constant 6144 : i32
      %dma_start3A_388 = tpu.memref_slice %arg7[%dma_start3A_387] : memref<16384xf32, #tpu.memory_space<vmem>> -> memref<1024xf32, #tpu.memory_space<vmem>>
      tpu.enqueue_dma source(%dma_start3A_388 : memref<1024xf32, #tpu.memory_space<vmem>>) target(%dma_start3A_386 : memref<1024xf32, #tpu.memory_space<hbm>>) target_semaphore(%arg12 : memref<!tpu.dma_semaphore, #tpu.memory_space<semaphore_mem>>)
      %add3A_389 = arith.constant 7340032 : i32
      %add3A_390 = arith.addi %add3A_389, %add3A_332 : i32
      %dma_start3A_391 = arith.constant 7168 : i32
      %dma_start3A_392 = tpu.memref_slice %arg7[%dma_start3A_391] : memref<16384xf32, #tpu.memory_space<vmem>> -> memref<1024xf32, #tpu.memory_space<vmem>>
      %dma_start3A_393 = tpu.memref_slice %arg4[%add3A_390] : memref<16777216xf32, #tpu.memory_space<hbm>> -> memref<1024xf32, #tpu.memory_space<hbm>>
      %dma_start3A_394 = tpu.memref_slice %arg4[%add3A_390] : memref<16777216xf32, #tpu.memory_space<hbm>> -> memref<1024xf32, #tpu.memory_space<hbm>>
      %dma_start3A_395 = arith.constant 7168 : i32
      %dma_start3A_396 = tpu.memref_slice %arg7[%dma_start3A_395] : memref<16384xf32, #tpu.memory_space<vmem>> -> memref<1024xf32, #tpu.memory_space<vmem>>
      tpu.enqueue_dma source(%dma_start3A_396 : memref<1024xf32, #tpu.memory_space<vmem>>) target(%dma_start3A_394 : memref<1024xf32, #tpu.memory_space<hbm>>) target_semaphore(%arg12 : memref<!tpu.dma_semaphore, #tpu.memory_space<semaphore_mem>>)
      %add3A_397 = arith.constant 8388608 : i32
      %add3A_398 = arith.addi %add3A_397, %add3A_332 : i32
      %dma_start3A_399 = arith.constant 8192 : i32
      %dma_start3A_400 = tpu.memref_slice %arg7[%dma_start3A_399] : memref<16384xf32, #tpu.memory_space<vmem>> -> memref<1024xf32, #tpu.memory_space<vmem>>
      %dma_start3A_401 = tpu.memref_slice %arg4[%add3A_398] : memref<16777216xf32, #tpu.memory_space<hbm>> -> memref<1024xf32, #tpu.memory_space<hbm>>
      %dma_start3A_402 = tpu.memref_slice %arg4[%add3A_398] : memref<16777216xf32, #tpu.memory_space<hbm>> -> memref<1024xf32, #tpu.memory_space<hbm>>
      %dma_start3A_403 = arith.constant 8192 : i32
      %dma_start3A_404 = tpu.memref_slice %arg7[%dma_start3A_403] : memref<16384xf32, #tpu.memory_space<vmem>> -> memref<1024xf32, #tpu.memory_space<vmem>>
      tpu.enqueue_dma source(%dma_start3A_404 : memref<1024xf32, #tpu.memory_space<vmem>>) target(%dma_start3A_402 : memref<1024xf32, #tpu.memory_space<hbm>>) target_semaphore(%arg12 : memref<!tpu.dma_semaphore, #tpu.memory_space<semaphore_mem>>)
      %add3A_405 = arith.constant 9437184 : i32
      %add3A_406 = arith.addi %add3A_405, %add3A_332 : i32
      %dma_start3A_407 = arith.constant 9216 : i32
      %dma_start3A_408 = tpu.memref_slice %arg7[%dma_start3A_407] : memref<16384xf32, #tpu.memory_space<vmem>> -> memref<1024xf32, #tpu.memory_space<vmem>>
      %dma_start3A_409 = tpu.memref_slice %arg4[%add3A_406] : memref<16777216xf32, #tpu.memory_space<hbm>> -> memref<1024xf32, #tpu.memory_space<hbm>>
      %dma_start3A_410 = tpu.memref_slice %arg4[%add3A_406] : memref<16777216xf32, #tpu.memory_space<hbm>> -> memref<1024xf32, #tpu.memory_space<hbm>>
      %dma_start3A_411 = arith.constant 9216 : i32
      %dma_start3A_412 = tpu.memref_slice %arg7[%dma_start3A_411] : memref<16384xf32, #tpu.memory_space<vmem>> -> memref<1024xf32, #tpu.memory_space<vmem>>
      tpu.enqueue_dma source(%dma_start3A_412 : memref<1024xf32, #tpu.memory_space<vmem>>) target(%dma_start3A_410 : memref<1024xf32, #tpu.memory_space<hbm>>) target_semaphore(%arg12 : memref<!tpu.dma_semaphore, #tpu.memory_space<semaphore_mem>>)
      %add3A_413 = arith.constant 10485760 : i32
      %add3A_414 = arith.addi %add3A_413, %add3A_332 : i32
      %dma_start3A_415 = arith.constant 10240 : i32
      %dma_start3A_416 = tpu.memref_slice %arg7[%dma_start3A_415] : memref<16384xf32, #tpu.memory_space<vmem>> -> memref<1024xf32, #tpu.memory_space<vmem>>
      %dma_start3A_417 = tpu.memref_slice %arg4[%add3A_414] : memref<16777216xf32, #tpu.memory_space<hbm>> -> memref<1024xf32, #tpu.memory_space<hbm>>
      %dma_start3A_418 = tpu.memref_slice %arg4[%add3A_414] : memref<16777216xf32, #tpu.memory_space<hbm>> -> memref<1024xf32, #tpu.memory_space<hbm>>
      %dma_start3A_419 = arith.constant 10240 : i32
      %dma_start3A_420 = tpu.memref_slice %arg7[%dma_start3A_419] : memref<16384xf32, #tpu.memory_space<vmem>> -> memref<1024xf32, #tpu.memory_space<vmem>>
      tpu.enqueue_dma source(%dma_start3A_420 : memref<1024xf32, #tpu.memory_space<vmem>>) target(%dma_start3A_418 : memref<1024xf32, #tpu.memory_space<hbm>>) target_semaphore(%arg12 : memref<!tpu.dma_semaphore, #tpu.memory_space<semaphore_mem>>)
      %add3A_421 = arith.constant 11534336 : i32
      %add3A_422 = arith.addi %add3A_421, %add3A_332 : i32
      %dma_start3A_423 = arith.constant 11264 : i32
      %dma_start3A_424 = tpu.memref_slice %arg7[%dma_start3A_423] : memref<16384xf32, #tpu.memory_space<vmem>> -> memref<1024xf32, #tpu.memory_space<vmem>>
      %dma_start3A_425 = tpu.memref_slice %arg4[%add3A_422] : memref<16777216xf32, #tpu.memory_space<hbm>> -> memref<1024xf32, #tpu.memory_space<hbm>>
      %dma_start3A_426 = tpu.memref_slice %arg4[%add3A_422] : memref<16777216xf32, #tpu.memory_space<hbm>> -> memref<1024xf32, #tpu.memory_space<hbm>>
      %dma_start3A_427 = arith.constant 11264 : i32
      %dma_start3A_428 = tpu.memref_slice %arg7[%dma_start3A_427] : memref<16384xf32, #tpu.memory_space<vmem>> -> memref<1024xf32, #tpu.memory_space<vmem>>
      tpu.enqueue_dma source(%dma_start3A_428 : memref<1024xf32, #tpu.memory_space<vmem>>) target(%dma_start3A_426 : memref<1024xf32, #tpu.memory_space<hbm>>) target_semaphore(%arg12 : memref<!tpu.dma_semaphore, #tpu.memory_space<semaphore_mem>>)
      %add3A_429 = arith.constant 12582912 : i32
      %add3A_430 = arith.addi %add3A_429, %add3A_332 : i32
      %dma_start3A_431 = arith.constant 12288 : i32
      %dma_start3A_432 = tpu.memref_slice %arg7[%dma_start3A_431] : memref<16384xf32, #tpu.memory_space<vmem>> -> memref<1024xf32, #tpu.memory_space<vmem>>
      %dma_start3A_433 = tpu.memref_slice %arg4[%add3A_430] : memref<16777216xf32, #tpu.memory_space<hbm>> -> memref<1024xf32, #tpu.memory_space<hbm>>
      %dma_start3A_434 = tpu.memref_slice %arg4[%add3A_430] : memref<16777216xf32, #tpu.memory_space<hbm>> -> memref<1024xf32, #tpu.memory_space<hbm>>
      %dma_start3A_435 = arith.constant 12288 : i32
      %dma_start3A_436 = tpu.memref_slice %arg7[%dma_start3A_435] : memref<16384xf32, #tpu.memory_space<vmem>> -> memref<1024xf32, #tpu.memory_space<vmem>>
      tpu.enqueue_dma source(%dma_start3A_436 : memref<1024xf32, #tpu.memory_space<vmem>>) target(%dma_start3A_434 : memref<1024xf32, #tpu.memory_space<hbm>>) target_semaphore(%arg12 : memref<!tpu.dma_semaphore, #tpu.memory_space<semaphore_mem>>)
      %add3A_437 = arith.constant 13631488 : i32
      %add3A_438 = arith.addi %add3A_437, %add3A_332 : i32
      %dma_start3A_439 = arith.constant 13312 : i32
      %dma_start3A_440 = tpu.memref_slice %arg7[%dma_start3A_439] : memref<16384xf32, #tpu.memory_space<vmem>> -> memref<1024xf32, #tpu.memory_space<vmem>>
      %dma_start3A_441 = tpu.memref_slice %arg4[%add3A_438] : memref<16777216xf32, #tpu.memory_space<hbm>> -> memref<1024xf32, #tpu.memory_space<hbm>>
      %dma_start3A_442 = tpu.memref_slice %arg4[%add3A_438] : memref<16777216xf32, #tpu.memory_space<hbm>> -> memref<1024xf32, #tpu.memory_space<hbm>>
      %dma_start3A_443 = arith.constant 13312 : i32
      %dma_start3A_444 = tpu.memref_slice %arg7[%dma_start3A_443] : memref<16384xf32, #tpu.memory_space<vmem>> -> memref<1024xf32, #tpu.memory_space<vmem>>
      tpu.enqueue_dma source(%dma_start3A_444 : memref<1024xf32, #tpu.memory_space<vmem>>) target(%dma_start3A_442 : memref<1024xf32, #tpu.memory_space<hbm>>) target_semaphore(%arg12 : memref<!tpu.dma_semaphore, #tpu.memory_space<semaphore_mem>>)
      %add3A_445 = arith.constant 14680064 : i32
      %add3A_446 = arith.addi %add3A_445, %add3A_332 : i32
      %dma_start3A_447 = arith.constant 14336 : i32
      %dma_start3A_448 = tpu.memref_slice %arg7[%dma_start3A_447] : memref<16384xf32, #tpu.memory_space<vmem>> -> memref<1024xf32, #tpu.memory_space<vmem>>
      %dma_start3A_449 = tpu.memref_slice %arg4[%add3A_446] : memref<16777216xf32, #tpu.memory_space<hbm>> -> memref<1024xf32, #tpu.memory_space<hbm>>
      %dma_start3A_450 = tpu.memref_slice %arg4[%add3A_446] : memref<16777216xf32, #tpu.memory_space<hbm>> -> memref<1024xf32, #tpu.memory_space<hbm>>
      %dma_start3A_451 = arith.constant 14336 : i32
      %dma_start3A_452 = tpu.memref_slice %arg7[%dma_start3A_451] : memref<16384xf32, #tpu.memory_space<vmem>> -> memref<1024xf32, #tpu.memory_space<vmem>>
      tpu.enqueue_dma source(%dma_start3A_452 : memref<1024xf32, #tpu.memory_space<vmem>>) target(%dma_start3A_450 : memref<1024xf32, #tpu.memory_space<hbm>>) target_semaphore(%arg12 : memref<!tpu.dma_semaphore, #tpu.memory_space<semaphore_mem>>)
      %add3A_453 = arith.constant 15728640 : i32
      %add3A_454 = arith.addi %add3A_453, %add3A_332 : i32
      %dma_start3A_455 = arith.constant 15360 : i32
      %dma_start3A_456 = tpu.memref_slice %arg7[%dma_start3A_455] : memref<16384xf32, #tpu.memory_space<vmem>> -> memref<1024xf32, #tpu.memory_space<vmem>>
      %dma_start3A_457 = tpu.memref_slice %arg4[%add3A_454] : memref<16777216xf32, #tpu.memory_space<hbm>> -> memref<1024xf32, #tpu.memory_space<hbm>>
      %dma_start3A_458 = tpu.memref_slice %arg4[%add3A_454] : memref<16777216xf32, #tpu.memory_space<hbm>> -> memref<1024xf32, #tpu.memory_space<hbm>>
      %dma_start3A_459 = arith.constant 15360 : i32
      %dma_start3A_460 = tpu.memref_slice %arg7[%dma_start3A_459] : memref<16384xf32, #tpu.memory_space<vmem>> -> memref<1024xf32, #tpu.memory_space<vmem>>
      tpu.enqueue_dma source(%dma_start3A_460 : memref<1024xf32, #tpu.memory_space<vmem>>) target(%dma_start3A_458 : memref<1024xf32, #tpu.memory_space<hbm>>) target_semaphore(%arg12 : memref<!tpu.dma_semaphore, #tpu.memory_space<semaphore_mem>>)
      %add3A_461 = arith.constant 1 : i32
      %add3A_462 = arith.addi %scan3A_319, %add3A_461 : i32
      %lt3A = arith.constant 16 : i32
      %lt3A_463 = arith.cmpi slt, %add3A_462, %lt3A : i32
      %convert_element_type3A_464 = arith.extui %lt3A_463 : i1 to i32
      %cond3A_465 = arith.constant 0 : i32
      %cond3A_466 = arith.cmpi ne, %convert_element_type3A_464, %cond3A_465 : i32
      scf.if %cond3A_466 {
        %mul3A_621 = arith.constant 2 : i32
        %mul3A_622 = arith.muli %mul3A_621, %scan3A_319 : i32
        %add3A_623 = arith.constant 2 : i32
        %add3A_624 = arith.addi %mul3A_622, %add3A_623 : i32
        %mul3A_625 = arith.constant 1024 : i32
        %mul3A_626 = arith.muli %add3A_624, %mul3A_625 : i32
        %add3A_627 = arith.addi %mul3A_47, %mul3A_626 : i32
        %add3A_628 = arith.constant 0 : i32
        %add3A_629 = arith.addi %add3A_628, %add3A_627 : i32
        %dma_start3A_630 = arith.constant 0 : i32
        %dma_start3A_631 = tpu.memref_slice %arg5[%dma_start3A_630] : memref<16384xf32, #tpu.memory_space<vmem>> -> memref<1024xf32, #tpu.memory_space<vmem>>
        %dma_start3A_632 = tpu.memref_slice %arg2[%add3A_629] : memref<16777216xf32, #tpu.memory_space<hbm>> -> memref<1024xf32, #tpu.memory_space<hbm>>
        %dma_start3A_633 = arith.constant 0 : i32
        %dma_start3A_634 = tpu.memref_slice %arg5[%dma_start3A_633] : memref<16384xf32, #tpu.memory_space<vmem>> -> memref<1024xf32, #tpu.memory_space<vmem>>
        %dma_start3A_635 = tpu.memref_slice %arg2[%add3A_629] : memref<16777216xf32, #tpu.memory_space<hbm>> -> memref<1024xf32, #tpu.memory_space<hbm>>
        tpu.enqueue_dma source(%dma_start3A_635 : memref<1024xf32, #tpu.memory_space<hbm>>) target(%dma_start3A_634 : memref<1024xf32, #tpu.memory_space<vmem>>) target_semaphore(%arg10 : memref<!tpu.dma_semaphore, #tpu.memory_space<semaphore_mem>>)
        %add3A_636 = arith.constant 1048576 : i32
        %add3A_637 = arith.addi %add3A_636, %add3A_627 : i32
        %dma_start3A_638 = arith.constant 1024 : i32
        %dma_start3A_639 = tpu.memref_slice %arg5[%dma_start3A_638] : memref<16384xf32, #tpu.memory_space<vmem>> -> memref<1024xf32, #tpu.memory_space<vmem>>
        %dma_start3A_640 = tpu.memref_slice %arg2[%add3A_637] : memref<16777216xf32, #tpu.memory_space<hbm>> -> memref<1024xf32, #tpu.memory_space<hbm>>
        %dma_start3A_641 = arith.constant 1024 : i32
        %dma_start3A_642 = tpu.memref_slice %arg5[%dma_start3A_641] : memref<16384xf32, #tpu.memory_space<vmem>> -> memref<1024xf32, #tpu.memory_space<vmem>>
        %dma_start3A_643 = tpu.memref_slice %arg2[%add3A_637] : memref<16777216xf32, #tpu.memory_space<hbm>> -> memref<1024xf32, #tpu.memory_space<hbm>>
        tpu.enqueue_dma source(%dma_start3A_643 : memref<1024xf32, #tpu.memory_space<hbm>>) target(%dma_start3A_642 : memref<1024xf32, #tpu.memory_space<vmem>>) target_semaphore(%arg10 : memref<!tpu.dma_semaphore, #tpu.memory_space<semaphore_mem>>)
        %add3A_644 = arith.constant 2097152 : i32
        %add3A_645 = arith.addi %add3A_644, %add3A_627 : i32
        %dma_start3A_646 = arith.constant 2048 : i32
        %dma_start3A_647 = tpu.memref_slice %arg5[%dma_start3A_646] : memref<16384xf32, #tpu.memory_space<vmem>> -> memref<1024xf32, #tpu.memory_space<vmem>>
        %dma_start3A_648 = tpu.memref_slice %arg2[%add3A_645] : memref<16777216xf32, #tpu.memory_space<hbm>> -> memref<1024xf32, #tpu.memory_space<hbm>>
        %dma_start3A_649 = arith.constant 2048 : i32
        %dma_start3A_650 = tpu.memref_slice %arg5[%dma_start3A_649] : memref<16384xf32, #tpu.memory_space<vmem>> -> memref<1024xf32, #tpu.memory_space<vmem>>
        %dma_start3A_651 = tpu.memref_slice %arg2[%add3A_645] : memref<16777216xf32, #tpu.memory_space<hbm>> -> memref<1024xf32, #tpu.memory_space<hbm>>
        tpu.enqueue_dma source(%dma_start3A_651 : memref<1024xf32, #tpu.memory_space<hbm>>) target(%dma_start3A_650 : memref<1024xf32, #tpu.memory_space<vmem>>) target_semaphore(%arg10 : memref<!tpu.dma_semaphore, #tpu.memory_space<semaphore_mem>>)
        %add3A_652 = arith.constant 3145728 : i32
        %add3A_653 = arith.addi %add3A_652, %add3A_627 : i32
        %dma_start3A_654 = arith.constant 3072 : i32
        %dma_start3A_655 = tpu.memref_slice %arg5[%dma_start3A_654] : memref<16384xf32, #tpu.memory_space<vmem>> -> memref<1024xf32, #tpu.memory_space<vmem>>
        %dma_start3A_656 = tpu.memref_slice %arg2[%add3A_653] : memref<16777216xf32, #tpu.memory_space<hbm>> -> memref<1024xf32, #tpu.memory_space<hbm>>
        %dma_start3A_657 = arith.constant 3072 : i32
        %dma_start3A_658 = tpu.memref_slice %arg5[%dma_start3A_657] : memref<16384xf32, #tpu.memory_space<vmem>> -> memref<1024xf32, #tpu.memory_space<vmem>>
        %dma_start3A_659 = tpu.memref_slice %arg2[%add3A_653] : memref<16777216xf32, #tpu.memory_space<hbm>> -> memref<1024xf32, #tpu.memory_space<hbm>>
        tpu.enqueue_dma source(%dma_start3A_659 : memref<1024xf32, #tpu.memory_space<hbm>>) target(%dma_start3A_658 : memref<1024xf32, #tpu.memory_space<vmem>>) target_semaphore(%arg10 : memref<!tpu.dma_semaphore, #tpu.memory_space<semaphore_mem>>)
        %add3A_660 = arith.constant 4194304 : i32
        %add3A_661 = arith.addi %add3A_660, %add3A_627 : i32
        %dma_start3A_662 = arith.constant 4096 : i32
        %dma_start3A_663 = tpu.memref_slice %arg5[%dma_start3A_662] : memref<16384xf32, #tpu.memory_space<vmem>> -> memref<1024xf32, #tpu.memory_space<vmem>>
        %dma_start3A_664 = tpu.memref_slice %arg2[%add3A_661] : memref<16777216xf32, #tpu.memory_space<hbm>> -> memref<1024xf32, #tpu.memory_space<hbm>>
        %dma_start3A_665 = arith.constant 4096 : i32
        %dma_start3A_666 = tpu.memref_slice %arg5[%dma_start3A_665] : memref<16384xf32, #tpu.memory_space<vmem>> -> memref<1024xf32, #tpu.memory_space<vmem>>
        %dma_start3A_667 = tpu.memref_slice %arg2[%add3A_661] : memref<16777216xf32, #tpu.memory_space<hbm>> -> memref<1024xf32, #tpu.memory_space<hbm>>
        tpu.enqueue_dma source(%dma_start3A_667 : memref<1024xf32, #tpu.memory_space<hbm>>) target(%dma_start3A_666 : memref<1024xf32, #tpu.memory_space<vmem>>) target_semaphore(%arg10 : memref<!tpu.dma_semaphore, #tpu.memory_space<semaphore_mem>>)
        %add3A_668 = arith.constant 5242880 : i32
        %add3A_669 = arith.addi %add3A_668, %add3A_627 : i32
        %dma_start3A_670 = arith.constant 5120 : i32
        %dma_start3A_671 = tpu.memref_slice %arg5[%dma_start3A_670] : memref<16384xf32, #tpu.memory_space<vmem>> -> memref<1024xf32, #tpu.memory_space<vmem>>
        %dma_start3A_672 = tpu.memref_slice %arg2[%add3A_669] : memref<16777216xf32, #tpu.memory_space<hbm>> -> memref<1024xf32, #tpu.memory_space<hbm>>
        %dma_start3A_673 = arith.constant 5120 : i32
        %dma_start3A_674 = tpu.memref_slice %arg5[%dma_start3A_673] : memref<16384xf32, #tpu.memory_space<vmem>> -> memref<1024xf32, #tpu.memory_space<vmem>>
        %dma_start3A_675 = tpu.memref_slice %arg2[%add3A_669] : memref<16777216xf32, #tpu.memory_space<hbm>> -> memref<1024xf32, #tpu.memory_space<hbm>>
        tpu.enqueue_dma source(%dma_start3A_675 : memref<1024xf32, #tpu.memory_space<hbm>>) target(%dma_start3A_674 : memref<1024xf32, #tpu.memory_space<vmem>>) target_semaphore(%arg10 : memref<!tpu.dma_semaphore, #tpu.memory_space<semaphore_mem>>)
        %add3A_676 = arith.constant 6291456 : i32
        %add3A_677 = arith.addi %add3A_676, %add3A_627 : i32
        %dma_start3A_678 = arith.constant 6144 : i32
        %dma_start3A_679 = tpu.memref_slice %arg5[%dma_start3A_678] : memref<16384xf32, #tpu.memory_space<vmem>> -> memref<1024xf32, #tpu.memory_space<vmem>>
        %dma_start3A_680 = tpu.memref_slice %arg2[%add3A_677] : memref<16777216xf32, #tpu.memory_space<hbm>> -> memref<1024xf32, #tpu.memory_space<hbm>>
        %dma_start3A_681 = arith.constant 6144 : i32
        %dma_start3A_682 = tpu.memref_slice %arg5[%dma_start3A_681] : memref<16384xf32, #tpu.memory_space<vmem>> -> memref<1024xf32, #tpu.memory_space<vmem>>
        %dma_start3A_683 = tpu.memref_slice %arg2[%add3A_677] : memref<16777216xf32, #tpu.memory_space<hbm>> -> memref<1024xf32, #tpu.memory_space<hbm>>
        tpu.enqueue_dma source(%dma_start3A_683 : memref<1024xf32, #tpu.memory_space<hbm>>) target(%dma_start3A_682 : memref<1024xf32, #tpu.memory_space<vmem>>) target_semaphore(%arg10 : memref<!tpu.dma_semaphore, #tpu.memory_space<semaphore_mem>>)
        %add3A_684 = arith.constant 7340032 : i32
        %add3A_685 = arith.addi %add3A_684, %add3A_627 : i32
        %dma_start3A_686 = arith.constant 7168 : i32
        %dma_start3A_687 = tpu.memref_slice %arg5[%dma_start3A_686] : memref<16384xf32, #tpu.memory_space<vmem>> -> memref<1024xf32, #tpu.memory_space<vmem>>
        %dma_start3A_688 = tpu.memref_slice %arg2[%add3A_685] : memref<16777216xf32, #tpu.memory_space<hbm>> -> memref<1024xf32, #tpu.memory_space<hbm>>
        %dma_start3A_689 = arith.constant 7168 : i32
        %dma_start3A_690 = tpu.memref_slice %arg5[%dma_start3A_689] : memref<16384xf32, #tpu.memory_space<vmem>> -> memref<1024xf32, #tpu.memory_space<vmem>>
        %dma_start3A_691 = tpu.memref_slice %arg2[%add3A_685] : memref<16777216xf32, #tpu.memory_space<hbm>> -> memref<1024xf32, #tpu.memory_space<hbm>>
        tpu.enqueue_dma source(%dma_start3A_691 : memref<1024xf32, #tpu.memory_space<hbm>>) target(%dma_start3A_690 : memref<1024xf32, #tpu.memory_space<vmem>>) target_semaphore(%arg10 : memref<!tpu.dma_semaphore, #tpu.memory_space<semaphore_mem>>)
        %add3A_692 = arith.constant 8388608 : i32
        %add3A_693 = arith.addi %add3A_692, %add3A_627 : i32
        %dma_start3A_694 = arith.constant 8192 : i32
        %dma_start3A_695 = tpu.memref_slice %arg5[%dma_start3A_694] : memref<16384xf32, #tpu.memory_space<vmem>> -> memref<1024xf32, #tpu.memory_space<vmem>>
        %dma_start3A_696 = tpu.memref_slice %arg2[%add3A_693] : memref<16777216xf32, #tpu.memory_space<hbm>> -> memref<1024xf32, #tpu.memory_space<hbm>>
        %dma_start3A_697 = arith.constant 8192 : i32
        %dma_start3A_698 = tpu.memref_slice %arg5[%dma_start3A_697] : memref<16384xf32, #tpu.memory_space<vmem>> -> memref<1024xf32, #tpu.memory_space<vmem>>
        %dma_start3A_699 = tpu.memref_slice %arg2[%add3A_693] : memref<16777216xf32, #tpu.memory_space<hbm>> -> memref<1024xf32, #tpu.memory_space<hbm>>
        tpu.enqueue_dma source(%dma_start3A_699 : memref<1024xf32, #tpu.memory_space<hbm>>) target(%dma_start3A_698 : memref<1024xf32, #tpu.memory_space<vmem>>) target_semaphore(%arg10 : memref<!tpu.dma_semaphore, #tpu.memory_space<semaphore_mem>>)
        %add3A_700 = arith.constant 9437184 : i32
        %add3A_701 = arith.addi %add3A_700, %add3A_627 : i32
        %dma_start3A_702 = arith.constant 9216 : i32
        %dma_start3A_703 = tpu.memref_slice %arg5[%dma_start3A_702] : memref<16384xf32, #tpu.memory_space<vmem>> -> memref<1024xf32, #tpu.memory_space<vmem>>
        %dma_start3A_704 = tpu.memref_slice %arg2[%add3A_701] : memref<16777216xf32, #tpu.memory_space<hbm>> -> memref<1024xf32, #tpu.memory_space<hbm>>
        %dma_start3A_705 = arith.constant 9216 : i32
        %dma_start3A_706 = tpu.memref_slice %arg5[%dma_start3A_705] : memref<16384xf32, #tpu.memory_space<vmem>> -> memref<1024xf32, #tpu.memory_space<vmem>>
        %dma_start3A_707 = tpu.memref_slice %arg2[%add3A_701] : memref<16777216xf32, #tpu.memory_space<hbm>> -> memref<1024xf32, #tpu.memory_space<hbm>>
        tpu.enqueue_dma source(%dma_start3A_707 : memref<1024xf32, #tpu.memory_space<hbm>>) target(%dma_start3A_706 : memref<1024xf32, #tpu.memory_space<vmem>>) target_semaphore(%arg10 : memref<!tpu.dma_semaphore, #tpu.memory_space<semaphore_mem>>)
        %add3A_708 = arith.constant 10485760 : i32
        %add3A_709 = arith.addi %add3A_708, %add3A_627 : i32
        %dma_start3A_710 = arith.constant 10240 : i32
        %dma_start3A_711 = tpu.memref_slice %arg5[%dma_start3A_710] : memref<16384xf32, #tpu.memory_space<vmem>> -> memref<1024xf32, #tpu.memory_space<vmem>>
        %dma_start3A_712 = tpu.memref_slice %arg2[%add3A_709] : memref<16777216xf32, #tpu.memory_space<hbm>> -> memref<1024xf32, #tpu.memory_space<hbm>>
        %dma_start3A_713 = arith.constant 10240 : i32
        %dma_start3A_714 = tpu.memref_slice %arg5[%dma_start3A_713] : memref<16384xf32, #tpu.memory_space<vmem>> -> memref<1024xf32, #tpu.memory_space<vmem>>
        %dma_start3A_715 = tpu.memref_slice %arg2[%add3A_709] : memref<16777216xf32, #tpu.memory_space<hbm>> -> memref<1024xf32, #tpu.memory_space<hbm>>
        tpu.enqueue_dma source(%dma_start3A_715 : memref<1024xf32, #tpu.memory_space<hbm>>) target(%dma_start3A_714 : memref<1024xf32, #tpu.memory_space<vmem>>) target_semaphore(%arg10 : memref<!tpu.dma_semaphore, #tpu.memory_space<semaphore_mem>>)
        %add3A_716 = arith.constant 11534336 : i32
        %add3A_717 = arith.addi %add3A_716, %add3A_627 : i32
        %dma_start3A_718 = arith.constant 11264 : i32
        %dma_start3A_719 = tpu.memref_slice %arg5[%dma_start3A_718] : memref<16384xf32, #tpu.memory_space<vmem>> -> memref<1024xf32, #tpu.memory_space<vmem>>
        %dma_start3A_720 = tpu.memref_slice %arg2[%add3A_717] : memref<16777216xf32, #tpu.memory_space<hbm>> -> memref<1024xf32, #tpu.memory_space<hbm>>
        %dma_start3A_721 = arith.constant 11264 : i32
        %dma_start3A_722 = tpu.memref_slice %arg5[%dma_start3A_721] : memref<16384xf32, #tpu.memory_space<vmem>> -> memref<1024xf32, #tpu.memory_space<vmem>>
        %dma_start3A_723 = tpu.memref_slice %arg2[%add3A_717] : memref<16777216xf32, #tpu.memory_space<hbm>> -> memref<1024xf32, #tpu.memory_space<hbm>>
        tpu.enqueue_dma source(%dma_start3A_723 : memref<1024xf32, #tpu.memory_space<hbm>>) target(%dma_start3A_722 : memref<1024xf32, #tpu.memory_space<vmem>>) target_semaphore(%arg10 : memref<!tpu.dma_semaphore, #tpu.memory_space<semaphore_mem>>)
        %add3A_724 = arith.constant 12582912 : i32
        %add3A_725 = arith.addi %add3A_724, %add3A_627 : i32
        %dma_start3A_726 = arith.constant 12288 : i32
        %dma_start3A_727 = tpu.memref_slice %arg5[%dma_start3A_726] : memref<16384xf32, #tpu.memory_space<vmem>> -> memref<1024xf32, #tpu.memory_space<vmem>>
        %dma_start3A_728 = tpu.memref_slice %arg2[%add3A_725] : memref<16777216xf32, #tpu.memory_space<hbm>> -> memref<1024xf32, #tpu.memory_space<hbm>>
        %dma_start3A_729 = arith.constant 12288 : i32
        %dma_start3A_730 = tpu.memref_slice %arg5[%dma_start3A_729] : memref<16384xf32, #tpu.memory_space<vmem>> -> memref<1024xf32, #tpu.memory_space<vmem>>
        %dma_start3A_731 = tpu.memref_slice %arg2[%add3A_725] : memref<16777216xf32, #tpu.memory_space<hbm>> -> memref<1024xf32, #tpu.memory_space<hbm>>
        tpu.enqueue_dma source(%dma_start3A_731 : memref<1024xf32, #tpu.memory_space<hbm>>) target(%dma_start3A_730 : memref<1024xf32, #tpu.memory_space<vmem>>) target_semaphore(%arg10 : memref<!tpu.dma_semaphore, #tpu.memory_space<semaphore_mem>>)
        %add3A_732 = arith.constant 13631488 : i32
        %add3A_733 = arith.addi %add3A_732, %add3A_627 : i32
        %dma_start3A_734 = arith.constant 13312 : i32
        %dma_start3A_735 = tpu.memref_slice %arg5[%dma_start3A_734] : memref<16384xf32, #tpu.memory_space<vmem>> -> memref<1024xf32, #tpu.memory_space<vmem>>
        %dma_start3A_736 = tpu.memref_slice %arg2[%add3A_733] : memref<16777216xf32, #tpu.memory_space<hbm>> -> memref<1024xf32, #tpu.memory_space<hbm>>
        %dma_start3A_737 = arith.constant 13312 : i32
        %dma_start3A_738 = tpu.memref_slice %arg5[%dma_start3A_737] : memref<16384xf32, #tpu.memory_space<vmem>> -> memref<1024xf32, #tpu.memory_space<vmem>>
        %dma_start3A_739 = tpu.memref_slice %arg2[%add3A_733] : memref<16777216xf32, #tpu.memory_space<hbm>> -> memref<1024xf32, #tpu.memory_space<hbm>>
        tpu.enqueue_dma source(%dma_start3A_739 : memref<1024xf32, #tpu.memory_space<hbm>>) target(%dma_start3A_738 : memref<1024xf32, #tpu.memory_space<vmem>>) target_semaphore(%arg10 : memref<!tpu.dma_semaphore, #tpu.memory_space<semaphore_mem>>)
        %add3A_740 = arith.constant 14680064 : i32
        %add3A_741 = arith.addi %add3A_740, %add3A_627 : i32
        %dma_start3A_742 = arith.constant 14336 : i32
        %dma_start3A_743 = tpu.memref_slice %arg5[%dma_start3A_742] : memref<16384xf32, #tpu.memory_space<vmem>> -> memref<1024xf32, #tpu.memory_space<vmem>>
        %dma_start3A_744 = tpu.memref_slice %arg2[%add3A_741] : memref<16777216xf32, #tpu.memory_space<hbm>> -> memref<1024xf32, #tpu.memory_space<hbm>>
        %dma_start3A_745 = arith.constant 14336 : i32
        %dma_start3A_746 = tpu.memref_slice %arg5[%dma_start3A_745] : memref<16384xf32, #tpu.memory_space<vmem>> -> memref<1024xf32, #tpu.memory_space<vmem>>
        %dma_start3A_747 = tpu.memref_slice %arg2[%add3A_741] : memref<16777216xf32, #tpu.memory_space<hbm>> -> memref<1024xf32, #tpu.memory_space<hbm>>
        tpu.enqueue_dma source(%dma_start3A_747 : memref<1024xf32, #tpu.memory_space<hbm>>) target(%dma_start3A_746 : memref<1024xf32, #tpu.memory_space<vmem>>) target_semaphore(%arg10 : memref<!tpu.dma_semaphore, #tpu.memory_space<semaphore_mem>>)
        %add3A_748 = arith.constant 15728640 : i32
        %add3A_749 = arith.addi %add3A_748, %add3A_627 : i32
        %dma_start3A_750 = arith.constant 15360 : i32
        %dma_start3A_751 = tpu.memref_slice %arg5[%dma_start3A_750] : memref<16384xf32, #tpu.memory_space<vmem>> -> memref<1024xf32, #tpu.memory_space<vmem>>
        %dma_start3A_752 = tpu.memref_slice %arg2[%add3A_749] : memref<16777216xf32, #tpu.memory_space<hbm>> -> memref<1024xf32, #tpu.memory_space<hbm>>
        %dma_start3A_753 = arith.constant 15360 : i32
        %dma_start3A_754 = tpu.memref_slice %arg5[%dma_start3A_753] : memref<16384xf32, #tpu.memory_space<vmem>> -> memref<1024xf32, #tpu.memory_space<vmem>>
        %dma_start3A_755 = tpu.memref_slice %arg2[%add3A_749] : memref<16777216xf32, #tpu.memory_space<hbm>> -> memref<1024xf32, #tpu.memory_space<hbm>>
        tpu.enqueue_dma source(%dma_start3A_755 : memref<1024xf32, #tpu.memory_space<hbm>>) target(%dma_start3A_754 : memref<1024xf32, #tpu.memory_space<vmem>>) target_semaphore(%arg10 : memref<!tpu.dma_semaphore, #tpu.memory_space<semaphore_mem>>)
      } else {
      }
      %dma_wait3A_467 = arith.constant 0 : i32
      %dma_wait3A_468 = tpu.memref_slice %arg2[%dma_wait3A_467] : memref<16777216xf32, #tpu.memory_space<hbm>> -> memref<16384xf32, #tpu.memory_space<hbm>>
      %dma_wait3A_469 = arith.constant 0 : i32
      %dma_wait3A_470 = tpu.memref_slice %arg2[%dma_wait3A_469] : memref<16777216xf32, #tpu.memory_space<hbm>> -> memref<16384xf32, #tpu.memory_space<hbm>>
      tpu.wait_dma2 semaphore(%arg11 : memref<!tpu.dma_semaphore, #tpu.memory_space<semaphore_mem>>) src(%dma_wait3A_470 : memref<16384xf32, #tpu.memory_space<hbm>>) dst(%arg6 : memref<16384xf32, #tpu.memory_space<vmem>>)
      %gt3A_471 = arith.constant 0 : i32
      %gt3A_472 = arith.cmpi sgt, %scan3A_319, %gt3A_471 : i32
      %convert_element_type3A_473 = arith.extui %gt3A_472 : i1 to i32
      %cond3A_474 = arith.constant 0 : i32
      %cond3A_475 = arith.cmpi ne, %convert_element_type3A_473, %cond3A_474 : i32
      scf.if %cond3A_475 {
        %dma_wait3A_621 = arith.constant 0 : i32
        %dma_wait3A_622 = tpu.memref_slice %arg4[%dma_wait3A_621] : memref<16777216xf32, #tpu.memory_space<hbm>> -> memref<16384xf32, #tpu.memory_space<hbm>>
        %dma_wait3A_623 = arith.constant 0 : i32
        %dma_wait3A_624 = tpu.memref_slice %arg4[%dma_wait3A_623] : memref<16777216xf32, #tpu.memory_space<hbm>> -> memref<16384xf32, #tpu.memory_space<hbm>>
        tpu.wait_dma2 semaphore(%arg13 : memref<!tpu.dma_semaphore, #tpu.memory_space<semaphore_mem>>) src(%arg8 : memref<16384xf32, #tpu.memory_space<vmem>>) dst(%dma_wait3A_624 : memref<16384xf32, #tpu.memory_space<hbm>>)
      } else {
      }
      %parallel_loop3A_476 = arith.constant 0 : i32
      %parallel_loop3A_477 = arith.constant 32 : i32
      %parallel_loop3A_478 = arith.constant 1 : i32
      scf.for %parallel_loop3A_621 = %parallel_loop3A_476 to %parallel_loop3A_477 step %parallel_loop3A_478  : i32 {
        %parallel_loop3A_622 = arith.constant 32 : i32
        %parallel_loop3A_623 = arith.muli %parallel_loop3A_621, %parallel_loop3A_622 : i32
        %parallel_loop3A_624 = arith.constant 0 : i32
        %parallel_loop3A_625 = arith.addi %parallel_loop3A_624, %parallel_loop3A_623 : i32
        %parallel_loop3A_626 = arith.index_cast %parallel_loop3A_625 : i32 to index
        %parallel_loop3A_627 = tpu.vector_load %arg6[%parallel_loop3A_626] {strides = array<i32>} : memref<16384xf32, #tpu.memory_space<vmem>>, vector<16xf32>,
        %parallel_loop3A_628 = arith.constant 0 : i32
        %parallel_loop3A_629 = arith.addi %parallel_loop3A_628, %parallel_loop3A_623 : i32
        %parallel_loop3A_630 = arith.constant 16 : i32
        %parallel_loop3A_631 = arith.addi %parallel_loop3A_629, %parallel_loop3A_630 : i32
        %parallel_loop3A_632 = arith.index_cast %parallel_loop3A_631 : i32 to index
        %parallel_loop3A_633 = tpu.vector_load %arg6[%parallel_loop3A_632] {strides = array<i32>} : memref<16384xf32, #tpu.memory_space<vmem>>, vector<16xf32>,
        %parallel_loop3A_634 = tpu.pack_subelements %parallel_loop3A_627, %parallel_loop3A_633 {pack_format = #tpu.pack_format<interleaved>, positions = array<i32: 0, 1>} : vector<16xf32>, vector<16xf32> -> vector<32xbf16>
        %parallel_loop3A_635 = arith.constant 1024 : i32
        %parallel_loop3A_636 = arith.addi %parallel_loop3A_635, %parallel_loop3A_623 : i32
        %parallel_loop3A_637 = arith.index_cast %parallel_loop3A_636 : i32 to index
        %parallel_loop3A_638 = tpu.vector_load %arg6[%parallel_loop3A_637] {strides = array<i32>} : memref<16384xf32, #tpu.memory_space<vmem>>, vector<16xf32>,
        %parallel_loop3A_639 = arith.constant 1024 : i32
        %parallel_loop3A_640 = arith.addi %parallel_loop3A_639, %parallel_loop3A_623 : i32
        %parallel_loop3A_641 = arith.constant 16 : i32
        %parallel_loop3A_642 = arith.addi %parallel_loop3A_640, %parallel_loop3A_641 : i32
        %parallel_loop3A_643 = arith.index_cast %parallel_loop3A_642 : i32 to index
        %parallel_loop3A_644 = tpu.vector_load %arg6[%parallel_loop3A_643] {strides = array<i32>} : memref<16384xf32, #tpu.memory_space<vmem>>, vector<16xf32>,
        %parallel_loop3A_645 = tpu.pack_subelements %parallel_loop3A_638, %parallel_loop3A_644 {pack_format = #tpu.pack_format<interleaved>, positions = array<i32: 0, 1>} : vector<16xf32>, vector<16xf32> -> vector<32xbf16>
        %parallel_loop3A_646 = arith.constant 2048 : i32
        %parallel_loop3A_647 = arith.addi %parallel_loop3A_646, %parallel_loop3A_623 : i32
        %parallel_loop3A_648 = arith.index_cast %parallel_loop3A_647 : i32 to index
        %parallel_loop3A_649 = tpu.vector_load %arg6[%parallel_loop3A_648] {strides = array<i32>} : memref<16384xf32, #tpu.memory_space<vmem>>, vector<16xf32>,
        %parallel_loop3A_650 = arith.constant 2048 : i32
        %parallel_loop3A_651 = arith.addi %parallel_loop3A_650, %parallel_loop3A_623 : i32
        %parallel_loop3A_652 = arith.constant 16 : i32
        %parallel_loop3A_653 = arith.addi %parallel_loop3A_651, %parallel_loop3A_652 : i32
        %parallel_loop3A_654 = arith.index_cast %parallel_loop3A_653 : i32 to index
        %parallel_loop3A_655 = tpu.vector_load %arg6[%parallel_loop3A_654] {strides = array<i32>} : memref<16384xf32, #tpu.memory_space<vmem>>, vector<16xf32>,
        %parallel_loop3A_656 = tpu.pack_subelements %parallel_loop3A_649, %parallel_loop3A_655 {pack_format = #tpu.pack_format<interleaved>, positions = array<i32: 0, 1>} : vector<16xf32>, vector<16xf32> -> vector<32xbf16>
        %parallel_loop3A_657 = arith.constant 3072 : i32
        %parallel_loop3A_658 = arith.addi %parallel_loop3A_657, %parallel_loop3A_623 : i32
        %parallel_loop3A_659 = arith.index_cast %parallel_loop3A_658 : i32 to index
        %parallel_loop3A_660 = tpu.vector_load %arg6[%parallel_loop3A_659] {strides = array<i32>} : memref<16384xf32, #tpu.memory_space<vmem>>, vector<16xf32>,
        %parallel_loop3A_661 = arith.constant 3072 : i32
        %parallel_loop3A_662 = arith.addi %parallel_loop3A_661, %parallel_loop3A_623 : i32
        %parallel_loop3A_663 = arith.constant 16 : i32
        %parallel_loop3A_664 = arith.addi %parallel_loop3A_662, %parallel_loop3A_663 : i32
        %parallel_loop3A_665 = arith.index_cast %parallel_loop3A_664 : i32 to index
        %parallel_loop3A_666 = tpu.vector_load %arg6[%parallel_loop3A_665] {strides = array<i32>} : memref<16384xf32, #tpu.memory_space<vmem>>, vector<16xf32>,
        %parallel_loop3A_667 = tpu.pack_subelements %parallel_loop3A_660, %parallel_loop3A_666 {pack_format = #tpu.pack_format<interleaved>, positions = array<i32: 0, 1>} : vector<16xf32>, vector<16xf32> -> vector<32xbf16>
        %parallel_loop3A_668 = arith.constant 4096 : i32
        %parallel_loop3A_669 = arith.addi %parallel_loop3A_668, %parallel_loop3A_623 : i32
        %parallel_loop3A_670 = arith.index_cast %parallel_loop3A_669 : i32 to index
        %parallel_loop3A_671 = tpu.vector_load %arg6[%parallel_loop3A_670] {strides = array<i32>} : memref<16384xf32, #tpu.memory_space<vmem>>, vector<16xf32>,
        %parallel_loop3A_672 = arith.constant 4096 : i32
        %parallel_loop3A_673 = arith.addi %parallel_loop3A_672, %parallel_loop3A_623 : i32
        %parallel_loop3A_674 = arith.constant 16 : i32
        %parallel_loop3A_675 = arith.addi %parallel_loop3A_673, %parallel_loop3A_674 : i32
        %parallel_loop3A_676 = arith.index_cast %parallel_loop3A_675 : i32 to index
        %parallel_loop3A_677 = tpu.vector_load %arg6[%parallel_loop3A_676] {strides = array<i32>} : memref<16384xf32, #tpu.memory_space<vmem>>, vector<16xf32>,
        %parallel_loop3A_678 = tpu.pack_subelements %parallel_loop3A_671, %parallel_loop3A_677 {pack_format = #tpu.pack_format<interleaved>, positions = array<i32: 0, 1>} : vector<16xf32>, vector<16xf32> -> vector<32xbf16>
        %parallel_loop3A_679 = arith.constant 5120 : i32
        %parallel_loop3A_680 = arith.addi %parallel_loop3A_679, %parallel_loop3A_623 : i32
        %parallel_loop3A_681 = arith.index_cast %parallel_loop3A_680 : i32 to index
        %parallel_loop3A_682 = tpu.vector_load %arg6[%parallel_loop3A_681] {strides = array<i32>} : memref<16384xf32, #tpu.memory_space<vmem>>, vector<16xf32>,
        %parallel_loop3A_683 = arith.constant 5120 : i32
        %parallel_loop3A_684 = arith.addi %parallel_loop3A_683, %parallel_loop3A_623 : i32
        %parallel_loop3A_685 = arith.constant 16 : i32
        %parallel_loop3A_686 = arith.addi %parallel_loop3A_684, %parallel_loop3A_685 : i32
        %parallel_loop3A_687 = arith.index_cast %parallel_loop3A_686 : i32 to index
        %parallel_loop3A_688 = tpu.vector_load %arg6[%parallel_loop3A_687] {strides = array<i32>} : memref<16384xf32, #tpu.memory_space<vmem>>, vector<16xf32>,
        %parallel_loop3A_689 = tpu.pack_subelements %parallel_loop3A_682, %parallel_loop3A_688 {pack_format = #tpu.pack_format<interleaved>, positions = array<i32: 0, 1>} : vector<16xf32>, vector<16xf32> -> vector<32xbf16>
        %parallel_loop3A_690 = arith.constant 6144 : i32
        %parallel_loop3A_691 = arith.addi %parallel_loop3A_690, %parallel_loop3A_623 : i32
        %parallel_loop3A_692 = arith.index_cast %parallel_loop3A_691 : i32 to index
        %parallel_loop3A_693 = tpu.vector_load %arg6[%parallel_loop3A_692] {strides = array<i32>} : memref<16384xf32, #tpu.memory_space<vmem>>, vector<16xf32>,
        %parallel_loop3A_694 = arith.constant 6144 : i32
        %parallel_loop3A_695 = arith.addi %parallel_loop3A_694, %parallel_loop3A_623 : i32
        %parallel_loop3A_696 = arith.constant 16 : i32
        %parallel_loop3A_697 = arith.addi %parallel_loop3A_695, %parallel_loop3A_696 : i32
        %parallel_loop3A_698 = arith.index_cast %parallel_loop3A_697 : i32 to index
        %parallel_loop3A_699 = tpu.vector_load %arg6[%parallel_loop3A_698] {strides = array<i32>} : memref<16384xf32, #tpu.memory_space<vmem>>, vector<16xf32>,
        %parallel_loop3A_700 = tpu.pack_subelements %parallel_loop3A_693, %parallel_loop3A_699 {pack_format = #tpu.pack_format<interleaved>, positions = array<i32: 0, 1>} : vector<16xf32>, vector<16xf32> -> vector<32xbf16>
        %parallel_loop3A_701 = arith.constant 7168 : i32
        %parallel_loop3A_702 = arith.addi %parallel_loop3A_701, %parallel_loop3A_623 : i32
        %parallel_loop3A_703 = arith.index_cast %parallel_loop3A_702 : i32 to index
        %parallel_loop3A_704 = tpu.vector_load %arg6[%parallel_loop3A_703] {strides = array<i32>} : memref<16384xf32, #tpu.memory_space<vmem>>, vector<16xf32>,
        %parallel_loop3A_705 = arith.constant 7168 : i32
        %parallel_loop3A_706 = arith.addi %parallel_loop3A_705, %parallel_loop3A_623 : i32
        %parallel_loop3A_707 = arith.constant 16 : i32
        %parallel_loop3A_708 = arith.addi %parallel_loop3A_706, %parallel_loop3A_707 : i32
        %parallel_loop3A_709 = arith.index_cast %parallel_loop3A_708 : i32 to index
        %parallel_loop3A_710 = tpu.vector_load %arg6[%parallel_loop3A_709] {strides = array<i32>} : memref<16384xf32, #tpu.memory_space<vmem>>, vector<16xf32>,
        %parallel_loop3A_711 = tpu.pack_subelements %parallel_loop3A_704, %parallel_loop3A_710 {pack_format = #tpu.pack_format<interleaved>, positions = array<i32: 0, 1>} : vector<16xf32>, vector<16xf32> -> vector<32xbf16>
        %parallel_loop3A_712 = arith.constant 8192 : i32
        %parallel_loop3A_713 = arith.addi %parallel_loop3A_712, %parallel_loop3A_623 : i32
        %parallel_loop3A_714 = arith.index_cast %parallel_loop3A_713 : i32 to index
        %parallel_loop3A_715 = tpu.vector_load %arg6[%parallel_loop3A_714] {strides = array<i32>} : memref<16384xf32, #tpu.memory_space<vmem>>, vector<16xf32>,
        %parallel_loop3A_716 = arith.constant 8192 : i32
        %parallel_loop3A_717 = arith.addi %parallel_loop3A_716, %parallel_loop3A_623 : i32
        %parallel_loop3A_718 = arith.constant 16 : i32
        %parallel_loop3A_719 = arith.addi %parallel_loop3A_717, %parallel_loop3A_718 : i32
        %parallel_loop3A_720 = arith.index_cast %parallel_loop3A_719 : i32 to index
        %parallel_loop3A_721 = tpu.vector_load %arg6[%parallel_loop3A_720] {strides = array<i32>} : memref<16384xf32, #tpu.memory_space<vmem>>, vector<16xf32>,
        %parallel_loop3A_722 = tpu.pack_subelements %parallel_loop3A_715, %parallel_loop3A_721 {pack_format = #tpu.pack_format<interleaved>, positions = array<i32: 0, 1>} : vector<16xf32>, vector<16xf32> -> vector<32xbf16>
        %parallel_loop3A_723 = arith.constant 9216 : i32
        %parallel_loop3A_724 = arith.addi %parallel_loop3A_723, %parallel_loop3A_623 : i32
        %parallel_loop3A_725 = arith.index_cast %parallel_loop3A_724 : i32 to index
        %parallel_loop3A_726 = tpu.vector_load %arg6[%parallel_loop3A_725] {strides = array<i32>} : memref<16384xf32, #tpu.memory_space<vmem>>, vector<16xf32>,
        %parallel_loop3A_727 = arith.constant 9216 : i32
        %parallel_loop3A_728 = arith.addi %parallel_loop3A_727, %parallel_loop3A_623 : i32
        %parallel_loop3A_729 = arith.constant 16 : i32
        %parallel_loop3A_730 = arith.addi %parallel_loop3A_728, %parallel_loop3A_729 : i32
        %parallel_loop3A_731 = arith.index_cast %parallel_loop3A_730 : i32 to index
        %parallel_loop3A_732 = tpu.vector_load %arg6[%parallel_loop3A_731] {strides = array<i32>} : memref<16384xf32, #tpu.memory_space<vmem>>, vector<16xf32>,
        %parallel_loop3A_733 = tpu.pack_subelements %parallel_loop3A_726, %parallel_loop3A_732 {pack_format = #tpu.pack_format<interleaved>, positions = array<i32: 0, 1>} : vector<16xf32>, vector<16xf32> -> vector<32xbf16>
        %parallel_loop3A_734 = arith.constant 10240 : i32
        %parallel_loop3A_735 = arith.addi %parallel_loop3A_734, %parallel_loop3A_623 : i32
        %parallel_loop3A_736 = arith.index_cast %parallel_loop3A_735 : i32 to index
        %parallel_loop3A_737 = tpu.vector_load %arg6[%parallel_loop3A_736] {strides = array<i32>} : memref<16384xf32, #tpu.memory_space<vmem>>, vector<16xf32>,
        %parallel_loop3A_738 = arith.constant 10240 : i32
        %parallel_loop3A_739 = arith.addi %parallel_loop3A_738, %parallel_loop3A_623 : i32
        %parallel_loop3A_740 = arith.constant 16 : i32
        %parallel_loop3A_741 = arith.addi %parallel_loop3A_739, %parallel_loop3A_740 : i32
        %parallel_loop3A_742 = arith.index_cast %parallel_loop3A_741 : i32 to index
        %parallel_loop3A_743 = tpu.vector_load %arg6[%parallel_loop3A_742] {strides = array<i32>} : memref<16384xf32, #tpu.memory_space<vmem>>, vector<16xf32>,
        %parallel_loop3A_744 = tpu.pack_subelements %parallel_loop3A_737, %parallel_loop3A_743 {pack_format = #tpu.pack_format<interleaved>, positions = array<i32: 0, 1>} : vector<16xf32>, vector<16xf32> -> vector<32xbf16>
        %parallel_loop3A_745 = arith.constant 11264 : i32
        %parallel_loop3A_746 = arith.addi %parallel_loop3A_745, %parallel_loop3A_623 : i32
        %parallel_loop3A_747 = arith.index_cast %parallel_loop3A_746 : i32 to index
        %parallel_loop3A_748 = tpu.vector_load %arg6[%parallel_loop3A_747] {strides = array<i32>} : memref<16384xf32, #tpu.memory_space<vmem>>, vector<16xf32>,
        %parallel_loop3A_749 = arith.constant 11264 : i32
        %parallel_loop3A_750 = arith.addi %parallel_loop3A_749, %parallel_loop3A_623 : i32
        %parallel_loop3A_751 = arith.constant 16 : i32
        %parallel_loop3A_752 = arith.addi %parallel_loop3A_750, %parallel_loop3A_751 : i32
        %parallel_loop3A_753 = arith.index_cast %parallel_loop3A_752 : i32 to index
        %parallel_loop3A_754 = tpu.vector_load %arg6[%parallel_loop3A_753] {strides = array<i32>} : memref<16384xf32, #tpu.memory_space<vmem>>, vector<16xf32>,
        %parallel_loop3A_755 = tpu.pack_subelements %parallel_loop3A_748, %parallel_loop3A_754 {pack_format = #tpu.pack_format<interleaved>, positions = array<i32: 0, 1>} : vector<16xf32>, vector<16xf32> -> vector<32xbf16>
        %parallel_loop3A_756 = arith.constant 12288 : i32
        %parallel_loop3A_757 = arith.addi %parallel_loop3A_756, %parallel_loop3A_623 : i32
        %parallel_loop3A_758 = arith.index_cast %parallel_loop3A_757 : i32 to index
        %parallel_loop3A_759 = tpu.vector_load %arg6[%parallel_loop3A_758] {strides = array<i32>} : memref<16384xf32, #tpu.memory_space<vmem>>, vector<16xf32>,
        %parallel_loop3A_760 = arith.constant 12288 : i32
        %parallel_loop3A_761 = arith.addi %parallel_loop3A_760, %parallel_loop3A_623 : i32
        %parallel_loop3A_762 = arith.constant 16 : i32
        %parallel_loop3A_763 = arith.addi %parallel_loop3A_761, %parallel_loop3A_762 : i32
        %parallel_loop3A_764 = arith.index_cast %parallel_loop3A_763 : i32 to index
        %parallel_loop3A_765 = tpu.vector_load %arg6[%parallel_loop3A_764] {strides = array<i32>} : memref<16384xf32, #tpu.memory_space<vmem>>, vector<16xf32>,
        %parallel_loop3A_766 = tpu.pack_subelements %parallel_loop3A_759, %parallel_loop3A_765 {pack_format = #tpu.pack_format<interleaved>, positions = array<i32: 0, 1>} : vector<16xf32>, vector<16xf32> -> vector<32xbf16>
        %parallel_loop3A_767 = arith.constant 13312 : i32
        %parallel_loop3A_768 = arith.addi %parallel_loop3A_767, %parallel_loop3A_623 : i32
        %parallel_loop3A_769 = arith.index_cast %parallel_loop3A_768 : i32 to index
        %parallel_loop3A_770 = tpu.vector_load %arg6[%parallel_loop3A_769] {strides = array<i32>} : memref<16384xf32, #tpu.memory_space<vmem>>, vector<16xf32>,
        %parallel_loop3A_771 = arith.constant 13312 : i32
        %parallel_loop3A_772 = arith.addi %parallel_loop3A_771, %parallel_loop3A_623 : i32
        %parallel_loop3A_773 = arith.constant 16 : i32
        %parallel_loop3A_774 = arith.addi %parallel_loop3A_772, %parallel_loop3A_773 : i32
        %parallel_loop3A_775 = arith.index_cast %parallel_loop3A_774 : i32 to index
        %parallel_loop3A_776 = tpu.vector_load %arg6[%parallel_loop3A_775] {strides = array<i32>} : memref<16384xf32, #tpu.memory_space<vmem>>, vector<16xf32>,
        %parallel_loop3A_777 = tpu.pack_subelements %parallel_loop3A_770, %parallel_loop3A_776 {pack_format = #tpu.pack_format<interleaved>, positions = array<i32: 0, 1>} : vector<16xf32>, vector<16xf32> -> vector<32xbf16>
        %parallel_loop3A_778 = arith.constant 14336 : i32
        %parallel_loop3A_779 = arith.addi %parallel_loop3A_778, %parallel_loop3A_623 : i32
        %parallel_loop3A_780 = arith.index_cast %parallel_loop3A_779 : i32 to index
        %parallel_loop3A_781 = tpu.vector_load %arg6[%parallel_loop3A_780] {strides = array<i32>} : memref<16384xf32, #tpu.memory_space<vmem>>, vector<16xf32>,
        %parallel_loop3A_782 = arith.constant 14336 : i32
        %parallel_loop3A_783 = arith.addi %parallel_loop3A_782, %parallel_loop3A_623 : i32
        %parallel_loop3A_784 = arith.constant 16 : i32
        %parallel_loop3A_785 = arith.addi %parallel_loop3A_783, %parallel_loop3A_784 : i32
        %parallel_loop3A_786 = arith.index_cast %parallel_loop3A_785 : i32 to index
        %parallel_loop3A_787 = tpu.vector_load %arg6[%parallel_loop3A_786] {strides = array<i32>} : memref<16384xf32, #tpu.memory_space<vmem>>, vector<16xf32>,
        %parallel_loop3A_788 = tpu.pack_subelements %parallel_loop3A_781, %parallel_loop3A_787 {pack_format = #tpu.pack_format<interleaved>, positions = array<i32: 0, 1>} : vector<16xf32>, vector<16xf32> -> vector<32xbf16>
        %parallel_loop3A_789 = arith.constant 15360 : i32
        %parallel_loop3A_790 = arith.addi %parallel_loop3A_789, %parallel_loop3A_623 : i32
        %parallel_loop3A_791 = arith.index_cast %parallel_loop3A_790 : i32 to index
        %parallel_loop3A_792 = tpu.vector_load %arg6[%parallel_loop3A_791] {strides = array<i32>} : memref<16384xf32, #tpu.memory_space<vmem>>, vector<16xf32>,
        %parallel_loop3A_793 = arith.constant 15360 : i32
        %parallel_loop3A_794 = arith.addi %parallel_loop3A_793, %parallel_loop3A_623 : i32
        %parallel_loop3A_795 = arith.constant 16 : i32
        %parallel_loop3A_796 = arith.addi %parallel_loop3A_794, %parallel_loop3A_795 : i32
        %parallel_loop3A_797 = arith.index_cast %parallel_loop3A_796 : i32 to index
        %parallel_loop3A_798 = tpu.vector_load %arg6[%parallel_loop3A_797] {strides = array<i32>} : memref<16384xf32, #tpu.memory_space<vmem>>, vector<16xf32>,
        %parallel_loop3A_799 = tpu.pack_subelements %parallel_loop3A_792, %parallel_loop3A_798 {pack_format = #tpu.pack_format<interleaved>, positions = array<i32: 0, 1>} : vector<16xf32>, vector<16xf32> -> vector<32xbf16>
        %parallel_loop3A_800 = arith.mulf %pack3A_39, %parallel_loop3A_634 : vector<32xbf16>
        %parallel_loop3A_801 = arith.mulf %pack3A_40, %parallel_loop3A_645 : vector<32xbf16>
        %parallel_loop3A_802 = arith.addf %parallel_loop3A_800, %parallel_loop3A_801 : vector<32xbf16>
        %parallel_loop3A_803 = arith.mulf %pack3A_42, %parallel_loop3A_678 : vector<32xbf16>
        %parallel_loop3A_804 = arith.addf %parallel_loop3A_802, %parallel_loop3A_803 : vector<32xbf16>
        %parallel_loop3A_805 = arith.mulf %pack3A_43, %parallel_loop3A_689 : vector<32xbf16>
        %parallel_loop3A_806 = arith.addf %parallel_loop3A_804, %parallel_loop3A_805 : vector<32xbf16>
        %parallel_loop3A_807 = arith.cmpf oeq, %parallel_loop3A_634, %broadcast_in_dim3A_45 : vector<32xbf16>
        %parallel_loop3A_808 = arith.select %parallel_loop3A_807, %broadcast_in_dim3A_45, %parallel_loop3A_806 : vector<32xi1>, vector<32xbf16>
        %parallel_loop3A_809 = tpu.unpack_subelements %parallel_loop3A_808, 0 {pack_format = #tpu.pack_format<interleaved>} : vector<32xbf16> -> vector<16xf32>
        %parallel_loop3A_810 = tpu.unpack_subelements %parallel_loop3A_808, 1 {pack_format = #tpu.pack_format<interleaved>} : vector<32xbf16> -> vector<16xf32>
        %parallel_loop3A_811 = arith.constant 0 : i32
        %parallel_loop3A_812 = arith.addi %parallel_loop3A_811, %parallel_loop3A_623 : i32
        %parallel_loop3A_813 = arith.index_cast %parallel_loop3A_812 : i32 to index
        %parallel_loop3A_814 = tpu.vector_load %arg8[%parallel_loop3A_813] {strides = array<i32>} : memref<16384xf32, #tpu.memory_space<vmem>>, vector<16xf32>,
        tpu.vector_store %arg8[%parallel_loop3A_813], %parallel_loop3A_809 {strides = array<i32>} : memref<16384xf32, #tpu.memory_space<vmem>>, vector<16xf32>,
        %parallel_loop3A_815 = arith.constant 0 : i32
        %parallel_loop3A_816 = arith.addi %parallel_loop3A_815, %parallel_loop3A_623 : i32
        %parallel_loop3A_817 = arith.constant 16 : i32
        %parallel_loop3A_818 = arith.addi %parallel_loop3A_816, %parallel_loop3A_817 : i32
        %parallel_loop3A_819 = arith.index_cast %parallel_loop3A_818 : i32 to index
        %parallel_loop3A_820 = tpu.vector_load %arg8[%parallel_loop3A_819] {strides = array<i32>} : memref<16384xf32, #tpu.memory_space<vmem>>, vector<16xf32>,
        tpu.vector_store %arg8[%parallel_loop3A_819], %parallel_loop3A_810 {strides = array<i32>} : memref<16384xf32, #tpu.memory_space<vmem>>, vector<16xf32>,
        %parallel_loop3A_821 = arith.mulf %pack3A_38, %parallel_loop3A_634 : vector<32xbf16>
        %parallel_loop3A_822 = arith.mulf %pack3A_39, %parallel_loop3A_645 : vector<32xbf16>
        %parallel_loop3A_823 = arith.addf %parallel_loop3A_821, %parallel_loop3A_822 : vector<32xbf16>
        %parallel_loop3A_824 = arith.mulf %pack3A_40, %parallel_loop3A_656 : vector<32xbf16>
        %parallel_loop3A_825 = arith.addf %parallel_loop3A_823, %parallel_loop3A_824 : vector<32xbf16>
        %parallel_loop3A_826 = arith.mulf %pack3A_41, %parallel_loop3A_678 : vector<32xbf16>
        %parallel_loop3A_827 = arith.addf %parallel_loop3A_825, %parallel_loop3A_826 : vector<32xbf16>
        %parallel_loop3A_828 = arith.mulf %pack3A_42, %parallel_loop3A_689 : vector<32xbf16>
        %parallel_loop3A_829 = arith.addf %parallel_loop3A_827, %parallel_loop3A_828 : vector<32xbf16>
        %parallel_loop3A_830 = arith.mulf %pack3A_43, %parallel_loop3A_700 : vector<32xbf16>
        %parallel_loop3A_831 = arith.addf %parallel_loop3A_829, %parallel_loop3A_830 : vector<32xbf16>
        %parallel_loop3A_832 = arith.cmpf oeq, %parallel_loop3A_645, %broadcast_in_dim3A_45 : vector<32xbf16>
        %parallel_loop3A_833 = arith.select %parallel_loop3A_832, %broadcast_in_dim3A_45, %parallel_loop3A_831 : vector<32xi1>, vector<32xbf16>
        %parallel_loop3A_834 = tpu.unpack_subelements %parallel_loop3A_833, 0 {pack_format = #tpu.pack_format<interleaved>} : vector<32xbf16> -> vector<16xf32>
        %parallel_loop3A_835 = tpu.unpack_subelements %parallel_loop3A_833, 1 {pack_format = #tpu.pack_format<interleaved>} : vector<32xbf16> -> vector<16xf32>
        %parallel_loop3A_836 = arith.constant 1024 : i32
        %parallel_loop3A_837 = arith.addi %parallel_loop3A_836, %parallel_loop3A_623 : i32
        %parallel_loop3A_838 = arith.index_cast %parallel_loop3A_837 : i32 to index
        %parallel_loop3A_839 = tpu.vector_load %arg8[%parallel_loop3A_838] {strides = array<i32>} : memref<16384xf32, #tpu.memory_space<vmem>>, vector<16xf32>,
        tpu.vector_store %arg8[%parallel_loop3A_838], %parallel_loop3A_834 {strides = array<i32>} : memref<16384xf32, #tpu.memory_space<vmem>>, vector<16xf32>,
        %parallel_loop3A_840 = arith.constant 1024 : i32
        %parallel_loop3A_841 = arith.addi %parallel_loop3A_840, %parallel_loop3A_623 : i32
        %parallel_loop3A_842 = arith.constant 16 : i32
        %parallel_loop3A_843 = arith.addi %parallel_loop3A_841, %parallel_loop3A_842 : i32
        %parallel_loop3A_844 = arith.index_cast %parallel_loop3A_843 : i32 to index
        %parallel_loop3A_845 = tpu.vector_load %arg8[%parallel_loop3A_844] {strides = array<i32>} : memref<16384xf32, #tpu.memory_space<vmem>>, vector<16xf32>,
        tpu.vector_store %arg8[%parallel_loop3A_844], %parallel_loop3A_835 {strides = array<i32>} : memref<16384xf32, #tpu.memory_space<vmem>>, vector<16xf32>,
        %parallel_loop3A_846 = arith.mulf %pack3A_38, %parallel_loop3A_645 : vector<32xbf16>
        %parallel_loop3A_847 = arith.mulf %pack3A_39, %parallel_loop3A_656 : vector<32xbf16>
        %parallel_loop3A_848 = arith.addf %parallel_loop3A_846, %parallel_loop3A_847 : vector<32xbf16>
        %parallel_loop3A_849 = arith.mulf %pack3A_40, %parallel_loop3A_667 : vector<32xbf16>
        %parallel_loop3A_850 = arith.addf %parallel_loop3A_848, %parallel_loop3A_849 : vector<32xbf16>
        %parallel_loop3A_851 = arith.mulf %pack3A_41, %parallel_loop3A_689 : vector<32xbf16>
        %parallel_loop3A_852 = arith.addf %parallel_loop3A_850, %parallel_loop3A_851 : vector<32xbf16>
        %parallel_loop3A_853 = arith.mulf %pack3A_42, %parallel_loop3A_700 : vector<32xbf16>
        %parallel_loop3A_854 = arith.addf %parallel_loop3A_852, %parallel_loop3A_853 : vector<32xbf16>
        %parallel_loop3A_855 = arith.mulf %pack3A_43, %parallel_loop3A_711 : vector<32xbf16>
        %parallel_loop3A_856 = arith.addf %parallel_loop3A_854, %parallel_loop3A_855 : vector<32xbf16>
        %parallel_loop3A_857 = arith.cmpf oeq, %parallel_loop3A_656, %broadcast_in_dim3A_45 : vector<32xbf16>
        %parallel_loop3A_858 = arith.select %parallel_loop3A_857, %broadcast_in_dim3A_45, %parallel_loop3A_856 : vector<32xi1>, vector<32xbf16>
        %parallel_loop3A_859 = tpu.unpack_subelements %parallel_loop3A_858, 0 {pack_format = #tpu.pack_format<interleaved>} : vector<32xbf16> -> vector<16xf32>
        %parallel_loop3A_860 = tpu.unpack_subelements %parallel_loop3A_858, 1 {pack_format = #tpu.pack_format<interleaved>} : vector<32xbf16> -> vector<16xf32>
        %parallel_loop3A_861 = arith.constant 2048 : i32
        %parallel_loop3A_862 = arith.addi %parallel_loop3A_861, %parallel_loop3A_623 : i32
        %parallel_loop3A_863 = arith.index_cast %parallel_loop3A_862 : i32 to index
        %parallel_loop3A_864 = tpu.vector_load %arg8[%parallel_loop3A_863] {strides = array<i32>} : memref<16384xf32, #tpu.memory_space<vmem>>, vector<16xf32>,
        tpu.vector_store %arg8[%parallel_loop3A_863], %parallel_loop3A_859 {strides = array<i32>} : memref<16384xf32, #tpu.memory_space<vmem>>, vector<16xf32>,
        %parallel_loop3A_865 = arith.constant 2048 : i32
        %parallel_loop3A_866 = arith.addi %parallel_loop3A_865, %parallel_loop3A_623 : i32
        %parallel_loop3A_867 = arith.constant 16 : i32
        %parallel_loop3A_868 = arith.addi %parallel_loop3A_866, %parallel_loop3A_867 : i32
        %parallel_loop3A_869 = arith.index_cast %parallel_loop3A_868 : i32 to index
        %parallel_loop3A_870 = tpu.vector_load %arg8[%parallel_loop3A_869] {strides = array<i32>} : memref<16384xf32, #tpu.memory_space<vmem>>, vector<16xf32>,
        tpu.vector_store %arg8[%parallel_loop3A_869], %parallel_loop3A_860 {strides = array<i32>} : memref<16384xf32, #tpu.memory_space<vmem>>, vector<16xf32>,
        %parallel_loop3A_871 = arith.mulf %pack3A_38, %parallel_loop3A_656 : vector<32xbf16>
        %parallel_loop3A_872 = arith.mulf %pack3A_39, %parallel_loop3A_667 : vector<32xbf16>
        %parallel_loop3A_873 = arith.addf %parallel_loop3A_871, %parallel_loop3A_872 : vector<32xbf16>
        %parallel_loop3A_874 = arith.mulf %pack3A_41, %parallel_loop3A_700 : vector<32xbf16>
        %parallel_loop3A_875 = arith.addf %parallel_loop3A_873, %parallel_loop3A_874 : vector<32xbf16>
        %parallel_loop3A_876 = arith.mulf %pack3A_42, %parallel_loop3A_711 : vector<32xbf16>
        %parallel_loop3A_877 = arith.addf %parallel_loop3A_875, %parallel_loop3A_876 : vector<32xbf16>
        %parallel_loop3A_878 = arith.cmpf oeq, %parallel_loop3A_667, %broadcast_in_dim3A_45 : vector<32xbf16>
        %parallel_loop3A_879 = arith.select %parallel_loop3A_878, %broadcast_in_dim3A_45, %parallel_loop3A_877 : vector<32xi1>, vector<32xbf16>
        %parallel_loop3A_880 = tpu.unpack_subelements %parallel_loop3A_879, 0 {pack_format = #tpu.pack_format<interleaved>} : vector<32xbf16> -> vector<16xf32>
        %parallel_loop3A_881 = tpu.unpack_subelements %parallel_loop3A_879, 1 {pack_format = #tpu.pack_format<interleaved>} : vector<32xbf16> -> vector<16xf32>
        %parallel_loop3A_882 = arith.constant 3072 : i32
        %parallel_loop3A_883 = arith.addi %parallel_loop3A_882, %parallel_loop3A_623 : i32
        %parallel_loop3A_884 = arith.index_cast %parallel_loop3A_883 : i32 to index
        %parallel_loop3A_885 = tpu.vector_load %arg8[%parallel_loop3A_884] {strides = array<i32>} : memref<16384xf32, #tpu.memory_space<vmem>>, vector<16xf32>,
        tpu.vector_store %arg8[%parallel_loop3A_884], %parallel_loop3A_880 {strides = array<i32>} : memref<16384xf32, #tpu.memory_space<vmem>>, vector<16xf32>,
        %parallel_loop3A_886 = arith.constant 3072 : i32
        %parallel_loop3A_887 = arith.addi %parallel_loop3A_886, %parallel_loop3A_623 : i32
        %parallel_loop3A_888 = arith.constant 16 : i32
        %parallel_loop3A_889 = arith.addi %parallel_loop3A_887, %parallel_loop3A_888 : i32
        %parallel_loop3A_890 = arith.index_cast %parallel_loop3A_889 : i32 to index
        %parallel_loop3A_891 = tpu.vector_load %arg8[%parallel_loop3A_890] {strides = array<i32>} : memref<16384xf32, #tpu.memory_space<vmem>>, vector<16xf32>,
        tpu.vector_store %arg8[%parallel_loop3A_890], %parallel_loop3A_881 {strides = array<i32>} : memref<16384xf32, #tpu.memory_space<vmem>>, vector<16xf32>,
        %parallel_loop3A_892 = arith.mulf %pack3A_36, %parallel_loop3A_634 : vector<32xbf16>
        %parallel_loop3A_893 = arith.mulf %pack3A_37, %parallel_loop3A_645 : vector<32xbf16>
        %parallel_loop3A_894 = arith.addf %parallel_loop3A_892, %parallel_loop3A_893 : vector<32xbf16>
        %parallel_loop3A_895 = arith.mulf %pack3A_39, %parallel_loop3A_678 : vector<32xbf16>
        %parallel_loop3A_896 = arith.addf %parallel_loop3A_894, %parallel_loop3A_895 : vector<32xbf16>
        %parallel_loop3A_897 = arith.mulf %pack3A_40, %parallel_loop3A_689 : vector<32xbf16>
        %parallel_loop3A_898 = arith.addf %parallel_loop3A_896, %parallel_loop3A_897 : vector<32xbf16>
        %parallel_loop3A_899 = arith.mulf %pack3A_42, %parallel_loop3A_722 : vector<32xbf16>
        %parallel_loop3A_900 = arith.addf %parallel_loop3A_898, %parallel_loop3A_899 : vector<32xbf16>
        %parallel_loop3A_901 = arith.mulf %pack3A_43, %parallel_loop3A_733 : vector<32xbf16>
        %parallel_loop3A_902 = arith.addf %parallel_loop3A_900, %parallel_loop3A_901 : vector<32xbf16>
        %parallel_loop3A_903 = arith.cmpf oeq, %parallel_loop3A_678, %broadcast_in_dim3A_45 : vector<32xbf16>
        %parallel_loop3A_904 = arith.select %parallel_loop3A_903, %broadcast_in_dim3A_45, %parallel_loop3A_902 : vector<32xi1>, vector<32xbf16>
        %parallel_loop3A_905 = tpu.unpack_subelements %parallel_loop3A_904, 0 {pack_format = #tpu.pack_format<interleaved>} : vector<32xbf16> -> vector<16xf32>
        %parallel_loop3A_906 = tpu.unpack_subelements %parallel_loop3A_904, 1 {pack_format = #tpu.pack_format<interleaved>} : vector<32xbf16> -> vector<16xf32>
        %parallel_loop3A_907 = arith.constant 4096 : i32
        %parallel_loop3A_908 = arith.addi %parallel_loop3A_907, %parallel_loop3A_623 : i32
        %parallel_loop3A_909 = arith.index_cast %parallel_loop3A_908 : i32 to index
        %parallel_loop3A_910 = tpu.vector_load %arg8[%parallel_loop3A_909] {strides = array<i32>} : memref<16384xf32, #tpu.memory_space<vmem>>, vector<16xf32>,
        tpu.vector_store %arg8[%parallel_loop3A_909], %parallel_loop3A_905 {strides = array<i32>} : memref<16384xf32, #tpu.memory_space<vmem>>, vector<16xf32>,
        %parallel_loop3A_911 = arith.constant 4096 : i32
        %parallel_loop3A_912 = arith.addi %parallel_loop3A_911, %parallel_loop3A_623 : i32
        %parallel_loop3A_913 = arith.constant 16 : i32
        %parallel_loop3A_914 = arith.addi %parallel_loop3A_912, %parallel_loop3A_913 : i32
        %parallel_loop3A_915 = arith.index_cast %parallel_loop3A_914 : i32 to index
        %parallel_loop3A_916 = tpu.vector_load %arg8[%parallel_loop3A_915] {strides = array<i32>} : memref<16384xf32, #tpu.memory_space<vmem>>, vector<16xf32>,
        tpu.vector_store %arg8[%parallel_loop3A_915], %parallel_loop3A_906 {strides = array<i32>} : memref<16384xf32, #tpu.memory_space<vmem>>, vector<16xf32>,
        %parallel_loop3A_917 = arith.mulf %pack3A, %parallel_loop3A_634 : vector<32xbf16>
        %parallel_loop3A_918 = arith.mulf %pack3A_36, %parallel_loop3A_645 : vector<32xbf16>
        %parallel_loop3A_919 = arith.addf %parallel_loop3A_917, %parallel_loop3A_918 : vector<32xbf16>
        %parallel_loop3A_920 = arith.mulf %pack3A_37, %parallel_loop3A_656 : vector<32xbf16>
        %parallel_loop3A_921 = arith.addf %parallel_loop3A_919, %parallel_loop3A_920 : vector<32xbf16>
        %parallel_loop3A_922 = arith.mulf %pack3A_38, %parallel_loop3A_678 : vector<32xbf16>
        %parallel_loop3A_923 = arith.addf %parallel_loop3A_921, %parallel_loop3A_922 : vector<32xbf16>
        %parallel_loop3A_924 = arith.mulf %pack3A_39, %parallel_loop3A_689 : vector<32xbf16>
        %parallel_loop3A_925 = arith.addf %parallel_loop3A_923, %parallel_loop3A_924 : vector<32xbf16>
        %parallel_loop3A_926 = arith.mulf %pack3A_40, %parallel_loop3A_700 : vector<32xbf16>
        %parallel_loop3A_927 = arith.addf %parallel_loop3A_925, %parallel_loop3A_926 : vector<32xbf16>
        %parallel_loop3A_928 = arith.mulf %pack3A_41, %parallel_loop3A_722 : vector<32xbf16>
        %parallel_loop3A_929 = arith.addf %parallel_loop3A_927, %parallel_loop3A_928 : vector<32xbf16>
        %parallel_loop3A_930 = arith.mulf %pack3A_42, %parallel_loop3A_733 : vector<32xbf16>
        %parallel_loop3A_931 = arith.addf %parallel_loop3A_929, %parallel_loop3A_930 : vector<32xbf16>
        %parallel_loop3A_932 = arith.mulf %pack3A_43, %parallel_loop3A_744 : vector<32xbf16>
        %parallel_loop3A_933 = arith.addf %parallel_loop3A_931, %parallel_loop3A_932 : vector<32xbf16>
        %parallel_loop3A_934 = arith.cmpf oeq, %parallel_loop3A_689, %broadcast_in_dim3A_45 : vector<32xbf16>
        %parallel_loop3A_935 = arith.select %parallel_loop3A_934, %broadcast_in_dim3A_45, %parallel_loop3A_933 : vector<32xi1>, vector<32xbf16>
        %parallel_loop3A_936 = tpu.unpack_subelements %parallel_loop3A_935, 0 {pack_format = #tpu.pack_format<interleaved>} : vector<32xbf16> -> vector<16xf32>
        %parallel_loop3A_937 = tpu.unpack_subelements %parallel_loop3A_935, 1 {pack_format = #tpu.pack_format<interleaved>} : vector<32xbf16> -> vector<16xf32>
        %parallel_loop3A_938 = arith.constant 5120 : i32
        %parallel_loop3A_939 = arith.addi %parallel_loop3A_938, %parallel_loop3A_623 : i32
        %parallel_loop3A_940 = arith.index_cast %parallel_loop3A_939 : i32 to index
        %parallel_loop3A_941 = tpu.vector_load %arg8[%parallel_loop3A_940] {strides = array<i32>} : memref<16384xf32, #tpu.memory_space<vmem>>, vector<16xf32>,
        tpu.vector_store %arg8[%parallel_loop3A_940], %parallel_loop3A_936 {strides = array<i32>} : memref<16384xf32, #tpu.memory_space<vmem>>, vector<16xf32>,
        %parallel_loop3A_942 = arith.constant 5120 : i32
        %parallel_loop3A_943 = arith.addi %parallel_loop3A_942, %parallel_loop3A_623 : i32
        %parallel_loop3A_944 = arith.constant 16 : i32
        %parallel_loop3A_945 = arith.addi %parallel_loop3A_943, %parallel_loop3A_944 : i32
        %parallel_loop3A_946 = arith.index_cast %parallel_loop3A_945 : i32 to index
        %parallel_loop3A_947 = tpu.vector_load %arg8[%parallel_loop3A_946] {strides = array<i32>} : memref<16384xf32, #tpu.memory_space<vmem>>, vector<16xf32>,
        tpu.vector_store %arg8[%parallel_loop3A_946], %parallel_loop3A_937 {strides = array<i32>} : memref<16384xf32, #tpu.memory_space<vmem>>, vector<16xf32>,
        %parallel_loop3A_948 = arith.mulf %pack3A, %parallel_loop3A_645 : vector<32xbf16>
        %parallel_loop3A_949 = arith.mulf %pack3A_36, %parallel_loop3A_656 : vector<32xbf16>
        %parallel_loop3A_950 = arith.addf %parallel_loop3A_948, %parallel_loop3A_949 : vector<32xbf16>
        %parallel_loop3A_951 = arith.mulf %pack3A_37, %parallel_loop3A_667 : vector<32xbf16>
        %parallel_loop3A_952 = arith.addf %parallel_loop3A_950, %parallel_loop3A_951 : vector<32xbf16>
        %parallel_loop3A_953 = arith.mulf %pack3A_38, %parallel_loop3A_689 : vector<32xbf16>
        %parallel_loop3A_954 = arith.addf %parallel_loop3A_952, %parallel_loop3A_953 : vector<32xbf16>
        %parallel_loop3A_955 = arith.mulf %pack3A_39, %parallel_loop3A_700 : vector<32xbf16>
        %parallel_loop3A_956 = arith.addf %parallel_loop3A_954, %parallel_loop3A_955 : vector<32xbf16>
        %parallel_loop3A_957 = arith.mulf %pack3A_40, %parallel_loop3A_711 : vector<32xbf16>
        %parallel_loop3A_958 = arith.addf %parallel_loop3A_956, %parallel_loop3A_957 : vector<32xbf16>
        %parallel_loop3A_959 = arith.mulf %pack3A_41, %parallel_loop3A_733 : vector<32xbf16>
        %parallel_loop3A_960 = arith.addf %parallel_loop3A_958, %parallel_loop3A_959 : vector<32xbf16>
        %parallel_loop3A_961 = arith.mulf %pack3A_42, %parallel_loop3A_744 : vector<32xbf16>
        %parallel_loop3A_962 = arith.addf %parallel_loop3A_960, %parallel_loop3A_961 : vector<32xbf16>
        %parallel_loop3A_963 = arith.mulf %pack3A_43, %parallel_loop3A_755 : vector<32xbf16>
        %parallel_loop3A_964 = arith.addf %parallel_loop3A_962, %parallel_loop3A_963 : vector<32xbf16>
        %parallel_loop3A_965 = arith.cmpf oeq, %parallel_loop3A_700, %broadcast_in_dim3A_45 : vector<32xbf16>
        %parallel_loop3A_966 = arith.select %parallel_loop3A_965, %broadcast_in_dim3A_45, %parallel_loop3A_964 : vector<32xi1>, vector<32xbf16>
        %parallel_loop3A_967 = tpu.unpack_subelements %parallel_loop3A_966, 0 {pack_format = #tpu.pack_format<interleaved>} : vector<32xbf16> -> vector<16xf32>
        %parallel_loop3A_968 = tpu.unpack_subelements %parallel_loop3A_966, 1 {pack_format = #tpu.pack_format<interleaved>} : vector<32xbf16> -> vector<16xf32>
        %parallel_loop3A_969 = arith.constant 6144 : i32
        %parallel_loop3A_970 = arith.addi %parallel_loop3A_969, %parallel_loop3A_623 : i32
        %parallel_loop3A_971 = arith.index_cast %parallel_loop3A_970 : i32 to index
        %parallel_loop3A_972 = tpu.vector_load %arg8[%parallel_loop3A_971] {strides = array<i32>} : memref<16384xf32, #tpu.memory_space<vmem>>, vector<16xf32>,
        tpu.vector_store %arg8[%parallel_loop3A_971], %parallel_loop3A_967 {strides = array<i32>} : memref<16384xf32, #tpu.memory_space<vmem>>, vector<16xf32>,
        %parallel_loop3A_973 = arith.constant 6144 : i32
        %parallel_loop3A_974 = arith.addi %parallel_loop3A_973, %parallel_loop3A_623 : i32
        %parallel_loop3A_975 = arith.constant 16 : i32
        %parallel_loop3A_976 = arith.addi %parallel_loop3A_974, %parallel_loop3A_975 : i32
        %parallel_loop3A_977 = arith.index_cast %parallel_loop3A_976 : i32 to index
        %parallel_loop3A_978 = tpu.vector_load %arg8[%parallel_loop3A_977] {strides = array<i32>} : memref<16384xf32, #tpu.memory_space<vmem>>, vector<16xf32>,
        tpu.vector_store %arg8[%parallel_loop3A_977], %parallel_loop3A_968 {strides = array<i32>} : memref<16384xf32, #tpu.memory_space<vmem>>, vector<16xf32>,
        %parallel_loop3A_979 = arith.mulf %pack3A, %parallel_loop3A_656 : vector<32xbf16>
        %parallel_loop3A_980 = arith.mulf %pack3A_36, %parallel_loop3A_667 : vector<32xbf16>
        %parallel_loop3A_981 = arith.addf %parallel_loop3A_979, %parallel_loop3A_980 : vector<32xbf16>
        %parallel_loop3A_982 = arith.mulf %pack3A_38, %parallel_loop3A_700 : vector<32xbf16>
        %parallel_loop3A_983 = arith.addf %parallel_loop3A_981, %parallel_loop3A_982 : vector<32xbf16>
        %parallel_loop3A_984 = arith.mulf %pack3A_39, %parallel_loop3A_711 : vector<32xbf16>
        %parallel_loop3A_985 = arith.addf %parallel_loop3A_983, %parallel_loop3A_984 : vector<32xbf16>
        %parallel_loop3A_986 = arith.mulf %pack3A_41, %parallel_loop3A_744 : vector<32xbf16>
        %parallel_loop3A_987 = arith.addf %parallel_loop3A_985, %parallel_loop3A_986 : vector<32xbf16>
        %parallel_loop3A_988 = arith.mulf %pack3A_42, %parallel_loop3A_755 : vector<32xbf16>
        %parallel_loop3A_989 = arith.addf %parallel_loop3A_987, %parallel_loop3A_988 : vector<32xbf16>
        %parallel_loop3A_990 = arith.cmpf oeq, %parallel_loop3A_711, %broadcast_in_dim3A_45 : vector<32xbf16>
        %parallel_loop3A_991 = arith.select %parallel_loop3A_990, %broadcast_in_dim3A_45, %parallel_loop3A_989 : vector<32xi1>, vector<32xbf16>
        %parallel_loop3A_992 = tpu.unpack_subelements %parallel_loop3A_991, 0 {pack_format = #tpu.pack_format<interleaved>} : vector<32xbf16> -> vector<16xf32>
        %parallel_loop3A_993 = tpu.unpack_subelements %parallel_loop3A_991, 1 {pack_format = #tpu.pack_format<interleaved>} : vector<32xbf16> -> vector<16xf32>
        %parallel_loop3A_994 = arith.constant 7168 : i32
        %parallel_loop3A_995 = arith.addi %parallel_loop3A_994, %parallel_loop3A_623 : i32
        %parallel_loop3A_996 = arith.index_cast %parallel_loop3A_995 : i32 to index
        %parallel_loop3A_997 = tpu.vector_load %arg8[%parallel_loop3A_996] {strides = array<i32>} : memref<16384xf32, #tpu.memory_space<vmem>>, vector<16xf32>,
        tpu.vector_store %arg8[%parallel_loop3A_996], %parallel_loop3A_992 {strides = array<i32>} : memref<16384xf32, #tpu.memory_space<vmem>>, vector<16xf32>,
        %parallel_loop3A_998 = arith.constant 7168 : i32
        %parallel_loop3A_999 = arith.addi %parallel_loop3A_998, %parallel_loop3A_623 : i32
        %parallel_loop3A_1000 = arith.constant 16 : i32
        %parallel_loop3A_1001 = arith.addi %parallel_loop3A_999, %parallel_loop3A_1000 : i32
        %parallel_loop3A_1002 = arith.index_cast %parallel_loop3A_1001 : i32 to index
        %parallel_loop3A_1003 = tpu.vector_load %arg8[%parallel_loop3A_1002] {strides = array<i32>} : memref<16384xf32, #tpu.memory_space<vmem>>, vector<16xf32>,
        tpu.vector_store %arg8[%parallel_loop3A_1002], %parallel_loop3A_993 {strides = array<i32>} : memref<16384xf32, #tpu.memory_space<vmem>>, vector<16xf32>,
        %parallel_loop3A_1004 = arith.mulf %pack3A_36, %parallel_loop3A_678 : vector<32xbf16>
        %parallel_loop3A_1005 = arith.mulf %pack3A_37, %parallel_loop3A_689 : vector<32xbf16>
        %parallel_loop3A_1006 = arith.addf %parallel_loop3A_1004, %parallel_loop3A_1005 : vector<32xbf16>
        %parallel_loop3A_1007 = arith.mulf %pack3A_39, %parallel_loop3A_722 : vector<32xbf16>
        %parallel_loop3A_1008 = arith.addf %parallel_loop3A_1006, %parallel_loop3A_1007 : vector<32xbf16>
        %parallel_loop3A_1009 = arith.mulf %pack3A_40, %parallel_loop3A_733 : vector<32xbf16>
        %parallel_loop3A_1010 = arith.addf %parallel_loop3A_1008, %parallel_loop3A_1009 : vector<32xbf16>
        %parallel_loop3A_1011 = arith.mulf %pack3A_42, %parallel_loop3A_766 : vector<32xbf16>
        %parallel_loop3A_1012 = arith.addf %parallel_loop3A_1010, %parallel_loop3A_1011 : vector<32xbf16>
        %parallel_loop3A_1013 = arith.mulf %pack3A_43, %parallel_loop3A_777 : vector<32xbf16>
        %parallel_loop3A_1014 = arith.addf %parallel_loop3A_1012, %parallel_loop3A_1013 : vector<32xbf16>
        %parallel_loop3A_1015 = arith.cmpf oeq, %parallel_loop3A_722, %broadcast_in_dim3A_45 : vector<32xbf16>
        %parallel_loop3A_1016 = arith.select %parallel_loop3A_1015, %broadcast_in_dim3A_45, %parallel_loop3A_1014 : vector<32xi1>, vector<32xbf16>
        %parallel_loop3A_1017 = tpu.unpack_subelements %parallel_loop3A_1016, 0 {pack_format = #tpu.pack_format<interleaved>} : vector<32xbf16> -> vector<16xf32>
        %parallel_loop3A_1018 = tpu.unpack_subelements %parallel_loop3A_1016, 1 {pack_format = #tpu.pack_format<interleaved>} : vector<32xbf16> -> vector<16xf32>
        %parallel_loop3A_1019 = arith.constant 8192 : i32
        %parallel_loop3A_1020 = arith.addi %parallel_loop3A_1019, %parallel_loop3A_623 : i32
        %parallel_loop3A_1021 = arith.index_cast %parallel_loop3A_1020 : i32 to index
        %parallel_loop3A_1022 = tpu.vector_load %arg8[%parallel_loop3A_1021] {strides = array<i32>} : memref<16384xf32, #tpu.memory_space<vmem>>, vector<16xf32>,
        tpu.vector_store %arg8[%parallel_loop3A_1021], %parallel_loop3A_1017 {strides = array<i32>} : memref<16384xf32, #tpu.memory_space<vmem>>, vector<16xf32>,
        %parallel_loop3A_1023 = arith.constant 8192 : i32
        %parallel_loop3A_1024 = arith.addi %parallel_loop3A_1023, %parallel_loop3A_623 : i32
        %parallel_loop3A_1025 = arith.constant 16 : i32
        %parallel_loop3A_1026 = arith.addi %parallel_loop3A_1024, %parallel_loop3A_1025 : i32
        %parallel_loop3A_1027 = arith.index_cast %parallel_loop3A_1026 : i32 to index
        %parallel_loop3A_1028 = tpu.vector_load %arg8[%parallel_loop3A_1027] {strides = array<i32>} : memref<16384xf32, #tpu.memory_space<vmem>>, vector<16xf32>,
        tpu.vector_store %arg8[%parallel_loop3A_1027], %parallel_loop3A_1018 {strides = array<i32>} : memref<16384xf32, #tpu.memory_space<vmem>>, vector<16xf32>,
        %parallel_loop3A_1029 = arith.mulf %pack3A, %parallel_loop3A_678 : vector<32xbf16>
        %parallel_loop3A_1030 = arith.mulf %pack3A_36, %parallel_loop3A_689 : vector<32xbf16>
        %parallel_loop3A_1031 = arith.addf %parallel_loop3A_1029, %parallel_loop3A_1030 : vector<32xbf16>
        %parallel_loop3A_1032 = arith.mulf %pack3A_37, %parallel_loop3A_700 : vector<32xbf16>
        %parallel_loop3A_1033 = arith.addf %parallel_loop3A_1031, %parallel_loop3A_1032 : vector<32xbf16>
        %parallel_loop3A_1034 = arith.mulf %pack3A_38, %parallel_loop3A_722 : vector<32xbf16>
        %parallel_loop3A_1035 = arith.addf %parallel_loop3A_1033, %parallel_loop3A_1034 : vector<32xbf16>
        %parallel_loop3A_1036 = arith.mulf %pack3A_39, %parallel_loop3A_733 : vector<32xbf16>
        %parallel_loop3A_1037 = arith.addf %parallel_loop3A_1035, %parallel_loop3A_1036 : vector<32xbf16>
        %parallel_loop3A_1038 = arith.mulf %pack3A_40, %parallel_loop3A_744 : vector<32xbf16>
        %parallel_loop3A_1039 = arith.addf %parallel_loop3A_1037, %parallel_loop3A_1038 : vector<32xbf16>
        %parallel_loop3A_1040 = arith.mulf %pack3A_41, %parallel_loop3A_766 : vector<32xbf16>
        %parallel_loop3A_1041 = arith.addf %parallel_loop3A_1039, %parallel_loop3A_1040 : vector<32xbf16>
        %parallel_loop3A_1042 = arith.mulf %pack3A_42, %parallel_loop3A_777 : vector<32xbf16>
        %parallel_loop3A_1043 = arith.addf %parallel_loop3A_1041, %parallel_loop3A_1042 : vector<32xbf16>
        %parallel_loop3A_1044 = arith.mulf %pack3A_43, %parallel_loop3A_788 : vector<32xbf16>
        %parallel_loop3A_1045 = arith.addf %parallel_loop3A_1043, %parallel_loop3A_1044 : vector<32xbf16>
        %parallel_loop3A_1046 = arith.cmpf oeq, %parallel_loop3A_733, %broadcast_in_dim3A_45 : vector<32xbf16>
        %parallel_loop3A_1047 = arith.select %parallel_loop3A_1046, %broadcast_in_dim3A_45, %parallel_loop3A_1045 : vector<32xi1>, vector<32xbf16>
        %parallel_loop3A_1048 = tpu.unpack_subelements %parallel_loop3A_1047, 0 {pack_format = #tpu.pack_format<interleaved>} : vector<32xbf16> -> vector<16xf32>
        %parallel_loop3A_1049 = tpu.unpack_subelements %parallel_loop3A_1047, 1 {pack_format = #tpu.pack_format<interleaved>} : vector<32xbf16> -> vector<16xf32>
        %parallel_loop3A_1050 = arith.constant 9216 : i32
        %parallel_loop3A_1051 = arith.addi %parallel_loop3A_1050, %parallel_loop3A_623 : i32
        %parallel_loop3A_1052 = arith.index_cast %parallel_loop3A_1051 : i32 to index
        %parallel_loop3A_1053 = tpu.vector_load %arg8[%parallel_loop3A_1052] {strides = array<i32>} : memref<16384xf32, #tpu.memory_space<vmem>>, vector<16xf32>,
        tpu.vector_store %arg8[%parallel_loop3A_1052], %parallel_loop3A_1048 {strides = array<i32>} : memref<16384xf32, #tpu.memory_space<vmem>>, vector<16xf32>,
        %parallel_loop3A_1054 = arith.constant 9216 : i32
        %parallel_loop3A_1055 = arith.addi %parallel_loop3A_1054, %parallel_loop3A_623 : i32
        %parallel_loop3A_1056 = arith.constant 16 : i32
        %parallel_loop3A_1057 = arith.addi %parallel_loop3A_1055, %parallel_loop3A_1056 : i32
        %parallel_loop3A_1058 = arith.index_cast %parallel_loop3A_1057 : i32 to index
        %parallel_loop3A_1059 = tpu.vector_load %arg8[%parallel_loop3A_1058] {strides = array<i32>} : memref<16384xf32, #tpu.memory_space<vmem>>, vector<16xf32>,
        tpu.vector_store %arg8[%parallel_loop3A_1058], %parallel_loop3A_1049 {strides = array<i32>} : memref<16384xf32, #tpu.memory_space<vmem>>, vector<16xf32>,
        %parallel_loop3A_1060 = arith.mulf %pack3A, %parallel_loop3A_689 : vector<32xbf16>
        %parallel_loop3A_1061 = arith.mulf %pack3A_36, %parallel_loop3A_700 : vector<32xbf16>
        %parallel_loop3A_1062 = arith.addf %parallel_loop3A_1060, %parallel_loop3A_1061 : vector<32xbf16>
        %parallel_loop3A_1063 = arith.mulf %pack3A_37, %parallel_loop3A_711 : vector<32xbf16>
        %parallel_loop3A_1064 = arith.addf %parallel_loop3A_1062, %parallel_loop3A_1063 : vector<32xbf16>
        %parallel_loop3A_1065 = arith.mulf %pack3A_38, %parallel_loop3A_733 : vector<32xbf16>
        %parallel_loop3A_1066 = arith.addf %parallel_loop3A_1064, %parallel_loop3A_1065 : vector<32xbf16>
        %parallel_loop3A_1067 = arith.mulf %pack3A_39, %parallel_loop3A_744 : vector<32xbf16>
        %parallel_loop3A_1068 = arith.addf %parallel_loop3A_1066, %parallel_loop3A_1067 : vector<32xbf16>
        %parallel_loop3A_1069 = arith.mulf %pack3A_40, %parallel_loop3A_755 : vector<32xbf16>
        %parallel_loop3A_1070 = arith.addf %parallel_loop3A_1068, %parallel_loop3A_1069 : vector<32xbf16>
        %parallel_loop3A_1071 = arith.mulf %pack3A_41, %parallel_loop3A_777 : vector<32xbf16>
        %parallel_loop3A_1072 = arith.addf %parallel_loop3A_1070, %parallel_loop3A_1071 : vector<32xbf16>
        %parallel_loop3A_1073 = arith.mulf %pack3A_42, %parallel_loop3A_788 : vector<32xbf16>
        %parallel_loop3A_1074 = arith.addf %parallel_loop3A_1072, %parallel_loop3A_1073 : vector<32xbf16>
        %parallel_loop3A_1075 = arith.mulf %pack3A_43, %parallel_loop3A_799 : vector<32xbf16>
        %parallel_loop3A_1076 = arith.addf %parallel_loop3A_1074, %parallel_loop3A_1075 : vector<32xbf16>
        %parallel_loop3A_1077 = arith.cmpf oeq, %parallel_loop3A_744, %broadcast_in_dim3A_45 : vector<32xbf16>
        %parallel_loop3A_1078 = arith.select %parallel_loop3A_1077, %broadcast_in_dim3A_45, %parallel_loop3A_1076 : vector<32xi1>, vector<32xbf16>
        %parallel_loop3A_1079 = tpu.unpack_subelements %parallel_loop3A_1078, 0 {pack_format = #tpu.pack_format<interleaved>} : vector<32xbf16> -> vector<16xf32>
        %parallel_loop3A_1080 = tpu.unpack_subelements %parallel_loop3A_1078, 1 {pack_format = #tpu.pack_format<interleaved>} : vector<32xbf16> -> vector<16xf32>
        %parallel_loop3A_1081 = arith.constant 10240 : i32
        %parallel_loop3A_1082 = arith.addi %parallel_loop3A_1081, %parallel_loop3A_623 : i32
        %parallel_loop3A_1083 = arith.index_cast %parallel_loop3A_1082 : i32 to index
        %parallel_loop3A_1084 = tpu.vector_load %arg8[%parallel_loop3A_1083] {strides = array<i32>} : memref<16384xf32, #tpu.memory_space<vmem>>, vector<16xf32>,
        tpu.vector_store %arg8[%parallel_loop3A_1083], %parallel_loop3A_1079 {strides = array<i32>} : memref<16384xf32, #tpu.memory_space<vmem>>, vector<16xf32>,
        %parallel_loop3A_1085 = arith.constant 10240 : i32
        %parallel_loop3A_1086 = arith.addi %parallel_loop3A_1085, %parallel_loop3A_623 : i32
        %parallel_loop3A_1087 = arith.constant 16 : i32
        %parallel_loop3A_1088 = arith.addi %parallel_loop3A_1086, %parallel_loop3A_1087 : i32
        %parallel_loop3A_1089 = arith.index_cast %parallel_loop3A_1088 : i32 to index
        %parallel_loop3A_1090 = tpu.vector_load %arg8[%parallel_loop3A_1089] {strides = array<i32>} : memref<16384xf32, #tpu.memory_space<vmem>>, vector<16xf32>,
        tpu.vector_store %arg8[%parallel_loop3A_1089], %parallel_loop3A_1080 {strides = array<i32>} : memref<16384xf32, #tpu.memory_space<vmem>>, vector<16xf32>,
        %parallel_loop3A_1091 = arith.mulf %pack3A, %parallel_loop3A_700 : vector<32xbf16>
        %parallel_loop3A_1092 = arith.mulf %pack3A_36, %parallel_loop3A_711 : vector<32xbf16>
        %parallel_loop3A_1093 = arith.addf %parallel_loop3A_1091, %parallel_loop3A_1092 : vector<32xbf16>
        %parallel_loop3A_1094 = arith.mulf %pack3A_38, %parallel_loop3A_744 : vector<32xbf16>
        %parallel_loop3A_1095 = arith.addf %parallel_loop3A_1093, %parallel_loop3A_1094 : vector<32xbf16>
        %parallel_loop3A_1096 = arith.mulf %pack3A_39, %parallel_loop3A_755 : vector<32xbf16>
        %parallel_loop3A_1097 = arith.addf %parallel_loop3A_1095, %parallel_loop3A_1096 : vector<32xbf16>
        %parallel_loop3A_1098 = arith.mulf %pack3A_41, %parallel_loop3A_788 : vector<32xbf16>
        %parallel_loop3A_1099 = arith.addf %parallel_loop3A_1097, %parallel_loop3A_1098 : vector<32xbf16>
        %parallel_loop3A_1100 = arith.mulf %pack3A_42, %parallel_loop3A_799 : vector<32xbf16>
        %parallel_loop3A_1101 = arith.addf %parallel_loop3A_1099, %parallel_loop3A_1100 : vector<32xbf16>
        %parallel_loop3A_1102 = arith.cmpf oeq, %parallel_loop3A_755, %broadcast_in_dim3A_45 : vector<32xbf16>
        %parallel_loop3A_1103 = arith.select %parallel_loop3A_1102, %broadcast_in_dim3A_45, %parallel_loop3A_1101 : vector<32xi1>, vector<32xbf16>
        %parallel_loop3A_1104 = tpu.unpack_subelements %parallel_loop3A_1103, 0 {pack_format = #tpu.pack_format<interleaved>} : vector<32xbf16> -> vector<16xf32>
        %parallel_loop3A_1105 = tpu.unpack_subelements %parallel_loop3A_1103, 1 {pack_format = #tpu.pack_format<interleaved>} : vector<32xbf16> -> vector<16xf32>
        %parallel_loop3A_1106 = arith.constant 11264 : i32
        %parallel_loop3A_1107 = arith.addi %parallel_loop3A_1106, %parallel_loop3A_623 : i32
        %parallel_loop3A_1108 = arith.index_cast %parallel_loop3A_1107 : i32 to index
        %parallel_loop3A_1109 = tpu.vector_load %arg8[%parallel_loop3A_1108] {strides = array<i32>} : memref<16384xf32, #tpu.memory_space<vmem>>, vector<16xf32>,
        tpu.vector_store %arg8[%parallel_loop3A_1108], %parallel_loop3A_1104 {strides = array<i32>} : memref<16384xf32, #tpu.memory_space<vmem>>, vector<16xf32>,
        %parallel_loop3A_1110 = arith.constant 11264 : i32
        %parallel_loop3A_1111 = arith.addi %parallel_loop3A_1110, %parallel_loop3A_623 : i32
        %parallel_loop3A_1112 = arith.constant 16 : i32
        %parallel_loop3A_1113 = arith.addi %parallel_loop3A_1111, %parallel_loop3A_1112 : i32
        %parallel_loop3A_1114 = arith.index_cast %parallel_loop3A_1113 : i32 to index
        %parallel_loop3A_1115 = tpu.vector_load %arg8[%parallel_loop3A_1114] {strides = array<i32>} : memref<16384xf32, #tpu.memory_space<vmem>>, vector<16xf32>,
        tpu.vector_store %arg8[%parallel_loop3A_1114], %parallel_loop3A_1105 {strides = array<i32>} : memref<16384xf32, #tpu.memory_space<vmem>>, vector<16xf32>,
        %parallel_loop3A_1116 = arith.mulf %pack3A_36, %parallel_loop3A_722 : vector<32xbf16>
        %parallel_loop3A_1117 = arith.mulf %pack3A_37, %parallel_loop3A_733 : vector<32xbf16>
        %parallel_loop3A_1118 = arith.addf %parallel_loop3A_1116, %parallel_loop3A_1117 : vector<32xbf16>
        %parallel_loop3A_1119 = arith.mulf %pack3A_39, %parallel_loop3A_766 : vector<32xbf16>
        %parallel_loop3A_1120 = arith.addf %parallel_loop3A_1118, %parallel_loop3A_1119 : vector<32xbf16>
        %parallel_loop3A_1121 = arith.mulf %pack3A_40, %parallel_loop3A_777 : vector<32xbf16>
        %parallel_loop3A_1122 = arith.addf %parallel_loop3A_1120, %parallel_loop3A_1121 : vector<32xbf16>
        %parallel_loop3A_1123 = arith.cmpf oeq, %parallel_loop3A_766, %broadcast_in_dim3A_45 : vector<32xbf16>
        %parallel_loop3A_1124 = arith.select %parallel_loop3A_1123, %broadcast_in_dim3A_45, %parallel_loop3A_1122 : vector<32xi1>, vector<32xbf16>
        %parallel_loop3A_1125 = tpu.unpack_subelements %parallel_loop3A_1124, 0 {pack_format = #tpu.pack_format<interleaved>} : vector<32xbf16> -> vector<16xf32>
        %parallel_loop3A_1126 = tpu.unpack_subelements %parallel_loop3A_1124, 1 {pack_format = #tpu.pack_format<interleaved>} : vector<32xbf16> -> vector<16xf32>
        %parallel_loop3A_1127 = arith.constant 12288 : i32
        %parallel_loop3A_1128 = arith.addi %parallel_loop3A_1127, %parallel_loop3A_623 : i32
        %parallel_loop3A_1129 = arith.index_cast %parallel_loop3A_1128 : i32 to index
        %parallel_loop3A_1130 = tpu.vector_load %arg8[%parallel_loop3A_1129] {strides = array<i32>} : memref<16384xf32, #tpu.memory_space<vmem>>, vector<16xf32>,
        tpu.vector_store %arg8[%parallel_loop3A_1129], %parallel_loop3A_1125 {strides = array<i32>} : memref<16384xf32, #tpu.memory_space<vmem>>, vector<16xf32>,
        %parallel_loop3A_1131 = arith.constant 12288 : i32
        %parallel_loop3A_1132 = arith.addi %parallel_loop3A_1131, %parallel_loop3A_623 : i32
        %parallel_loop3A_1133 = arith.constant 16 : i32
        %parallel_loop3A_1134 = arith.addi %parallel_loop3A_1132, %parallel_loop3A_1133 : i32
        %parallel_loop3A_1135 = arith.index_cast %parallel_loop3A_1134 : i32 to index
        %parallel_loop3A_1136 = tpu.vector_load %arg8[%parallel_loop3A_1135] {strides = array<i32>} : memref<16384xf32, #tpu.memory_space<vmem>>, vector<16xf32>,
        tpu.vector_store %arg8[%parallel_loop3A_1135], %parallel_loop3A_1126 {strides = array<i32>} : memref<16384xf32, #tpu.memory_space<vmem>>, vector<16xf32>,
        %parallel_loop3A_1137 = arith.mulf %pack3A, %parallel_loop3A_722 : vector<32xbf16>
        %parallel_loop3A_1138 = arith.mulf %pack3A_36, %parallel_loop3A_733 : vector<32xbf16>
        %parallel_loop3A_1139 = arith.addf %parallel_loop3A_1137, %parallel_loop3A_1138 : vector<32xbf16>
        %parallel_loop3A_1140 = arith.mulf %pack3A_37, %parallel_loop3A_744 : vector<32xbf16>
        %parallel_loop3A_1141 = arith.addf %parallel_loop3A_1139, %parallel_loop3A_1140 : vector<32xbf16>
        %parallel_loop3A_1142 = arith.mulf %pack3A_38, %parallel_loop3A_766 : vector<32xbf16>
        %parallel_loop3A_1143 = arith.addf %parallel_loop3A_1141, %parallel_loop3A_1142 : vector<32xbf16>
        %parallel_loop3A_1144 = arith.mulf %pack3A_39, %parallel_loop3A_777 : vector<32xbf16>
        %parallel_loop3A_1145 = arith.addf %parallel_loop3A_1143, %parallel_loop3A_1144 : vector<32xbf16>
        %parallel_loop3A_1146 = arith.mulf %pack3A_40, %parallel_loop3A_788 : vector<32xbf16>
        %parallel_loop3A_1147 = arith.addf %parallel_loop3A_1145, %parallel_loop3A_1146 : vector<32xbf16>
        %parallel_loop3A_1148 = arith.cmpf oeq, %parallel_loop3A_777, %broadcast_in_dim3A_45 : vector<32xbf16>
        %parallel_loop3A_1149 = arith.select %parallel_loop3A_1148, %broadcast_in_dim3A_45, %parallel_loop3A_1147 : vector<32xi1>, vector<32xbf16>
        %parallel_loop3A_1150 = tpu.unpack_subelements %parallel_loop3A_1149, 0 {pack_format = #tpu.pack_format<interleaved>} : vector<32xbf16> -> vector<16xf32>
        %parallel_loop3A_1151 = tpu.unpack_subelements %parallel_loop3A_1149, 1 {pack_format = #tpu.pack_format<interleaved>} : vector<32xbf16> -> vector<16xf32>
        %parallel_loop3A_1152 = arith.constant 13312 : i32
        %parallel_loop3A_1153 = arith.addi %parallel_loop3A_1152, %parallel_loop3A_623 : i32
        %parallel_loop3A_1154 = arith.index_cast %parallel_loop3A_1153 : i32 to index
        %parallel_loop3A_1155 = tpu.vector_load %arg8[%parallel_loop3A_1154] {strides = array<i32>} : memref<16384xf32, #tpu.memory_space<vmem>>, vector<16xf32>,
        tpu.vector_store %arg8[%parallel_loop3A_1154], %parallel_loop3A_1150 {strides = array<i32>} : memref<16384xf32, #tpu.memory_space<vmem>>, vector<16xf32>,
        %parallel_loop3A_1156 = arith.constant 13312 : i32
        %parallel_loop3A_1157 = arith.addi %parallel_loop3A_1156, %parallel_loop3A_623 : i32
        %parallel_loop3A_1158 = arith.constant 16 : i32
        %parallel_loop3A_1159 = arith.addi %parallel_loop3A_1157, %parallel_loop3A_1158 : i32
        %parallel_loop3A_1160 = arith.index_cast %parallel_loop3A_1159 : i32 to index
        %parallel_loop3A_1161 = tpu.vector_load %arg8[%parallel_loop3A_1160] {strides = array<i32>} : memref<16384xf32, #tpu.memory_space<vmem>>, vector<16xf32>,
        tpu.vector_store %arg8[%parallel_loop3A_1160], %parallel_loop3A_1151 {strides = array<i32>} : memref<16384xf32, #tpu.memory_space<vmem>>, vector<16xf32>,
        %parallel_loop3A_1162 = arith.mulf %pack3A, %parallel_loop3A_733 : vector<32xbf16>
        %parallel_loop3A_1163 = arith.mulf %pack3A_36, %parallel_loop3A_744 : vector<32xbf16>
        %parallel_loop3A_1164 = arith.addf %parallel_loop3A_1162, %parallel_loop3A_1163 : vector<32xbf16>
        %parallel_loop3A_1165 = arith.mulf %pack3A_37, %parallel_loop3A_755 : vector<32xbf16>
        %parallel_loop3A_1166 = arith.addf %parallel_loop3A_1164, %parallel_loop3A_1165 : vector<32xbf16>
        %parallel_loop3A_1167 = arith.mulf %pack3A_38, %parallel_loop3A_777 : vector<32xbf16>
        %parallel_loop3A_1168 = arith.addf %parallel_loop3A_1166, %parallel_loop3A_1167 : vector<32xbf16>
        %parallel_loop3A_1169 = arith.mulf %pack3A_39, %parallel_loop3A_788 : vector<32xbf16>
        %parallel_loop3A_1170 = arith.addf %parallel_loop3A_1168, %parallel_loop3A_1169 : vector<32xbf16>
        %parallel_loop3A_1171 = arith.mulf %pack3A_40, %parallel_loop3A_799 : vector<32xbf16>
        %parallel_loop3A_1172 = arith.addf %parallel_loop3A_1170, %parallel_loop3A_1171 : vector<32xbf16>
        %parallel_loop3A_1173 = arith.cmpf oeq, %parallel_loop3A_788, %broadcast_in_dim3A_45 : vector<32xbf16>
        %parallel_loop3A_1174 = arith.select %parallel_loop3A_1173, %broadcast_in_dim3A_45, %parallel_loop3A_1172 : vector<32xi1>, vector<32xbf16>
        %parallel_loop3A_1175 = tpu.unpack_subelements %parallel_loop3A_1174, 0 {pack_format = #tpu.pack_format<interleaved>} : vector<32xbf16> -> vector<16xf32>
        %parallel_loop3A_1176 = tpu.unpack_subelements %parallel_loop3A_1174, 1 {pack_format = #tpu.pack_format<interleaved>} : vector<32xbf16> -> vector<16xf32>
        %parallel_loop3A_1177 = arith.constant 14336 : i32
        %parallel_loop3A_1178 = arith.addi %parallel_loop3A_1177, %parallel_loop3A_623 : i32
        %parallel_loop3A_1179 = arith.index_cast %parallel_loop3A_1178 : i32 to index
        %parallel_loop3A_1180 = tpu.vector_load %arg8[%parallel_loop3A_1179] {strides = array<i32>} : memref<16384xf32, #tpu.memory_space<vmem>>, vector<16xf32>,
        tpu.vector_store %arg8[%parallel_loop3A_1179], %parallel_loop3A_1175 {strides = array<i32>} : memref<16384xf32, #tpu.memory_space<vmem>>, vector<16xf32>,
        %parallel_loop3A_1181 = arith.constant 14336 : i32
        %parallel_loop3A_1182 = arith.addi %parallel_loop3A_1181, %parallel_loop3A_623 : i32
        %parallel_loop3A_1183 = arith.constant 16 : i32
        %parallel_loop3A_1184 = arith.addi %parallel_loop3A_1182, %parallel_loop3A_1183 : i32
        %parallel_loop3A_1185 = arith.index_cast %parallel_loop3A_1184 : i32 to index
        %parallel_loop3A_1186 = tpu.vector_load %arg8[%parallel_loop3A_1185] {strides = array<i32>} : memref<16384xf32, #tpu.memory_space<vmem>>, vector<16xf32>,
        tpu.vector_store %arg8[%parallel_loop3A_1185], %parallel_loop3A_1176 {strides = array<i32>} : memref<16384xf32, #tpu.memory_space<vmem>>, vector<16xf32>,
        %parallel_loop3A_1187 = arith.mulf %pack3A, %parallel_loop3A_744 : vector<32xbf16>
        %parallel_loop3A_1188 = arith.mulf %pack3A_36, %parallel_loop3A_755 : vector<32xbf16>
        %parallel_loop3A_1189 = arith.addf %parallel_loop3A_1187, %parallel_loop3A_1188 : vector<32xbf16>
        %parallel_loop3A_1190 = arith.mulf %pack3A_38, %parallel_loop3A_788 : vector<32xbf16>
        %parallel_loop3A_1191 = arith.addf %parallel_loop3A_1189, %parallel_loop3A_1190 : vector<32xbf16>
        %parallel_loop3A_1192 = arith.mulf %pack3A_39, %parallel_loop3A_799 : vector<32xbf16>
        %parallel_loop3A_1193 = arith.addf %parallel_loop3A_1191, %parallel_loop3A_1192 : vector<32xbf16>
        %parallel_loop3A_1194 = arith.cmpf oeq, %parallel_loop3A_799, %broadcast_in_dim3A_45 : vector<32xbf16>
        %parallel_loop3A_1195 = arith.select %parallel_loop3A_1194, %broadcast_in_dim3A_45, %parallel_loop3A_1193 : vector<32xi1>, vector<32xbf16>
        %parallel_loop3A_1196 = tpu.unpack_subelements %parallel_loop3A_1195, 0 {pack_format = #tpu.pack_format<interleaved>} : vector<32xbf16> -> vector<16xf32>
        %parallel_loop3A_1197 = tpu.unpack_subelements %parallel_loop3A_1195, 1 {pack_format = #tpu.pack_format<interleaved>} : vector<32xbf16> -> vector<16xf32>
        %parallel_loop3A_1198 = arith.constant 15360 : i32
        %parallel_loop3A_1199 = arith.addi %parallel_loop3A_1198, %parallel_loop3A_623 : i32
        %parallel_loop3A_1200 = arith.index_cast %parallel_loop3A_1199 : i32 to index
        %parallel_loop3A_1201 = tpu.vector_load %arg8[%parallel_loop3A_1200] {strides = array<i32>} : memref<16384xf32, #tpu.memory_space<vmem>>, vector<16xf32>,
        tpu.vector_store %arg8[%parallel_loop3A_1200], %parallel_loop3A_1196 {strides = array<i32>} : memref<16384xf32, #tpu.memory_space<vmem>>, vector<16xf32>,
        %parallel_loop3A_1202 = arith.constant 15360 : i32
        %parallel_loop3A_1203 = arith.addi %parallel_loop3A_1202, %parallel_loop3A_623 : i32
        %parallel_loop3A_1204 = arith.constant 16 : i32
        %parallel_loop3A_1205 = arith.addi %parallel_loop3A_1203, %parallel_loop3A_1204 : i32
        %parallel_loop3A_1206 = arith.index_cast %parallel_loop3A_1205 : i32 to index
        %parallel_loop3A_1207 = tpu.vector_load %arg8[%parallel_loop3A_1206] {strides = array<i32>} : memref<16384xf32, #tpu.memory_space<vmem>>, vector<16xf32>,
        tpu.vector_store %arg8[%parallel_loop3A_1206], %parallel_loop3A_1197 {strides = array<i32>} : memref<16384xf32, #tpu.memory_space<vmem>>, vector<16xf32>,
      } {sc.loop_unroll_factor = 1 : i64, sc.parallel_access}
      %mul3A_479 = arith.constant 2 : i32
      %mul3A_480 = arith.muli %mul3A_479, %scan3A_319 : i32
      %add3A_481 = arith.constant 1 : i32
      %add3A_482 = arith.addi %mul3A_480, %add3A_481 : i32
      %mul3A_483 = arith.constant 1024 : i32
      %mul3A_484 = arith.muli %add3A_482, %mul3A_483 : i32
      %add3A_485 = arith.addi %mul3A_47, %mul3A_484 : i32
      %add3A_486 = arith.constant 0 : i32
      %add3A_487 = arith.addi %add3A_486, %add3A_485 : i32
      %dma_start3A_488 = arith.constant 0 : i32
      %dma_start3A_489 = tpu.memref_slice %arg8[%dma_start3A_488] : memref<16384xf32, #tpu.memory_space<vmem>> -> memref<1024xf32, #tpu.memory_space<vmem>>
      %dma_start3A_490 = tpu.memref_slice %arg4[%add3A_487] : memref<16777216xf32, #tpu.memory_space<hbm>> -> memref<1024xf32, #tpu.memory_space<hbm>>
      %dma_start3A_491 = tpu.memref_slice %arg4[%add3A_487] : memref<16777216xf32, #tpu.memory_space<hbm>> -> memref<1024xf32, #tpu.memory_space<hbm>>
      %dma_start3A_492 = arith.constant 0 : i32
      %dma_start3A_493 = tpu.memref_slice %arg8[%dma_start3A_492] : memref<16384xf32, #tpu.memory_space<vmem>> -> memref<1024xf32, #tpu.memory_space<vmem>>
      tpu.enqueue_dma source(%dma_start3A_493 : memref<1024xf32, #tpu.memory_space<vmem>>) target(%dma_start3A_491 : memref<1024xf32, #tpu.memory_space<hbm>>) target_semaphore(%arg13 : memref<!tpu.dma_semaphore, #tpu.memory_space<semaphore_mem>>)
      %add3A_494 = arith.constant 1048576 : i32
      %add3A_495 = arith.addi %add3A_494, %add3A_485 : i32
      %dma_start3A_496 = arith.constant 1024 : i32
      %dma_start3A_497 = tpu.memref_slice %arg8[%dma_start3A_496] : memref<16384xf32, #tpu.memory_space<vmem>> -> memref<1024xf32, #tpu.memory_space<vmem>>
      %dma_start3A_498 = tpu.memref_slice %arg4[%add3A_495] : memref<16777216xf32, #tpu.memory_space<hbm>> -> memref<1024xf32, #tpu.memory_space<hbm>>
      %dma_start3A_499 = tpu.memref_slice %arg4[%add3A_495] : memref<16777216xf32, #tpu.memory_space<hbm>> -> memref<1024xf32, #tpu.memory_space<hbm>>
      %dma_start3A_500 = arith.constant 1024 : i32
      %dma_start3A_501 = tpu.memref_slice %arg8[%dma_start3A_500] : memref<16384xf32, #tpu.memory_space<vmem>> -> memref<1024xf32, #tpu.memory_space<vmem>>
      tpu.enqueue_dma source(%dma_start3A_501 : memref<1024xf32, #tpu.memory_space<vmem>>) target(%dma_start3A_499 : memref<1024xf32, #tpu.memory_space<hbm>>) target_semaphore(%arg13 : memref<!tpu.dma_semaphore, #tpu.memory_space<semaphore_mem>>)
      %add3A_502 = arith.constant 2097152 : i32
      %add3A_503 = arith.addi %add3A_502, %add3A_485 : i32
      %dma_start3A_504 = arith.constant 2048 : i32
      %dma_start3A_505 = tpu.memref_slice %arg8[%dma_start3A_504] : memref<16384xf32, #tpu.memory_space<vmem>> -> memref<1024xf32, #tpu.memory_space<vmem>>
      %dma_start3A_506 = tpu.memref_slice %arg4[%add3A_503] : memref<16777216xf32, #tpu.memory_space<hbm>> -> memref<1024xf32, #tpu.memory_space<hbm>>
      %dma_start3A_507 = tpu.memref_slice %arg4[%add3A_503] : memref<16777216xf32, #tpu.memory_space<hbm>> -> memref<1024xf32, #tpu.memory_space<hbm>>
      %dma_start3A_508 = arith.constant 2048 : i32
      %dma_start3A_509 = tpu.memref_slice %arg8[%dma_start3A_508] : memref<16384xf32, #tpu.memory_space<vmem>> -> memref<1024xf32, #tpu.memory_space<vmem>>
      tpu.enqueue_dma source(%dma_start3A_509 : memref<1024xf32, #tpu.memory_space<vmem>>) target(%dma_start3A_507 : memref<1024xf32, #tpu.memory_space<hbm>>) target_semaphore(%arg13 : memref<!tpu.dma_semaphore, #tpu.memory_space<semaphore_mem>>)
      %add3A_510 = arith.constant 3145728 : i32
      %add3A_511 = arith.addi %add3A_510, %add3A_485 : i32
      %dma_start3A_512 = arith.constant 3072 : i32
      %dma_start3A_513 = tpu.memref_slice %arg8[%dma_start3A_512] : memref<16384xf32, #tpu.memory_space<vmem>> -> memref<1024xf32, #tpu.memory_space<vmem>>
      %dma_start3A_514 = tpu.memref_slice %arg4[%add3A_511] : memref<16777216xf32, #tpu.memory_space<hbm>> -> memref<1024xf32, #tpu.memory_space<hbm>>
      %dma_start3A_515 = tpu.memref_slice %arg4[%add3A_511] : memref<16777216xf32, #tpu.memory_space<hbm>> -> memref<1024xf32, #tpu.memory_space<hbm>>
      %dma_start3A_516 = arith.constant 3072 : i32
      %dma_start3A_517 = tpu.memref_slice %arg8[%dma_start3A_516] : memref<16384xf32, #tpu.memory_space<vmem>> -> memref<1024xf32, #tpu.memory_space<vmem>>
      tpu.enqueue_dma source(%dma_start3A_517 : memref<1024xf32, #tpu.memory_space<vmem>>) target(%dma_start3A_515 : memref<1024xf32, #tpu.memory_space<hbm>>) target_semaphore(%arg13 : memref<!tpu.dma_semaphore, #tpu.memory_space<semaphore_mem>>)
      %add3A_518 = arith.constant 4194304 : i32
      %add3A_519 = arith.addi %add3A_518, %add3A_485 : i32
      %dma_start3A_520 = arith.constant 4096 : i32
      %dma_start3A_521 = tpu.memref_slice %arg8[%dma_start3A_520] : memref<16384xf32, #tpu.memory_space<vmem>> -> memref<1024xf32, #tpu.memory_space<vmem>>
      %dma_start3A_522 = tpu.memref_slice %arg4[%add3A_519] : memref<16777216xf32, #tpu.memory_space<hbm>> -> memref<1024xf32, #tpu.memory_space<hbm>>
      %dma_start3A_523 = tpu.memref_slice %arg4[%add3A_519] : memref<16777216xf32, #tpu.memory_space<hbm>> -> memref<1024xf32, #tpu.memory_space<hbm>>
      %dma_start3A_524 = arith.constant 4096 : i32
      %dma_start3A_525 = tpu.memref_slice %arg8[%dma_start3A_524] : memref<16384xf32, #tpu.memory_space<vmem>> -> memref<1024xf32, #tpu.memory_space<vmem>>
      tpu.enqueue_dma source(%dma_start3A_525 : memref<1024xf32, #tpu.memory_space<vmem>>) target(%dma_start3A_523 : memref<1024xf32, #tpu.memory_space<hbm>>) target_semaphore(%arg13 : memref<!tpu.dma_semaphore, #tpu.memory_space<semaphore_mem>>)
      %add3A_526 = arith.constant 5242880 : i32
      %add3A_527 = arith.addi %add3A_526, %add3A_485 : i32
      %dma_start3A_528 = arith.constant 5120 : i32
      %dma_start3A_529 = tpu.memref_slice %arg8[%dma_start3A_528] : memref<16384xf32, #tpu.memory_space<vmem>> -> memref<1024xf32, #tpu.memory_space<vmem>>
      %dma_start3A_530 = tpu.memref_slice %arg4[%add3A_527] : memref<16777216xf32, #tpu.memory_space<hbm>> -> memref<1024xf32, #tpu.memory_space<hbm>>
      %dma_start3A_531 = tpu.memref_slice %arg4[%add3A_527] : memref<16777216xf32, #tpu.memory_space<hbm>> -> memref<1024xf32, #tpu.memory_space<hbm>>
      %dma_start3A_532 = arith.constant 5120 : i32
      %dma_start3A_533 = tpu.memref_slice %arg8[%dma_start3A_532] : memref<16384xf32, #tpu.memory_space<vmem>> -> memref<1024xf32, #tpu.memory_space<vmem>>
      tpu.enqueue_dma source(%dma_start3A_533 : memref<1024xf32, #tpu.memory_space<vmem>>) target(%dma_start3A_531 : memref<1024xf32, #tpu.memory_space<hbm>>) target_semaphore(%arg13 : memref<!tpu.dma_semaphore, #tpu.memory_space<semaphore_mem>>)
      %add3A_534 = arith.constant 6291456 : i32
      %add3A_535 = arith.addi %add3A_534, %add3A_485 : i32
      %dma_start3A_536 = arith.constant 6144 : i32
      %dma_start3A_537 = tpu.memref_slice %arg8[%dma_start3A_536] : memref<16384xf32, #tpu.memory_space<vmem>> -> memref<1024xf32, #tpu.memory_space<vmem>>
      %dma_start3A_538 = tpu.memref_slice %arg4[%add3A_535] : memref<16777216xf32, #tpu.memory_space<hbm>> -> memref<1024xf32, #tpu.memory_space<hbm>>
      %dma_start3A_539 = tpu.memref_slice %arg4[%add3A_535] : memref<16777216xf32, #tpu.memory_space<hbm>> -> memref<1024xf32, #tpu.memory_space<hbm>>
      %dma_start3A_540 = arith.constant 6144 : i32
      %dma_start3A_541 = tpu.memref_slice %arg8[%dma_start3A_540] : memref<16384xf32, #tpu.memory_space<vmem>> -> memref<1024xf32, #tpu.memory_space<vmem>>
      tpu.enqueue_dma source(%dma_start3A_541 : memref<1024xf32, #tpu.memory_space<vmem>>) target(%dma_start3A_539 : memref<1024xf32, #tpu.memory_space<hbm>>) target_semaphore(%arg13 : memref<!tpu.dma_semaphore, #tpu.memory_space<semaphore_mem>>)
      %add3A_542 = arith.constant 7340032 : i32
      %add3A_543 = arith.addi %add3A_542, %add3A_485 : i32
      %dma_start3A_544 = arith.constant 7168 : i32
      %dma_start3A_545 = tpu.memref_slice %arg8[%dma_start3A_544] : memref<16384xf32, #tpu.memory_space<vmem>> -> memref<1024xf32, #tpu.memory_space<vmem>>
      %dma_start3A_546 = tpu.memref_slice %arg4[%add3A_543] : memref<16777216xf32, #tpu.memory_space<hbm>> -> memref<1024xf32, #tpu.memory_space<hbm>>
      %dma_start3A_547 = tpu.memref_slice %arg4[%add3A_543] : memref<16777216xf32, #tpu.memory_space<hbm>> -> memref<1024xf32, #tpu.memory_space<hbm>>
      %dma_start3A_548 = arith.constant 7168 : i32
      %dma_start3A_549 = tpu.memref_slice %arg8[%dma_start3A_548] : memref<16384xf32, #tpu.memory_space<vmem>> -> memref<1024xf32, #tpu.memory_space<vmem>>
      tpu.enqueue_dma source(%dma_start3A_549 : memref<1024xf32, #tpu.memory_space<vmem>>) target(%dma_start3A_547 : memref<1024xf32, #tpu.memory_space<hbm>>) target_semaphore(%arg13 : memref<!tpu.dma_semaphore, #tpu.memory_space<semaphore_mem>>)
      %add3A_550 = arith.constant 8388608 : i32
      %add3A_551 = arith.addi %add3A_550, %add3A_485 : i32
      %dma_start3A_552 = arith.constant 8192 : i32
      %dma_start3A_553 = tpu.memref_slice %arg8[%dma_start3A_552] : memref<16384xf32, #tpu.memory_space<vmem>> -> memref<1024xf32, #tpu.memory_space<vmem>>
      %dma_start3A_554 = tpu.memref_slice %arg4[%add3A_551] : memref<16777216xf32, #tpu.memory_space<hbm>> -> memref<1024xf32, #tpu.memory_space<hbm>>
      %dma_start3A_555 = tpu.memref_slice %arg4[%add3A_551] : memref<16777216xf32, #tpu.memory_space<hbm>> -> memref<1024xf32, #tpu.memory_space<hbm>>
      %dma_start3A_556 = arith.constant 8192 : i32
      %dma_start3A_557 = tpu.memref_slice %arg8[%dma_start3A_556] : memref<16384xf32, #tpu.memory_space<vmem>> -> memref<1024xf32, #tpu.memory_space<vmem>>
      tpu.enqueue_dma source(%dma_start3A_557 : memref<1024xf32, #tpu.memory_space<vmem>>) target(%dma_start3A_555 : memref<1024xf32, #tpu.memory_space<hbm>>) target_semaphore(%arg13 : memref<!tpu.dma_semaphore, #tpu.memory_space<semaphore_mem>>)
      %add3A_558 = arith.constant 9437184 : i32
      %add3A_559 = arith.addi %add3A_558, %add3A_485 : i32
      %dma_start3A_560 = arith.constant 9216 : i32
      %dma_start3A_561 = tpu.memref_slice %arg8[%dma_start3A_560] : memref<16384xf32, #tpu.memory_space<vmem>> -> memref<1024xf32, #tpu.memory_space<vmem>>
      %dma_start3A_562 = tpu.memref_slice %arg4[%add3A_559] : memref<16777216xf32, #tpu.memory_space<hbm>> -> memref<1024xf32, #tpu.memory_space<hbm>>
      %dma_start3A_563 = tpu.memref_slice %arg4[%add3A_559] : memref<16777216xf32, #tpu.memory_space<hbm>> -> memref<1024xf32, #tpu.memory_space<hbm>>
      %dma_start3A_564 = arith.constant 9216 : i32
      %dma_start3A_565 = tpu.memref_slice %arg8[%dma_start3A_564] : memref<16384xf32, #tpu.memory_space<vmem>> -> memref<1024xf32, #tpu.memory_space<vmem>>
      tpu.enqueue_dma source(%dma_start3A_565 : memref<1024xf32, #tpu.memory_space<vmem>>) target(%dma_start3A_563 : memref<1024xf32, #tpu.memory_space<hbm>>) target_semaphore(%arg13 : memref<!tpu.dma_semaphore, #tpu.memory_space<semaphore_mem>>)
      %add3A_566 = arith.constant 10485760 : i32
      %add3A_567 = arith.addi %add3A_566, %add3A_485 : i32
      %dma_start3A_568 = arith.constant 10240 : i32
      %dma_start3A_569 = tpu.memref_slice %arg8[%dma_start3A_568] : memref<16384xf32, #tpu.memory_space<vmem>> -> memref<1024xf32, #tpu.memory_space<vmem>>
      %dma_start3A_570 = tpu.memref_slice %arg4[%add3A_567] : memref<16777216xf32, #tpu.memory_space<hbm>> -> memref<1024xf32, #tpu.memory_space<hbm>>
      %dma_start3A_571 = tpu.memref_slice %arg4[%add3A_567] : memref<16777216xf32, #tpu.memory_space<hbm>> -> memref<1024xf32, #tpu.memory_space<hbm>>
      %dma_start3A_572 = arith.constant 10240 : i32
      %dma_start3A_573 = tpu.memref_slice %arg8[%dma_start3A_572] : memref<16384xf32, #tpu.memory_space<vmem>> -> memref<1024xf32, #tpu.memory_space<vmem>>
      tpu.enqueue_dma source(%dma_start3A_573 : memref<1024xf32, #tpu.memory_space<vmem>>) target(%dma_start3A_571 : memref<1024xf32, #tpu.memory_space<hbm>>) target_semaphore(%arg13 : memref<!tpu.dma_semaphore, #tpu.memory_space<semaphore_mem>>)
      %add3A_574 = arith.constant 11534336 : i32
      %add3A_575 = arith.addi %add3A_574, %add3A_485 : i32
      %dma_start3A_576 = arith.constant 11264 : i32
      %dma_start3A_577 = tpu.memref_slice %arg8[%dma_start3A_576] : memref<16384xf32, #tpu.memory_space<vmem>> -> memref<1024xf32, #tpu.memory_space<vmem>>
      %dma_start3A_578 = tpu.memref_slice %arg4[%add3A_575] : memref<16777216xf32, #tpu.memory_space<hbm>> -> memref<1024xf32, #tpu.memory_space<hbm>>
      %dma_start3A_579 = tpu.memref_slice %arg4[%add3A_575] : memref<16777216xf32, #tpu.memory_space<hbm>> -> memref<1024xf32, #tpu.memory_space<hbm>>
      %dma_start3A_580 = arith.constant 11264 : i32
      %dma_start3A_581 = tpu.memref_slice %arg8[%dma_start3A_580] : memref<16384xf32, #tpu.memory_space<vmem>> -> memref<1024xf32, #tpu.memory_space<vmem>>
      tpu.enqueue_dma source(%dma_start3A_581 : memref<1024xf32, #tpu.memory_space<vmem>>) target(%dma_start3A_579 : memref<1024xf32, #tpu.memory_space<hbm>>) target_semaphore(%arg13 : memref<!tpu.dma_semaphore, #tpu.memory_space<semaphore_mem>>)
      %add3A_582 = arith.constant 12582912 : i32
      %add3A_583 = arith.addi %add3A_582, %add3A_485 : i32
      %dma_start3A_584 = arith.constant 12288 : i32
      %dma_start3A_585 = tpu.memref_slice %arg8[%dma_start3A_584] : memref<16384xf32, #tpu.memory_space<vmem>> -> memref<1024xf32, #tpu.memory_space<vmem>>
      %dma_start3A_586 = tpu.memref_slice %arg4[%add3A_583] : memref<16777216xf32, #tpu.memory_space<hbm>> -> memref<1024xf32, #tpu.memory_space<hbm>>
      %dma_start3A_587 = tpu.memref_slice %arg4[%add3A_583] : memref<16777216xf32, #tpu.memory_space<hbm>> -> memref<1024xf32, #tpu.memory_space<hbm>>
      %dma_start3A_588 = arith.constant 12288 : i32
      %dma_start3A_589 = tpu.memref_slice %arg8[%dma_start3A_588] : memref<16384xf32, #tpu.memory_space<vmem>> -> memref<1024xf32, #tpu.memory_space<vmem>>
      tpu.enqueue_dma source(%dma_start3A_589 : memref<1024xf32, #tpu.memory_space<vmem>>) target(%dma_start3A_587 : memref<1024xf32, #tpu.memory_space<hbm>>) target_semaphore(%arg13 : memref<!tpu.dma_semaphore, #tpu.memory_space<semaphore_mem>>)
      %add3A_590 = arith.constant 13631488 : i32
      %add3A_591 = arith.addi %add3A_590, %add3A_485 : i32
      %dma_start3A_592 = arith.constant 13312 : i32
      %dma_start3A_593 = tpu.memref_slice %arg8[%dma_start3A_592] : memref<16384xf32, #tpu.memory_space<vmem>> -> memref<1024xf32, #tpu.memory_space<vmem>>
      %dma_start3A_594 = tpu.memref_slice %arg4[%add3A_591] : memref<16777216xf32, #tpu.memory_space<hbm>> -> memref<1024xf32, #tpu.memory_space<hbm>>
      %dma_start3A_595 = tpu.memref_slice %arg4[%add3A_591] : memref<16777216xf32, #tpu.memory_space<hbm>> -> memref<1024xf32, #tpu.memory_space<hbm>>
      %dma_start3A_596 = arith.constant 13312 : i32
      %dma_start3A_597 = tpu.memref_slice %arg8[%dma_start3A_596] : memref<16384xf32, #tpu.memory_space<vmem>> -> memref<1024xf32, #tpu.memory_space<vmem>>
      tpu.enqueue_dma source(%dma_start3A_597 : memref<1024xf32, #tpu.memory_space<vmem>>) target(%dma_start3A_595 : memref<1024xf32, #tpu.memory_space<hbm>>) target_semaphore(%arg13 : memref<!tpu.dma_semaphore, #tpu.memory_space<semaphore_mem>>)
      %add3A_598 = arith.constant 14680064 : i32
      %add3A_599 = arith.addi %add3A_598, %add3A_485 : i32
      %dma_start3A_600 = arith.constant 14336 : i32
      %dma_start3A_601 = tpu.memref_slice %arg8[%dma_start3A_600] : memref<16384xf32, #tpu.memory_space<vmem>> -> memref<1024xf32, #tpu.memory_space<vmem>>
      %dma_start3A_602 = tpu.memref_slice %arg4[%add3A_599] : memref<16777216xf32, #tpu.memory_space<hbm>> -> memref<1024xf32, #tpu.memory_space<hbm>>
      %dma_start3A_603 = tpu.memref_slice %arg4[%add3A_599] : memref<16777216xf32, #tpu.memory_space<hbm>> -> memref<1024xf32, #tpu.memory_space<hbm>>
      %dma_start3A_604 = arith.constant 14336 : i32
      %dma_start3A_605 = tpu.memref_slice %arg8[%dma_start3A_604] : memref<16384xf32, #tpu.memory_space<vmem>> -> memref<1024xf32, #tpu.memory_space<vmem>>
      tpu.enqueue_dma source(%dma_start3A_605 : memref<1024xf32, #tpu.memory_space<vmem>>) target(%dma_start3A_603 : memref<1024xf32, #tpu.memory_space<hbm>>) target_semaphore(%arg13 : memref<!tpu.dma_semaphore, #tpu.memory_space<semaphore_mem>>)
      %add3A_606 = arith.constant 15728640 : i32
      %add3A_607 = arith.addi %add3A_606, %add3A_485 : i32
      %dma_start3A_608 = arith.constant 15360 : i32
      %dma_start3A_609 = tpu.memref_slice %arg8[%dma_start3A_608] : memref<16384xf32, #tpu.memory_space<vmem>> -> memref<1024xf32, #tpu.memory_space<vmem>>
      %dma_start3A_610 = tpu.memref_slice %arg4[%add3A_607] : memref<16777216xf32, #tpu.memory_space<hbm>> -> memref<1024xf32, #tpu.memory_space<hbm>>
      %dma_start3A_611 = tpu.memref_slice %arg4[%add3A_607] : memref<16777216xf32, #tpu.memory_space<hbm>> -> memref<1024xf32, #tpu.memory_space<hbm>>
      %dma_start3A_612 = arith.constant 15360 : i32
      %dma_start3A_613 = tpu.memref_slice %arg8[%dma_start3A_612] : memref<16384xf32, #tpu.memory_space<vmem>> -> memref<1024xf32, #tpu.memory_space<vmem>>
      tpu.enqueue_dma source(%dma_start3A_613 : memref<1024xf32, #tpu.memory_space<vmem>>) target(%dma_start3A_611 : memref<1024xf32, #tpu.memory_space<hbm>>) target_semaphore(%arg13 : memref<!tpu.dma_semaphore, #tpu.memory_space<semaphore_mem>>)
      %add3A_614 = arith.constant 1 : i32
      %add3A_615 = arith.addi %scan3A_319, %add3A_614 : i32
      %lt3A_616 = arith.constant 16 : i32
      %lt3A_617 = arith.cmpi slt, %add3A_615, %lt3A_616 : i32
      %convert_element_type3A_618 = arith.extui %lt3A_617 : i1 to i32
      %cond3A_619 = arith.constant 0 : i32
      %cond3A_620 = arith.cmpi ne, %convert_element_type3A_618, %cond3A_619 : i32
      scf.if %cond3A_620 {
        %mul3A_621 = arith.constant 2 : i32
        %mul3A_622 = arith.muli %mul3A_621, %scan3A_319 : i32
        %add3A_623 = arith.constant 3 : i32
        %add3A_624 = arith.addi %mul3A_622, %add3A_623 : i32
        %mul3A_625 = arith.constant 1024 : i32
        %mul3A_626 = arith.muli %add3A_624, %mul3A_625 : i32
        %add3A_627 = arith.addi %mul3A_47, %mul3A_626 : i32
        %add3A_628 = arith.constant 0 : i32
        %add3A_629 = arith.addi %add3A_628, %add3A_627 : i32
        %dma_start3A_630 = arith.constant 0 : i32
        %dma_start3A_631 = tpu.memref_slice %arg6[%dma_start3A_630] : memref<16384xf32, #tpu.memory_space<vmem>> -> memref<1024xf32, #tpu.memory_space<vmem>>
        %dma_start3A_632 = tpu.memref_slice %arg2[%add3A_629] : memref<16777216xf32, #tpu.memory_space<hbm>> -> memref<1024xf32, #tpu.memory_space<hbm>>
        %dma_start3A_633 = arith.constant 0 : i32
        %dma_start3A_634 = tpu.memref_slice %arg6[%dma_start3A_633] : memref<16384xf32, #tpu.memory_space<vmem>> -> memref<1024xf32, #tpu.memory_space<vmem>>
        %dma_start3A_635 = tpu.memref_slice %arg2[%add3A_629] : memref<16777216xf32, #tpu.memory_space<hbm>> -> memref<1024xf32, #tpu.memory_space<hbm>>
        tpu.enqueue_dma source(%dma_start3A_635 : memref<1024xf32, #tpu.memory_space<hbm>>) target(%dma_start3A_634 : memref<1024xf32, #tpu.memory_space<vmem>>) target_semaphore(%arg11 : memref<!tpu.dma_semaphore, #tpu.memory_space<semaphore_mem>>)
        %add3A_636 = arith.constant 1048576 : i32
        %add3A_637 = arith.addi %add3A_636, %add3A_627 : i32
        %dma_start3A_638 = arith.constant 1024 : i32
        %dma_start3A_639 = tpu.memref_slice %arg6[%dma_start3A_638] : memref<16384xf32, #tpu.memory_space<vmem>> -> memref<1024xf32, #tpu.memory_space<vmem>>
        %dma_start3A_640 = tpu.memref_slice %arg2[%add3A_637] : memref<16777216xf32, #tpu.memory_space<hbm>> -> memref<1024xf32, #tpu.memory_space<hbm>>
        %dma_start3A_641 = arith.constant 1024 : i32
        %dma_start3A_642 = tpu.memref_slice %arg6[%dma_start3A_641] : memref<16384xf32, #tpu.memory_space<vmem>> -> memref<1024xf32, #tpu.memory_space<vmem>>
        %dma_start3A_643 = tpu.memref_slice %arg2[%add3A_637] : memref<16777216xf32, #tpu.memory_space<hbm>> -> memref<1024xf32, #tpu.memory_space<hbm>>
        tpu.enqueue_dma source(%dma_start3A_643 : memref<1024xf32, #tpu.memory_space<hbm>>) target(%dma_start3A_642 : memref<1024xf32, #tpu.memory_space<vmem>>) target_semaphore(%arg11 : memref<!tpu.dma_semaphore, #tpu.memory_space<semaphore_mem>>)
        %add3A_644 = arith.constant 2097152 : i32
        %add3A_645 = arith.addi %add3A_644, %add3A_627 : i32
        %dma_start3A_646 = arith.constant 2048 : i32
        %dma_start3A_647 = tpu.memref_slice %arg6[%dma_start3A_646] : memref<16384xf32, #tpu.memory_space<vmem>> -> memref<1024xf32, #tpu.memory_space<vmem>>
        %dma_start3A_648 = tpu.memref_slice %arg2[%add3A_645] : memref<16777216xf32, #tpu.memory_space<hbm>> -> memref<1024xf32, #tpu.memory_space<hbm>>
        %dma_start3A_649 = arith.constant 2048 : i32
        %dma_start3A_650 = tpu.memref_slice %arg6[%dma_start3A_649] : memref<16384xf32, #tpu.memory_space<vmem>> -> memref<1024xf32, #tpu.memory_space<vmem>>
        %dma_start3A_651 = tpu.memref_slice %arg2[%add3A_645] : memref<16777216xf32, #tpu.memory_space<hbm>> -> memref<1024xf32, #tpu.memory_space<hbm>>
        tpu.enqueue_dma source(%dma_start3A_651 : memref<1024xf32, #tpu.memory_space<hbm>>) target(%dma_start3A_650 : memref<1024xf32, #tpu.memory_space<vmem>>) target_semaphore(%arg11 : memref<!tpu.dma_semaphore, #tpu.memory_space<semaphore_mem>>)
        %add3A_652 = arith.constant 3145728 : i32
        %add3A_653 = arith.addi %add3A_652, %add3A_627 : i32
        %dma_start3A_654 = arith.constant 3072 : i32
        %dma_start3A_655 = tpu.memref_slice %arg6[%dma_start3A_654] : memref<16384xf32, #tpu.memory_space<vmem>> -> memref<1024xf32, #tpu.memory_space<vmem>>
        %dma_start3A_656 = tpu.memref_slice %arg2[%add3A_653] : memref<16777216xf32, #tpu.memory_space<hbm>> -> memref<1024xf32, #tpu.memory_space<hbm>>
        %dma_start3A_657 = arith.constant 3072 : i32
        %dma_start3A_658 = tpu.memref_slice %arg6[%dma_start3A_657] : memref<16384xf32, #tpu.memory_space<vmem>> -> memref<1024xf32, #tpu.memory_space<vmem>>
        %dma_start3A_659 = tpu.memref_slice %arg2[%add3A_653] : memref<16777216xf32, #tpu.memory_space<hbm>> -> memref<1024xf32, #tpu.memory_space<hbm>>
        tpu.enqueue_dma source(%dma_start3A_659 : memref<1024xf32, #tpu.memory_space<hbm>>) target(%dma_start3A_658 : memref<1024xf32, #tpu.memory_space<vmem>>) target_semaphore(%arg11 : memref<!tpu.dma_semaphore, #tpu.memory_space<semaphore_mem>>)
        %add3A_660 = arith.constant 4194304 : i32
        %add3A_661 = arith.addi %add3A_660, %add3A_627 : i32
        %dma_start3A_662 = arith.constant 4096 : i32
        %dma_start3A_663 = tpu.memref_slice %arg6[%dma_start3A_662] : memref<16384xf32, #tpu.memory_space<vmem>> -> memref<1024xf32, #tpu.memory_space<vmem>>
        %dma_start3A_664 = tpu.memref_slice %arg2[%add3A_661] : memref<16777216xf32, #tpu.memory_space<hbm>> -> memref<1024xf32, #tpu.memory_space<hbm>>
        %dma_start3A_665 = arith.constant 4096 : i32
        %dma_start3A_666 = tpu.memref_slice %arg6[%dma_start3A_665] : memref<16384xf32, #tpu.memory_space<vmem>> -> memref<1024xf32, #tpu.memory_space<vmem>>
        %dma_start3A_667 = tpu.memref_slice %arg2[%add3A_661] : memref<16777216xf32, #tpu.memory_space<hbm>> -> memref<1024xf32, #tpu.memory_space<hbm>>
        tpu.enqueue_dma source(%dma_start3A_667 : memref<1024xf32, #tpu.memory_space<hbm>>) target(%dma_start3A_666 : memref<1024xf32, #tpu.memory_space<vmem>>) target_semaphore(%arg11 : memref<!tpu.dma_semaphore, #tpu.memory_space<semaphore_mem>>)
        %add3A_668 = arith.constant 5242880 : i32
        %add3A_669 = arith.addi %add3A_668, %add3A_627 : i32
        %dma_start3A_670 = arith.constant 5120 : i32
        %dma_start3A_671 = tpu.memref_slice %arg6[%dma_start3A_670] : memref<16384xf32, #tpu.memory_space<vmem>> -> memref<1024xf32, #tpu.memory_space<vmem>>
        %dma_start3A_672 = tpu.memref_slice %arg2[%add3A_669] : memref<16777216xf32, #tpu.memory_space<hbm>> -> memref<1024xf32, #tpu.memory_space<hbm>>
        %dma_start3A_673 = arith.constant 5120 : i32
        %dma_start3A_674 = tpu.memref_slice %arg6[%dma_start3A_673] : memref<16384xf32, #tpu.memory_space<vmem>> -> memref<1024xf32, #tpu.memory_space<vmem>>
        %dma_start3A_675 = tpu.memref_slice %arg2[%add3A_669] : memref<16777216xf32, #tpu.memory_space<hbm>> -> memref<1024xf32, #tpu.memory_space<hbm>>
        tpu.enqueue_dma source(%dma_start3A_675 : memref<1024xf32, #tpu.memory_space<hbm>>) target(%dma_start3A_674 : memref<1024xf32, #tpu.memory_space<vmem>>) target_semaphore(%arg11 : memref<!tpu.dma_semaphore, #tpu.memory_space<semaphore_mem>>)
        %add3A_676 = arith.constant 6291456 : i32
        %add3A_677 = arith.addi %add3A_676, %add3A_627 : i32
        %dma_start3A_678 = arith.constant 6144 : i32
        %dma_start3A_679 = tpu.memref_slice %arg6[%dma_start3A_678] : memref<16384xf32, #tpu.memory_space<vmem>> -> memref<1024xf32, #tpu.memory_space<vmem>>
        %dma_start3A_680 = tpu.memref_slice %arg2[%add3A_677] : memref<16777216xf32, #tpu.memory_space<hbm>> -> memref<1024xf32, #tpu.memory_space<hbm>>
        %dma_start3A_681 = arith.constant 6144 : i32
        %dma_start3A_682 = tpu.memref_slice %arg6[%dma_start3A_681] : memref<16384xf32, #tpu.memory_space<vmem>> -> memref<1024xf32, #tpu.memory_space<vmem>>
        %dma_start3A_683 = tpu.memref_slice %arg2[%add3A_677] : memref<16777216xf32, #tpu.memory_space<hbm>> -> memref<1024xf32, #tpu.memory_space<hbm>>
        tpu.enqueue_dma source(%dma_start3A_683 : memref<1024xf32, #tpu.memory_space<hbm>>) target(%dma_start3A_682 : memref<1024xf32, #tpu.memory_space<vmem>>) target_semaphore(%arg11 : memref<!tpu.dma_semaphore, #tpu.memory_space<semaphore_mem>>)
        %add3A_684 = arith.constant 7340032 : i32
        %add3A_685 = arith.addi %add3A_684, %add3A_627 : i32
        %dma_start3A_686 = arith.constant 7168 : i32
        %dma_start3A_687 = tpu.memref_slice %arg6[%dma_start3A_686] : memref<16384xf32, #tpu.memory_space<vmem>> -> memref<1024xf32, #tpu.memory_space<vmem>>
        %dma_start3A_688 = tpu.memref_slice %arg2[%add3A_685] : memref<16777216xf32, #tpu.memory_space<hbm>> -> memref<1024xf32, #tpu.memory_space<hbm>>
        %dma_start3A_689 = arith.constant 7168 : i32
        %dma_start3A_690 = tpu.memref_slice %arg6[%dma_start3A_689] : memref<16384xf32, #tpu.memory_space<vmem>> -> memref<1024xf32, #tpu.memory_space<vmem>>
        %dma_start3A_691 = tpu.memref_slice %arg2[%add3A_685] : memref<16777216xf32, #tpu.memory_space<hbm>> -> memref<1024xf32, #tpu.memory_space<hbm>>
        tpu.enqueue_dma source(%dma_start3A_691 : memref<1024xf32, #tpu.memory_space<hbm>>) target(%dma_start3A_690 : memref<1024xf32, #tpu.memory_space<vmem>>) target_semaphore(%arg11 : memref<!tpu.dma_semaphore, #tpu.memory_space<semaphore_mem>>)
        %add3A_692 = arith.constant 8388608 : i32
        %add3A_693 = arith.addi %add3A_692, %add3A_627 : i32
        %dma_start3A_694 = arith.constant 8192 : i32
        %dma_start3A_695 = tpu.memref_slice %arg6[%dma_start3A_694] : memref<16384xf32, #tpu.memory_space<vmem>> -> memref<1024xf32, #tpu.memory_space<vmem>>
        %dma_start3A_696 = tpu.memref_slice %arg2[%add3A_693] : memref<16777216xf32, #tpu.memory_space<hbm>> -> memref<1024xf32, #tpu.memory_space<hbm>>
        %dma_start3A_697 = arith.constant 8192 : i32
        %dma_start3A_698 = tpu.memref_slice %arg6[%dma_start3A_697] : memref<16384xf32, #tpu.memory_space<vmem>> -> memref<1024xf32, #tpu.memory_space<vmem>>
        %dma_start3A_699 = tpu.memref_slice %arg2[%add3A_693] : memref<16777216xf32, #tpu.memory_space<hbm>> -> memref<1024xf32, #tpu.memory_space<hbm>>
        tpu.enqueue_dma source(%dma_start3A_699 : memref<1024xf32, #tpu.memory_space<hbm>>) target(%dma_start3A_698 : memref<1024xf32, #tpu.memory_space<vmem>>) target_semaphore(%arg11 : memref<!tpu.dma_semaphore, #tpu.memory_space<semaphore_mem>>)
        %add3A_700 = arith.constant 9437184 : i32
        %add3A_701 = arith.addi %add3A_700, %add3A_627 : i32
        %dma_start3A_702 = arith.constant 9216 : i32
        %dma_start3A_703 = tpu.memref_slice %arg6[%dma_start3A_702] : memref<16384xf32, #tpu.memory_space<vmem>> -> memref<1024xf32, #tpu.memory_space<vmem>>
        %dma_start3A_704 = tpu.memref_slice %arg2[%add3A_701] : memref<16777216xf32, #tpu.memory_space<hbm>> -> memref<1024xf32, #tpu.memory_space<hbm>>
        %dma_start3A_705 = arith.constant 9216 : i32
        %dma_start3A_706 = tpu.memref_slice %arg6[%dma_start3A_705] : memref<16384xf32, #tpu.memory_space<vmem>> -> memref<1024xf32, #tpu.memory_space<vmem>>
        %dma_start3A_707 = tpu.memref_slice %arg2[%add3A_701] : memref<16777216xf32, #tpu.memory_space<hbm>> -> memref<1024xf32, #tpu.memory_space<hbm>>
        tpu.enqueue_dma source(%dma_start3A_707 : memref<1024xf32, #tpu.memory_space<hbm>>) target(%dma_start3A_706 : memref<1024xf32, #tpu.memory_space<vmem>>) target_semaphore(%arg11 : memref<!tpu.dma_semaphore, #tpu.memory_space<semaphore_mem>>)
        %add3A_708 = arith.constant 10485760 : i32
        %add3A_709 = arith.addi %add3A_708, %add3A_627 : i32
        %dma_start3A_710 = arith.constant 10240 : i32
        %dma_start3A_711 = tpu.memref_slice %arg6[%dma_start3A_710] : memref<16384xf32, #tpu.memory_space<vmem>> -> memref<1024xf32, #tpu.memory_space<vmem>>
        %dma_start3A_712 = tpu.memref_slice %arg2[%add3A_709] : memref<16777216xf32, #tpu.memory_space<hbm>> -> memref<1024xf32, #tpu.memory_space<hbm>>
        %dma_start3A_713 = arith.constant 10240 : i32
        %dma_start3A_714 = tpu.memref_slice %arg6[%dma_start3A_713] : memref<16384xf32, #tpu.memory_space<vmem>> -> memref<1024xf32, #tpu.memory_space<vmem>>
        %dma_start3A_715 = tpu.memref_slice %arg2[%add3A_709] : memref<16777216xf32, #tpu.memory_space<hbm>> -> memref<1024xf32, #tpu.memory_space<hbm>>
        tpu.enqueue_dma source(%dma_start3A_715 : memref<1024xf32, #tpu.memory_space<hbm>>) target(%dma_start3A_714 : memref<1024xf32, #tpu.memory_space<vmem>>) target_semaphore(%arg11 : memref<!tpu.dma_semaphore, #tpu.memory_space<semaphore_mem>>)
        %add3A_716 = arith.constant 11534336 : i32
        %add3A_717 = arith.addi %add3A_716, %add3A_627 : i32
        %dma_start3A_718 = arith.constant 11264 : i32
        %dma_start3A_719 = tpu.memref_slice %arg6[%dma_start3A_718] : memref<16384xf32, #tpu.memory_space<vmem>> -> memref<1024xf32, #tpu.memory_space<vmem>>
        %dma_start3A_720 = tpu.memref_slice %arg2[%add3A_717] : memref<16777216xf32, #tpu.memory_space<hbm>> -> memref<1024xf32, #tpu.memory_space<hbm>>
        %dma_start3A_721 = arith.constant 11264 : i32
        %dma_start3A_722 = tpu.memref_slice %arg6[%dma_start3A_721] : memref<16384xf32, #tpu.memory_space<vmem>> -> memref<1024xf32, #tpu.memory_space<vmem>>
        %dma_start3A_723 = tpu.memref_slice %arg2[%add3A_717] : memref<16777216xf32, #tpu.memory_space<hbm>> -> memref<1024xf32, #tpu.memory_space<hbm>>
        tpu.enqueue_dma source(%dma_start3A_723 : memref<1024xf32, #tpu.memory_space<hbm>>) target(%dma_start3A_722 : memref<1024xf32, #tpu.memory_space<vmem>>) target_semaphore(%arg11 : memref<!tpu.dma_semaphore, #tpu.memory_space<semaphore_mem>>)
        %add3A_724 = arith.constant 12582912 : i32
        %add3A_725 = arith.addi %add3A_724, %add3A_627 : i32
        %dma_start3A_726 = arith.constant 12288 : i32
        %dma_start3A_727 = tpu.memref_slice %arg6[%dma_start3A_726] : memref<16384xf32, #tpu.memory_space<vmem>> -> memref<1024xf32, #tpu.memory_space<vmem>>
        %dma_start3A_728 = tpu.memref_slice %arg2[%add3A_725] : memref<16777216xf32, #tpu.memory_space<hbm>> -> memref<1024xf32, #tpu.memory_space<hbm>>
        %dma_start3A_729 = arith.constant 12288 : i32
        %dma_start3A_730 = tpu.memref_slice %arg6[%dma_start3A_729] : memref<16384xf32, #tpu.memory_space<vmem>> -> memref<1024xf32, #tpu.memory_space<vmem>>
        %dma_start3A_731 = tpu.memref_slice %arg2[%add3A_725] : memref<16777216xf32, #tpu.memory_space<hbm>> -> memref<1024xf32, #tpu.memory_space<hbm>>
        tpu.enqueue_dma source(%dma_start3A_731 : memref<1024xf32, #tpu.memory_space<hbm>>) target(%dma_start3A_730 : memref<1024xf32, #tpu.memory_space<vmem>>) target_semaphore(%arg11 : memref<!tpu.dma_semaphore, #tpu.memory_space<semaphore_mem>>)
        %add3A_732 = arith.constant 13631488 : i32
        %add3A_733 = arith.addi %add3A_732, %add3A_627 : i32
        %dma_start3A_734 = arith.constant 13312 : i32
        %dma_start3A_735 = tpu.memref_slice %arg6[%dma_start3A_734] : memref<16384xf32, #tpu.memory_space<vmem>> -> memref<1024xf32, #tpu.memory_space<vmem>>
        %dma_start3A_736 = tpu.memref_slice %arg2[%add3A_733] : memref<16777216xf32, #tpu.memory_space<hbm>> -> memref<1024xf32, #tpu.memory_space<hbm>>
        %dma_start3A_737 = arith.constant 13312 : i32
        %dma_start3A_738 = tpu.memref_slice %arg6[%dma_start3A_737] : memref<16384xf32, #tpu.memory_space<vmem>> -> memref<1024xf32, #tpu.memory_space<vmem>>
        %dma_start3A_739 = tpu.memref_slice %arg2[%add3A_733] : memref<16777216xf32, #tpu.memory_space<hbm>> -> memref<1024xf32, #tpu.memory_space<hbm>>
        tpu.enqueue_dma source(%dma_start3A_739 : memref<1024xf32, #tpu.memory_space<hbm>>) target(%dma_start3A_738 : memref<1024xf32, #tpu.memory_space<vmem>>) target_semaphore(%arg11 : memref<!tpu.dma_semaphore, #tpu.memory_space<semaphore_mem>>)
        %add3A_740 = arith.constant 14680064 : i32
        %add3A_741 = arith.addi %add3A_740, %add3A_627 : i32
        %dma_start3A_742 = arith.constant 14336 : i32
        %dma_start3A_743 = tpu.memref_slice %arg6[%dma_start3A_742] : memref<16384xf32, #tpu.memory_space<vmem>> -> memref<1024xf32, #tpu.memory_space<vmem>>
        %dma_start3A_744 = tpu.memref_slice %arg2[%add3A_741] : memref<16777216xf32, #tpu.memory_space<hbm>> -> memref<1024xf32, #tpu.memory_space<hbm>>
        %dma_start3A_745 = arith.constant 14336 : i32
        %dma_start3A_746 = tpu.memref_slice %arg6[%dma_start3A_745] : memref<16384xf32, #tpu.memory_space<vmem>> -> memref<1024xf32, #tpu.memory_space<vmem>>
        %dma_start3A_747 = tpu.memref_slice %arg2[%add3A_741] : memref<16777216xf32, #tpu.memory_space<hbm>> -> memref<1024xf32, #tpu.memory_space<hbm>>
        tpu.enqueue_dma source(%dma_start3A_747 : memref<1024xf32, #tpu.memory_space<hbm>>) target(%dma_start3A_746 : memref<1024xf32, #tpu.memory_space<vmem>>) target_semaphore(%arg11 : memref<!tpu.dma_semaphore, #tpu.memory_space<semaphore_mem>>)
        %add3A_748 = arith.constant 15728640 : i32
        %add3A_749 = arith.addi %add3A_748, %add3A_627 : i32
        %dma_start3A_750 = arith.constant 15360 : i32
        %dma_start3A_751 = tpu.memref_slice %arg6[%dma_start3A_750] : memref<16384xf32, #tpu.memory_space<vmem>> -> memref<1024xf32, #tpu.memory_space<vmem>>
        %dma_start3A_752 = tpu.memref_slice %arg2[%add3A_749] : memref<16777216xf32, #tpu.memory_space<hbm>> -> memref<1024xf32, #tpu.memory_space<hbm>>
        %dma_start3A_753 = arith.constant 15360 : i32
        %dma_start3A_754 = tpu.memref_slice %arg6[%dma_start3A_753] : memref<16384xf32, #tpu.memory_space<vmem>> -> memref<1024xf32, #tpu.memory_space<vmem>>
        %dma_start3A_755 = tpu.memref_slice %arg2[%add3A_749] : memref<16777216xf32, #tpu.memory_space<hbm>> -> memref<1024xf32, #tpu.memory_space<hbm>>
        tpu.enqueue_dma source(%dma_start3A_755 : memref<1024xf32, #tpu.memory_space<hbm>>) target(%dma_start3A_754 : memref<1024xf32, #tpu.memory_space<vmem>>) target_semaphore(%arg11 : memref<!tpu.dma_semaphore, #tpu.memory_space<semaphore_mem>>)
      } else {
      }
    }
    %scan3A_311 = arith.constant 16 : i32
    %dma_wait3A = arith.constant 0 : i32
    %dma_wait3A_312 = tpu.memref_slice %arg4[%dma_wait3A] : memref<16777216xf32, #tpu.memory_space<hbm>> -> memref<16384xf32, #tpu.memory_space<hbm>>
    %dma_wait3A_313 = arith.constant 0 : i32
    %dma_wait3A_314 = tpu.memref_slice %arg4[%dma_wait3A_313] : memref<16777216xf32, #tpu.memory_space<hbm>> -> memref<16384xf32, #tpu.memory_space<hbm>>
    tpu.wait_dma2 semaphore(%arg12 : memref<!tpu.dma_semaphore, #tpu.memory_space<semaphore_mem>>) src(%arg7 : memref<16384xf32, #tpu.memory_space<vmem>>) dst(%dma_wait3A_314 : memref<16384xf32, #tpu.memory_space<hbm>>)
    %dma_wait3A_315 = arith.constant 0 : i32
    %dma_wait3A_316 = tpu.memref_slice %arg4[%dma_wait3A_315] : memref<16777216xf32, #tpu.memory_space<hbm>> -> memref<16384xf32, #tpu.memory_space<hbm>>
    %dma_wait3A_317 = arith.constant 0 : i32
    %dma_wait3A_318 = tpu.memref_slice %arg4[%dma_wait3A_317] : memref<16777216xf32, #tpu.memory_space<hbm>> -> memref<16384xf32, #tpu.memory_space<hbm>>
    tpu.wait_dma2 semaphore(%arg13 : memref<!tpu.dma_semaphore, #tpu.memory_space<semaphore_mem>>) src(%arg8 : memref<16384xf32, #tpu.memory_space<vmem>>) dst(%dma_wait3A_318 : memref<16384xf32, #tpu.memory_space<hbm>>)
    return
  }
}

</mosaic_0001>

<sc_bundles>
// kernel: kernel.3.cloned.1.call-start
scs
__scs_entry_jumppad:
0x0: {  	(pc) =	sbr.rel $0x88, $3  }
0x1: {  	(tag) =	ssettag $0x0;
	lr =	simm.s32 $0x1  }
0x2: {  	[smem:$0x3F9F] =	sst lr;
	_ =	strace $0xD0000000  }
0x3: {  	_ = 	snop  }
0x4: {  	_ = 	snop  }
0x5: {  	_ = 	snop  }
0x6: {  	_ = 	snop  }
0x7: {  	_ = 	snop  }
__scs_overlays_trampoline_lowered:
0x8: {  	[smem:$0x3FAE] =	sst s0  }
0x9: {  	[smem:$0x3FAF] =	sst s1  }
0xa: {  	[smem:$0x3FB0] =	sst s2  }
0xb: {  	[smem:$0x3FB1] =	sst s3  }
0xc: {  	[smem:$0x3FB2] =	sst s4  }
0xd: {  	[smem:$0x3FB3] =	sst s5  }
0xe: {  	[smem:$0x3FB4] =	sst s6  }
0xf: {  	[smem:$0x3FB5] =	sst s7  }
0x10: {  	[smem:$0x3FB6] =	sst s8  }
0x11: {  	[smem:$0x3FB7] =	sst s9;
	s0 =	simm.s32 @!p0 $0x0  }
0x12: {  	s1 =	sld [smem:$0x3F9D];
	s0 =	simm.s32 @p0 $0x1  }
0x13: {  	[smem:$0x3FB8] =	sst s0;
	s0 =	simm.s32 @!p1 $0x0  }
0x14: {  	s2 =	sld [smem:$0x3F9C];
	s0 =	simm.s32 @p1 $0x1  }
0x15: {  	[smem:$0x3FB9] =	sst s0;
	s0 =	simm.s32 @!p2 $0x0  }
0x16: {  	s3 =	sld [smem:$0x3FDB];
	s0 =	simm.s32 @p2 $0x1  }
0x17: {  	s4 =	simm.s32 $0x1BF5;
	[smem:$0x3FBB] =	sst s0  }
0x18: {  	s0 =	sld [smem:$0x3F9E];
	_ =	swait.ge [sflag:s4], $0x0  }
0x19: {  	s7 =	sld [smem:$0x3F9F]  }
0x1a: {  	s8 =	sadd.s32 $0xFFFFE003, lr  }
0x1b: {  	s9 =	sadd.s32 $0xFFFFFEF7, lr;
	s5 =	simm.s32 $0xFFFFFFFF;
	p2 =	slt.u32 s8, $0xFFFFF086  }
0x1c: {  	p1 =	slt.u32 s9, $0xF7A;
	s5 =	simm.s32 @!p2 $0x0  }
0x1d: {  	s5 =	simm.s32 @p1 $0x1;
	p0 =	seq.s32 s7, s2  }
0x1e: {  	s7 =	smul.u32 @!p0 $0xF7A, s2;
	p2 =	seq.s32 @!p0 s5, $0x0  }
0x1f: {  	s9 =	smul.u32 $0xF7A, s1;
	s8 =	simm.s32 @!p0 $0x1BF5;
	p2 =	por !p2, p0  }
0x20: {  	[sflag:s8] =	ssyncset.s32 @!p0 $0xFFFFF086;
	s6 =	sadd.s32 @!p0 s3, s7;
	s7 =	simm.s32 @!p0 $0x108  }
0x21: {  	s3 =	sadd.s32 s3, s9;
	s6 =	sadd.s32 @!p0 $0x88, s6;
	s7 =	simm.s32 @p2 $0x1082  }
0x22: {  	[simem:s7], [sflag:s8] =	dma.local @!p0 [hbm:s6], $0xF7A  }
0x23: {  	s9 =	sor.u32 $0xD0000000, s2;
	s6 =	simm.s32 $0x108;
	_ =	swait.ge @!p0 [sflag:s8], $0x0  }
0x24: {  	s3 =	sadd.s32 $0x88, s3;
	s6 =	simm.s32 @!p1 $0x1082;
	[sflag:s4] =	ssyncset.s32 $0xFFFFF086  }
0x25: {  	[simem:s6], [sflag:s4] =	dma.local [hbm:s3], $0xF7A  }
0x26: {  	[smem:$0x3F9F] =	sst s1;
	(tag) =	ssettag s2;
	_ =	strace s9  }
0x27: {  	s1 =	sld [smem:$0x3FAF]  }
0x28: {  	s2 =	sld [smem:$0x3FB0]  }
0x29: {  	s4 =	sld [smem:$0x3FB2]  }
0x2a: {  	p0 =	seq.s32 s5, $0x0;
	s5 =	sld [smem:$0x3FB3]  }
0x2b: {  	s6 =	sld [smem:$0x3FB4]  }
0x2c: {  	s7 =	sld [smem:$0x3FB5]  }
0x2d: {  	s3 =	simm.s32 $0x108;
	s8 =	sld [smem:$0x3FB6]  }
0x2e: {  	s3 =	simm.s32 @!p0 $0x1082;
	s9 =	sld [smem:$0x3FB7]  }
0x2f: {  	lr =	sadd.s32 s0, s3;
	s0 =	sld [smem:$0x3FAE]  }
0x30: {  	s3 =	sld [smem:$0x3FB1]  }
0x31: {  	[smem:$0x3FBA] =	sst s10  }
0x32: {  	s10 =	sld [smem:$0x3FB8];
	_ =	sdelay $0x3  }
0x33: {  	p0 =	seq.s32 s10, $0x1;
	s10 =	sld [smem:$0x3FBA];
	_ =	sdelay $0x3  }
0x34: {  	[smem:$0x3FBA] =	sst s10  }
0x35: {  	s10 =	sld [smem:$0x3FB9];
	_ =	sdelay $0x3  }
0x36: {  	p1 =	seq.s32 s10, $0x1;
	s10 =	sld [smem:$0x3FBA];
	_ =	sdelay $0x3  }
0x37: {  	[smem:$0x3FBA] =	sst s10  }
0x38: {  	s10 =	sld [smem:$0x3FBB]  }
0x39: {  	_ = 	snop;
	(pc) =	sbr.ind lr, $3  }
0x3a: {  	_ = 	snop  }
0x3b: {  	_ = 	snop  }
0x3c: {  	p2 =	seq.s32 s10, $0x1;
	s10 =	sld [smem:$0x3FBA]  }
0x3d: {  	_ =	shalt  }
0x3e: {  	_ =	shalt  }
0x3f: {  	_ =	shalt  }
0x40: {  	_ =	shalt  }
0x41: {  	_ =	shalt  }
0x42: {  	_ =	shalt  }
0x43: {  	_ =	shalt  }
0x44: {  	_ =	shalt  }
0x45: {  	_ =	shalt  }
0x46: {  	_ =	shalt  }
0x47: {  	_ =	shalt  }
0x48: {  	_ =	shalt  }
0x49: {  	_ =	shalt  }
0x4a: {  	_ =	shalt  }
0x4b: {  	_ =	shalt  }
0x4c: {  	_ =	shalt  }
0x4d: {  	_ =	shalt  }
0x4e: {  	_ =	shalt  }
0x4f: {  	_ =	shalt  }
0x50: {  	_ =	shalt  }
0x51: {  	_ =	shalt  }
0x52: {  	_ =	shalt  }
0x53: {  	_ =	shalt  }
0x54: {  	_ =	shalt  }
0x55: {  	_ =	shalt  }
0x56: {  	_ =	shalt  }
0x57: {  	_ =	shalt  }
0x58: {  	_ =	shalt  }
0x59: {  	_ =	shalt  }
0x5a: {  	_ =	shalt  }
0x5b: {  	_ =	shalt  }
0x5c: {  	_ =	shalt  }
0x5d: {  	_ =	shalt  }
0x5e: {  	_ =	shalt  }
0x5f: {  	_ =	shalt  }
0x60: {  	_ =	shalt  }
0x61: {  	_ =	shalt  }
0x62: {  	_ =	shalt  }
0x63: {  	_ =	shalt  }
0x64: {  	_ =	shalt  }
0x65: {  	_ =	shalt  }
0x66: {  	_ =	shalt  }
0x67: {  	_ =	shalt  }
0x68: {  	_ =	shalt  }
0x69: {  	_ =	shalt  }
0x6a: {  	_ =	shalt  }
0x6b: {  	_ =	shalt  }
0x6c: {  	_ =	shalt  }
0x6d: {  	_ =	shalt  }
0x6e: {  	_ =	shalt  }
0x6f: {  	_ =	shalt  }
0x70: {  	_ =	shalt  }
0x71: {  	_ =	shalt  }
0x72: {  	_ =	shalt  }
0x73: {  	_ =	shalt  }
0x74: {  	_ =	shalt  }
0x75: {  	_ =	shalt  }
0x76: {  	_ =	shalt  }
0x77: {  	_ =	shalt  }
0x78: {  	_ =	shalt  }
0x79: {  	_ =	shalt  }
0x7a: {  	_ =	shalt  }
0x7b: {  	_ =	shalt  }
0x7c: {  	_ =	shalt  }
0x7d: {  	_ =	shalt  }
0x7e: {  	_ =	shalt  }
0x7f: {  	_ =	shalt  }
0x80: {  	_ =	shalt  }
0x81: {  	_ =	shalt  }
0x82: {  	_ =	shalt  }
0x83: {  	_ =	shalt  }
0x84: {  	_ =	shalt  }
0x85: {  	_ =	shalt  }
0x86: {  	_ =	shalt  }
0x87: {  	_ =	shalt  }
.Lfunc_end0:
.L_simem_size_0:
called_computation_lowered:
.L_overlay_start_0:
0x88: {  	s2 =	sld [smem:$0x3FD9]  }
0x89: {  	s3 =	sld [smem:$0x3FFE];
	_ =	sdelay $0x1  }
0x8a: {  	s1 =	srdreg.scid  }
0x8b: {  	s0 =	sand.u32 $0x1, s1  }
0x8c: {  	s17 =	sshll.u32 s0, $0xA;
	s2 =	sadd.s32 s3, s2  }
0x8d: {  	s2 =	sadd.s32 s2, s17  }
0x8e: {  	[smem:$0x3FC6] =	sst s2  }
0x8f: {  	_ = 	snop  }
0x90: {  	s2 =	sld [smem:$0x3FC9]  }
0x91: {  	s18 =	sld [smem:$0x3FD0];
	(tm) =	ssettm $0x1  }
0x92: {  	s4 =	sld [smem:$0x3FFB];
	_ =	sdelay $0x3  }
0x93: {  	_ =	strace s4  }
0x94: {  	s4 =	sld [smem:$0x3FFC];
	_ =	sdelay $0x3  }
0x95: {  	_ =	strace s4  }
0x96: {  	s4 =	sld [smem:$0x3FFD];
	_ =	sdelay $0x3  }
0x97: {  	_ =	strace s4  }
0x98: {  	_ =	strace $0x8FFFFFFF  }
0x99: {  	s19 =	sld [smem:$0x3FDB];
	_ =	sdelay $0x1  }
0x9a: {  	s5 =	simm.s32 $_scs_section_size  }
0x9b: {  	s6 =	simm.s32 $_size__tile_overlayer_lowered;
	s7 =	simm.s32 $_tile_overlayer_lowered  }
0x9c: {  	s22 =	simm.s32 $0x1BFF;
	s21 =	sshll.u32 s7, $0x1;
	s4 =	sadd.s32 s5, s19  }
0x9d: {  	s8 =	simm.s32 $0x0;
	s20 =	sshll.u32 s6, $0x1;
	s6 =	sadd.s32 s21, s4  }
0x9e: {  	[timem:s8], [sflag:s22] =	dma.local [hbm:s6], s20  }
0x9f: {  	_ =	swait.ge [sflag:s22], s20  }
0xa0: {  	s5 =	ssub.s32 $0x0, s20;
	[sflag:s22] =	ssyncset.done $0x0  }
0xa1: {  	[sflag:s22] =	ssyncadd.s32 s5;
	_ =	sdelay $0x1  }
0xa2: {  	s23 =	simm.s32 $0x1B8B  }
0xa3: {  	_ =	swait.ge [sflag:s23], $0x1  }
0xa4: {  	[sflag:s23] =	ssyncset.done $0x0  }
0xa5: {  	s25 =	simm.s32 $0x1B8E;
	s24 =	sld [smem:$0x3FFE];
	[sflag:s23] =	ssyncadd.s32 $0xFFFFFFFF  }
0xa6: {  	s26 =	simm.s32 $execute0_lowered;
	[smem:$0x3FD2] =	sst s25  }
0xa7: {  	s6 =	sshll.u32 s26, $0x1;
	_ =	strace $0x80000046;
	[dreg:$0x1] =	wrdreg $0xFFFFFFFF  }
0xa8: {  	s28 =	simm.s32 $_size_execute0_lowered;
	s4 =	sadd.s32 s4, s6;
	[dreg:$0x0] =	wrdreg $0x0  }
0xa9: {  	s6 =	sshll.u32 s28, $0x1;
	[dreg:$0x2] =	wrdreg s4  }
0xaa: {  	[dreg:$0x3] =	wrdreg s6  }
0xab: {  	[dreg:$0x4] =	wrdreg $0xC0  }
0xac: {  	_ =	task [dreg:s8], $0x5FFFF  }
0xad: {  	[dreg:$0x1] =	wrdreg $0xFFFFFFFF  }
0xae: {  	[dreg:$0x0] =	wrdreg $0x60  }
0xaf: {  	[dreg:$0x2] =	wrdreg s2  }
0xb0: {  	[dreg:$0x3] =	wrdreg s24  }
0xb1: {  	[dreg:$0x4] =	wrdreg s18  }
0xb2: {  	[dreg:$0x5] =	wrdreg $0x9  }
0xb3: {  	_ =	task.clear_ibuf [dreg:s8], $0x6FFFF;
	_ =	strace $0x90000046  }
0xb4: {  	s29 =	simm.s32 $0x9;
	_ =	strace $0x80000048  }
0xb5: {  	_ =	swait.ge [sflag:s29], $0x1  }
0xb6: {  	[sflag:s29] =	ssyncadd.s32 $0xFFFFFFFF  }
0xb7: {  	_ =	strace $0x90000048  }
0xb8: {  	_ =	sfence  }
0xb9: {  	s30 =	sld [smem:$0x0];
	_ =	sdelay $0x2  }
0xba: {  	s31 =	sshll.u32 s1, $0xD;
	s1 =	sshrl.u32 s1, $0x2  }
0xbb: {  	s3 =	sand.u32 $0x4000, s31;
	s1 =	sadd.s32 s1, s30  }
0xbc: {  	s0 =	sor.u32 s3, s0;
	s1 =	sshll.u32 s1, $0x11  }
0xbd: {  	s0 =	sor.u32 s1, s0  }
0xbe: {  	s0 =	sadd.s32 $0x8F2B, s0  }
0xbf: {  	[sflag:s0] =	ssyncadd.remote.s32 $0x1  }
0xc0: {  	_ =	sfence.sel $0xFFFF  }
0xc1: {  	[dreg:$0x0] =	wrdreg $0xFFFFFFFF;
	(pc) =	sbr.abs _section_cstart, $3  }
0xc2: {  	[dreg:$0x1] =	wrdreg $0xFFFFFFFF  }
0xc3: {  	_ =	task.clear_ibuf [dreg:s8], $0x2FFFF;
	_ =	strace $0x9FFFFFFF  }
0xc4: {  	(tm) =	ssettm $0x7FFFFFFF  }
0xc5: {  	_ =	shalt  }
tec
execute0_lowered:
.L_overlay_start_1:
0x0: {  	(tag) =	ssettag $0x1  }
0x1: {  	s3 =	rddreg [dreg:$0x0]  }
0x2: {  	s4 =	rddreg [dreg:$0x2]  }
0x3: {  	s0 =	srdreg.scid;
	s1 =	stileid.u32  }
0x4: {  	s5 =	simm.s32 $0x0;
	s0 =	sand.u32 $0x1, s0;
	s1 =	sshll.u32 s1, $0x10  }
0x5: {  	[smem:$0x7FF] =	sst s5;
	s8 =	sadd.s32 $0x40000, s3;
	s2 =	sshll.u32 s0, $0xF  }
0x6: {  	s24 =	sadd.s32 $0x80000, s3;
	s25 =	sadd.s32 $0xC0000, s3;
	s6 =	sor.u32 s2, s1  }
0x7: {  	_ =	strace $0x80000047;
	[dreg:$0x12] =	wrdreg s8;
	s1 =	sshrl.u32 s6, $0x3  }
0x8: {  	s11 =	sadd.s32 $0x140000, s3;
	[dreg:$0x4] =	wrdreg s6;
	s22 =	sadd.s32 s1, s8  }
0x9: {  	s0 =	ssub.s32 $0x2, s0;
	s2 =	sadd.s32 s1, s24;
	[dreg:$0x7] =	wrdreg s22  }
0xa: {  	s20 =	sshrl.u32 s0, $0x1;
	s8 =	sadd.s32 s1, s25;
	[dreg:$0x9] =	wrdreg s2  }
0xb: {  	s0 =	ssub.s32 s0, s20;
	s14 =	sadd.s32 s1, s11;
	[dreg:$0xb] =	wrdreg s8  }
0xc: {  	s0 =	smax.u32 s0, $0x1;
	[dreg:$0xf] =	wrdreg s14  }
0xd: {  	s7 =	sadd.s32 s3, s1;
	[smem:$0x7F6] =	sst s0  }
0xe: {  	s21 =	sadd.s32 $0x20000, s7;
	[dreg:$0x5] =	wrdreg s7  }
0xf: {  	s23 =	sadd.s32 $0x60000, s7;
	[dreg:$0x6] =	wrdreg s21  }
0x10: {  	s26 =	sadd.s32 $0xA0000, s7;
	[dreg:$0x8] =	wrdreg s23  }
0x11: {  	s10 =	sadd.s32 $0x100000, s3;
	s9 =	sadd.s32 $0xE0000, s7;
	[dreg:$0xa] =	wrdreg s26  }
0x12: {  	s2 =	sadd.s32 s1, s10;
	[dreg:$0xc] =	wrdreg s9  }
0x13: {  	s12 =	sadd.s32 $0x120000, s7;
	[dreg:$0xd] =	wrdreg s2  }
0x14: {  	s15 =	sadd.s32 $0x160000, s7;
	[dreg:$0xe] =	wrdreg s12  }
0x15: {  	s17 =	sadd.s32 $0x1A0000, s7;
	[dreg:$0x10] =	wrdreg s15  }
0x16: {  	s28 =	simm.s32 $0x1;
	s20 =	sadd.s32 $0x1E0000, s7;
	[dreg:$0x11] =	wrdreg s17  }
0x17: {  	s13 =	smov.u32 s24;
	s22 =	sadd.s32 $0x40080, s7;
	[dreg:$0x13] =	wrdreg s20  }
0x18: {  	s18 =	smov.u32 s25;
	s25 =	sadd.s32 $0x80080, s7;
	[dreg:$0x15] =	wrdreg s22  }
0x19: {  	s19 =	smov.u32 s10;
	s10 =	sadd.s32 $0xE0080, s7;
	[dreg:$0x17] =	wrdreg s25  }
0x1a: {  	s24 =	smov.u32 s11;
	s11 =	sadd.s32 $0x100080, s7;
	[dreg:$0x1a] =	wrdreg s10  }
0x1b: {  	s16 =	sadd.s32 $0x180000, s3;
	s14 =	sadd.s32 $0x140080, s7;
	[dreg:$0x1c] =	wrdreg s11  }
0x1c: {  	s29 =	sadd.s32 $0x20000, s4;
	s21 =	sadd.s32 $0x20080, s7;
	[dreg:$0x1f] =	wrdreg s14  }
0x1d: {  	s30 =	sadd.s32 $0x40000, s4;
	s23 =	sadd.s32 $0x60080, s7;
	[dreg:$0x14] =	wrdreg s21  }
0x1e: {  	s31 =	sadd.s32 $0x60000, s4;
	s26 =	sadd.s32 $0xA0080, s7;
	[dreg:$0x16] =	wrdreg s23  }
0x1f: {  	s3 =	sadd.s32 $0x1C0000, s3;
	s9 =	sadd.s32 $0xC0080, s7;
	[dreg:$0x18] =	wrdreg s26  }
0x20: {  	s0 =	sadd.s32 $0x80000, s4;
	s2 =	sadd.s32 s1, s16;
	[dreg:$0x19] =	wrdreg s9  }
0x21: {  	s12 =	sadd.s32 $0x120080, s7;
	s1 =	sadd.s32 s1, s3;
	[dreg:$0x1b] =	wrdreg s2  }
0x22: {  	s15 =	sadd.s32 $0x160080, s7;
	s17 =	sadd.s32 $0x1A0080, s7;
	[dreg:$0x1d] =	wrdreg s12  }
0x23: {  	s20 =	sadd.s32 $0x80, s7;
	s22 =	sadd.s32 $0x1E0080, s7;
	[dreg:$0x1e] =	wrdreg s1  }
0x24: {  	s10 =	sadd.s32 $0x100000, s4;
	s11 =	sadd.s32 $0x120000, s4;
	[smem:$0x7F5] =	sst s15  }
0x25: {  	s14 =	sadd.s32 $0x140000, s4;
	s25 =	sor.u32 $0xC00, s6;
	[smem:$0x7F8] =	sst s17  }
0x26: {  	s26 =	smov.u32 s16;
	s16 =	sadd.s32 $0x180080, s7;
	[smem:$0x7F9] =	sst s20  }
0x27: {  	s12 =	smov.u32 s3;
	s21 =	sadd.s32 $0x1C0080, s7;
	[smem:$0x7FB] =	sst s22  }
0x28: {  	s2 =	sadd.s32 $0xA0000, s4;
	s3 =	sadd.s32 $0xC0000, s4;
	s9 =	sadd.s32 $0xE0000, s4  }
0x29: {  	s15 =	sadd.s32 $0x160000, s4;
	s17 =	sadd.s32 $0x1A0000, s4;
	[smem:$0x7FD] =	sst s25  }
0x2a: {  	s20 =	sadd.s32 $0x1C0000, s4;
	s23 =	sor.u32 $0x800, s6;
	[smem:$0x7F7] =	sst s16  }
0x2b: {  	s7 =	simm.s32 $0x2;
	s6 =	simm.s32 $0x0;
	[smem:$0x7FA] =	sst s21  }
0x2c: {  	v9 =	vimm.bf16 $0.0e+00;
	s16 =	sadd.s32 $0x180000, s4;
	s21 =	sadd.s32 $0x1E0000, s4;
	[smem:$0x7FC] =	sst s23  }
.LBB2_1:
0x2d: {  	[smem:$0x7F4] =	sst s6  }
0x2e: {  	s1 =	rddreg [dreg:$0x1];
	s4 =	simm.s32 $0x10000;
	s8 =	simm.s32 $0x5  }
0x2f: {  	[tilespmem:s4], [sflag:$0x5] =	stream.linear.gather [hbm4b:s1+s5], $0x80, $0x38;
	[tilespmem:$0x10080] =	vst v63  }
0x30: {  	_ =	swait.ge [sflag:s8], $0x80  }
0x31: {  	[sflag:s8] =	ssyncset.done $0x0;
	s22 =	rddreg [dreg:$0x5]  }
0x32: {  	s23 =	rddreg [dreg:$0x6];
	[sflag:s8] =	ssyncadd.s32 $0xFFFFFF80  }
0x33: {  	v10 =	vld [tilespmem:$0x10000];
	[tilespmem:s5], [sflag:$0x1] =	stream.linear.gather [hbm4b:s22+s5], $0x400, $0x38  }
0x34: {  	s25 =	simm.s32 $0x400;
	s4 =	rddreg [dreg:$0x7]  }
0x35: {  	[tilespmem:s25], [sflag:$0x1] =	stream.linear.gather [hbm4b:s23+s5], $0x400, $0x38;
	[tilespmem:$0x10080] =	vst v63  }
0x36: {  	s6 =	simm.s32 $0x800;
	s8 =	rddreg [dreg:$0x8]  }
0x37: {  	[tilespmem:s6], [sflag:$0x1] =	stream.linear.gather [hbm4b:s4+s5], $0x400, $0x38;
	[tilespmem:$0x10080] =	vst v63  }
0x38: {  	s22 =	simm.s32 $0xC00;
	s23 =	rddreg [dreg:$0x9]  }
0x39: {  	[tilespmem:s22], [sflag:$0x1] =	stream.linear.gather [hbm4b:s8+s5], $0x400, $0x38;
	[tilespmem:$0x10080] =	vst v63  }
0x3a: {  	s25 =	simm.s32 $0x1000;
	s4 =	rddreg [dreg:$0xa]  }
0x3b: {  	[tilespmem:s25], [sflag:$0x1] =	stream.linear.gather [hbm4b:s23+s5], $0x400, $0x38;
	[tilespmem:$0x10080] =	vst v63  }
0x3c: {  	s6 =	simm.s32 $0x1400;
	s8 =	rddreg [dreg:$0xb]  }
0x3d: {  	[tilespmem:s6], [sflag:$0x1] =	stream.linear.gather [hbm4b:s4+s5], $0x400, $0x38;
	[tilespmem:$0x10080] =	vst v63  }
0x3e: {  	s22 =	simm.s32 $0x1800;
	s23 =	rddreg [dreg:$0xc]  }
0x3f: {  	[tilespmem:s22], [sflag:$0x1] =	stream.linear.gather [hbm4b:s8+s5], $0x400, $0x38;
	[tilespmem:$0x10080] =	vst v63  }
0x40: {  	s25 =	simm.s32 $0x1C00;
	s4 =	rddreg [dreg:$0xd]  }
0x41: {  	[tilespmem:s25], [sflag:$0x1] =	stream.linear.gather [hbm4b:s23+s5], $0x400, $0x38;
	[tilespmem:$0x10080] =	vst v63  }
0x42: {  	s6 =	simm.s32 $0x2000;
	s8 =	rddreg [dreg:$0xe]  }
0x43: {  	[tilespmem:s6], [sflag:$0x1] =	stream.linear.gather [hbm4b:s4+s5], $0x400, $0x38;
	[tilespmem:$0x10080] =	vst v63  }
0x44: {  	s22 =	simm.s32 $0x2400;
	s23 =	rddreg [dreg:$0xf]  }
0x45: {  	[tilespmem:s22], [sflag:$0x1] =	stream.linear.gather [hbm4b:s8+s5], $0x400, $0x38;
	[tilespmem:$0x10080] =	vst v63  }
0x46: {  	s25 =	simm.s32 $0x2800;
	s4 =	rddreg [dreg:$0x10]  }
0x47: {  	[tilespmem:s25], [sflag:$0x1] =	stream.linear.gather [hbm4b:s23+s5], $0x400, $0x38;
	[tilespmem:$0x10080] =	vst v63  }
0x48: {  	s6 =	simm.s32 $0x2C00;
	s8 =	rddreg [dreg:$0x1b]  }
0x49: {  	[tilespmem:s6], [sflag:$0x1] =	stream.linear.gather [hbm4b:s4+s5], $0x400, $0x38;
	[tilespmem:$0x10080] =	vst v63  }
0x4a: {  	s22 =	simm.s32 $0x3000;
	s23 =	rddreg [dreg:$0x11]  }
0x4b: {  	[tilespmem:s22], [sflag:$0x1] =	stream.linear.gather [hbm4b:s8+s5], $0x400, $0x38;
	[tilespmem:$0x10080] =	vst v63  }
0x4c: {  	s25 =	simm.s32 $0x3400;
	s4 =	rddreg [dreg:$0x1e]  }
0x4d: {  	[tilespmem:s25], [sflag:$0x1] =	stream.linear.gather [hbm4b:s23+s5], $0x400, $0x38;
	[tilespmem:$0x10080] =	vst v63  }
0x4e: {  	s6 =	simm.s32 $0x3800;
	s8 =	rddreg [dreg:$0x13]  }
0x4f: {  	[tilespmem:s6], [sflag:$0x1] =	stream.linear.gather [hbm4b:s4+s5], $0x400, $0x38;
	[tilespmem:$0x10080] =	vst v63  }
0x50: {  	s22 =	simm.s32 $0x3C00;
	s23 =	sld [smem:$0x7F9]  }
0x51: {  	[tilespmem:s22], [sflag:$0x1] =	stream.linear.gather [hbm4b:s8+s5], $0x400, $0x38;
	[tilespmem:$0x10080] =	vst v63  }
0x52: {  	s25 =	simm.s32 $0x4000;
	s4 =	rddreg [dreg:$0x14]  }
0x53: {  	[tilespmem:s25], [sflag:$0x2] =	stream.linear.gather [hbm4b:s23+s5], $0x400, $0x38;
	[tilespmem:$0x10080] =	vst v63  }
0x54: {  	s6 =	simm.s32 $0x4400;
	s8 =	rddreg [dreg:$0x15]  }
0x55: {  	[tilespmem:s6], [sflag:$0x2] =	stream.linear.gather [hbm4b:s4+s5], $0x400, $0x38;
	[tilespmem:$0x10080] =	vst v63  }
0x56: {  	s22 =	simm.s32 $0x4800;
	s23 =	rddreg [dreg:$0x16]  }
0x57: {  	[tilespmem:s22], [sflag:$0x2] =	stream.linear.gather [hbm4b:s8+s5], $0x400, $0x38;
	[tilespmem:$0x10080] =	vst v63  }
0x58: {  	s25 =	simm.s32 $0x4C00;
	s4 =	rddreg [dreg:$0x17]  }
0x59: {  	[tilespmem:s25], [sflag:$0x2] =	stream.linear.gather [hbm4b:s23+s5], $0x400, $0x38;
	[tilespmem:$0x10080] =	vst v63  }
0x5a: {  	s6 =	simm.s32 $0x5000;
	s8 =	rddreg [dreg:$0x18]  }
0x5b: {  	[tilespmem:s6], [sflag:$0x2] =	stream.linear.gather [hbm4b:s4+s5], $0x400, $0x38;
	[tilespmem:$0x10080] =	vst v63  }
0x5c: {  	s22 =	simm.s32 $0x5400;
	s23 =	rddreg [dreg:$0x19]  }
0x5d: {  	[tilespmem:s22], [sflag:$0x2] =	stream.linear.gather [hbm4b:s8+s5], $0x400, $0x38;
	[tilespmem:$0x10080] =	vst v63  }
0x5e: {  	s25 =	simm.s32 $0x5800;
	s4 =	rddreg [dreg:$0x1a]  }
0x5f: {  	[tilespmem:s25], [sflag:$0x2] =	stream.linear.gather [hbm4b:s23+s5], $0x400, $0x38;
	[tilespmem:$0x10080] =	vst v63  }
0x60: {  	s6 =	simm.s32 $0x5C00;
	s8 =	rddreg [dreg:$0x1c]  }
0x61: {  	[tilespmem:s6], [sflag:$0x2] =	stream.linear.gather [hbm4b:s4+s5], $0x400, $0x38;
	[tilespmem:$0x10080] =	vst v63  }
0x62: {  	s22 =	simm.s32 $0x6000;
	s23 =	rddreg [dreg:$0x1d]  }
0x63: {  	[tilespmem:s22], [sflag:$0x2] =	stream.linear.gather [hbm4b:s8+s5], $0x400, $0x38;
	[tilespmem:$0x10080] =	vst v63  }
0x64: {  	s25 =	simm.s32 $0x6400;
	s4 =	rddreg [dreg:$0x1f]  }
0x65: {  	[tilespmem:s25], [sflag:$0x2] =	stream.linear.gather [hbm4b:s23+s5], $0x400, $0x38;
	[tilespmem:$0x10080] =	vst v63  }
0x66: {  	s6 =	simm.s32 $0x6800;
	s8 =	sld [smem:$0x7F5]  }
0x67: {  	[tilespmem:s6], [sflag:$0x2] =	stream.linear.gather [hbm4b:s4+s5], $0x400, $0x38;
	[tilespmem:$0x10080] =	vst v63  }
0x68: {  	s22 =	simm.s32 $0x6C00;
	s23 =	sld [smem:$0x7F7]  }
0x69: {  	v0 =	vimm.s32 $0x0;
	[tilespmem:s22], [sflag:$0x2] =	stream.linear.gather [hbm4b:s8+s5], $0x400, $0x38;
	[tilespmem:$0x10080] =	vst v63  }
0x6a: {  	v56 =	vimm.s32 $0x1;
	v57 =	vimm.s32 $0x2;
	v58 =	vimm.s32 $0x3;
	s25 =	simm.s32 $0x7000;
	s4 =	sld [smem:$0x7F8]  }
0x6b: {  	v59 =	vimm.s32 $0x4;
	v60 =	vimm.s32 $0x5;
	v11 =	vperm.xlane v10, v0;
	[tilespmem:s25], [sflag:$0x2] =	stream.linear.gather [hbm4b:s23+s5], $0x400, $0x38;
	[tilespmem:$0x10080] =	vst v63  }
0x6c: {  	v61 =	vimm.s32 $0x6;
	v12 =	vperm.xlane v10, v56;
	v13 =	vperm.xlane v10, v57;
	s6 =	simm.s32 $0x7400;
	s8 =	sld [smem:$0x7FA]  }
0x6d: {  	v62 =	vimm.s32 $0x7;
	v14 =	vperm.xlane v10, v58;
	v15 =	vperm.xlane v10, v59;
	[tilespmem:s6], [sflag:$0x2] =	stream.linear.gather [hbm4b:s4+s5], $0x400, $0x38;
	[tilespmem:$0x10080] =	vst v63  }
0x6e: {  	v63 =	vimm.s32 $0x8;
	v16 =	vperm.xlane v10, v60;
	v17 =	vperm.xlane v10, v61;
	s22 =	simm.s32 $0x7800;
	s23 =	sld [smem:$0x7FB]  }
0x6f: {  	v18 =	vperm.xlane v10, v62;
	v19 =	vperm.xlane v10, v63;
	[tilespmem:s22], [sflag:$0x2] =	stream.linear.gather [hbm4b:s8+s5], $0x400, $0x38;
	[tilespmem:$0x10080] =	vst v63  }
0x70: {  	v10 =	vpack.i.f32.bf16 v11, v11;
	v11 =	vpack.i.f32.bf16 v12, v12;
	v12 =	vpack.i.f32.bf16 v13, v13;
	s25 =	simm.s32 $0x7C00  }
0x71: {  	v13 =	vpack.i.f32.bf16 v14, v14;
	v14 =	vpack.i.f32.bf16 v15, v15;
	v15 =	vpack.i.f32.bf16 v16, v16;
	[tilespmem:s25], [sflag:$0x2] =	stream.linear.gather [hbm4b:s23+s5], $0x400, $0x38;
	[tilespmem:$0x10080] =	vst v63  }
0x72: {  	v16 =	vpack.i.f32.bf16 v17, v17;
	v17 =	vpack.i.f32.bf16 v18, v18;
	v18 =	vpack.i.f32.bf16 v19, v19;
	s25 =	simm.s32 $0x0  }
.LBB2_2:
0x73: {  	_ =	swait.ge [sflag:s28], $0x4000  }
0x74: {  	p0 =	seq.s32 s25, $0x0;
	[sflag:s28] =	ssyncset.done $0x0  }
0x75: {  	s1 =	simm.s32 @!p0 $0x3;
	[sflag:s28] =	ssyncadd.s32 $0xFFFFC000  }
0x76: {  	_ =	swait.ge @!p0 [sflag:s1], $0x4000  }
0x77: {  	[sflag:s1] =	ssyncset.done @!p0 $0x0  }
0x78: {  	[sflag:s1] =	ssyncadd.s32 @!p0 $0xFFFFC000;
	s1 =	simm.s32 $0xFFFFFC00  }
0x79: {  	v19 =	vld [tilespmem:s1+$0x1800]  }
0x7a: {  	v20 =	vld [tilespmem:s1+$0x1810]  }
0x7b: {  	v21 =	vld [tilespmem:s1+$0x1C00]  }
0x7c: {  	v22 =	vld [tilespmem:s1+$0x1C10]  }
0x7d: {  	v23 =	vld [tilespmem:s1+$0x2000]  }
0x7e: {  	v24 =	vld [tilespmem:s1+$0x2010];
	_ =	sdelay $0x1  }
0x7f: {  	v26 =	vld [tilespmem:s1+$0x2800];
	v25 =	vpack.i.f32.bf16 v20, v19  }
0x80: {  	v27 =	vld [tilespmem:s1+$0x2810];
	v19 =	vpack.i.f32.bf16 v22, v21;
	v21 =	vmul.bf16 v25, v10  }
0x81: {  	v28 =	vld [tilespmem:s1+$0x2C10];
	v29 =	vmul.bf16 v19, v11;
	v34 =	vmul.bf16 v25, v11  }
0x82: {  	v31 =	vld [tilespmem:s1+$0x3C00];
	v20 =	vpack.i.f32.bf16 v24, v23;
	v35 =	vmul.bf16 v19, v12;
	v36 =	vmul.bf16 v25, v13  }
0x83: {  	v22 =	vld [tilespmem:s1+$0x2C00];
	v30 =	vmul.bf16 v20, v12;
	v37 =	vmul.bf16 v25, v14  }
0x84: {  	v23 =	vld [tilespmem:s1+$0x3000];
	v38 =	vmul.bf16 v19, v14;
	v39 =	vmul.bf16 v25, v12  }
0x85: {  	v24 =	vld [tilespmem:s1+$0x3010];
	v32 =	vmul.bf16 v19, v10;
	v41 =	vmul.bf16 v20, v11  }
0x86: {  	v33 =	vld [tilespmem:s1+$0x3C10];
	vm0 =	veq.bf16 v25, $0.0e+00;
	v47 =	vmul.bf16 v19, v15;
	v48 =	vmul.bf16 v19, v13  }
0x87: {  	vm6 =	veq.bf16 v19, $0.0e+00;
	v29 =	vadd.bf16 v29, v21;
	v21 =	vpack.i.f32.bf16 v27, v26;
	v26 =	vld [tilespmem:s1+$0x3800]  }
0x88: {  	vm7 =	veq.bf16 v20, $0.0e+00;
	v27 =	vld [tilespmem:s1+$0x3810];
	v40 =	vmul.bf16 v21, v14;
	v43 =	vmul.bf16 v21, v11  }
0x89: {  	v42 =	vld [tilespmem:s1+$0x4000];
	v29 =	vadd.bf16 v30, v29;
	v30 =	vmul.bf16 v21, v13;
	v28 =	vpack.i.f32.bf16 v28, v22  }
0x8a: {  	v4 =	vld [tilespmem:s1+$0x1400];
	v22 =	vpack.i.f32.bf16 v24, v23;
	v24 =	vmul.bf16 v21, v10;
	v45 =	vmul.bf16 v28, v11  }
0x8b: {  	v54 =	vld [tilespmem:s1+$0x1410];
	vm9 =	veq.bf16 v21, $0.0e+00;
	v49 =	vmul.bf16 v28, v15;
	v3 =	vmul.bf16 v28, v13  }
0x8c: {  	v44 =	vld [tilespmem:s1+$0x4010];
	v53 =	vmul.bf16 v22, v12;
	v29 =	vadd.bf16 v30, v29;
	v30 =	vmul.bf16 v28, v14  }
0x8d: {  	v46 =	vld [tilespmem:s1+$0x400];
	vm1 =	veq.bf16 v28, $0.0e+00;
	vm10 =	veq.bf16 v22, $0.0e+00;
	v23 =	vpack.i.f32.bf16 v27, v26  }
0x8e: {  	v2 =	vld [tilespmem:s1+$0x410];
	v26 =	vadd.bf16 v41, v32;
	v29 =	vadd.bf16 v30, v29;
	v30 =	vmul.bf16 v22, v15  }
0x8f: {  	v50 =	vld [tilespmem:s1+$0xC00];
	v41 =	vadd.bf16 v45, v24;
	v24 =	vpack.i.f32.bf16 v33, v31;
	v45 =	vmul.bf16 v20, v15  }
0x90: {  	v31 =	vld [tilespmem:s1+$0x810];
	v32 =	vpack.i.f32.bf16 v54, v4;
	v27 =	vadd.bf16 v30, v29;
	v29 =	vmul.bf16 v23, v16  }
0x91: {  	v33 =	vmul.bf16 v24, v17;
	v4 =	vmul.bf16 v32, v10;
	vm5 =	veq.bf16 v32, $0.0e+00;
	v30 =	vld [tilespmem:s1+$0x800]  }
0x92: {  	v51 =	vld [tilespmem:s1+$0xC10];
	v29 =	vadd.bf16 v29, v27;
	v27 =	vpack.i.f32.bf16 v44, v42;
	v44 =	vmul.bf16 v28, v12  }
0x93: {  	v42 =	vadd.bf16 v3, v26;
	v3 =	vmul.bf16 v21, v16;
	v52 =	vmul.bf16 v27, v18  }
0x94: {  	v5 =	vld [tilespmem:s1+$0x1000];
	v33 =	vadd.bf16 v33, v29;
	v29 =	vpack.i.f32.bf16 v2, v46;
	v46 =	vmul.bf16 v25, v16  }
0x95: {  	v57 =	vld [tilespmem:s1+$0x1010];
	vm12 =	veq.bf16 v23, $0.0e+00;
	v55 =	vmul.bf16 v29, v13;
	v56 =	vmul.bf16 v29, v10  }
0x96: {  	v30 =	vpack.i.f32.bf16 v31, v30;
	v26 =	vadd.bf16 v52, v33;
	v52 =	vmul.bf16 v29, v11  }
0x97: {  	v31 =	vpack.i.f32.bf16 v51, v50;
	v58 =	vmul.bf16 v30, v11;
	v59 =	vmul.bf16 v30, v10  }
0x98: {  	vm13 =	veq.bf16 v24, $0.0e+00;
	v51 =	vmul.bf16 v30, v14;
	v6 =	vmul.bf16 v31, v12  }
0x99: {  	v41 =	vadd.bf16 v53, v41;
	v62 =	vmul.bf16 v31, v11;
	v54 =	vmul.bf16 v30, v13  }
0x9a: {  	v61 =	vld [tilespmem:s1+$0x2410];
	v63 =	vmul.bf16 v31, v14;
	v33 =	vpack.i.f32.bf16 v57, v5;
	v57 =	vmul.bf16 v30, v12  }
0x9b: {  	vm14 =	veq.bf16 v27, $0.0e+00;
	v50 =	vld [tilespmem:s1+$0x2400];
	v5 =	vmul.bf16 v32, v13;
	v1 =	vmul.bf16 v31, v10  }
0x9c: {  	vm2 =	veq.bf16 v30, $0.0e+00;
	vm3 =	veq.bf16 v31, $0.0e+00;
	v0 =	vmul.bf16 v33, v12  }
0x9d: {  	vm4 =	veq.bf16 v33, $0.0e+00;
	v26 =	vsel vm1, v9, v26;
	v56 =	vadd.bf16 v58, v56  }
0x9e: {  	v7 =	vadd.bf16 v62, v59;
	v59 =	vadd.bf16 v34, v4;
	v62 =	vmul.bf16 v31, v15  }
0x9f: {  	v4 =	vadd.bf16 v51, v55;
	v57 =	vadd.bf16 v57, v52;
	v51 =	vmul.bf16 v31, v13  }
0xa0: {  	vm1 =	veq.bf16 v29, $0.0e+00;
	v60 =	vunpack.i.u.bf16.f32 v26;
	v34 =	vpack.i.f32.bf16 v61, v50  }
0xa1: {  	v0 =	vadd.bf16 v0, v7;
	v50 =	vmul.bf16 v32, v11;
	v7 =	vmul.bf16 v34, v13  }
0xa2: {  	v56 =	vadd.bf16 v6, v56;
	v61 =	vmul.bf16 v34, v10;
	v58 =	vmul.bf16 v34, v14  }
0xa3: {  	v35 =	vadd.bf16 v35, v59;
	v2 =	vmul.bf16 v34, v16;
	v53 =	vmul.bf16 v34, v17  }
0xa4: {  	vm8 =	veq.bf16 v34, $0.0e+00;
	v6 =	vadd.bf16 v5, v56;
	v0 =	vadd.bf16 v36, v0  }
0xa5: {  	[tilespmem:s1+$0xAC10] =	vst v60;
	v60 =	vld [tilespmem:s1+$0x3400];
	v56 =	vmul.bf16 v33, v11;
	v5 =	vadd.bf16 v63, v54;
	v39 =	vadd.bf16 v39, v50  }
0xa6: {  	v59 =	vld [tilespmem:s1+$0x3410];
	v50 =	vmul.bf16 v29, v14;
	v36 =	vadd.bf16 v62, v4;
	v63 =	vmul.bf16 v25, v15  }
0xa7: {  	v4 =	vmul.bf16 v21, v15;
	v35 =	vadd.bf16 v7, v35;
	v7 =	vmul.bf16 v32, v14  }
0xa8: {  	v43 =	vadd.bf16 v43, v61;
	v61 =	vmul.bf16 v32, v16;
	v37 =	vadd.bf16 v37, v6  }
0xa9: {  	v6 =	vmul.bf16 v33, v15;
	v0 =	vadd.bf16 v38, v0;
	v1 =	vadd.bf16 v56, v1  }
0xaa: {  	v39 =	vadd.bf16 v58, v39;
	v56 =	vmul.bf16 v20, v18;
	v35 =	vadd.bf16 v40, v35  }
0xab: {  	v52 =	vpack.i.f32.bf16 v59, v60;
	v38 =	vadd.bf16 v7, v57;
	v40 =	vmul.bf16 v33, v14  }
0xac: {  	v43 =	vadd.bf16 v44, v43;
	v36 =	vadd.bf16 v61, v36;
	v7 =	vmul.bf16 v34, v11  }
0xad: {  	v60 =	vmul.bf16 v21, v12;
	v59 =	vmul.bf16 v22, v18;
	v37 =	vadd.bf16 v47, v37  }
0xae: {  	v0 =	vadd.bf16 v45, v0;
	v45 =	vmul.bf16 v30, v15;
	v62 =	vadd.bf16 v6, v5  }
0xaf: {  	v1 =	vadd.bf16 v48, v1;
	v5 =	vmul.bf16 v52, v16;
	v6 =	vmul.bf16 v22, v14  }
0xb0: {  	v61 =	vmul.bf16 v52, v13;
	v39 =	vadd.bf16 v4, v39;
	v4 =	vmul.bf16 v19, v17  }
0xb1: {  	v48 =	vmul.bf16 v20, v17;
	vm11 =	veq.bf16 v52, $0.0e+00;
	v35 =	vadd.bf16 v49, v35  }
0xb2: {  	v49 =	vmul.bf16 v20, v14;
	v38 =	vadd.bf16 v63, v38;
	v63 =	vmul.bf16 v28, v10  }
0xb3: {  	v40 =	vadd.bf16 v40, v51;
	v51 =	vmul.bf16 v19, v16;
	v46 =	vadd.bf16 v46, v62  }
0xb4: {  	v37 =	vadd.bf16 v2, v37;
	v0 =	vadd.bf16 v3, v0;
	v62 =	vmul.bf16 v23, v13  }
0xb5: {  	v2 =	vmul.bf16 v22, v11;
	v42 =	vadd.bf16 v6, v42;
	v43 =	vadd.bf16 v61, v43  }
0xb6: {  	v45 =	vadd.bf16 v45, v50;
	v3 =	vmul.bf16 v25, v17;
	v6 =	vmul.bf16 v28, v17  }
0xb7: {  	v50 =	vadd.bf16 v60, v7;
	v7 =	vmul.bf16 v28, v16;
	v60 =	vmul.bf16 v52, v17  }
0xb8: {  	v61 =	vmul.bf16 v23, v17;
	v25 =	vmul.bf16 v25, v18;
	v35 =	vadd.bf16 v5, v35  }
0xb9: {  	v28 =	vmul.bf16 v28, v18;
	v1 =	vadd.bf16 v49, v1;
	v38 =	vadd.bf16 v53, v38  }
0xba: {  	v49 =	vmul.bf16 v32, v17;
	v40 =	vadd.bf16 v51, v40;
	v41 =	vadd.bf16 v62, v41  }
0xbb: {  	v5 =	vmul.bf16 v21, v17;
	v47 =	vadd.bf16 v2, v63;
	v36 =	vadd.bf16 v3, v36  }
0xbc: {  	v44 =	vadd.bf16 v4, v46;
	v62 =	vmul.bf16 v24, v16;
	v63 =	vmul.bf16 v52, v14  }
0xbd: {  	v0 =	vadd.bf16 v6, v0;
	v4 =	vmul.bf16 v23, v14;
	v6 =	vmul.bf16 v24, v13  }
0xbe: {  	v39 =	vadd.bf16 v60, v39;
	v60 =	vmul.bf16 v22, v17;
	v37 =	vadd.bf16 v5, v37  }
0xbf: {  	v35 =	vadd.bf16 v61, v35;
	v5 =	vmul.bf16 v24, v14;
	v1 =	vadd.bf16 v7, v1  }
0xc0: {  	v7 =	vmul.bf16 v19, v18;
	v45 =	vadd.bf16 v49, v45;
	v42 =	vadd.bf16 v62, v42  }
0xc1: {  	v49 =	vmul.bf16 v21, v18;
	v43 =	vadd.bf16 v4, v43;
	v50 =	vadd.bf16 v63, v50  }
0xc2: {  	v61 =	vmul.bf16 v23, v18;
	v47 =	vadd.bf16 v6, v47;
	v44 =	vadd.bf16 v56, v44  }
0xc3: {  	v62 =	vmul.bf16 v24, v18;
	v63 =	vmul.bf16 v27, v17;
	v0 =	vadd.bf16 v59, v0  }
0xc4: {  	v4 =	vmul.bf16 v23, v15;
	v41 =	vadd.bf16 v5, v41;
	v36 =	vadd.bf16 v7, v36  }
0xc5: {  	v6 =	vmul.bf16 v27, v15;
	v28 =	vadd.bf16 v28, v37;
	v29 =	vadd.bf16 v49, v38  }
0xc6: {  	v5 =	vmul.bf16 v24, v15;
	v1 =	vadd.bf16 v60, v1;
	v30 =	vadd.bf16 v61, v39  }
0xc7: {  	v7 =	vmul.bf16 v27, v14;
	v25 =	vadd.bf16 v25, v45;
	v60 =	vadd.bf16 v48, v40  }
0xc8: {  	v49 =	vunpack.i.l.bf16.f32 v26;
	v35 =	vadd.bf16 v62, v35;
	v59 =	vadd.bf16 v63, v42  }
0xc9: {  	v61 =	vadd.bf16 v4, v50;
	v0 =	vsel vm6, v9, v0;
	v31 =	vadd.bf16 v5, v43  }
0xca: {  	v27 =	vsel vm3, v9, v44;
	v37 =	vadd.bf16 v6, v41;
	v62 =	vadd.bf16 v7, v47  }
0xcb: {  	v21 =	vsel vm0, v9, v28;
	v24 =	vsel vm2, v9, v36;
	v63 =	vsel vm5, v9, v29  }
0xcc: {  	v1 =	vsel vm7, v9, v1;
	v22 =	vsel vm8, v9, v30;
	v34 =	vsel vm1, v9, v25  }
0xcd: {  	v33 =	vsel vm4, v9, v60;
	v30 =	vunpack.i.u.bf16.f32 v0;
	v0 =	vunpack.i.l.bf16.f32 v0  }
0xce: {  	v41 =	vunpack.i.l.bf16.f32 v27;
	v23 =	vsel vm9, v9, v35;
	v20 =	vsel vm10, v9, v59  }
0xcf: {  	v28 =	vsel vm11, v9, v61;
	v29 =	vunpack.i.u.bf16.f32 v21;
	v21 =	vunpack.i.l.bf16.f32 v21  }
0xd0: {  	s4 =	simm.s32 $0xFFFFFC20;
	v40 =	vunpack.i.u.bf16.f32 v24;
	v42 =	vunpack.i.l.bf16.f32 v24;
	v35 =	vunpack.i.u.bf16.f32 v27;
	[tilespmem:s1+$0x9C00] =	vst v0  }
0xd1: {  	v27 =	vld [tilespmem:s4+$0x1C00];
	v36 =	vunpack.i.l.bf16.f32 v63;
	[tilespmem:s1+$0x9C10] =	vst v30;
	v26 =	vunpack.i.u.bf16.f32 v1;
	v19 =	vsel vm12, v9, v31  }
0xd2: {  	v38 =	vsel vm13, v9, v37;
	v25 =	vsel vm14, v9, v62;
	[tilespmem:s1+$0x9800] =	vst v21;
	v48 =	vunpack.i.u.bf16.f32 v23;
	v21 =	vld [tilespmem:s4+$0x1800]  }
0xd3: {  	s6 =	simm.s32 $0xFFFFF100;
	v51 =	vunpack.i.l.bf16.f32 v23;
	[tilespmem:s1+$0x9810] =	vst v29;
	v23 =	vld [tilespmem:s4+$0x1810];
	v29 =	vunpack.i.u.bf16.f32 v63;
	v31 =	vunpack.i.l.bf16.f32 v1  }
.LBB2_3:
0xd4: {  	p1 =	sne.s32 s6, $0xFFFFFF80;
	v0 =	vld [tilespmem:s4+$0x1C10];
	v1 =	vunpack.i.u.bf16.f32 v22;
	v22 =	vunpack.i.l.bf16.f32 v22;
	[tilespmem:s1+$0xA800] =	vst v51;
	v30 =	vunpack.i.u.bf16.f32 v20  }
0xd5: {  	v44 =	vunpack.i.l.bf16.f32 v20;
	v45 =	vunpack.i.u.bf16.f32 v19;
	v46 =	vunpack.i.l.bf16.f32 v19;
	v32 =	vld [tilespmem:s4+$0x2000];
	[tilespmem:s1+$0xA810] =	vst v48  }
0xd6: {  	v47 =	vunpack.i.u.bf16.f32 v34;
	v48 =	vunpack.i.u.bf16.f32 v38;
	v20 =	vld [tilespmem:s4+$0x2010];
	[tilespmem:s1+$0xAC00] =	vst v49;
	v49 =	vunpack.i.l.bf16.f32 v38  }
0xd7: {  	v50 =	vunpack.i.l.bf16.f32 v34;
	v51 =	vunpack.i.u.bf16.f32 v33;
	v52 =	vunpack.i.l.bf16.f32 v33;
	v37 =	vld [tilespmem:s4+$0x2800];
	[tilespmem:s1+$0x8800] =	vst v42  }
0xd8: {  	v53 =	vunpack.i.u.bf16.f32 v28;
	v54 =	vunpack.i.l.bf16.f32 v28;
	v33 =	vunpack.i.u.bf16.f32 v25;
	v39 =	vld [tilespmem:s4+$0x2810];
	[tilespmem:s1+$0x8810] =	vst v40  }
0xd9: {  	v55 =	vunpack.i.l.bf16.f32 v25;
	v24 =	vpack.i.f32.bf16 v23, v21;
	v19 =	vpack.i.f32.bf16 v0, v27;
	v0 =	vld [tilespmem:s4+$0x2C00];
	[tilespmem:s1+$0x8C00] =	vst v41  }
0xda: {  	vm0 =	veq.bf16 v24, $0.0e+00;
	v21 =	vmul.bf16 v24, v10;
	v23 =	vld [tilespmem:s4+$0x2C10];
	v25 =	vmul.bf16 v19, v11;
	[tilespmem:s1+$0x8C10] =	vst v35  }
0xdb: {  	v34 =	vmul.bf16 v24, v11;
	v38 =	vmul.bf16 v19, v12;
	v20 =	vpack.i.f32.bf16 v20, v32;
	v28 =	vld [tilespmem:s4+$0x3000];
	[tilespmem:s1+$0x9400] =	vst v36  }
0xdc: {  	v35 =	vmul.bf16 v24, v13;
	v32 =	vld [tilespmem:s4+$0x3010];
	v25 =	vadd.bf16 v25, v21;
	v27 =	vmul.bf16 v20, v12;
	[tilespmem:s1+$0x9410] =	vst v29  }
0xdd: {  	v40 =	vmul.bf16 v24, v14;
	v21 =	vpack.i.f32.bf16 v39, v37;
	v29 =	vld [tilespmem:s4+$0x3800];
	v37 =	vmul.bf16 v19, v14;
	[tilespmem:s1+$0xA000] =	vst v31  }
0xde: {  	v36 =	vmul.bf16 v24, v12;
	v31 =	vld [tilespmem:s4+$0x3810];
	v25 =	vadd.bf16 v27, v25;
	v41 =	vmul.bf16 v21, v13;
	[tilespmem:s1+$0xA010] =	vst v26  }
0xdf: {  	v39 =	vmul.bf16 v21, v14;
	v26 =	vmul.bf16 v19, v10;
	v27 =	vpack.i.f32.bf16 v23, v0;
	v0 =	vld [tilespmem:s4+$0x3C00];
	[tilespmem:s1+$0xA400] =	vst v22  }
0xe0: {  	v56 =	vld [tilespmem:s4+$0x3C10];
	v23 =	vadd.bf16 v41, v25;
	v25 =	vmul.bf16 v27, v14;
	v41 =	vmul.bf16 v20, v11;
	[tilespmem:s1+$0xA410] =	vst v1  }
0xe1: {  	v43 =	vmul.bf16 v21, v11;
	v22 =	vpack.i.f32.bf16 v32, v28;
	v1 =	vld [tilespmem:s4+$0x4000];
	v28 =	vmul.bf16 v21, v10;
	[tilespmem:s1+$0xB000] =	vst v44  }
0xe2: {  	v44 =	vmul.bf16 v27, v11;
	v32 =	vld [tilespmem:s4+$0x4010];
	v25 =	vadd.bf16 v25, v23;
	v42 =	vmul.bf16 v22, v15;
	[tilespmem:s1+$0xB010] =	vst v30  }
0xe3: {  	v57 =	vmul.bf16 v19, v15;
	v26 =	vadd.bf16 v41, v26;
	v30 =	vld [tilespmem:s4+$0x400];
	v23 =	vpack.i.f32.bf16 v31, v29;
	[tilespmem:s1+$0xB800] =	vst v46  }
0xe4: {  	v29 =	vld [tilespmem:s4+$0x410];
	v31 =	vadd.bf16 v42, v25;
	v41 =	vmul.bf16 v23, v16;
	v42 =	vadd.bf16 v44, v28;
	[tilespmem:s1+$0xB810] =	vst v45  }
0xe5: {  	v45 =	vmul.bf16 v19, v13;
	v44 =	vld [tilespmem:s4+$0x800];
	v25 =	vpack.i.f32.bf16 v56, v0;
	v0 =	vmul.bf16 v20, v15;
	[tilespmem:s1+$0xBC00] =	vst v49  }
0xe6: {  	v49 =	vmul.bf16 v27, v15;
	v46 =	vld [tilespmem:s4+$0x810];
	v31 =	vadd.bf16 v41, v31;
	v41 =	vmul.bf16 v25, v17;
	[tilespmem:s1+$0xBC10] =	vst v48  }
0xe7: {  	v56 =	vmul.bf16 v27, v12;
	v48 =	vld [tilespmem:s4+$0xC00];
	v28 =	vpack.i.f32.bf16 v32, v1;
	v1 =	vmul.bf16 v27, v13;
	[tilespmem:s1+$0x8400] =	vst v50  }
0xe8: {  	v58 =	vmul.bf16 v22, v12;
	v32 =	vld [tilespmem:s4+$0xC10];
	v31 =	vadd.bf16 v41, v31;
	v50 =	vmul.bf16 v28, v18;
	[tilespmem:s1+$0x8410] =	vst v47  }
0xe9: {  	v59 =	vmul.bf16 v24, v16;
	v29 =	vpack.i.f32.bf16 v29, v30;
	v47 =	vld [tilespmem:s4+$0x1400];
	v41 =	vadd.bf16 v1, v26;
	[tilespmem:s1+$0x9000] =	vst v52  }
0xea: {  	v1 =	vld [tilespmem:s4+$0x1410];
	v52 =	vmul.bf16 v29, v13;
	v60 =	vmul.bf16 v29, v10;
	v26 =	vadd.bf16 v50, v31;
	[tilespmem:s1+$0x9010] =	vst v51  }
0xeb: {  	vm1 =	veq.bf16 v27, $0.0e+00;
	v30 =	vpack.i.f32.bf16 v46, v44;
	v44 =	vld [tilespmem:s4+$0x1000];
	v46 =	vmul.bf16 v29, v11;
	[tilespmem:s1+$0xB400] =	vst v54  }
0xec: {  	v50 =	vld [tilespmem:s4+$0x1010];
	v51 =	vmul.bf16 v30, v11;
	v54 =	vmul.bf16 v30, v10;
	v26 =	vsel vm1, v9, v26;
	[tilespmem:s1+$0xB410] =	vst v53  }
0xed: {  	v53 =	vmul.bf16 v30, v14;
	v31 =	vpack.i.f32.bf16 v32, v48;
	v48 =	vld [tilespmem:s4+$0x2400];
	v32 =	vunpack.i.u.bf16.f32 v26;
	[tilespmem:s1+$0xC000] =	vst v55  }
0xee: {  	v55 =	vld [tilespmem:s4+$0x2410];
	v51 =	vadd.bf16 v51, v60;
	v60 =	vmul.bf16 v31, v12;
	v61 =	vmul.bf16 v31, v11;
	[tilespmem:s4+$0xAC10] =	vst v32  }
0xef: {  	v62 =	vmul.bf16 v31, v14;
	v32 =	vpack.i.f32.bf16 v1, v47;
	v1 =	vld [tilespmem:s4+$0x3400];
	v47 =	vmul.bf16 v30, v13;
	[tilespmem:s1+$0xC010] =	vst v33;
	s1 =	smov.u32 s4  }
0xf0: {  	v63 =	vld [tilespmem:s1+$0x3410];
	v51 =	vadd.bf16 v60, v51;
	v54 =	vadd.bf16 v61, v54;
	v60 =	vmul.bf16 v32, v10  }
0xf1: {  	v33 =	vpack.i.f32.bf16 v50, v44;
	v44 =	vmul.bf16 v30, v12;
	v50 =	vmul.bf16 v32, v13  }
0xf2: {  	v2 =	vmul.bf16 v31, v10;
	v61 =	vmul.bf16 v33, v12;
	v60 =	vadd.bf16 v34, v60  }
0xf3: {  	v34 =	vpack.i.f32.bf16 v55, v48;
	v48 =	vadd.bf16 v50, v51;
	v50 =	vmul.bf16 v33, v11  }
0xf4: {  	v51 =	vadd.bf16 v61, v54;
	v38 =	vadd.bf16 v38, v60;
	v54 =	vmul.bf16 v34, v13  }
0xf5: {  	v55 =	vmul.bf16 v34, v10;
	v40 =	vadd.bf16 v40, v48;
	v48 =	vmul.bf16 v32, v11  }
0xf6: {  	v60 =	vmul.bf16 v31, v15;
	v35 =	vadd.bf16 v35, v51;
	v38 =	vadd.bf16 v54, v38  }
0xf7: {  	v47 =	vadd.bf16 v62, v47;
	v51 =	vadd.bf16 v53, v52;
	v52 =	vmul.bf16 v33, v15  }
0xf8: {  	v53 =	vmul.bf16 v32, v14;
	v37 =	vadd.bf16 v37, v35;
	v38 =	vadd.bf16 v39, v38  }
0xf9: {  	v2 =	vadd.bf16 v50, v2;
	v39 =	vadd.bf16 v44, v46;
	v44 =	vmul.bf16 v34, v14  }
0xfa: {  	v35 =	vpack.i.f32.bf16 v63, v1;
	v1 =	vadd.bf16 v36, v48;
	v36 =	vadd.bf16 v43, v55  }
0xfb: {  	v40 =	vadd.bf16 v57, v40;
	v43 =	vmul.bf16 v29, v14;
	v0 =	vadd.bf16 v0, v37  }
0xfc: {  	v46 =	vadd.bf16 v60, v51;
	v37 =	vmul.bf16 v30, v15;
	v38 =	vadd.bf16 v49, v38  }
0xfd: {  	v48 =	vmul.bf16 v32, v16;
	v47 =	vadd.bf16 v52, v47;
	v39 =	vadd.bf16 v53, v39  }
0xfe: {  	v2 =	vadd.bf16 v45, v2;
	v49 =	vmul.bf16 v31, v13;
	v1 =	vadd.bf16 v44, v1  }
0xff: {  	v42 =	vadd.bf16 v58, v42;
	v44 =	vmul.bf16 v33, v14;
	v36 =	vadd.bf16 v56, v36  }
0x100: {  	v45 =	vadd.bf16 v48, v46;
	v46 =	vmul.bf16 v24, v15;
	v48 =	vmul.bf16 v34, v16  }
0x101: {  	v50 =	vmul.bf16 v21, v16;
	v51 =	vmul.bf16 v20, v14;
	v47 =	vadd.bf16 v59, v47  }
0x102: {  	v52 =	vmul.bf16 v35, v16;
	v40 =	vadd.bf16 v48, v40;
	v48 =	vmul.bf16 v21, v15  }
0x103: {  	v53 =	vmul.bf16 v34, v11;
	v0 =	vadd.bf16 v50, v0;
	v50 =	vmul.bf16 v22, v14  }
0x104: {  	v54 =	vmul.bf16 v35, v13;
	v38 =	vadd.bf16 v52, v38;
	v52 =	vmul.bf16 v21, v12  }
0x105: {  	v55 =	vmul.bf16 v27, v10;
	v39 =	vadd.bf16 v46, v39;
	v46 =	vmul.bf16 v23, v13  }
0x106: {  	v2 =	vadd.bf16 v51, v2;
	v1 =	vadd.bf16 v48, v1;
	v48 =	vmul.bf16 v22, v11  }
0x107: {  	v51 =	vmul.bf16 v32, v17;
	v36 =	vadd.bf16 v54, v36;
	v41 =	vadd.bf16 v50, v41  }
0x108: {  	v37 =	vadd.bf16 v37, v43;
	v43 =	vmul.bf16 v24, v17;
	v42 =	vadd.bf16 v46, v42  }
0x109: {  	v44 =	vadd.bf16 v44, v49;
	v46 =	vmul.bf16 v19, v17;
	v49 =	vadd.bf16 v52, v53  }
0x10a: {  	v50 =	vmul.bf16 v19, v16;
	v52 =	vmul.bf16 v34, v17;
	v48 =	vadd.bf16 v48, v55  }
0x10b: {  	v43 =	vadd.bf16 v43, v45;
	v45 =	vmul.bf16 v21, v17;
	v53 =	vmul.bf16 v27, v17  }
0x10c: {  	v54 =	vmul.bf16 v35, v17;
	v46 =	vadd.bf16 v46, v47;
	v47 =	vmul.bf16 v27, v16  }
0x10d: {  	v40 =	vadd.bf16 v45, v40;
	v45 =	vmul.bf16 v23, v17;
	v55 =	vmul.bf16 v25, v16  }
0x10e: {  	v56 =	vmul.bf16 v23, v14;
	v0 =	vadd.bf16 v53, v0;
	v53 =	vmul.bf16 v35, v14  }
0x10f: {  	v57 =	vmul.bf16 v25, v13;
	v38 =	vadd.bf16 v45, v38;
	v45 =	vmul.bf16 v25, v14  }
0x110: {  	v24 =	vmul.bf16 v24, v18;
	v39 =	vadd.bf16 v52, v39;
	v2 =	vadd.bf16 v47, v2  }
0x111: {  	v1 =	vadd.bf16 v54, v1;
	v47 =	vmul.bf16 v19, v18;
	v41 =	vadd.bf16 v55, v41  }
0x112: {  	v36 =	vadd.bf16 v56, v36;
	v52 =	vmul.bf16 v20, v18;
	v42 =	vadd.bf16 v45, v42  }
0x113: {  	v37 =	vadd.bf16 v51, v37;
	v44 =	vadd.bf16 v50, v44;
	v45 =	vmul.bf16 v20, v17  }
0x114: {  	v50 =	vmul.bf16 v21, v18;
	v49 =	vadd.bf16 v53, v49;
	v48 =	vadd.bf16 v57, v48  }
0x115: {  	v27 =	vmul.bf16 v27, v18;
	v43 =	vadd.bf16 v47, v43;
	v47 =	vmul.bf16 v22, v18  }
0x116: {  	v51 =	vmul.bf16 v22, v17;
	v46 =	vadd.bf16 v52, v46;
	v52 =	vmul.bf16 v23, v18  }
0x117: {  	v27 =	vadd.bf16 v27, v40;
	v40 =	vmul.bf16 v25, v18;
	v53 =	vmul.bf16 v28, v17  }
0x118: {  	v54 =	vmul.bf16 v25, v15;
	v0 =	vadd.bf16 v47, v0;
	v47 =	vmul.bf16 v23, v15  }
0x119: {  	v55 =	vmul.bf16 v28, v14;
	v38 =	vadd.bf16 v40, v38;
	v40 =	vmul.bf16 v28, v15  }
0x11a: {  	vm1 =	veq.bf16 v29, $0.0e+00;
	v29 =	vadd.bf16 v50, v39;
	v2 =	vadd.bf16 v51, v2  }
0x11b: {  	vm3 =	veq.bf16 v30, $0.0e+00;
	v1 =	vadd.bf16 v52, v1;
	v30 =	vadd.bf16 v53, v41  }
0x11c: {  	vm4 =	veq.bf16 v31, $0.0e+00;
	v31 =	vadd.bf16 v54, v36;
	v36 =	vadd.bf16 v40, v42  }
0x11d: {  	vm2 =	veq.bf16 v33, $0.0e+00;
	v24 =	vadd.bf16 v24, v37;
	v37 =	vadd.bf16 v45, v44  }
0x11e: {  	vm5 =	veq.bf16 v32, $0.0e+00;
	v39 =	vadd.bf16 v55, v48;
	v32 =	vadd.bf16 v47, v49  }
0x11f: {  	vm6 =	veq.bf16 v19, $0.0e+00;
	vm7 =	veq.bf16 v20, $0.0e+00;
	vm8 =	veq.bf16 v34, $0.0e+00  }
0x120: {  	vm9 =	veq.bf16 v21, $0.0e+00;
	vm10 =	veq.bf16 v22, $0.0e+00;
	vm11 =	veq.bf16 v35, $0.0e+00  }
0x121: {  	vm12 =	veq.bf16 v23, $0.0e+00;
	vm13 =	veq.bf16 v25, $0.0e+00;
	vm14 =	veq.bf16 v28, $0.0e+00  }
0x122: {  	v21 =	vsel vm0, v9, v27;
	v23 =	vsel vm9, v9, v38;
	v0 =	vsel vm6, v9, v0  }
0x123: {  	v41 =	vsel vm4, v9, v46;
	v27 =	vsel vm3, v9, v43;
	v43 =	vsel vm5, v9, v29  }
0x124: {  	v2 =	vsel vm7, v9, v2;
	v22 =	vsel vm8, v9, v1;
	v20 =	vsel vm10, v9, v30  }
0x125: {  	v34 =	vsel vm1, v9, v24;
	v19 =	vsel vm12, v9, v31;
	v38 =	vsel vm13, v9, v36  }
0x126: {  	v25 =	vsel vm14, v9, v39;
	v33 =	vsel vm2, v9, v37;
	v28 =	vsel vm11, v9, v32  }
.Ltmp0:
0x127: {  	v1 =	vunpack.i.u.bf16.f32 v21;
	v21 =	vunpack.i.l.bf16.f32 v21;
	v24 =	vunpack.i.u.bf16.f32 v0;
	(pc) =	sbr.rel @p1 .LBB2_3-.Ltmp0, $4  }
0x128: {  	s4 =	sshra.s32 s6, $0x2;
	v48 =	vunpack.i.u.bf16.f32 v23;
	v51 =	vunpack.i.l.bf16.f32 v23;
	v0 =	vunpack.i.l.bf16.f32 v0;
	[tilespmem:s1+$0x9800] =	vst v21  }
0x129: {  	v40 =	vunpack.i.u.bf16.f32 v27;
	v42 =	vunpack.i.l.bf16.f32 v27;
	v49 =	vunpack.i.l.bf16.f32 v26;
	v21 =	vld [tilespmem:s4+$0x1800];
	[tilespmem:s1+$0x9810] =	vst v1  }
0x12a: {  	v35 =	vunpack.i.u.bf16.f32 v41;
	v41 =	vunpack.i.l.bf16.f32 v41;
	v29 =	vunpack.i.u.bf16.f32 v43;
	v23 =	vld [tilespmem:s4+$0x1810];
	[tilespmem:s1+$0x9C00] =	vst v0  }
0x12b: {  	s6 =	sadd.s32 $0x80, s6;
	v31 =	vunpack.i.l.bf16.f32 v2;
	v36 =	vunpack.i.l.bf16.f32 v43;
	v26 =	vunpack.i.u.bf16.f32 v2;
	v27 =	vld [tilespmem:s4+$0x1C00];
	[tilespmem:s1+$0x9C10] =	vst v24  }
0x12c: {  	v0 =	vld [tilespmem:s4+$0x1C10]  }
0x12d: {  	v1 =	vld [tilespmem:s4+$0x2000]  }
0x12e: {  	v2 =	vld [tilespmem:s4+$0x2010]  }
0x12f: {  	v24 =	vld [tilespmem:s4+$0x2800]  }
0x130: {  	v30 =	vld [tilespmem:s4+$0x2810]  }
0x131: {  	v37 =	vld [tilespmem:s4+$0x2C00]  }
0x132: {  	v43 =	vld [tilespmem:s4+$0x2C10]  }
0x133: {  	v63 =	vld [tilespmem:s4+$0x3000];
	v54 =	vunpack.i.u.bf16.f32 v22;
	v57 =	vunpack.i.l.bf16.f32 v22  }
0x134: {  	v45 =	vld [tilespmem:s4+$0x3010];
	v53 =	vunpack.i.u.bf16.f32 v20;
	v56 =	vunpack.i.l.bf16.f32 v20;
	v39 =	vpack.i.f32.bf16 v23, v21  }
0x135: {  	v50 =	vld [tilespmem:s4+$0x3810];
	v3 =	vunpack.i.u.bf16.f32 v19;
	v23 =	vmul.bf16 v39, v10;
	v59 =	vmul.bf16 v39, v13  }
0x136: {  	v6 =	vld [tilespmem:s4+$0x3C00];
	v60 =	vmul.bf16 v39, v14;
	v4 =	vmul.bf16 v39, v12;
	v32 =	vpack.i.f32.bf16 v0, v27  }
0x137: {  	v7 =	vld [tilespmem:s4+$0x3C10];
	v21 =	vpack.i.f32.bf16 v2, v1;
	v44 =	vpack.i.f32.bf16 v43, v37;
	v37 =	vmul.bf16 v39, v11  }
0x138: {  	v1 =	vld [tilespmem:s4+$0x3800];
	v30 =	vpack.i.f32.bf16 v30, v24;
	[tilespmem:$0x1FFF0] =	vst v3;
	v27 =	vmul.bf16 v32, v11;
	v47 =	vmul.bf16 v21, v12  }
0x139: {  	v22 =	vpack.i.f32.bf16 v45, v63;
	v20 =	vmul.bf16 v30, v13;
	v58 =	vmul.bf16 v32, v12;
	[tilespmem:s1+$0xA810] =	vst v48  }
0x13a: {  	v55 =	vunpack.i.l.bf16.f32 v19;
	v45 =	vmul.bf16 v22, v15;
	v61 =	vmul.bf16 v32, v14;
	[tilespmem:s1+$0xAC00] =	vst v49  }
0x13b: {  	vm13 =	veq.bf16 v39, $0.0e+00;
	v62 =	vmul.bf16 v30, v10;
	v63 =	vmul.bf16 v44, v11;
	[tilespmem:s1+$0x8800] =	vst v42  }
0x13c: {  	vm0 =	veq.bf16 v44, $0.0e+00;
	v48 =	vunpack.i.u.bf16.f32 v33;
	v33 =	vunpack.i.l.bf16.f32 v33;
	[tilespmem:s1+$0x8810] =	vst v40  }
0x13d: {  	v19 =	vld [tilespmem:s4+$0x4000];
	v42 =	vunpack.i.u.bf16.f32 v28;
	v28 =	vunpack.i.l.bf16.f32 v28;
	[tilespmem:s1+$0x8C00] =	vst v41;
	v46 =	vadd.bf16 v27, v23  }
0x13e: {  	v43 =	vld [tilespmem:s4+$0x4010];
	v41 =	vunpack.i.u.bf16.f32 v25;
	v40 =	vmul.bf16 v21, v14;
	v49 =	vmul.bf16 v30, v15;
	[tilespmem:s1+$0xA410] =	vst v54  }
0x13f: {  	v0 =	vld [tilespmem:s4+$0x400];
	v54 =	vmul.bf16 v30, v12;
	[tilespmem:s1+$0xB010] =	vst v53;
	v53 =	vmul.bf16 v39, v17;
	v2 =	vadd.bf16 v47, v46  }
0x140: {  	v3 =	vld [tilespmem:s4+$0xC00];
	v25 =	vunpack.i.l.bf16.f32 v25;
	v27 =	vmul.bf16 v21, v11;
	v47 =	vmul.bf16 v32, v10  }
0x141: {  	v62 =	vadd.bf16 v63, v62;
	v63 =	vld [tilespmem:s4+$0x1410];
	v2 =	vadd.bf16 v20, v2;
	v20 =	vmul.bf16 v44, v14  }
0x142: {  	vm14 =	veq.bf16 v32, $0.0e+00;
	vm15 =	veq.bf16 v30, $0.0e+00;
	v27 =	vadd.bf16 v27, v47;
	v47 =	vld [tilespmem:s4+$0x1400]  }
0x143: {  	[tilespmem:s1+$0xB000] =	vst v56;
	v56 =	vmul.bf16 v21, v17;
	v2 =	vadd.bf16 v20, v2;
	v20 =	vpack.i.f32.bf16 v50, v1;
	v1 =	vld [tilespmem:s4+$0x800]  }
0x144: {  	vm7 =	veq.bf16 v21, $0.0e+00;
	vm9 =	veq.bf16 v22, $0.0e+00;
	v23 =	vpack.i.f32.bf16 v7, v6;
	v50 =	vld [tilespmem:s4+$0x810]  }
0x145: {  	v6 =	vmul.bf16 v30, v14;
	v24 =	vmul.bf16 v23, v17;
	vm11 =	veq.bf16 v23, $0.0e+00;
	v46 =	vld [tilespmem:s4+$0x410]  }
0x146: {  	v5 =	vld [tilespmem:s4+$0xC10];
	v19 =	vpack.i.f32.bf16 v43, v19;
	v52 =	vmul.bf16 v20, v16;
	v2 =	vadd.bf16 v45, v2  }
0x147: {  	v7 =	vmul.bf16 v19, v18;
	vm10 =	veq.bf16 v20, $0.0e+00;
	v47 =	vpack.i.f32.bf16 v63, v47  }
0x148: {  	[tilespmem:s1+$0xA800] =	vst v51;
	v2 =	vadd.bf16 v52, v2;
	v52 =	vmul.bf16 v44, v13;
	v51 =	vmul.bf16 v47, v16  }
0x149: {  	[tilespmem:s1+$0xA400] =	vst v57;
	v57 =	vmul.bf16 v47, v17;
	vm6 =	veq.bf16 v47, $0.0e+00;
	v45 =	vpack.i.f32.bf16 v50, v1  }
0x14a: {  	v43 =	vld [tilespmem:s4+$0x1010];
	v2 =	vadd.bf16 v24, v2;
	v24 =	vpack.i.f32.bf16 v46, v0;
	v52 =	vadd.bf16 v52, v27  }
0x14b: {  	v0 =	vld [tilespmem:s4+$0x1000];
	v50 =	vmul.bf16 v45, v11;
	v46 =	vpack.i.f32.bf16 v5, v3;
	v27 =	vmul.bf16 v24, v10  }
0x14c: {  	v3 =	vld [tilespmem:s4+$0x2400];
	v5 =	vmul.bf16 v45, v10;
	vm4 =	veq.bf16 v45, $0.0e+00;
	v2 =	vadd.bf16 v7, v2  }
0x14d: {  	v8 =	vmul.bf16 v46, v12;
	v63 =	vmul.bf16 v24, v13;
	v7 =	vld [tilespmem:s4+$0x2410];
	v27 =	vadd.bf16 v50, v27  }
0x14e: {  	[tilespmem:s1+$0xA010] =	vst v26;
	v26 =	vmul.bf16 v46, v13;
	vm5 =	veq.bf16 v46, $0.0e+00;
	v50 =	vsel vm0, v9, v2  }
0x14f: {  	v2 =	vmul.bf16 v46, v11;
	v8 =	vadd.bf16 v8, v27;
	v27 =	vmul.bf16 v47, v10  }
0x150: {  	vm12 =	veq.bf16 v24, $0.0e+00;
	v1 =	vpack.i.f32.bf16 v43, v0;
	v0 =	vmul.bf16 v24, v11  }
0x151: {  	v2 =	vadd.bf16 v2, v5;
	v5 =	vmul.bf16 v47, v13;
	v27 =	vadd.bf16 v37, v27  }
0x152: {  	v37 =	vmul.bf16 v1, v12;
	v43 =	vpack.i.f32.bf16 v7, v3;
	v3 =	vunpack.i.u.bf16.f32 v50  }
0x153: {  	[tilespmem:s1+$0xB800] =	vst v55;
	v5 =	vadd.bf16 v5, v8;
	v7 =	vmul.bf16 v43, v13;
	v8 =	vmul.bf16 v45, v14  }
0x154: {  	[tilespmem:s4+$0xAC10] =	vst v3;
	v55 =	vmul.bf16 v43, v17;
	v2 =	vadd.bf16 v37, v2;
	v3 =	vadd.bf16 v58, v27  }
0x155: {  	v37 =	vmul.bf16 v45, v13;
	v58 =	vmul.bf16 v46, v14;
	v5 =	vadd.bf16 v60, v5  }
0x156: {  	v8 =	vadd.bf16 v8, v63;
	v60 =	vmul.bf16 v46, v10;
	v63 =	vmul.bf16 v32, v15  }
0x157: {  	v27 =	vld [tilespmem:s4+$0x3400];
	v2 =	vadd.bf16 v59, v2;
	v3 =	vadd.bf16 v7, v3;
	v7 =	vmul.bf16 v45, v12  }
0x158: {  	v59 =	vld [tilespmem:s4+$0x3410];
	v58 =	vadd.bf16 v58, v37;
	v37 =	vmul.bf16 v1, v11;
	v5 =	vadd.bf16 v63, v5  }
0x159: {  	v63 =	vmul.bf16 v43, v16;
	v2 =	vadd.bf16 v61, v2;
	v61 =	vmul.bf16 v30, v11  }
0x15a: {  	v3 =	vadd.bf16 v6, v3;
	v6 =	vmul.bf16 v47, v11;
	v0 =	vadd.bf16 v7, v0  }
0x15b: {  	v7 =	vmul.bf16 v43, v10;
	v60 =	vadd.bf16 v37, v60;
	v5 =	vadd.bf16 v63, v5  }
0x15c: {  	v63 =	vmul.bf16 v39, v15;
	v4 =	vadd.bf16 v4, v6;
	v6 =	vmul.bf16 v46, v15  }
0x15d: {  	v7 =	vadd.bf16 v61, v7;
	v61 =	vmul.bf16 v1, v15;
	v37 =	vpack.i.f32.bf16 v59, v27  }
0x15e: {  	v27 =	vmul.bf16 v21, v15;
	v59 =	vmul.bf16 v44, v15;
	v6 =	vadd.bf16 v6, v8  }
0x15f: {  	v8 =	vunpack.i.u.bf16.f32 v34;
	v58 =	vadd.bf16 v61, v58;
	v61 =	vmul.bf16 v43, v14  }
0x160: {  	v34 =	vunpack.i.l.bf16.f32 v34;
	v2 =	vadd.bf16 v27, v2;
	v27 =	vmul.bf16 v47, v14  }
0x161: {  	v3 =	vadd.bf16 v59, v3;
	v59 =	vmul.bf16 v32, v13;
	v4 =	vadd.bf16 v61, v4  }
0x162: {  	v61 =	vmul.bf16 v22, v12;
	v6 =	vadd.bf16 v51, v6;
	v0 =	vadd.bf16 v27, v0  }
0x163: {  	v27 =	vunpack.i.u.bf16.f32 v38;
	v59 =	vadd.bf16 v59, v60;
	v60 =	vmul.bf16 v44, v12  }
0x164: {  	v38 =	vunpack.i.l.bf16.f32 v38;
	v4 =	vadd.bf16 v49, v4;
	v49 =	vmul.bf16 v1, v14  }
0x165: {  	v6 =	vadd.bf16 v53, v6;
	v53 =	vmul.bf16 v37, v17;
	v7 =	vadd.bf16 v60, v7  }
0x166: {  	[tilespmem:s1+$0x8C10] =	vst v35;
	v60 =	vadd.bf16 v61, v62;
	v61 =	vmul.bf16 v39, v16;
	v62 =	vmul.bf16 v37, v16  }
0x167: {  	[tilespmem:s1+$0x9400] =	vst v36;
	v0 =	vadd.bf16 v63, v0;
	v35 =	vadd.bf16 v40, v59;
	v59 =	vmul.bf16 v22, v14  }
0x168: {  	[tilespmem:s1+$0x9410] =	vst v29;
	v63 =	vmul.bf16 v20, v13;
	v26 =	vadd.bf16 v49, v26;
	v4 =	vadd.bf16 v53, v4  }
0x169: {  	[tilespmem:s1+$0xA000] =	vst v31;
	v49 =	vmul.bf16 v21, v18;
	v51 =	vadd.bf16 v61, v58;
	v61 =	vmul.bf16 v30, v16  }
0x16a: {  	v3 =	vadd.bf16 v62, v3;
	v58 =	vmul.bf16 v24, v14;
	v36 =	vadd.bf16 v63, v60;
	v60 =	vld [tilespmem:$0x1FFF0];
	[tilespmem:s1+$0xBC00] =	vst v38  }
0x16b: {  	v62 =	vmul.bf16 v37, v13;
	v40 =	vadd.bf16 v59, v52;
	v63 =	vmul.bf16 v32, v17;
	[tilespmem:s1+$0xBC10] =	vst v27  }
0x16c: {  	v38 =	vmul.bf16 v44, v16;
	[tilespmem:s1+$0x8410] =	vst v8;
	v8 =	vmul.bf16 v23, v14;
	v0 =	vadd.bf16 v55, v0  }
0x16d: {  	[tilespmem:s1+$0x8400] =	vst v34;
	v59 =	vmul.bf16 v30, v18;
	v2 =	vadd.bf16 v61, v2;
	v61 =	vmul.bf16 v45, v15  }
0x16e: {  	[tilespmem:s1+$0x9000] =	vst v33;
	v7 =	vadd.bf16 v62, v7;
	v62 =	vmul.bf16 v22, v11;
	v27 =	vadd.bf16 v63, v51  }
0x16f: {  	[tilespmem:s1+$0x9010] =	vst v48;
	v63 =	vmul.bf16 v20, v17;
	v35 =	vadd.bf16 v38, v35;
	v8 =	vadd.bf16 v8, v36  }
0x170: {  	[tilespmem:s1+$0xB400] =	vst v28;
	v51 =	vmul.bf16 v23, v18;
	v0 =	vadd.bf16 v59, v0;
	v29 =	vadd.bf16 v61, v58  }
0x171: {  	[tilespmem:s1+$0xB410] =	vst v42;
	v61 =	vmul.bf16 v44, v10;
	v3 =	vadd.bf16 v63, v3;
	v63 =	vmul.bf16 v32, v18  }
0x172: {  	v38 =	vmul.bf16 v19, v17;
	v27 =	vadd.bf16 v49, v27;
	[tilespmem:s1+$0xB810] =	vst v60;
	v60 =	vmul.bf16 v23, v16  }
0x173: {  	[tilespmem:s1+$0xC000] =	vst v25;
	v0 =	vsel vm6, v9, v0;
	v31 =	vadd.bf16 v62, v61;
	v6 =	vadd.bf16 v63, v6  }
0x174: {  	[tilespmem:s1+$0xC010] =	vst v41;
	v63 =	vsel vm5, v9, v27;
	v48 =	vadd.bf16 v60, v40;
	v60 =	vunpack.i.l.bf16.f32 v50  }
0x175: {  	v61 =	vmul.bf16 v30, v17;
	v3 =	vadd.bf16 v51, v3;
	v36 =	vunpack.i.l.bf16.f32 v63;
	[tilespmem:s4+$0xAC00] =	vst v60  }
0x176: {  	v62 =	vmul.bf16 v44, v17;
	v25 =	vadd.bf16 v57, v29;
	v40 =	vunpack.i.l.bf16.f32 v0;
	[tilespmem:s4+$0x8C00] =	vst v36  }
0x177: {  	v0 =	vunpack.i.u.bf16.f32 v0;
	v5 =	vadd.bf16 v61, v5;
	v3 =	vsel vm15, v9, v3;
	[tilespmem:s4+$0x9400] =	vst v40  }
0x178: {  	v2 =	vadd.bf16 v62, v2;
	v62 =	vmul.bf16 v44, v18;
	[tilespmem:s4+$0x9410] =	vst v0;
	v57 =	vunpack.i.l.bf16.f32 v3  }
0x179: {  	v6 =	vsel vm4, v9, v6;
	v3 =	vunpack.i.u.bf16.f32 v3;
	v45 =	vadd.bf16 v38, v48;
	[tilespmem:s4+$0xA800] =	vst v57  }
0x17a: {  	v52 =	vmul.bf16 v43, v11;
	v5 =	vadd.bf16 v62, v5;
	[tilespmem:s4+$0xA810] =	vst v3;
	v62 =	vunpack.i.l.bf16.f32 v6  }
0x17b: {  	v44 =	vmul.bf16 v22, v18;
	v6 =	vunpack.i.u.bf16.f32 v6;
	[tilespmem:s4+$0x8800] =	vst v62;
	v0 =	vsel vm9, v9, v45  }
0x17c: {  	v52 =	vadd.bf16 v54, v52;
	v61 =	vmul.bf16 v20, v14;
	[tilespmem:s4+$0x8810] =	vst v6;
	v50 =	vunpack.i.l.bf16.f32 v0  }
0x17d: {  	v2 =	vadd.bf16 v44, v2;
	v5 =	vsel vm13, v9, v5;
	v0 =	vunpack.i.u.bf16.f32 v0;
	[tilespmem:s4+$0xB000] =	vst v50  }
0x17e: {  	v7 =	vadd.bf16 v61, v7;
	v61 =	vmul.bf16 v22, v17;
	v53 =	vunpack.i.l.bf16.f32 v5;
	[tilespmem:s4+$0xB010] =	vst v0  }
0x17f: {  	v54 =	vmul.bf16 v32, v16;
	v2 =	vsel vm14, v9, v2;
	v5 =	vunpack.i.u.bf16.f32 v5;
	[tilespmem:s4+$0x9800] =	vst v53  }
0x180: {  	v32 =	vmul.bf16 v20, v18;
	v3 =	vadd.bf16 v61, v35;
	v55 =	vunpack.i.l.bf16.f32 v2;
	[tilespmem:s4+$0x9810] =	vst v5  }
0x181: {  	vm8 =	veq.bf16 v43, $0.0e+00;
	v42 =	vmul.bf16 v23, v15;
	v2 =	vunpack.i.u.bf16.f32 v2;
	[tilespmem:s4+$0x9C00] =	vst v55  }
0x182: {  	v41 =	vadd.bf16 v32, v4;
	[tilespmem:s4+$0x9C10] =	vst v2;
	v2 =	vunpack.i.u.bf16.f32 v63;
	v3 =	vsel vm7, v9, v3  }
0x183: {  	v46 =	vmul.bf16 v19, v15;
	v33 =	vmul.bf16 v39, v18;
	[tilespmem:s4+$0x8C10] =	vst v2;
	v44 =	vunpack.i.l.bf16.f32 v3  }
0x184: {  	v48 =	vadd.bf16 v42, v7;
	v2 =	vsel vm8, v9, v41;
	v3 =	vunpack.i.u.bf16.f32 v3;
	[tilespmem:s4+$0xA000] =	vst v44  }
0x185: {  	v34 =	vmul.bf16 v37, v14;
	v5 =	vadd.bf16 v54, v26;
	v47 =	vunpack.i.l.bf16.f32 v2;
	[tilespmem:s4+$0xA010] =	vst v3  }
0x186: {  	v54 =	vadd.bf16 v33, v25;
	v2 =	vunpack.i.u.bf16.f32 v2;
	v3 =	vsel vm10, v9, v48;
	[tilespmem:s4+$0xA400] =	vst v47  }
0x187: {  	v58 =	vmul.bf16 v23, v13;
	v49 =	vadd.bf16 v34, v52;
	[tilespmem:s4+$0xA410] =	vst v2;
	v53 =	vunpack.i.l.bf16.f32 v3  }
0x188: {  	v51 =	vadd.bf16 v46, v8;
	v0 =	vsel vm12, v9, v54;
	v3 =	vunpack.i.u.bf16.f32 v3;
	[tilespmem:s4+$0xB800] =	vst v53  }
0x189: {  	v52 =	vadd.bf16 v58, v31;
	v55 =	vmul.bf16 v20, v15;
	v58 =	vunpack.i.l.bf16.f32 v0;
	[tilespmem:s4+$0xB810] =	vst v3  }
0x18a: {  	v56 =	vadd.bf16 v56, v5;
	v2 =	vsel vm11, v9, v51;
	v0 =	vunpack.i.u.bf16.f32 v0;
	[tilespmem:s4+$0x8400] =	vst v58  }
0x18b: {  	vm13 =	veq.bf16 v1, $0.0e+00;
	v8 =	vunpack.i.l.bf16.f32 v2;
	[tilespmem:s4+$0x8410] =	vst v0  }
0x18c: {  	v59 =	vadd.bf16 v55, v49;
	v2 =	vunpack.i.u.bf16.f32 v2;
	v3 =	vsel vm13, v9, v56;
	[tilespmem:s4+$0xBC00] =	vst v8  }
0x18d: {  	vm14 =	veq.bf16 v37, $0.0e+00;
	[tilespmem:s4+$0xBC10] =	vst v2;
	v60 =	vunpack.i.l.bf16.f32 v3  }
0x18e: {  	v57 =	vmul.bf16 v19, v14;
	v2 =	vsel vm14, v9, v59;
	v3 =	vunpack.i.u.bf16.f32 v3;
	[tilespmem:s4+$0x9000] =	vst v60  }
0x18f: {  	v62 =	vunpack.i.l.bf16.f32 v2;
	[tilespmem:s4+$0x9010] =	vst v3  }
0x190: {  	v61 =	vadd.bf16 v57, v52;
	v2 =	vunpack.i.u.bf16.f32 v2;
	[tilespmem:s4+$0xB400] =	vst v62  }
0x191: {  	vm15 =	veq.bf16 v19, $0.0e+00;
	[tilespmem:s4+$0xB410] =	vst v2  }
0x192: {  	s1 =	sshll.u32 s25, $0xB;
	v0 =	vsel vm15, v9, v61;
	s6 =	rddreg [dreg:$0x4]  }
0x193: {  	v63 =	vunpack.i.l.bf16.f32 v0;
	s6 =	sor.u32 s6, s1  }
0x194: {  	s8 =	rddreg [dreg:$0x2];
	v0 =	vunpack.i.u.bf16.f32 v0;
	[tilespmem:s4+$0xC000] =	vst v63;
	s6 =	sshrl.u32 s6, $0x3  }
0x195: {  	[tilespmem:s4+$0xC010] =	vst v0;
	s4 =	sadd.s32 s8, s6;
	s8 =	simm.s32 $0x8000  }
0x196: {  	[hbm4b:s4+s5] =	stream.linear.scatter [tilespmem:s8], [sflag:$0x3], $0x400, $0x38;
	[tilespmem:$0x10080] =	vst v63  }
0x197: {  	s23 =	simm.s32 $0x8400;
	s22 =	sadd.s32 s6, s29  }
0x198: {  	[hbm4b:s22+s5] =	stream.linear.scatter [tilespmem:s23], [sflag:$0x3], $0x400, $0x38;
	[tilespmem:$0x10080] =	vst v63  }
0x199: {  	s22 =	sadd.s32 s6, s30;
	s23 =	simm.s32 $0x8800  }
0x19a: {  	[hbm4b:s22+s5] =	stream.linear.scatter [tilespmem:s23], [sflag:$0x3], $0x400, $0x38;
	[tilespmem:$0x10080] =	vst v63  }
0x19b: {  	s22 =	sadd.s32 s6, s31;
	s23 =	simm.s32 $0x8C00  }
0x19c: {  	[hbm4b:s22+s5] =	stream.linear.scatter [tilespmem:s23], [sflag:$0x3], $0x400, $0x38;
	[tilespmem:$0x10080] =	vst v63  }
0x19d: {  	s22 =	sadd.s32 s6, s0;
	s23 =	simm.s32 $0x9000  }
0x19e: {  	[hbm4b:s22+s5] =	stream.linear.scatter [tilespmem:s23], [sflag:$0x3], $0x400, $0x38;
	[tilespmem:$0x10080] =	vst v63  }
0x19f: {  	s22 =	sadd.s32 s6, s2;
	s23 =	simm.s32 $0x9400  }
0x1a0: {  	[hbm4b:s22+s5] =	stream.linear.scatter [tilespmem:s23], [sflag:$0x3], $0x400, $0x38;
	[tilespmem:$0x10080] =	vst v63  }
0x1a1: {  	s22 =	sadd.s32 s6, s3;
	s23 =	simm.s32 $0x9800  }
0x1a2: {  	[hbm4b:s22+s5] =	stream.linear.scatter [tilespmem:s23], [sflag:$0x3], $0x400, $0x38;
	[tilespmem:$0x10080] =	vst v63  }
0x1a3: {  	s22 =	sadd.s32 s6, s9;
	s23 =	simm.s32 $0x9C00  }
0x1a4: {  	[hbm4b:s22+s5] =	stream.linear.scatter [tilespmem:s23], [sflag:$0x3], $0x400, $0x38;
	[tilespmem:$0x10080] =	vst v63  }
0x1a5: {  	s22 =	sadd.s32 s6, s10;
	s23 =	simm.s32 $0xA000  }
0x1a6: {  	[hbm4b:s22+s5] =	stream.linear.scatter [tilespmem:s23], [sflag:$0x3], $0x400, $0x38;
	[tilespmem:$0x10080] =	vst v63  }
0x1a7: {  	s22 =	sadd.s32 s6, s11;
	s23 =	simm.s32 $0xA400  }
0x1a8: {  	[hbm4b:s22+s5] =	stream.linear.scatter [tilespmem:s23], [sflag:$0x3], $0x400, $0x38;
	[tilespmem:$0x10080] =	vst v63  }
0x1a9: {  	s22 =	sadd.s32 s6, s14;
	s23 =	simm.s32 $0xA800  }
0x1aa: {  	[hbm4b:s22+s5] =	stream.linear.scatter [tilespmem:s23], [sflag:$0x3], $0x400, $0x38;
	[tilespmem:$0x10080] =	vst v63  }
0x1ab: {  	s22 =	sadd.s32 s6, s15;
	s23 =	simm.s32 $0xAC00  }
0x1ac: {  	[hbm4b:s22+s5] =	stream.linear.scatter [tilespmem:s23], [sflag:$0x3], $0x400, $0x38;
	[tilespmem:$0x10080] =	vst v63  }
0x1ad: {  	s22 =	sadd.s32 s6, s16;
	s23 =	simm.s32 $0xB000  }
0x1ae: {  	[hbm4b:s22+s5] =	stream.linear.scatter [tilespmem:s23], [sflag:$0x3], $0x400, $0x38;
	[tilespmem:$0x10080] =	vst v63  }
0x1af: {  	p1 =	sne.s32 s25, $0xF;
	s22 =	sadd.s32 s6, s17;
	s23 =	simm.s32 $0xB400  }
0x1b0: {  	[hbm4b:s22+s5] =	stream.linear.scatter [tilespmem:s23], [sflag:$0x3], $0x400, $0x38;
	[tilespmem:$0x10080] =	vst v63  }
.Ltmp1:
0x1b1: {  	_ = 	snop;
	(pc) =	sbr.rel @p1 .LBB2_6-.Ltmp1, $4  }
0x1b2: {  	s22 =	sadd.s32 s6, s20;
	s23 =	simm.s32 $0xB800  }
0x1b3: {  	[hbm4b:s22+s5] =	stream.linear.scatter [tilespmem:s23], [sflag:$0x3], $0x400, $0x38;
	[tilespmem:$0x10080] =	vst v63  }
0x1b4: {  	s22 =	sadd.s32 s6, s21;
	s23 =	simm.s32 $0xBC00  }
0x1b5: {  	[hbm4b:s22+s5] =	stream.linear.scatter [tilespmem:s23], [sflag:$0x3], $0x400, $0x38;
	[tilespmem:$0x10080] =	vst v63  }
.Ltmp2:
0x1b6: {  	(pc) =	sbr.rel .LBB2_7-.Ltmp2, $4  }
0x1b7: {  	_ = 	snop  }
0x1b8: {  	_ =	swait.ge [sflag:s7], $0x4000  }
0x1b9: {  	[sflag:s7] =	ssyncset.done $0x0  }
0x1ba: {  	[sflag:s7] =	ssyncadd.s32 $0xFFFFC000  }
.LBB2_6:
0x1bb: {  	s4 =	sld [smem:$0x7FC];
	_ =	sdelay $0x2  }
0x1bc: {  	s4 =	sadd.s32 s1, s4  }
0x1bd: {  	s8 =	rddreg [dreg:$0x0];
	s4 =	sshrl.u32 s4, $0x3  }
0x1be: {  	s8 =	sadd.s32 s8, s4  }
0x1bf: {  	[tilespmem:s5], [sflag:$0x1] =	stream.linear.gather [hbm4b:s8+s5], $0x400, $0x38;
	[tilespmem:$0x10080] =	vst v63  }
0x1c0: {  	s23 =	simm.s32 $0x400;
	s22 =	sadd.s32 $0x20000, s8  }
0x1c1: {  	[tilespmem:s23], [sflag:$0x1] =	stream.linear.gather [hbm4b:s22+s5], $0x400, $0x38;
	[tilespmem:$0x10080] =	vst v63  }
0x1c2: {  	s23 =	rddreg [dreg:$0x12]  }
0x1c3: {  	s22 =	sadd.s32 s4, s23;
	s23 =	simm.s32 $0x800  }
0x1c4: {  	[tilespmem:s23], [sflag:$0x1] =	stream.linear.gather [hbm4b:s22+s5], $0x400, $0x38;
	[tilespmem:$0x10080] =	vst v63  }
0x1c5: {  	s22 =	sadd.s32 $0x60000, s8;
	s23 =	simm.s32 $0xC00  }
0x1c6: {  	[tilespmem:s23], [sflag:$0x1] =	stream.linear.gather [hbm4b:s22+s5], $0x400, $0x38;
	[tilespmem:$0x10080] =	vst v63  }
0x1c7: {  	s22 =	sadd.s32 s4, s13;
	s23 =	simm.s32 $0x1000  }
0x1c8: {  	[tilespmem:s23], [sflag:$0x1] =	stream.linear.gather [hbm4b:s22+s5], $0x400, $0x38;
	[tilespmem:$0x10080] =	vst v63  }
0x1c9: {  	s22 =	sadd.s32 $0xA0000, s8;
	s23 =	simm.s32 $0x1400  }
0x1ca: {  	[tilespmem:s23], [sflag:$0x1] =	stream.linear.gather [hbm4b:s22+s5], $0x400, $0x38;
	[tilespmem:$0x10080] =	vst v63  }
0x1cb: {  	s22 =	sadd.s32 s4, s18;
	s23 =	simm.s32 $0x1800  }
0x1cc: {  	[tilespmem:s23], [sflag:$0x1] =	stream.linear.gather [hbm4b:s22+s5], $0x400, $0x38;
	[tilespmem:$0x10080] =	vst v63  }
0x1cd: {  	s22 =	sadd.s32 $0xE0000, s8;
	s23 =	simm.s32 $0x1C00  }
0x1ce: {  	[tilespmem:s23], [sflag:$0x1] =	stream.linear.gather [hbm4b:s22+s5], $0x400, $0x38;
	[tilespmem:$0x10080] =	vst v63  }
0x1cf: {  	s22 =	sadd.s32 s4, s19;
	s23 =	simm.s32 $0x2000  }
0x1d0: {  	[tilespmem:s23], [sflag:$0x1] =	stream.linear.gather [hbm4b:s22+s5], $0x400, $0x38;
	[tilespmem:$0x10080] =	vst v63  }
0x1d1: {  	s22 =	sadd.s32 $0x120000, s8;
	s23 =	simm.s32 $0x2400  }
0x1d2: {  	[tilespmem:s23], [sflag:$0x1] =	stream.linear.gather [hbm4b:s22+s5], $0x400, $0x38;
	[tilespmem:$0x10080] =	vst v63  }
0x1d3: {  	s22 =	sadd.s32 s4, s24;
	s23 =	simm.s32 $0x2800  }
0x1d4: {  	[tilespmem:s23], [sflag:$0x1] =	stream.linear.gather [hbm4b:s22+s5], $0x400, $0x38;
	[tilespmem:$0x10080] =	vst v63  }
0x1d5: {  	s22 =	sadd.s32 $0x160000, s8;
	s23 =	simm.s32 $0x2C00  }
0x1d6: {  	[tilespmem:s23], [sflag:$0x1] =	stream.linear.gather [hbm4b:s22+s5], $0x400, $0x38;
	[tilespmem:$0x10080] =	vst v63  }
0x1d7: {  	s22 =	sadd.s32 s4, s26;
	s23 =	simm.s32 $0x3000  }
0x1d8: {  	[tilespmem:s23], [sflag:$0x1] =	stream.linear.gather [hbm4b:s22+s5], $0x400, $0x38;
	[tilespmem:$0x10080] =	vst v63  }
0x1d9: {  	s22 =	sadd.s32 $0x1A0000, s8;
	s23 =	simm.s32 $0x3400  }
0x1da: {  	[tilespmem:s23], [sflag:$0x1] =	stream.linear.gather [hbm4b:s22+s5], $0x400, $0x38;
	[tilespmem:$0x10080] =	vst v63  }
0x1db: {  	s4 =	sadd.s32 s4, s12;
	s23 =	simm.s32 $0x3800  }
0x1dc: {  	[tilespmem:s23], [sflag:$0x1] =	stream.linear.gather [hbm4b:s4+s5], $0x400, $0x38;
	[tilespmem:$0x10080] =	vst v63  }
.Ltmp3:
0x1dd: {  	s22 =	sadd.s32 $0x1E0000, s8;
	s23 =	simm.s32 $0x3C00;
	(pc) =	sbr.rel @p0 .LBB2_8-.Ltmp3, $4  }
0x1de: {  	[tilespmem:s23], [sflag:$0x1] =	stream.linear.gather [hbm4b:s22+s5], $0x400, $0x38;
	[tilespmem:$0x10080] =	vst v63  }
0x1df: {  	_ =	swait.ge [sflag:s7], $0x4000  }
0x1e0: {  	[sflag:s7] =	ssyncset.done $0x0  }
0x1e1: {  	[sflag:s7] =	ssyncadd.s32 $0xFFFFC000  }
.LBB2_7:
0x1e2: {  	s4 =	simm.s32 $0x4  }
0x1e3: {  	_ =	swait.ge [sflag:s4], $0x4000  }
0x1e4: {  	[sflag:s4] =	ssyncset.done $0x0  }
0x1e5: {  	[sflag:s4] =	ssyncadd.s32 $0xFFFFC000  }
.LBB2_8:
0x1e6: {  	s4 =	simm.s32 $0xFFFFFC00  }
0x1e7: {  	v0 =	vld [tilespmem:s4+$0x5800]  }
0x1e8: {  	v1 =	vld [tilespmem:s4+$0x5810]  }
0x1e9: {  	v2 =	vld [tilespmem:s4+$0x5C00]  }
0x1ea: {  	v3 =	vld [tilespmem:s4+$0x5C10]  }
0x1eb: {  	v4 =	vld [tilespmem:s4+$0x6000]  }
0x1ec: {  	v5 =	vld [tilespmem:s4+$0x6010]  }
0x1ed: {  	v6 =	vld [tilespmem:s4+$0x6800]  }
0x1ee: {  	v7 =	vld [tilespmem:s4+$0x6810]  }
0x1ef: {  	v45 =	vld [tilespmem:s4+$0x6C00];
	v25 =	vpack.i.f32.bf16 v1, v0  }
0x1f0: {  	v46 =	vld [tilespmem:s4+$0x6C10];
	v19 =	vpack.i.f32.bf16 v3, v2;
	v47 =	vmul.bf16 v25, v10  }
0x1f1: {  	v48 =	vld [tilespmem:s4+$0x7000];
	v20 =	vpack.i.f32.bf16 v5, v4;
	v3 =	vmul.bf16 v19, v11;
	v5 =	vmul.bf16 v25, v11  }
0x1f2: {  	v22 =	vld [tilespmem:s4+$0x7010];
	v8 =	vmul.bf16 v19, v12;
	v35 =	vmul.bf16 v25, v13  }
0x1f3: {  	v50 =	vld [tilespmem:s4+$0x7800];
	v21 =	vpack.i.f32.bf16 v7, v6;
	v49 =	vmul.bf16 v20, v12;
	v7 =	vmul.bf16 v25, v14  }
0x1f4: {  	v23 =	vld [tilespmem:s4+$0x7810];
	v36 =	vmul.bf16 v19, v14;
	v37 =	vmul.bf16 v25, v12  }
0x1f5: {  	v28 =	vpack.i.f32.bf16 v46, v45;
	v51 =	vmul.bf16 v21, v13;
	v1 =	vmul.bf16 v21, v14  }
0x1f6: {  	v24 =	vmul.bf16 v19, v10;
	v53 =	vmul.bf16 v28, v14  }
0x1f7: {  	v52 =	vld [tilespmem:s4+$0x7C00];
	v22 =	vpack.i.f32.bf16 v22, v48;
	v27 =	vmul.bf16 v20, v11;
	v38 =	vmul.bf16 v21, v11  }
0x1f8: {  	v26 =	vld [tilespmem:s4+$0x7C10];
	v29 =	vmul.bf16 v21, v10;
	v55 =	vmul.bf16 v22, v15  }
0x1f9: {  	v54 =	vld [tilespmem:s4+$0x8000];
	v23 =	vpack.i.f32.bf16 v23, v50;
	v31 =	vmul.bf16 v28, v11;
	v6 =	vmul.bf16 v19, v15  }
0x1fa: {  	v30 =	vld [tilespmem:s4+$0x8010];
	v56 =	vmul.bf16 v23, v16;
	v0 =	vmul.bf16 v20, v15  }
0x1fb: {  	v32 =	vld [tilespmem:s4+$0x4400];
	v40 =	vmul.bf16 v19, v13;
	v41 =	vmul.bf16 v28, v15  }
0x1fc: {  	v34 =	vld [tilespmem:s4+$0x4410];
	v58 =	vmul.bf16 v28, v13;
	v43 =	vmul.bf16 v28, v12  }
0x1fd: {  	v60 =	vld [tilespmem:s4+$0x5400];
	vm0 =	veq.bf16 v25, $0.0e+00;
	v45 =	vmul.bf16 v22, v12;
	v46 =	vmul.bf16 v25, v16  }
0x1fe: {  	v61 =	vld [tilespmem:s4+$0x5410];
	vm1 =	veq.bf16 v28, $0.0e+00;
	vm6 =	veq.bf16 v19, $0.0e+00;
	vm7 =	veq.bf16 v20, $0.0e+00  }
0x1ff: {  	vm9 =	veq.bf16 v21, $0.0e+00;
	vm10 =	veq.bf16 v22, $0.0e+00;
	vm12 =	veq.bf16 v23, $0.0e+00  }
0x200: {  	v42 =	vld [tilespmem:s4+$0x4C00];
	v33 =	vadd.bf16 v27, v24;
	v39 =	vadd.bf16 v31, v29;
	v24 =	vpack.i.f32.bf16 v26, v52  }
0x201: {  	v44 =	vld [tilespmem:s4+$0x4C10];
	v27 =	vpack.i.f32.bf16 v30, v54;
	v29 =	vpack.i.f32.bf16 v34, v32;
	v57 =	vmul.bf16 v24, v17  }
0x202: {  	v2 =	vadd.bf16 v3, v47;
	v31 =	vld [tilespmem:s4+$0x4800];
	v59 =	vmul.bf16 v27, v18;
	v47 =	vmul.bf16 v29, v13  }
0x203: {  	v26 =	vld [tilespmem:s4+$0x4810];
	v32 =	vpack.i.f32.bf16 v61, v60;
	v34 =	vmul.bf16 v29, v10;
	v48 =	vmul.bf16 v29, v11  }
0x204: {  	v60 =	vmul.bf16 v32, v10;
	v61 =	vmul.bf16 v32, v13;
	v2 =	vadd.bf16 v49, v2  }
0x205: {  	vm5 =	veq.bf16 v32, $0.0e+00;
	vm13 =	veq.bf16 v24, $0.0e+00;
	v4 =	vadd.bf16 v58, v33  }
0x206: {  	v62 =	vld [tilespmem:s4+$0x5000];
	vm14 =	veq.bf16 v27, $0.0e+00;
	v39 =	vadd.bf16 v45, v39;
	v2 =	vadd.bf16 v51, v2  }
0x207: {  	v49 =	vld [tilespmem:s4+$0x5010];
	v45 =	vmul.bf16 v32, v17;
	v5 =	vadd.bf16 v5, v60;
	v60 =	vmul.bf16 v32, v11  }
0x208: {  	v30 =	vpack.i.f32.bf16 v26, v31;
	v31 =	vpack.i.f32.bf16 v44, v42;
	v2 =	vadd.bf16 v53, v2  }
0x209: {  	v5 =	vadd.bf16 v8, v5;
	v50 =	vmul.bf16 v30, v11;
	v51 =	vmul.bf16 v30, v10  }
0x20a: {  	v42 =	vmul.bf16 v30, v14;
	v53 =	vmul.bf16 v31, v11;
	v2 =	vadd.bf16 v55, v2  }
0x20b: {  	v54 =	vmul.bf16 v30, v13;
	v3 =	vmul.bf16 v30, v12;
	vm2 =	veq.bf16 v30, $0.0e+00  }
0x20c: {  	vm3 =	veq.bf16 v31, $0.0e+00;
	v33 =	vpack.i.f32.bf16 v49, v62;
	v2 =	vadd.bf16 v56, v2  }
0x20d: {  	v34 =	vadd.bf16 v50, v34;
	v51 =	vadd.bf16 v53, v51;
	v62 =	vmul.bf16 v33, v12  }
0x20e: {  	v55 =	vmul.bf16 v31, v14;
	v44 =	vmul.bf16 v33, v11;
	v2 =	vadd.bf16 v57, v2  }
0x20f: {  	v3 =	vadd.bf16 v3, v48;
	vm4 =	veq.bf16 v33, $0.0e+00;
	v58 =	vadd.bf16 v62, v51  }
0x210: {  	v56 =	vmul.bf16 v31, v10;
	v62 =	vadd.bf16 v55, v54;
	v2 =	vadd.bf16 v59, v2  }
0x211: {  	v52 =	vld [tilespmem:s4+$0x6410];
	v54 =	vmul.bf16 v32, v14;
	v35 =	vadd.bf16 v35, v58;
	v59 =	vmul.bf16 v31, v12  }
0x212: {  	v55 =	vadd.bf16 v44, v56;
	v58 =	vmul.bf16 v32, v16;
	v26 =	vsel vm1, v9, v2;
	v2 =	vld [tilespmem:s4+$0x6400]  }
0x213: {  	v57 =	vld [tilespmem:s4+$0x7400];
	v3 =	vadd.bf16 v54, v3;
	v54 =	vmul.bf16 v22, v14;
	v50 =	vadd.bf16 v59, v34  }
0x214: {  	v35 =	vadd.bf16 v36, v35;
	v36 =	vmul.bf16 v33, v14;
	v59 =	vld [tilespmem:s4+$0x7410];
	v63 =	vunpack.i.u.bf16.f32 v26  }
0x215: {  	v4 =	vadd.bf16 v54, v4;
	v54 =	vmul.bf16 v28, v17;
	[tilespmem:s4+$0xEC10] =	vst v63;
	v63 =	vadd.bf16 v61, v50  }
0x216: {  	v0 =	vadd.bf16 v0, v35;
	vm1 =	veq.bf16 v29, $0.0e+00;
	v49 =	vunpack.i.l.bf16.f32 v26  }
0x217: {  	v61 =	vmul.bf16 v31, v15;
	v34 =	vpack.i.f32.bf16 v52, v2;
	v2 =	vadd.bf16 v7, v63  }
0x218: {  	v63 =	vmul.bf16 v33, v15;
	v7 =	vadd.bf16 v37, v60;
	v60 =	vmul.bf16 v25, v15  }
0x219: {  	v44 =	vpack.i.f32.bf16 v59, v57;
	v8 =	vmul.bf16 v34, v13;
	v52 =	vmul.bf16 v34, v10  }
0x21a: {  	v56 =	vmul.bf16 v34, v14;
	v53 =	vmul.bf16 v44, v16;
	vm8 =	veq.bf16 v34, $0.0e+00  }
0x21b: {  	vm11 =	veq.bf16 v44, $0.0e+00;
	v2 =	vadd.bf16 v6, v2;
	v6 =	vmul.bf16 v30, v15  }
0x21c: {  	v59 =	vadd.bf16 v63, v62;
	v62 =	vmul.bf16 v21, v16;
	v63 =	vmul.bf16 v20, v14  }
0x21d: {  	v3 =	vadd.bf16 v60, v3;
	v60 =	vmul.bf16 v22, v11;
	v5 =	vadd.bf16 v8, v5  }
0x21e: {  	v8 =	vadd.bf16 v42, v47;
	v57 =	vadd.bf16 v38, v52;
	v38 =	vmul.bf16 v29, v14  }
0x21f: {  	v42 =	vmul.bf16 v31, v13;
	v7 =	vadd.bf16 v56, v7;
	v52 =	vmul.bf16 v21, v15  }
0x220: {  	v56 =	vmul.bf16 v21, v12;
	v0 =	vadd.bf16 v62, v0;
	v1 =	vadd.bf16 v1, v5  }
0x221: {  	v62 =	vmul.bf16 v19, v17;
	v8 =	vadd.bf16 v61, v8;
	v5 =	vadd.bf16 v40, v55  }
0x222: {  	v37 =	vadd.bf16 v43, v57;
	v61 =	vmul.bf16 v34, v16;
	v55 =	vmul.bf16 v34, v11  }
0x223: {  	v57 =	vmul.bf16 v44, v13;
	v7 =	vadd.bf16 v52, v7;
	v6 =	vadd.bf16 v6, v38  }
0x224: {  	v36 =	vadd.bf16 v36, v42;
	v43 =	vmul.bf16 v19, v16;
	v0 =	vadd.bf16 v54, v0  }
0x225: {  	v52 =	vmul.bf16 v20, v18;
	v1 =	vadd.bf16 v41, v1;
	v8 =	vadd.bf16 v58, v8  }
0x226: {  	v54 =	vmul.bf16 v21, v18;
	v41 =	vadd.bf16 v46, v59;
	v2 =	vadd.bf16 v61, v2  }
0x227: {  	v58 =	vmul.bf16 v23, v13;
	v59 =	vmul.bf16 v28, v10;
	v5 =	vadd.bf16 v63, v5  }
0x228: {  	v37 =	vadd.bf16 v57, v37;
	v61 =	vmul.bf16 v25, v17;
	v63 =	vmul.bf16 v34, v17  }
0x229: {  	v42 =	vadd.bf16 v56, v55;
	v55 =	vmul.bf16 v28, v16;
	v56 =	vmul.bf16 v44, v17  }
0x22a: {  	v57 =	vmul.bf16 v23, v17;
	v6 =	vadd.bf16 v45, v6;
	v36 =	vadd.bf16 v43, v36  }
0x22b: {  	v25 =	vmul.bf16 v25, v18;
	v1 =	vadd.bf16 v53, v1;
	v35 =	vadd.bf16 v58, v39  }
0x22c: {  	v28 =	vmul.bf16 v28, v18;
	v40 =	vadd.bf16 v60, v59;
	v8 =	vadd.bf16 v61, v8  }
0x22d: {  	v53 =	vmul.bf16 v21, v17;
	v39 =	vadd.bf16 v62, v41;
	v58 =	vmul.bf16 v24, v16  }
0x22e: {  	v59 =	vmul.bf16 v44, v14;
	v60 =	vmul.bf16 v23, v14;
	v3 =	vadd.bf16 v63, v3  }
0x22f: {  	v61 =	vmul.bf16 v24, v14;
	v5 =	vadd.bf16 v55, v5;
	v7 =	vadd.bf16 v56, v7  }
0x230: {  	v62 =	vmul.bf16 v24, v13;
	v6 =	vadd.bf16 v25, v6;
	v2 =	vadd.bf16 v53, v2  }
0x231: {  	v63 =	vmul.bf16 v19, v18;
	v1 =	vadd.bf16 v57, v1;
	v4 =	vadd.bf16 v58, v4  }
0x232: {  	v55 =	vmul.bf16 v22, v18;
	v37 =	vadd.bf16 v60, v37;
	v35 =	vadd.bf16 v61, v35  }
0x233: {  	v56 =	vmul.bf16 v22, v17;
	v42 =	vadd.bf16 v59, v42;
	v40 =	vadd.bf16 v62, v40  }
0x234: {  	v53 =	vmul.bf16 v20, v17;
	v8 =	vadd.bf16 v63, v8;
	v39 =	vadd.bf16 v52, v39  }
0x235: {  	v57 =	vmul.bf16 v23, v18;
	v58 =	vmul.bf16 v27, v17;
	v0 =	vadd.bf16 v55, v0  }
0x236: {  	v59 =	vmul.bf16 v23, v15;
	v60 =	vmul.bf16 v24, v15;
	v3 =	vadd.bf16 v54, v3  }
0x237: {  	v61 =	vmul.bf16 v27, v14;
	v5 =	vadd.bf16 v56, v5;
	v2 =	vadd.bf16 v28, v2  }
0x238: {  	v34 =	vsel vm1, v9, v6;
	v7 =	vadd.bf16 v57, v7;
	v4 =	vadd.bf16 v58, v4  }
0x239: {  	v28 =	vmul.bf16 v24, v18;
	v29 =	vadd.bf16 v60, v37;
	v25 =	vadd.bf16 v53, v36  }
0x23a: {  	v30 =	vadd.bf16 v59, v42;
	v31 =	vadd.bf16 v61, v40;
	v0 =	vsel vm6, v9, v0  }
0x23b: {  	v8 =	vsel vm2, v9, v8;
	v24 =	vsel vm3, v9, v39;
	v3 =	vsel vm5, v9, v3  }
0x23c: {  	v5 =	vsel vm7, v9, v5;
	v63 =	vunpack.i.u.bf16.f32 v0;
	v0 =	vunpack.i.l.bf16.f32 v0  }
0x23d: {  	v39 =	vunpack.i.u.bf16.f32 v8;
	v42 =	vunpack.i.l.bf16.f32 v8;
	v41 =	vunpack.i.l.bf16.f32 v24  }
0x23e: {  	v36 =	vunpack.i.l.bf16.f32 v3;
	v26 =	vunpack.i.u.bf16.f32 v5;
	v1 =	vadd.bf16 v28, v1  }
0x23f: {  	v28 =	vmul.bf16 v27, v15;
	v2 =	vsel vm0, v9, v2;
	v22 =	vsel vm8, v9, v7  }
0x240: {  	v20 =	vsel vm10, v9, v4;
	v19 =	vsel vm12, v9, v29;
	v33 =	vsel vm4, v9, v25  }
0x241: {  	s22 =	simm.s32 $0xFFFFFC20;
	v27 =	vsel vm11, v9, v30;
	v25 =	vsel vm14, v9, v31;
	[tilespmem:s4+$0xDC00] =	vst v0;
	v62 =	vunpack.i.u.bf16.f32 v2  }
0x242: {  	v21 =	vld [tilespmem:s22+$0x5800];
	[tilespmem:s4+$0xDC10] =	vst v63;
	v2 =	vunpack.i.l.bf16.f32 v2;
	v28 =	vadd.bf16 v28, v35;
	v1 =	vsel vm9, v9, v1  }
0x243: {  	v23 =	vld [tilespmem:s22+$0x5810];
	v31 =	vunpack.i.l.bf16.f32 v5;
	[tilespmem:s4+$0xD800] =	vst v2;
	v35 =	vunpack.i.u.bf16.f32 v24;
	v45 =	vunpack.i.u.bf16.f32 v1  }
0x244: {  	s23 =	sadd.s32 $0x1, s25;
	s8 =	simm.s32 $0xFFFFF100;
	v29 =	vld [tilespmem:s22+$0x5C00];
	[tilespmem:s4+$0xD810] =	vst v62;
	v51 =	vunpack.i.l.bf16.f32 v1;
	v37 =	vsel vm13, v9, v28;
	v28 =	vunpack.i.u.bf16.f32 v3  }
.LBB2_9:
0x245: {  	p0 =	sne.s32 s8, $0xFFFFFF80;
	v0 =	vld [tilespmem:s22+$0x5C10];
	v1 =	vunpack.i.u.bf16.f32 v22;
	v2 =	vunpack.i.l.bf16.f32 v22;
	[tilespmem:s4+$0xE800] =	vst v51;
	v3 =	vunpack.i.u.bf16.f32 v20  }
0x246: {  	v5 =	vunpack.i.l.bf16.f32 v20;
	v6 =	vunpack.i.u.bf16.f32 v19;
	v7 =	vunpack.i.l.bf16.f32 v19;
	v4 =	vld [tilespmem:s22+$0x6000];
	[tilespmem:s4+$0xE810] =	vst v45  }
0x247: {  	v30 =	vunpack.i.u.bf16.f32 v34;
	v32 =	vunpack.i.u.bf16.f32 v37;
	v44 =	vunpack.i.l.bf16.f32 v37;
	v8 =	vld [tilespmem:s22+$0x6010];
	[tilespmem:s4+$0xEC00] =	vst v49  }
0x248: {  	v46 =	vunpack.i.u.bf16.f32 v33;
	v47 =	vunpack.i.l.bf16.f32 v33;
	v45 =	vunpack.i.l.bf16.f32 v34;
	v22 =	vld [tilespmem:s22+$0x6800];
	[tilespmem:s4+$0xC800] =	vst v42  }
0x249: {  	v48 =	vunpack.i.u.bf16.f32 v27;
	v33 =	vunpack.i.u.bf16.f32 v25;
	v49 =	vunpack.i.l.bf16.f32 v27;
	v37 =	vld [tilespmem:s22+$0x6810];
	[tilespmem:s4+$0xC810] =	vst v39  }
0x24a: {  	v50 =	vunpack.i.l.bf16.f32 v25;
	v24 =	vpack.i.f32.bf16 v23, v21;
	v19 =	vpack.i.f32.bf16 v0, v29;
	v0 =	vld [tilespmem:s22+$0x6C00];
	[tilespmem:s4+$0xCC00] =	vst v41  }
0x24b: {  	vm0 =	veq.bf16 v24, $0.0e+00;
	v21 =	vmul.bf16 v24, v10;
	v23 =	vld [tilespmem:s22+$0x6C10];
	v25 =	vmul.bf16 v19, v11;
	[tilespmem:s4+$0xCC10] =	vst v35  }
0x24c: {  	v34 =	vmul.bf16 v24, v11;
	v38 =	vmul.bf16 v19, v12;
	v20 =	vpack.i.f32.bf16 v8, v4;
	v4 =	vld [tilespmem:s22+$0x7000];
	[tilespmem:s4+$0xD400] =	vst v36  }
0x24d: {  	v35 =	vmul.bf16 v24, v13;
	v8 =	vld [tilespmem:s22+$0x7010];
	v25 =	vadd.bf16 v25, v21;
	v27 =	vmul.bf16 v20, v12;
	[tilespmem:s4+$0xD410] =	vst v28  }
0x24e: {  	v40 =	vmul.bf16 v24, v14;
	v21 =	vpack.i.f32.bf16 v37, v22;
	v28 =	vld [tilespmem:s22+$0x7800];
	v37 =	vmul.bf16 v19, v14;
	[tilespmem:s4+$0xE000] =	vst v31  }
0x24f: {  	v36 =	vmul.bf16 v24, v12;
	v29 =	vld [tilespmem:s22+$0x7810];
	v22 =	vadd.bf16 v27, v25;
	v25 =	vmul.bf16 v21, v13;
	[tilespmem:s4+$0xE010] =	vst v26  }
0x250: {  	v39 =	vmul.bf16 v21, v14;
	v26 =	vmul.bf16 v19, v10;
	v27 =	vpack.i.f32.bf16 v23, v0;
	v0 =	vld [tilespmem:s22+$0x7C00];
	[tilespmem:s4+$0xE400] =	vst v2  }
0x251: {  	v31 =	vmul.bf16 v20, v11;
	v2 =	vld [tilespmem:s22+$0x7C10];
	v23 =	vadd.bf16 v25, v22;
	v25 =	vmul.bf16 v27, v14;
	[tilespmem:s4+$0xE410] =	vst v1  }
0x252: {  	v43 =	vmul.bf16 v21, v11;
	v22 =	vpack.i.f32.bf16 v8, v4;
	v1 =	vld [tilespmem:s22+$0x8000];
	v4 =	vmul.bf16 v21, v10;
	[tilespmem:s4+$0xF000] =	vst v5  }
0x253: {  	v41 =	vmul.bf16 v27, v11;
	v5 =	vld [tilespmem:s22+$0x8010];
	v8 =	vadd.bf16 v25, v23;
	v25 =	vmul.bf16 v22, v15;
	[tilespmem:s4+$0xF010] =	vst v3  }
0x254: {  	v51 =	vmul.bf16 v19, v15;
	v26 =	vadd.bf16 v31, v26;
	v3 =	vld [tilespmem:s22+$0x4400];
	v23 =	vpack.i.f32.bf16 v29, v28;
	[tilespmem:s4+$0xF800] =	vst v7  }
0x255: {  	v42 =	vadd.bf16 v41, v4;
	v7 =	vld [tilespmem:s22+$0x4410];
	v8 =	vadd.bf16 v25, v8;
	v28 =	vmul.bf16 v23, v16;
	[tilespmem:s4+$0xF810] =	vst v6  }
0x256: {  	v4 =	vld [tilespmem:s22+$0x4800];
	v25 =	vpack.i.f32.bf16 v2, v0;
	v0 =	vmul.bf16 v20, v15;
	v2 =	vmul.bf16 v19, v13;
	[tilespmem:s4+$0xFC00] =	vst v44  }
0x257: {  	v44 =	vmul.bf16 v27, v15;
	v6 =	vld [tilespmem:s22+$0x4810];
	v8 =	vadd.bf16 v28, v8;
	v29 =	vmul.bf16 v25, v17;
	[tilespmem:s4+$0xFC10] =	vst v32  }
0x258: {  	v31 =	vld [tilespmem:s22+$0x4C00];
	v28 =	vpack.i.f32.bf16 v5, v1;
	v1 =	vmul.bf16 v27, v13;
	v5 =	vmul.bf16 v27, v12;
	[tilespmem:s4+$0xC400] =	vst v45  }
0x259: {  	v52 =	vmul.bf16 v22, v12;
	v32 =	vld [tilespmem:s22+$0x4C10];
	v8 =	vadd.bf16 v29, v8;
	v45 =	vmul.bf16 v28, v18;
	[tilespmem:s4+$0xC410] =	vst v30  }
0x25a: {  	v29 =	vpack.i.f32.bf16 v7, v3;
	v3 =	vld [tilespmem:s22+$0x5400];
	v7 =	vmul.bf16 v24, v16;
	v41 =	vadd.bf16 v1, v26;
	[tilespmem:s4+$0xD000] =	vst v47  }
0x25b: {  	v1 =	vld [tilespmem:s22+$0x5410];
	v47 =	vmul.bf16 v29, v13;
	v53 =	vmul.bf16 v29, v10;
	v8 =	vadd.bf16 v45, v8;
	[tilespmem:s4+$0xD010] =	vst v46  }
0x25c: {  	vm1 =	veq.bf16 v27, $0.0e+00;
	v30 =	vpack.i.f32.bf16 v6, v4;
	v4 =	vld [tilespmem:s22+$0x5000];
	v6 =	vmul.bf16 v29, v11;
	[tilespmem:s4+$0xF400] =	vst v49  }
0x25d: {  	v45 =	vld [tilespmem:s22+$0x5010];
	v46 =	vmul.bf16 v30, v11;
	v49 =	vmul.bf16 v30, v10;
	v26 =	vsel vm1, v9, v8;
	[tilespmem:s4+$0xF410] =	vst v48  }
0x25e: {  	v48 =	vmul.bf16 v30, v14;
	v31 =	vpack.i.f32.bf16 v32, v31;
	v8 =	vld [tilespmem:s22+$0x6400];
	v32 =	vunpack.i.u.bf16.f32 v26;
	[tilespmem:s4+$0x10000] =	vst v50  }
0x25f: {  	v50 =	vld [tilespmem:s22+$0x6410];
	v46 =	vadd.bf16 v46, v53;
	v53 =	vmul.bf16 v31, v12;
	v54 =	vmul.bf16 v31, v11;
	[tilespmem:s22+$0xEC10] =	vst v32  }
0x260: {  	v55 =	vmul.bf16 v31, v14;
	v32 =	vpack.i.f32.bf16 v1, v3;
	v1 =	vld [tilespmem:s22+$0x7400];
	v3 =	vmul.bf16 v30, v13;
	[tilespmem:s4+$0x10010] =	vst v33;
	s4 =	smov.u32 s22  }
0x261: {  	v56 =	vld [tilespmem:s4+$0x7410];
	v46 =	vadd.bf16 v53, v46;
	v49 =	vadd.bf16 v54, v49;
	v53 =	vmul.bf16 v32, v10  }
0x262: {  	v33 =	vpack.i.f32.bf16 v45, v4;
	v4 =	vmul.bf16 v30, v12;
	v45 =	vmul.bf16 v32, v13  }
0x263: {  	v57 =	vmul.bf16 v31, v10;
	v54 =	vmul.bf16 v33, v12;
	v53 =	vadd.bf16 v34, v53  }
0x264: {  	v34 =	vpack.i.f32.bf16 v50, v8;
	v8 =	vadd.bf16 v45, v46;
	v45 =	vmul.bf16 v33, v11  }
0x265: {  	v46 =	vadd.bf16 v54, v49;
	v38 =	vadd.bf16 v38, v53;
	v49 =	vmul.bf16 v34, v13  }
0x266: {  	v50 =	vmul.bf16 v34, v10;
	v8 =	vadd.bf16 v40, v8;
	v40 =	vmul.bf16 v32, v11  }
0x267: {  	v53 =	vmul.bf16 v31, v15;
	v35 =	vadd.bf16 v35, v46;
	v38 =	vadd.bf16 v49, v38  }
0x268: {  	v3 =	vadd.bf16 v55, v3;
	v46 =	vadd.bf16 v48, v47;
	v47 =	vmul.bf16 v33, v15  }
0x269: {  	v48 =	vmul.bf16 v32, v14;
	v37 =	vadd.bf16 v37, v35;
	v38 =	vadd.bf16 v39, v38  }
0x26a: {  	v4 =	vadd.bf16 v4, v6;
	v6 =	vadd.bf16 v45, v57;
	v39 =	vmul.bf16 v34, v14  }
0x26b: {  	v35 =	vpack.i.f32.bf16 v56, v1;
	v1 =	vadd.bf16 v36, v40;
	v36 =	vadd.bf16 v43, v50  }
0x26c: {  	v8 =	vadd.bf16 v51, v8;
	v40 =	vmul.bf16 v29, v14;
	v0 =	vadd.bf16 v0, v37  }
0x26d: {  	v43 =	vadd.bf16 v53, v46;
	v37 =	vmul.bf16 v30, v15;
	v38 =	vadd.bf16 v44, v38  }
0x26e: {  	v3 =	vadd.bf16 v47, v3;
	v4 =	vadd.bf16 v48, v4;
	v44 =	vmul.bf16 v32, v16  }
0x26f: {  	v45 =	vmul.bf16 v31, v13;
	v2 =	vadd.bf16 v2, v6;
	v1 =	vadd.bf16 v39, v1  }
0x270: {  	v6 =	vmul.bf16 v33, v14;
	v5 =	vadd.bf16 v5, v36;
	v36 =	vadd.bf16 v52, v42  }
0x271: {  	v42 =	vmul.bf16 v24, v15;
	v39 =	vadd.bf16 v44, v43;
	v43 =	vmul.bf16 v34, v16  }
0x272: {  	v3 =	vadd.bf16 v7, v3;
	v7 =	vmul.bf16 v21, v16;
	v44 =	vmul.bf16 v20, v14  }
0x273: {  	v46 =	vmul.bf16 v35, v16;
	v8 =	vadd.bf16 v43, v8;
	v43 =	vmul.bf16 v21, v15  }
0x274: {  	v47 =	vmul.bf16 v34, v11;
	v0 =	vadd.bf16 v7, v0;
	v7 =	vmul.bf16 v22, v14  }
0x275: {  	v48 =	vmul.bf16 v35, v13;
	v38 =	vadd.bf16 v46, v38;
	v46 =	vmul.bf16 v21, v12  }
0x276: {  	v49 =	vmul.bf16 v27, v10;
	v4 =	vadd.bf16 v42, v4;
	v42 =	vmul.bf16 v23, v13  }
0x277: {  	v2 =	vadd.bf16 v44, v2;
	v1 =	vadd.bf16 v43, v1;
	v43 =	vmul.bf16 v22, v11  }
0x278: {  	v5 =	vadd.bf16 v48, v5;
	v44 =	vmul.bf16 v32, v17;
	v7 =	vadd.bf16 v7, v41  }
0x279: {  	v37 =	vadd.bf16 v37, v40;
	v40 =	vmul.bf16 v24, v17;
	v36 =	vadd.bf16 v42, v36  }
0x27a: {  	v6 =	vadd.bf16 v6, v45;
	v41 =	vmul.bf16 v19, v17;
	v42 =	vadd.bf16 v46, v47  }
0x27b: {  	v45 =	vmul.bf16 v19, v16;
	v46 =	vmul.bf16 v34, v17;
	v43 =	vadd.bf16 v43, v49  }
0x27c: {  	v39 =	vadd.bf16 v40, v39;
	v40 =	vmul.bf16 v21, v17;
	v47 =	vmul.bf16 v27, v17  }
0x27d: {  	v48 =	vmul.bf16 v35, v17;
	v3 =	vadd.bf16 v41, v3;
	v41 =	vmul.bf16 v27, v16  }
0x27e: {  	v8 =	vadd.bf16 v40, v8;
	v40 =	vmul.bf16 v23, v17;
	v49 =	vmul.bf16 v25, v16  }
0x27f: {  	v50 =	vmul.bf16 v23, v14;
	v0 =	vadd.bf16 v47, v0;
	v47 =	vmul.bf16 v35, v14  }
0x280: {  	v51 =	vmul.bf16 v25, v13;
	v38 =	vadd.bf16 v40, v38;
	v40 =	vmul.bf16 v25, v14  }
0x281: {  	v24 =	vmul.bf16 v24, v18;
	v4 =	vadd.bf16 v46, v4;
	v2 =	vadd.bf16 v41, v2  }
0x282: {  	v41 =	vmul.bf16 v19, v18;
	v1 =	vadd.bf16 v48, v1;
	v7 =	vadd.bf16 v49, v7  }
0x283: {  	v5 =	vadd.bf16 v50, v5;
	v46 =	vmul.bf16 v20, v18;
	v36 =	vadd.bf16 v40, v36  }
0x284: {  	v6 =	vadd.bf16 v45, v6;
	v37 =	vadd.bf16 v44, v37;
	v40 =	vmul.bf16 v20, v17  }
0x285: {  	v44 =	vmul.bf16 v21, v18;
	v42 =	vadd.bf16 v47, v42;
	v43 =	vadd.bf16 v51, v43  }
0x286: {  	v27 =	vmul.bf16 v27, v18;
	v39 =	vadd.bf16 v41, v39;
	v41 =	vmul.bf16 v22, v18  }
0x287: {  	v45 =	vmul.bf16 v22, v17;
	v3 =	vadd.bf16 v46, v3;
	v46 =	vmul.bf16 v23, v18  }
0x288: {  	v8 =	vadd.bf16 v27, v8;
	v27 =	vmul.bf16 v25, v18;
	v47 =	vmul.bf16 v28, v17  }
0x289: {  	v48 =	vmul.bf16 v25, v15;
	v0 =	vadd.bf16 v41, v0;
	v41 =	vmul.bf16 v23, v15  }
0x28a: {  	v27 =	vadd.bf16 v27, v38;
	v38 =	vmul.bf16 v28, v15;
	v49 =	vmul.bf16 v28, v14  }
0x28b: {  	vm1 =	veq.bf16 v29, $0.0e+00;
	v4 =	vadd.bf16 v44, v4;
	v2 =	vadd.bf16 v45, v2  }
0x28c: {  	vm3 =	veq.bf16 v30, $0.0e+00;
	v1 =	vadd.bf16 v46, v1;
	v7 =	vadd.bf16 v47, v7  }
0x28d: {  	vm4 =	veq.bf16 v31, $0.0e+00;
	v5 =	vadd.bf16 v48, v5;
	v29 =	vadd.bf16 v38, v36  }
0x28e: {  	vm2 =	veq.bf16 v33, $0.0e+00;
	v24 =	vadd.bf16 v24, v37;
	v6 =	vadd.bf16 v40, v6  }
0x28f: {  	vm5 =	veq.bf16 v32, $0.0e+00;
	v31 =	vadd.bf16 v49, v43;
	v30 =	vadd.bf16 v41, v42  }
0x290: {  	vm6 =	veq.bf16 v19, $0.0e+00;
	vm7 =	veq.bf16 v20, $0.0e+00;
	vm8 =	veq.bf16 v34, $0.0e+00  }
0x291: {  	vm9 =	veq.bf16 v21, $0.0e+00;
	vm10 =	veq.bf16 v22, $0.0e+00;
	vm11 =	veq.bf16 v35, $0.0e+00  }
0x292: {  	vm12 =	veq.bf16 v23, $0.0e+00;
	vm13 =	veq.bf16 v25, $0.0e+00;
	vm14 =	veq.bf16 v28, $0.0e+00  }
0x293: {  	v8 =	vsel vm0, v9, v8;
	v21 =	vsel vm9, v9, v27;
	v0 =	vsel vm6, v9, v0  }
0x294: {  	v3 =	vsel vm4, v9, v3;
	v4 =	vsel vm5, v9, v4;
	v23 =	vsel vm3, v9, v39  }
0x295: {  	v2 =	vsel vm7, v9, v2;
	v22 =	vsel vm8, v9, v1;
	v20 =	vsel vm10, v9, v7  }
0x296: {  	v34 =	vsel vm1, v9, v24;
	v19 =	vsel vm12, v9, v5;
	v37 =	vsel vm13, v9, v29  }
0x297: {  	v33 =	vsel vm2, v9, v6;
	v25 =	vsel vm14, v9, v31;
	v27 =	vsel vm11, v9, v30  }
.Ltmp4:
0x298: {  	v1 =	vunpack.i.u.bf16.f32 v8;
	v5 =	vunpack.i.l.bf16.f32 v8;
	v6 =	vunpack.i.u.bf16.f32 v0;
	(pc) =	sbr.rel @p0 .LBB2_9-.Ltmp4, $4  }
0x299: {  	s22 =	sshra.s32 s8, $0x2;
	v45 =	vunpack.i.u.bf16.f32 v21;
	v51 =	vunpack.i.l.bf16.f32 v21;
	v0 =	vunpack.i.l.bf16.f32 v0;
	[tilespmem:s4+$0xD800] =	vst v5  }
0x29a: {  	v49 =	vunpack.i.l.bf16.f32 v26;
	v39 =	vunpack.i.u.bf16.f32 v23;
	v42 =	vunpack.i.l.bf16.f32 v23;
	v21 =	vld [tilespmem:s22+$0x5800];
	[tilespmem:s4+$0xD810] =	vst v1  }
0x29b: {  	v35 =	vunpack.i.u.bf16.f32 v3;
	v28 =	vunpack.i.u.bf16.f32 v4;
	v41 =	vunpack.i.l.bf16.f32 v3;
	v23 =	vld [tilespmem:s22+$0x5810];
	[tilespmem:s4+$0xDC00] =	vst v0  }
0x29c: {  	s8 =	sadd.s32 $0x80, s8;
	v36 =	vunpack.i.l.bf16.f32 v4;
	v26 =	vunpack.i.u.bf16.f32 v2;
	v31 =	vunpack.i.l.bf16.f32 v2;
	v29 =	vld [tilespmem:s22+$0x5C00];
	[tilespmem:s4+$0xDC10] =	vst v6  }
0x29d: {  	v0 =	vld [tilespmem:s22+$0x5C10]  }
0x29e: {  	v1 =	vld [tilespmem:s22+$0x6000]  }
0x29f: {  	v2 =	vld [tilespmem:s22+$0x6010]  }
0x2a0: {  	v3 =	vld [tilespmem:s22+$0x6800]  }
0x2a1: {  	v4 =	vld [tilespmem:s22+$0x6810]  }
0x2a2: {  	v5 =	vld [tilespmem:s22+$0x6C00]  }
0x2a3: {  	v6 =	vld [tilespmem:s22+$0x6C10]  }
0x2a4: {  	v54 =	vunpack.i.u.bf16.f32 v22;
	v57 =	vunpack.i.l.bf16.f32 v22;
	v40 =	vpack.i.f32.bf16 v23, v21  }
0x2a5: {  	v53 =	vunpack.i.u.bf16.f32 v20;
	v56 =	vunpack.i.l.bf16.f32 v20;
	v7 =	vmul.bf16 v40, v10  }
0x2a6: {  	v63 =	vld [tilespmem:s22+$0x7000];
	v20 =	vunpack.i.u.bf16.f32 v19;
	v58 =	vmul.bf16 v40, v13;
	v59 =	vmul.bf16 v40, v14  }
0x2a7: {  	v24 =	vld [tilespmem:s22+$0x7010];
	v32 =	vpack.i.f32.bf16 v0, v29;
	v21 =	vpack.i.f32.bf16 v2, v1;
	v30 =	vpack.i.f32.bf16 v4, v3  }
0x2a8: {  	v44 =	vpack.i.f32.bf16 v6, v5;
	v6 =	vmul.bf16 v40, v11;
	v8 =	vmul.bf16 v32, v11  }
0x2a9: {  	v55 =	vunpack.i.l.bf16.f32 v19;
	v1 =	vld [tilespmem:s22+$0x7800];
	v50 =	vmul.bf16 v21, v12;
	v4 =	vmul.bf16 v30, v13  }
0x2aa: {  	vm13 =	veq.bf16 v40, $0.0e+00;
	v3 =	vld [tilespmem:s22+$0x7C00];
	v47 =	vmul.bf16 v44, v14;
	v38 =	vmul.bf16 v32, v12  }
0x2ab: {  	v60 =	vmul.bf16 v32, v14;
	v29 =	vmul.bf16 v32, v10;
	v48 =	vadd.bf16 v8, v7;
	v8 =	vld [tilespmem:s22+$0x7810]  }
0x2ac: {  	v22 =	vpack.i.f32.bf16 v24, v63;
	v46 =	vmul.bf16 v30, v10;
	v61 =	vmul.bf16 v30, v14;
	v7 =	vld [tilespmem:s22+$0x7C10];
	[tilespmem:$0x1FFE0] =	vst v20  }
0x2ad: {  	vm0 =	veq.bf16 v44, $0.0e+00;
	vm14 =	veq.bf16 v32, $0.0e+00;
	vm15 =	veq.bf16 v30, $0.0e+00;
	v52 =	vld [tilespmem:s22+$0x8000]  }
0x2ae: {  	vm7 =	veq.bf16 v21, $0.0e+00;
	vm9 =	veq.bf16 v22, $0.0e+00;
	v19 =	vld [tilespmem:s22+$0x8010];
	[tilespmem:s4+$0xE810] =	vst v45;
	v45 =	vunpack.i.u.bf16.f32 v33  }
0x2af: {  	v0 =	vld [tilespmem:s22+$0x4400];
	v33 =	vunpack.i.l.bf16.f32 v33;
	[tilespmem:s4+$0xC800] =	vst v42;
	v42 =	vunpack.i.u.bf16.f32 v27;
	v2 =	vadd.bf16 v50, v48  }
0x2b0: {  	v24 =	vld [tilespmem:s22+$0x4410];
	v27 =	vunpack.i.l.bf16.f32 v27;
	[tilespmem:s4+$0xCC00] =	vst v41;
	v41 =	vunpack.i.u.bf16.f32 v25;
	v25 =	vunpack.i.l.bf16.f32 v25  }
0x2b1: {  	[tilespmem:s4+$0xE000] =	vst v31;
	v31 =	vmul.bf16 v44, v10;
	v48 =	vmul.bf16 v22, v15;
	v2 =	vadd.bf16 v4, v2  }
0x2b2: {  	v43 =	vld [tilespmem:s22+$0x4810];
	v20 =	vpack.i.f32.bf16 v8, v1;
	v8 =	vmul.bf16 v21, v11;
	v23 =	vpack.i.f32.bf16 v7, v3  }
0x2b3: {  	v1 =	vld [tilespmem:s22+$0x4800];
	v7 =	vmul.bf16 v40, v12;
	v2 =	vadd.bf16 v47, v2;
	v50 =	vmul.bf16 v20, v16  }
0x2b4: {  	v3 =	vld [tilespmem:s22+$0x4C00];
	v47 =	vmul.bf16 v44, v11;
	v4 =	vmul.bf16 v23, v17;
	v19 =	vpack.i.f32.bf16 v19, v52  }
0x2b5: {  	v52 =	vmul.bf16 v44, v13;
	v24 =	vpack.i.f32.bf16 v24, v0;
	v0 =	vld [tilespmem:s22+$0x5000];
	v2 =	vadd.bf16 v48, v2  }
0x2b6: {  	[tilespmem:s4+$0xE410] =	vst v54;
	v54 =	vmul.bf16 v20, v14;
	vm10 =	veq.bf16 v20, $0.0e+00;
	v8 =	vadd.bf16 v8, v29;
	v48 =	vld [tilespmem:s22+$0x4C10]  }
0x2b7: {  	v29 =	vld [tilespmem:s22+$0x5400];
	v63 =	vmul.bf16 v19, v18;
	v5 =	vmul.bf16 v24, v10;
	v2 =	vadd.bf16 v50, v2  }
0x2b8: {  	[tilespmem:s4+$0xD410] =	vst v28;
	v28 =	vmul.bf16 v24, v14;
	vm12 =	veq.bf16 v24, $0.0e+00;
	v52 =	vadd.bf16 v52, v8;
	v8 =	vld [tilespmem:s22+$0x5010]  }
0x2b9: {  	v62 =	vadd.bf16 v47, v46;
	v46 =	vpack.i.f32.bf16 v43, v1;
	v2 =	vadd.bf16 v4, v2;
	v4 =	vld [tilespmem:s22+$0x5410]  }
0x2ba: {  	[tilespmem:s4+$0xE800] =	vst v51;
	v1 =	vmul.bf16 v24, v13;
	v43 =	vmul.bf16 v46, v11;
	vm4 =	veq.bf16 v46, $0.0e+00  }
0x2bb: {  	[tilespmem:s4+$0xEC00] =	vst v49;
	v47 =	vpack.i.f32.bf16 v48, v3;
	v2 =	vadd.bf16 v63, v2;
	v63 =	vmul.bf16 v46, v10  }
0x2bc: {  	[tilespmem:s4+$0xC810] =	vst v39;
	v50 =	vld [tilespmem:s22+$0x6410];
	v5 =	vadd.bf16 v43, v5;
	v43 =	vmul.bf16 v47, v12;
	v48 =	vmul.bf16 v47, v11  }
0x2bd: {  	[tilespmem:s4+$0xE010] =	vst v26;
	v3 =	vld [tilespmem:s22+$0x6400];
	v26 =	vmul.bf16 v47, v13;
	vm5 =	veq.bf16 v47, $0.0e+00;
	v2 =	vsel vm0, v9, v2  }
0x2be: {  	[tilespmem:s4+$0xCC10] =	vst v35;
	v4 =	vpack.i.f32.bf16 v4, v29;
	v29 =	vpack.i.f32.bf16 v8, v0;
	v8 =	vmul.bf16 v24, v11  }
0x2bf: {  	[tilespmem:s4+$0xD400] =	vst v36;
	v5 =	vadd.bf16 v43, v5;
	v43 =	vmul.bf16 v4, v10;
	v0 =	vmul.bf16 v4, v13  }
0x2c0: {  	[tilespmem:s4+$0xE400] =	vst v57;
	v48 =	vadd.bf16 v48, v63;
	v63 =	vmul.bf16 v29, v12;
	v51 =	vmul.bf16 v4, v16  }
0x2c1: {  	[tilespmem:s4+$0xF000] =	vst v56;
	v56 =	vmul.bf16 v4, v17;
	vm6 =	veq.bf16 v4, $0.0e+00;
	v6 =	vadd.bf16 v6, v43  }
0x2c2: {  	[tilespmem:s4+$0xF010] =	vst v53;
	v43 =	vpack.i.f32.bf16 v50, v3;
	v50 =	vunpack.i.u.bf16.f32 v2;
	v0 =	vadd.bf16 v0, v5  }
0x2c3: {  	[tilespmem:s4+$0xF800] =	vst v55;
	v3 =	vadd.bf16 v63, v48;
	v63 =	vmul.bf16 v47, v14;
	v2 =	vunpack.i.l.bf16.f32 v2  }
0x2c4: {  	[tilespmem:s22+$0xEC10] =	vst v50;
	v50 =	vmul.bf16 v46, v13;
	v55 =	vmul.bf16 v43, v17;
	vm8 =	veq.bf16 v43, $0.0e+00  }
0x2c5: {  	v5 =	vadd.bf16 v38, v6;
	v6 =	vmul.bf16 v43, v13;
	v38 =	vmul.bf16 v46, v14;
	v57 =	vld [tilespmem:$0x1FFE0];
	[tilespmem:s4+$0xD000] =	vst v33  }
0x2c6: {  	v0 =	vadd.bf16 v59, v0;
	v59 =	vmul.bf16 v29, v11;
	v33 =	vmul.bf16 v40, v18;
	[tilespmem:s4+$0xD010] =	vst v45  }
0x2c7: {  	v48 =	vld [tilespmem:s22+$0x7400];
	v3 =	vadd.bf16 v58, v3;
	[tilespmem:s4+$0xF410] =	vst v42;
	v45 =	vmul.bf16 v23, v18;
	v42 =	vmul.bf16 v19, v15  }
0x2c8: {  	v58 =	vld [tilespmem:s22+$0x7410];
	v50 =	vadd.bf16 v63, v50;
	v63 =	vmul.bf16 v32, v15;
	v5 =	vadd.bf16 v6, v5  }
0x2c9: {  	v6 =	vmul.bf16 v46, v12;
	v1 =	vadd.bf16 v38, v1;
	v38 =	vmul.bf16 v47, v10  }
0x2ca: {  	v3 =	vadd.bf16 v60, v3;
	v60 =	vmul.bf16 v30, v11;
	v0 =	vadd.bf16 v63, v0  }
0x2cb: {  	v63 =	vmul.bf16 v30, v16;
	v5 =	vadd.bf16 v61, v5;
	v61 =	vmul.bf16 v4, v11  }
0x2cc: {  	v6 =	vadd.bf16 v6, v8;
	v8 =	vmul.bf16 v43, v10;
	v59 =	vadd.bf16 v59, v38  }
0x2cd: {  	v38 =	vpack.i.f32.bf16 v58, v48;
	v48 =	vmul.bf16 v21, v15;
	v58 =	vmul.bf16 v47, v15  }
0x2ce: {  	v7 =	vadd.bf16 v7, v61;
	v8 =	vadd.bf16 v60, v8;
	v60 =	vmul.bf16 v44, v15  }
0x2cf: {  	v61 =	vmul.bf16 v29, v15;
	v53 =	vmul.bf16 v38, v17;
	v3 =	vadd.bf16 v48, v3  }
0x2d0: {  	v48 =	vmul.bf16 v4, v14;
	v1 =	vadd.bf16 v58, v1;
	v58 =	vunpack.i.u.bf16.f32 v34  }
0x2d1: {  	v34 =	vunpack.i.l.bf16.f32 v34;
	v5 =	vadd.bf16 v60, v5;
	v60 =	vmul.bf16 v32, v13  }
0x2d2: {  	v50 =	vadd.bf16 v61, v50;
	v61 =	vmul.bf16 v43, v14;
	[tilespmem:s4+$0xC400] =	vst v34;
	v34 =	vmul.bf16 v38, v14  }
0x2d3: {  	[tilespmem:s4+$0xC410] =	vst v58;
	v58 =	vmul.bf16 v23, v13;
	v6 =	vadd.bf16 v48, v6;
	v48 =	vunpack.i.u.bf16.f32 v37  }
0x2d4: {  	v37 =	vunpack.i.l.bf16.f32 v37;
	v1 =	vadd.bf16 v51, v1;
	v59 =	vadd.bf16 v60, v59  }
0x2d5: {  	v60 =	vmul.bf16 v44, v12;
	v7 =	vadd.bf16 v61, v7;
	v61 =	vmul.bf16 v22, v12  }
0x2d6: {  	v3 =	vadd.bf16 v63, v3;
	v63 =	vmul.bf16 v21, v14;
	v51 =	vmul.bf16 v30, v15  }
0x2d7: {  	[tilespmem:s4+$0xFC00] =	vst v37;
	v37 =	vmul.bf16 v23, v15;
	v8 =	vadd.bf16 v60, v8;
	v60 =	vadd.bf16 v61, v62  }
0x2d8: {  	v61 =	vmul.bf16 v40, v16;
	v62 =	vmul.bf16 v43, v16;
	v35 =	vadd.bf16 v63, v59  }
0x2d9: {  	v59 =	vmul.bf16 v22, v14;
	v7 =	vadd.bf16 v51, v7;
	v63 =	vmul.bf16 v29, v14  }
0x2da: {  	v51 =	vmul.bf16 v43, v11;
	v50 =	vadd.bf16 v61, v50;
	v0 =	vadd.bf16 v62, v0  }
0x2db: {  	v61 =	vmul.bf16 v38, v16;
	v62 =	vmul.bf16 v40, v15;
	v39 =	vadd.bf16 v59, v52  }
0x2dc: {  	v59 =	vmul.bf16 v20, v13;
	v52 =	vmul.bf16 v30, v12;
	v26 =	vadd.bf16 v63, v26  }
0x2dd: {  	v63 =	vmul.bf16 v32, v17;
	v5 =	vadd.bf16 v61, v5;
	v6 =	vadd.bf16 v62, v6  }
0x2de: {  	v61 =	vmul.bf16 v46, v15;
	v62 =	vmul.bf16 v38, v13;
	v36 =	vadd.bf16 v59, v60  }
0x2df: {  	[tilespmem:s4+$0xFC10] =	vst v48;
	v51 =	vadd.bf16 v52, v51;
	v52 =	vmul.bf16 v32, v16;
	v48 =	vadd.bf16 v63, v50  }
0x2e0: {  	v63 =	vmul.bf16 v20, v17;
	v28 =	vadd.bf16 v61, v28;
	v61 =	vmul.bf16 v22, v11  }
0x2e1: {  	v60 =	vmul.bf16 v30, v17;
	v50 =	vmul.bf16 v23, v16;
	v8 =	vadd.bf16 v62, v8  }
0x2e2: {  	v5 =	vadd.bf16 v63, v5;
	v31 =	vadd.bf16 v61, v31;
	v61 =	vmul.bf16 v44, v17  }
0x2e3: {  	[tilespmem:s4+$0xF400] =	vst v27;
	v62 =	vmul.bf16 v40, v17;
	v0 =	vadd.bf16 v60, v0;
	v60 =	vmul.bf16 v23, v14  }
0x2e4: {  	[tilespmem:s4+$0x10000] =	vst v25;
	v5 =	vadd.bf16 v45, v5;
	v3 =	vadd.bf16 v61, v3;
	v61 =	vmul.bf16 v44, v18  }
0x2e5: {  	[tilespmem:s4+$0x10010] =	vst v41;
	v6 =	vadd.bf16 v55, v6;
	v1 =	vadd.bf16 v62, v1;
	v62 =	vmul.bf16 v44, v16  }
0x2e6: {  	[tilespmem:s22+$0xEC00] =	vst v2;
	v63 =	vmul.bf16 v22, v18;
	v5 =	vsel vm15, v9, v5;
	v0 =	vadd.bf16 v61, v0  }
0x2e7: {  	[tilespmem:s4+$0xF810] =	vst v57;
	v35 =	vadd.bf16 v62, v35;
	v62 =	vmul.bf16 v32, v18;
	v55 =	vunpack.i.l.bf16.f32 v5  }
0x2e8: {  	v5 =	vunpack.i.u.bf16.f32 v5;
	v3 =	vadd.bf16 v63, v3;
	[tilespmem:s22+$0xE800] =	vst v55;
	v0 =	vsel vm13, v9, v0  }
0x2e9: {  	v39 =	vadd.bf16 v50, v39;
	v44 =	vmul.bf16 v21, v18;
	[tilespmem:s22+$0xE810] =	vst v5;
	v49 =	vunpack.i.l.bf16.f32 v0  }
0x2ea: {  	v1 =	vadd.bf16 v62, v1;
	v3 =	vsel vm14, v9, v3;
	v0 =	vunpack.i.u.bf16.f32 v0;
	[tilespmem:s22+$0xD800] =	vst v49  }
0x2eb: {  	v25 =	vadd.bf16 v56, v28;
	v56 =	vmul.bf16 v30, v18;
	v50 =	vunpack.i.l.bf16.f32 v3;
	[tilespmem:s22+$0xD810] =	vst v0  }
0x2ec: {  	v57 =	vadd.bf16 v44, v48;
	v1 =	vsel vm4, v9, v1;
	v3 =	vunpack.i.u.bf16.f32 v3;
	[tilespmem:s22+$0xDC00] =	vst v50  }
0x2ed: {  	v27 =	vadd.bf16 v60, v36;
	v61 =	vadd.bf16 v56, v6;
	v60 =	vunpack.i.l.bf16.f32 v1;
	[tilespmem:s22+$0xDC10] =	vst v3  }
0x2ee: {  	v59 =	vmul.bf16 v22, v17;
	v62 =	vsel vm5, v9, v57;
	v1 =	vunpack.i.u.bf16.f32 v1;
	[tilespmem:s22+$0xC800] =	vst v60  }
0x2ef: {  	v32 =	vmul.bf16 v19, v17;
	v2 =	vsel vm6, v9, v61;
	v28 =	vunpack.i.l.bf16.f32 v62;
	[tilespmem:s22+$0xC810] =	vst v1  }
0x2f0: {  	v7 =	vadd.bf16 v53, v7;
	v30 =	vadd.bf16 v59, v35;
	v35 =	vunpack.i.l.bf16.f32 v2;
	[tilespmem:s22+$0xCC00] =	vst v28  }
0x2f1: {  	v41 =	vadd.bf16 v32, v39;
	v48 =	vadd.bf16 v58, v31;
	v2 =	vunpack.i.u.bf16.f32 v2;
	[tilespmem:s22+$0xD400] =	vst v35  }
0x2f2: {  	v55 =	vmul.bf16 v19, v14;
	v3 =	vunpack.i.u.bf16.f32 v62;
	v1 =	vsel vm7, v9, v30;
	[tilespmem:s22+$0xD410] =	vst v2  }
0x2f3: {  	v8 =	vadd.bf16 v54, v8;
	v63 =	vmul.bf16 v20, v18;
	[tilespmem:s22+$0xCC10] =	vst v3;
	v40 =	vunpack.i.l.bf16.f32 v1  }
0x2f4: {  	v59 =	vadd.bf16 v55, v48;
	v2 =	vsel vm9, v9, v41;
	v1 =	vunpack.i.u.bf16.f32 v1;
	[tilespmem:s22+$0xE000] =	vst v40  }
0x2f5: {  	vm15 =	veq.bf16 v19, $0.0e+00;
	v36 =	vadd.bf16 v63, v7;
	v46 =	vunpack.i.l.bf16.f32 v2;
	[tilespmem:s22+$0xE010] =	vst v1  }
0x2f6: {  	v53 =	vadd.bf16 v52, v26;
	v61 =	vsel vm15, v9, v59;
	v2 =	vunpack.i.u.bf16.f32 v2;
	[tilespmem:s22+$0xF000] =	vst v46  }
0x2f7: {  	v44 =	vadd.bf16 v37, v8;
	v3 =	vsel vm8, v9, v36;
	v63 =	vunpack.i.l.bf16.f32 v61;
	[tilespmem:s22+$0xF010] =	vst v2  }
0x2f8: {  	v54 =	vmul.bf16 v21, v17;
	v45 =	vadd.bf16 v34, v51;
	v43 =	vunpack.i.l.bf16.f32 v3;
	[tilespmem:s22+$0x10000] =	vst v63  }
0x2f9: {  	v50 =	vadd.bf16 v33, v25;
	v3 =	vunpack.i.u.bf16.f32 v3;
	v1 =	vsel vm10, v9, v44;
	[tilespmem:s22+$0xE400] =	vst v43  }
0x2fa: {  	v51 =	vmul.bf16 v20, v15;
	v0 =	vadd.bf16 v54, v53;
	[tilespmem:s22+$0xE410] =	vst v3;
	v49 =	vunpack.i.l.bf16.f32 v1  }
0x2fb: {  	vm13 =	veq.bf16 v29, $0.0e+00;
	v53 =	vsel vm12, v9, v50;
	v1 =	vunpack.i.u.bf16.f32 v1;
	[tilespmem:s22+$0xF800] =	vst v49  }
0x2fc: {  	v57 =	vadd.bf16 v51, v45;
	v0 =	vsel vm13, v9, v0;
	v56 =	vunpack.i.l.bf16.f32 v53;
	[tilespmem:s22+$0xF810] =	vst v1  }
0x2fd: {  	vm14 =	veq.bf16 v38, $0.0e+00;
	v58 =	vunpack.i.l.bf16.f32 v0;
	[tilespmem:s22+$0xC400] =	vst v56  }
0x2fe: {  	v47 =	vadd.bf16 v42, v27;
	v2 =	vsel vm14, v9, v57;
	v0 =	vunpack.i.u.bf16.f32 v0;
	[tilespmem:s22+$0xD000] =	vst v58  }
0x2ff: {  	vm11 =	veq.bf16 v23, $0.0e+00;
	v60 =	vunpack.i.l.bf16.f32 v2;
	[tilespmem:s22+$0xD010] =	vst v0  }
0x300: {  	v3 =	vsel vm11, v9, v47;
	v62 =	vunpack.i.u.bf16.f32 v2;
	[tilespmem:s22+$0xF400] =	vst v60  }
0x301: {  	v52 =	vunpack.i.l.bf16.f32 v3;
	[tilespmem:s22+$0xF410] =	vst v62  }
0x302: {  	v54 =	vunpack.i.u.bf16.f32 v3;
	[tilespmem:s22+$0xFC00] =	vst v52  }
0x303: {  	v1 =	vunpack.i.u.bf16.f32 v53;
	[tilespmem:s22+$0xFC10] =	vst v54  }
0x304: {  	v0 =	vunpack.i.u.bf16.f32 v61;
	[tilespmem:s22+$0xC410] =	vst v1  }
0x305: {  	s4 =	sor.u32 $0x80, s6;
	[tilespmem:s22+$0x10010] =	vst v0;
	s22 =	rddreg [dreg:$0x2]  }
0x306: {  	s8 =	simm.s32 $0xC000;
	s6 =	sadd.s32 s22, s4  }
0x307: {  	[hbm4b:s6+s5] =	stream.linear.scatter [tilespmem:s8], [sflag:$0x4], $0x400, $0x38;
	[tilespmem:$0x10080] =	vst v63  }
0x308: {  	s22 =	simm.s32 $0xC400;
	s8 =	sadd.s32 s4, s29  }
0x309: {  	[hbm4b:s8+s5] =	stream.linear.scatter [tilespmem:s22], [sflag:$0x4], $0x400, $0x38;
	[tilespmem:$0x10080] =	vst v63  }
0x30a: {  	s8 =	sadd.s32 s4, s30;
	s22 =	simm.s32 $0xC800  }
0x30b: {  	[hbm4b:s8+s5] =	stream.linear.scatter [tilespmem:s22], [sflag:$0x4], $0x400, $0x38;
	[tilespmem:$0x10080] =	vst v63  }
0x30c: {  	s8 =	sadd.s32 s4, s31;
	s22 =	simm.s32 $0xCC00  }
0x30d: {  	[hbm4b:s8+s5] =	stream.linear.scatter [tilespmem:s22], [sflag:$0x4], $0x400, $0x38;
	[tilespmem:$0x10080] =	vst v63  }
0x30e: {  	s8 =	sadd.s32 s4, s0;
	s22 =	simm.s32 $0xD000  }
0x30f: {  	[hbm4b:s8+s5] =	stream.linear.scatter [tilespmem:s22], [sflag:$0x4], $0x400, $0x38;
	[tilespmem:$0x10080] =	vst v63  }
0x310: {  	s8 =	sadd.s32 s4, s2;
	s22 =	simm.s32 $0xD400  }
0x311: {  	[hbm4b:s8+s5] =	stream.linear.scatter [tilespmem:s22], [sflag:$0x4], $0x400, $0x38;
	[tilespmem:$0x10080] =	vst v63  }
0x312: {  	s8 =	sadd.s32 s4, s3;
	s22 =	simm.s32 $0xD800  }
0x313: {  	[hbm4b:s8+s5] =	stream.linear.scatter [tilespmem:s22], [sflag:$0x4], $0x400, $0x38;
	[tilespmem:$0x10080] =	vst v63  }
0x314: {  	s8 =	sadd.s32 s4, s9;
	s22 =	simm.s32 $0xDC00  }
0x315: {  	[hbm4b:s8+s5] =	stream.linear.scatter [tilespmem:s22], [sflag:$0x4], $0x400, $0x38;
	[tilespmem:$0x10080] =	vst v63  }
0x316: {  	s8 =	sadd.s32 s4, s10;
	s22 =	simm.s32 $0xE000  }
0x317: {  	[hbm4b:s8+s5] =	stream.linear.scatter [tilespmem:s22], [sflag:$0x4], $0x400, $0x38;
	[tilespmem:$0x10080] =	vst v63  }
0x318: {  	s8 =	sadd.s32 s4, s11;
	s22 =	simm.s32 $0xE400  }
0x319: {  	[hbm4b:s8+s5] =	stream.linear.scatter [tilespmem:s22], [sflag:$0x4], $0x400, $0x38;
	[tilespmem:$0x10080] =	vst v63  }
0x31a: {  	s8 =	sadd.s32 s4, s14;
	s22 =	simm.s32 $0xE800  }
0x31b: {  	[hbm4b:s8+s5] =	stream.linear.scatter [tilespmem:s22], [sflag:$0x4], $0x400, $0x38;
	[tilespmem:$0x10080] =	vst v63  }
0x31c: {  	s8 =	sadd.s32 s4, s15;
	s22 =	simm.s32 $0xEC00  }
0x31d: {  	[hbm4b:s8+s5] =	stream.linear.scatter [tilespmem:s22], [sflag:$0x4], $0x400, $0x38;
	[tilespmem:$0x10080] =	vst v63  }
0x31e: {  	s8 =	sadd.s32 s4, s16;
	s22 =	simm.s32 $0xF000  }
0x31f: {  	[hbm4b:s8+s5] =	stream.linear.scatter [tilespmem:s22], [sflag:$0x4], $0x400, $0x38;
	[tilespmem:$0x10080] =	vst v63  }
0x320: {  	s8 =	sadd.s32 s4, s17;
	s22 =	simm.s32 $0xF400  }
0x321: {  	[hbm4b:s8+s5] =	stream.linear.scatter [tilespmem:s22], [sflag:$0x4], $0x400, $0x38;
	[tilespmem:$0x10080] =	vst v63  }
0x322: {  	s8 =	sadd.s32 s4, s20;
	s22 =	simm.s32 $0xF800  }
0x323: {  	[hbm4b:s8+s5] =	stream.linear.scatter [tilespmem:s22], [sflag:$0x4], $0x400, $0x38;
	[tilespmem:$0x10080] =	vst v63  }
0x324: {  	p0 =	seq.s32 s25, $0xF;
	s25 =	simm.s32 $0xFC00;
	s4 =	sadd.s32 s4, s21  }
0x325: {  	[hbm4b:s4+s5] =	stream.linear.scatter [tilespmem:s25], [sflag:$0x4], $0x400, $0x38;
	[tilespmem:$0x10080] =	vst v63  }
0x326: {  	s4 =	sld [smem:$0x7FD];
	_ =	sdelay $0x2  }
0x327: {  	s1 =	sadd.s32 @!p0 s1, s4  }
0x328: {  	s4 =	rddreg [dreg:$0x0];
	s1 =	sshrl.u32 @!p0 s1, $0x3  }
0x329: {  	s6 =	simm.s32 @!p0 $0x0;
	s8 =	simm.s32 @!p0 $0x4000;
	s4 =	sadd.s32 @!p0 s4, s1  }
0x32a: {  	[tilespmem:s8], [sflag:$0x2] =	stream.linear.gather @!p0 [hbm4b:s4+s6], $0x400, $0x38;
	[tilespmem:$0x10080] =	vst v63  }
0x32b: {  	s22 =	simm.s32 @!p0 $0x4400;
	s8 =	sadd.s32 @!p0 $0x20000, s4  }
0x32c: {  	[tilespmem:s22], [sflag:$0x2] =	stream.linear.gather @!p0 [hbm4b:s8+s6], $0x400, $0x38;
	[tilespmem:$0x10080] =	vst v63  }
0x32d: {  	s8 =	rddreg [dreg:$0x12]  }
0x32e: {  	s22 =	simm.s32 @!p0 $0x4800;
	s8 =	sadd.s32 @!p0 s1, s8  }
0x32f: {  	[tilespmem:s22], [sflag:$0x2] =	stream.linear.gather @!p0 [hbm4b:s8+s6], $0x400, $0x38;
	[tilespmem:$0x10080] =	vst v63  }
0x330: {  	s8 =	sadd.s32 @!p0 $0x60000, s4;
	s22 =	simm.s32 @!p0 $0x4C00  }
0x331: {  	[tilespmem:s22], [sflag:$0x2] =	stream.linear.gather @!p0 [hbm4b:s8+s6], $0x400, $0x38;
	[tilespmem:$0x10080] =	vst v63  }
0x332: {  	s8 =	sadd.s32 @!p0 s1, s13;
	s22 =	simm.s32 @!p0 $0x5000  }
0x333: {  	[tilespmem:s22], [sflag:$0x2] =	stream.linear.gather @!p0 [hbm4b:s8+s6], $0x400, $0x38;
	[tilespmem:$0x10080] =	vst v63  }
0x334: {  	s8 =	sadd.s32 @!p0 $0xA0000, s4;
	s22 =	simm.s32 @!p0 $0x5400  }
0x335: {  	[tilespmem:s22], [sflag:$0x2] =	stream.linear.gather @!p0 [hbm4b:s8+s6], $0x400, $0x38;
	[tilespmem:$0x10080] =	vst v63  }
0x336: {  	s8 =	sadd.s32 @!p0 s1, s18;
	s22 =	simm.s32 @!p0 $0x5800  }
0x337: {  	[tilespmem:s22], [sflag:$0x2] =	stream.linear.gather @!p0 [hbm4b:s8+s6], $0x400, $0x38;
	[tilespmem:$0x10080] =	vst v63  }
0x338: {  	s8 =	sadd.s32 @!p0 $0xE0000, s4;
	s22 =	simm.s32 @!p0 $0x5C00  }
0x339: {  	[tilespmem:s22], [sflag:$0x2] =	stream.linear.gather @!p0 [hbm4b:s8+s6], $0x400, $0x38;
	[tilespmem:$0x10080] =	vst v63  }
0x33a: {  	s8 =	sadd.s32 @!p0 s1, s19;
	s22 =	simm.s32 @!p0 $0x6000  }
0x33b: {  	[tilespmem:s22], [sflag:$0x2] =	stream.linear.gather @!p0 [hbm4b:s8+s6], $0x400, $0x38;
	[tilespmem:$0x10080] =	vst v63  }
0x33c: {  	s8 =	sadd.s32 @!p0 $0x120000, s4;
	s22 =	simm.s32 @!p0 $0x6400  }
0x33d: {  	[tilespmem:s22], [sflag:$0x2] =	stream.linear.gather @!p0 [hbm4b:s8+s6], $0x400, $0x38;
	[tilespmem:$0x10080] =	vst v63  }
0x33e: {  	s8 =	sadd.s32 @!p0 s1, s24;
	s22 =	simm.s32 @!p0 $0x6800  }
0x33f: {  	[tilespmem:s22], [sflag:$0x2] =	stream.linear.gather @!p0 [hbm4b:s8+s6], $0x400, $0x38;
	[tilespmem:$0x10080] =	vst v63  }
0x340: {  	s8 =	sadd.s32 @!p0 $0x160000, s4;
	s22 =	simm.s32 @!p0 $0x6C00  }
0x341: {  	[tilespmem:s22], [sflag:$0x2] =	stream.linear.gather @!p0 [hbm4b:s8+s6], $0x400, $0x38;
	[tilespmem:$0x10080] =	vst v63  }
0x342: {  	s8 =	sadd.s32 @!p0 s1, s26;
	s22 =	simm.s32 @!p0 $0x7000  }
0x343: {  	[tilespmem:s22], [sflag:$0x2] =	stream.linear.gather @!p0 [hbm4b:s8+s6], $0x400, $0x38;
	[tilespmem:$0x10080] =	vst v63  }
0x344: {  	s8 =	sadd.s32 @!p0 $0x1A0000, s4;
	s22 =	simm.s32 @!p0 $0x7400  }
0x345: {  	[tilespmem:s22], [sflag:$0x2] =	stream.linear.gather @!p0 [hbm4b:s8+s6], $0x400, $0x38;
	[tilespmem:$0x10080] =	vst v63  }
0x346: {  	s1 =	sadd.s32 @!p0 s1, s12;
	s8 =	simm.s32 @!p0 $0x7800  }
0x347: {  	[tilespmem:s8], [sflag:$0x2] =	stream.linear.gather @!p0 [hbm4b:s1+s6], $0x400, $0x38;
	[tilespmem:$0x10080] =	vst v63  }
0x348: {  	p1 =	sne.s32 @!p0 s23, $0x10;
	s1 =	sadd.s32 @!p0 $0x1E0000, s4;
	s4 =	simm.s32 @!p0 $0x7C00  }
0x349: {  	[tilespmem:s4], [sflag:$0x2] =	stream.linear.gather @!p0 [hbm4b:s1+s6], $0x400, $0x38;
	[tilespmem:$0x10080] =	vst v63  }
0x34a: {  	p0 =	por p0, !p1  }
.Ltmp5:
0x34b: {  	_ = 	snop;
	(pc) =	sbr.rel @!p0 .LBB2_2-.Ltmp5, $2  }
0x34c: {  	_ =	sdelay $0x2  }
0x34d: {  	s25 =	smov.u32 s23  }
0x34e: {  	s1 =	simm.s32 $0x3  }
0x34f: {  	_ =	swait.ge [sflag:s1], $0x4000  }
0x350: {  	[sflag:s1] =	ssyncset.done $0x0  }
0x351: {  	s4 =	simm.s32 $0x4;
	[sflag:s1] =	ssyncadd.s32 $0xFFFFC000  }
0x352: {  	_ =	swait.ge [sflag:s4], $0x4000  }
0x353: {  	s6 =	sld [smem:$0x7F4]  }
0x354: {  	s25 =	sld [smem:$0x7F6];
	_ =	sdelay $0x1  }
0x355: {  	s6 =	sadd.s32 $0x1, s6  }
0x356: {  	p0 =	sne.s32 s6, s25  }
.Ltmp6:
0x357: {  	_ = 	snop;
	(pc) =	sbr.rel @p0 .LBB2_1-.Ltmp6, $3  }
0x358: {  	_ =	sdelay $0x1  }
0x359: {  	[sflag:s4] =	ssyncset.done $0x0  }
0x35a: {  	[sflag:s4] =	ssyncadd.s32 $0xFFFFC000  }
0x35b: {  	_ =	sfence.sel $0x180000  }
0x35c: {  	[bflag:$0x0] =	sbarrier.arrive $0xFFFF  }
0x35d: {  	_ =	strace $0x90000047  }
0x35e: {  	s0 =	stileid.u32;
	[bflag:$0x2] =	sbarrier.arrive $0xFFFF  }
0x35f: {  	p0 =	sne.s32 s0, $0x0;
	s0 =	rddreg [dreg:$0x3]  }
0x360: {  	s0 =	sadd.s32 @!p0 $0x100000, s0  }
0x361: {  	[sflag:s0] =	ssyncadd.tile.s32 @!p0 $0x1;
	_ =	shalt  }
.Lfunc_end2:
_tile_overlayer_lowered:
.L_overlay_start_2:
0x362: {  	(tag) =	ssettag $0x2  }
0x363: {  	s0 =	rddreg [dreg:$0x0];
	s2 =	stileid.u32  }
0x364: {  	s1 =	rddreg [dreg:$0x1];
	p0 =	sne.s32 s2, $0x0  }
0x365: {  	s3 =	rddreg [dreg:$0x2];
	[bflag:$0x3] =	sbarrier.arrive $0xFFFF;
	s2 =	simm.s32 @!p0 $0x1C05  }
0x366: {  	[timem:s3], [sflag:s2] =	dma.local @!p0 [hbm:s0], s1  }
0x367: {  	s0 =	simm.s32 @!p0 $0x5  }
0x368: {  	_ =	swait.ge @!p0 [sflag:s0], s1  }
0x369: {  	s1 =	ssub.s32 @!p0 $0x0, s1;
	[sflag:s0] =	ssyncset.done @!p0 $0x0  }
0x36a: {  	[sflag:s0] =	ssyncadd.s32 @!p0 s1  }
0x36b: {  	[bflag:$0x3] =	sbarrier.arrive $0xFFFF  }
0x36c: {  	_ =	shalt  }

</sc_bundles>
